<compile_context>
chip_gen: v7x
topology: tpu7x:2x2x1
jax: 0.10.2.dev20260603
libtpu: 0.0.44.dev20260713+nightly
codegen_flags: <defaults>
</compile_context>

<pallas_src>
import functools

import jax
import jax.numpy as jnp
from jax import lax
from jax.experimental import pallas as pl
from jax.experimental.pallas import tpu as pltpu
from jax.experimental.pallas import tpu_sc as plsc

SC_NC = 2
SC_NS = 16

EPSK = 1e-15
F = 128
RBF = 20
CUT = 5.0
NCONV = 2
LOG2 = 0.6931471805599453

EBLK = 2048
NBLK = 1024


def _ssp(x):
    return jnp.maximum(x, 0.0) + jnp.log1p(jnp.exp(-jnp.abs(x))) - LOG2


def _swish(x):
    return x * jax.nn.sigmoid(x)


def _rup(x, m):
    return (x + m - 1) // m * m



def _geom_body(xs_ref, xd_ref, wf1t_ref, bf1_ref, wf2t_ref, bf2_ref,
               geom_ref, rbf_ref, e_ref):
    xs = xs_ref[:, 0:3]
    xd = xd_ref[:, 0:3]
    dvec = xs - xd
    dis2 = jnp.sum(dvec * dvec, axis=1, keepdims=True)
    dis = jnp.sqrt(dis2)
    adj = dvec / dis
    dist = jnp.sqrt(dis2 + 3.0 * EPSK)
    unit = (-dvec) / dist
    env = jnp.where(dist < CUT, 0.5 * (jnp.cos(jnp.pi * dist / CUT) + 1.0), 0.0)
    eb = xs.shape[0]
    n = lax.broadcasted_iota(jnp.int32, (eb, 32), 1).astype(jnp.float32) + 1.0
    msk = n <= RBF
    rbf = jnp.where(msk, jnp.sin(n * jnp.pi * dist / CUT) / dist, 0.0)
    rbf_ref[...] = rbf
    geom_ref[...] = jnp.concatenate(
        [unit, adj, env, dist, jnp.zeros((eb, 8), jnp.float32)], axis=1)
    step = CUT / (RBF - 1)
    offs = jnp.where(msk, (n - 1.0) * step, 0.0)
    coeff = -0.5 / (step * step)
    gauss = jnp.where(msk, jnp.exp(coeff * (dis - offs) ** 2), 0.0)
    h = _ssp(jnp.dot(gauss, wf1t_ref[...], preferred_element_type=jnp.float32)
             + bf1_ref[...])
    e_ref[...] = (jnp.dot(h, wf2t_ref[...], preferred_element_type=jnp.float32)
                  + bf2_ref[...])


def _phi_body(s_ref, wm1t_ref, bm1_ref, wm2t_ref, bm2_ref, phi_ref):
    h = _swish(jnp.dot(s_ref[...], wm1t_ref[...],
                       preferred_element_type=jnp.float32) + bm1_ref[...])
    phi_ref[...] = (jnp.dot(h, wm2t_ref[...],
                            preferred_element_type=jnp.float32) + bm2_ref[...])


def _msg_body(has_v, *refs):
    if has_v:
        (phi_ref, ve_ref, geom_ref, rbf_ref, ein_ref, wdt_ref, bd_ref,
         we1t_ref, be1_ref, we2t_ref, be2_ref,
         m0_ref, m1_ref, m2_ref, m3_ref, eout_ref) = refs
    else:
        (phi_ref, geom_ref, rbf_ref, ein_ref, wdt_ref, bd_ref,
         we1t_ref, be1_ref, we2t_ref, be2_ref,
         m0_ref, m1_ref, m2_ref, m3_ref, eout_ref) = refs
        ve_ref = None
    geom = geom_ref[...]
    w_s = (jnp.dot(rbf_ref[...], wdt_ref[...],
                   preferred_element_type=jnp.float32) + bd_ref[...]) * geom[:, 6:7]
    inv = phi_ref[...] * w_s
    s0 = inv[:, 0:F]
    ds = inv[:, F:2 * F]
    s2 = inv[:, 2 * F:3 * F]
    m0_ref[...] = ds
    mrefs = (m1_ref, m2_ref, m3_ref)
    for c in range(3):
        mc = s2 * geom[:, c:c + 1]
        if has_v:
            mc = mc + s0 * ve_ref[:, c * F:(c + 1) * F]
        mrefs[c][...] = mc
    h = _ssp(jnp.dot(ds, we1t_ref[...], preferred_element_type=jnp.float32)
             + be1_ref[...])
    eout_ref[...] = ein_ref[...] + jnp.dot(
        h, we2t_ref[...], preferred_element_type=jnp.float32) + be2_ref[...]


def _upd_body(has_v, *refs):
    if has_v:
        (s_ref, vold_ref, p_ref, wut_ref, wvt_ref, ws1t_ref, bs1_ref,
         ws2t_ref, bs2_ref, sout_ref, vout_ref) = refs
    else:
        (s_ref, p_ref, wut_ref, wvt_ref, ws1t_ref, bs1_ref,
         ws2t_ref, bs2_ref, sout_ref, vout_ref) = refs
        vold_ref = None
    p = p_ref[...]
    s_in = s_ref[...] + p[0, 0] + p[1, 0]
    vcs, ucs, vvs = [], [], []
    for c in range(3):
        vc = p[0, 1 + c] + p[1, 1 + c]
        if has_v:
            vc = vc + vold_ref[:, c * F:(c + 1) * F]
        vcs.append(vc)
        ucs.append(jnp.dot(vc, wut_ref[...], preferred_element_type=jnp.float32))
        vvs.append(jnp.dot(vc, wvt_ref[...], preferred_element_type=jnp.float32))
    norm = jnp.sqrt(vvs[0] ** 2 + vvs[1] ** 2 + vvs[2] ** 2 + 3.0 * EPSK)
    stack = jnp.concatenate([s_in, norm], axis=1)
    split = (jnp.dot(_swish(jnp.dot(stack, ws1t_ref[...],
                                    preferred_element_type=jnp.float32)
                            + bs1_ref[...]),
                     ws2t_ref[...], preferred_element_type=jnp.float32)
             + bs2_ref[...])
    a_vv = split[:, 0:F]
    a_sv = split[:, F:2 * F]
    a_ss = split[:, 2 * F:3 * F]
    inner = ucs[0] * vvs[0] + ucs[1] * vvs[1] + ucs[2] * vvs[2]
    sout_ref[...] = s_in + inner * a_sv + a_ss
    vout_ref[...] = jnp.concatenate(
        [vcs[c] + ucs[c] * a_vv for c in range(3)], axis=1)


def _fedge_body(e_ref, geom_ref, wr1t_ref, br1_ref, wr2_ref, br2_ref, f_ref):
    t = _ssp(jnp.dot(e_ref[...], wr1t_ref[...],
                     preferred_element_type=jnp.float32) + br1_ref[...])
    scal = jnp.sum(t * wr2_ref[...], axis=1, keepdims=True) + br2_ref[...]
    f = scal * geom_ref[:, 3:6]
    eb = f.shape[0]
    f_ref[...] = jnp.concatenate([f, jnp.zeros((eb, 13), jnp.float32)], axis=1)


def _comb_body(p_ref, o_ref):
    o_ref[...] = p_ref[0] + p_ref[1]



def _c(i):
    return pl.BlockSpec(lambda e: tuple(0 for _ in range(i)))


def _run_geom(xs, xd, wf1t, bf1, wf2t, bf2, ep):
    g = ep // EBLK
    eb = pl.BlockSpec((EBLK, None), lambda e: (e, 0))
    return pl.pallas_call(
        _geom_body,
        grid=(g,),
        in_specs=[pl.BlockSpec((EBLK, 16), lambda e: (e, 0)),
                  pl.BlockSpec((EBLK, 16), lambda e: (e, 0)),
                  pl.BlockSpec((32, 2 * F), lambda e: (0, 0)),
                  pl.BlockSpec((1, 2 * F), lambda e: (0, 0)),
                  pl.BlockSpec((2 * F, F), lambda e: (0, 0)),
                  pl.BlockSpec((1, F), lambda e: (0, 0))],
        out_specs=[pl.BlockSpec((EBLK, 16), lambda e: (e, 0)),
                   pl.BlockSpec((EBLK, 32), lambda e: (e, 0)),
                   pl.BlockSpec((EBLK, F), lambda e: (e, 0))],
        out_shape=[jax.ShapeDtypeStruct((ep, 16), jnp.float32),
                   jax.ShapeDtypeStruct((ep, 32), jnp.float32),
                   jax.ShapeDtypeStruct((ep, F), jnp.float32)],
    )(xs, xd, wf1t, bf1, wf2t, bf2)


def _run_phi(s, wm1t, bm1, wm2t, bm2, np_):
    g = np_ // NBLK
    return pl.pallas_call(
        _phi_body,
        grid=(g,),
        in_specs=[pl.BlockSpec((NBLK, F), lambda n: (n, 0)),
                  pl.BlockSpec((F, F), lambda n: (0, 0)),
                  pl.BlockSpec((1, F), lambda n: (0, 0)),
                  pl.BlockSpec((F, 3 * F), lambda n: (0, 0)),
                  pl.BlockSpec((1, 3 * F), lambda n: (0, 0))],
        out_specs=pl.BlockSpec((NBLK, 3 * F), lambda n: (n, 0)),
        out_shape=jax.ShapeDtypeStruct((np_, 3 * F), jnp.float32),
    )(s, wm1t, bm1, wm2t, bm2)


def _run_msg(phi_e, ve, geom, rbf, ein, wdt, bd, we1t, be1, we2t, be2, ep):
    g = ep // EBLK
    has_v = ve is not None
    espec = lambda w: pl.BlockSpec((EBLK, w), lambda e: (e, 0))
    wspec = lambda a, b: pl.BlockSpec((a, b), lambda e: (0, 0))
    in_specs = [espec(3 * F)]
    args = [phi_e]
    if has_v:
        in_specs.append(espec(3 * F))
        args.append(ve)
    in_specs += [espec(16), espec(32), espec(F),
                 wspec(32, 3 * F), wspec(1, 3 * F),
                 wspec(F, 2 * F), wspec(1, 2 * F),
                 wspec(2 * F, F), wspec(1, F)]
    args += [geom, rbf, ein, wdt, bd, we1t, be1, we2t, be2]
    return pl.pallas_call(
        functools.partial(_msg_body, has_v),
        grid=(g,),
        in_specs=in_specs,
        out_specs=[espec(F)] * 4 + [espec(F)],
        out_shape=[jax.ShapeDtypeStruct((ep, F), jnp.float32)] * 5,
    )(*args)


def _run_upd(s, vold, parts, wut, wvt, ws1t, bs1, ws2t, bs2, np_):
    g = np_ // NBLK
    has_v = vold is not None
    nspec = lambda w: pl.BlockSpec((NBLK, w), lambda n: (n, 0))
    wspec = lambda a, b: pl.BlockSpec((a, b), lambda n: (0, 0))
    in_specs = [nspec(F)]
    args = [s]
    if has_v:
        in_specs.append(nspec(3 * F))
        args.append(vold)
    in_specs += [pl.BlockSpec((2, 4, NBLK, F), lambda n: (0, 0, n, 0)),
                 wspec(F, F), wspec(F, F),
                 wspec(2 * F, F), wspec(1, F),
                 wspec(F, 3 * F), wspec(1, 3 * F)]
    args += [parts, wut, wvt, ws1t, bs1, ws2t, bs2]
    return pl.pallas_call(
        functools.partial(_upd_body, has_v),
        grid=(g,),
        in_specs=in_specs,
        out_specs=[nspec(F), nspec(3 * F)],
        out_shape=[jax.ShapeDtypeStruct((np_, F), jnp.float32),
                   jax.ShapeDtypeStruct((np_, 3 * F), jnp.float32)],
    )(*args)


def _run_fedge(e, geom, wr1t, br1, wr2, br2, ep):
    g = ep // EBLK
    return pl.pallas_call(
        _fedge_body,
        grid=(g,),
        in_specs=[pl.BlockSpec((EBLK, F), lambda i: (i, 0)),
                  pl.BlockSpec((EBLK, 16), lambda i: (i, 0)),
                  pl.BlockSpec((F, F), lambda i: (0, 0)),
                  pl.BlockSpec((1, F), lambda i: (0, 0)),
                  pl.BlockSpec((1, F), lambda i: (0, 0)),
                  pl.BlockSpec((1, 1), lambda i: (0, 0))],
        out_specs=pl.BlockSpec((EBLK, 16), lambda i: (i, 0)),
        out_shape=jax.ShapeDtypeStruct((ep, 16), jnp.float32),
    )(e, geom, wr1t, br1, wr2, br2)


def _run_comb(parts, np_):
    g = np_ // NBLK
    return pl.pallas_call(
        _comb_body,
        grid=(g,),
        in_specs=[pl.BlockSpec((2, NBLK, 16), lambda n: (0, n, 0))],
        out_specs=pl.BlockSpec((NBLK, 16), lambda n: (n, 0)),
        out_shape=jax.ShapeDtypeStruct((np_, 16), jnp.float32),
    )(parts)



def _gather_rows(table, idx):
    return jnp.take(table, idx, axis=0)


def _sc_gather(table, idx2d, ep, w):
    gpw = ep // (SC_NC * SC_NS * 128)

    @functools.partial(
        pl.kernel, mesh=_sc_mesh(),
        out_type=jax.ShapeDtypeStruct((ep, w), jnp.float32),
        scratch_types=[pltpu.VMEM((gpw, 128), jnp.int32),
                       pltpu.VMEM((128, w), jnp.float32),
                       pltpu.SemaphoreType.DMA],
    )
    def k(tab_h, src_h, out_h, idxb, obuf, sem):
        c = lax.axis_index("c")
        s = lax.axis_index("s")
        grow0 = (c * SC_NS + s) * gpw
        pltpu.sync_copy(src_h.at[pl.ds(grow0, gpw)], idxb)

        def body(g, carry):
            pltpu.async_copy(tab_h.at[idxb.at[g]], obuf, sem).wait()
            pltpu.sync_copy(obuf, out_h.at[pl.ds((grow0 + g) * 128, 128)])
            return carry

        lax.fori_loop(0, gpw, body, 0)

    return k(table, idx2d)


def _sc_mesh():
    return plsc.VectorSubcoreMesh(core_axis_name="c", subcore_axis_name="s",
                                  num_cores=SC_NC, num_subcores=SC_NS)


def _sc_scatter(ms, src2d, zeros, np_, ep, w):
    nk = len(ms)
    gpw = ep // (SC_NC * SC_NS * 128)
    rpw = np_ // SC_NS

    @functools.partial(
        pl.kernel, mesh=_sc_mesh(),
        out_type=jax.ShapeDtypeStruct((SC_NC, nk, np_, w), jnp.float32),
        scratch_types=[pltpu.VMEM((gpw, 128), jnp.int32),
                       pltpu.VMEM((128, w), jnp.float32),
                       pltpu.VMEM_SHARED((np_, w), jnp.float32)],
    )
    def k(*refs):
        marefs = refs[:nk]
        src_h, zer_h, out_h, idxb, dbuf, acc = refs[nk:]
        c = lax.axis_index("c")
        s = lax.axis_index("s")
        wid = c * SC_NS + s
        grow0 = wid * gpw
        pltpu.sync_copy(src_h.at[pl.ds(grow0, gpw)], idxb)
        for kk in range(nk):
            m = marefs[kk]
            pltpu.sync_copy(zer_h.at[pl.ds(0, 128)], dbuf)
            for j in range(rpw // 128):
                pltpu.sync_copy(dbuf, acc.at[pl.ds(s * rpw + j * 128, 128)])
            plsc.subcore_barrier()

            def body(g, carry):
                pltpu.sync_copy(m.at[pl.ds((grow0 + g) * 128, 128)], dbuf)
                pltpu.sync_copy(dbuf, acc.at[idxb.at[g]], add=True)
                return carry

            lax.fori_loop(0, gpw, body, 0)
            plsc.subcore_barrier()
            pltpu.sync_copy(acc.at[pl.ds(s * rpw, rpw)],
                            out_h.at[c, kk, pl.ds(s * rpw, rpw)])
            plsc.subcore_barrier()

    return k(*ms, src2d, zeros)


def _scatter_cols(ms, src2d, zeros, np_, ep):
    return _sc_scatter(ms, src2d, zeros, np_, ep, F)


def _scatter_f(f, src, np_):
    half = f.shape[0] // 2
    return jnp.stack([
        jax.ops.segment_sum(f[h * half:(h + 1) * half],
                            src[h * half:(h + 1) * half], num_segments=np_)
        for h in range(2)])



def kernel(nxyz, nbr_list, embed, Wf1, bf1, Wf2, bf2, Wm1, bm1, Wm2, bm2,
           Wd, bd, Wu, Wv, Ws1, bs1, Ws2, bs2, We1, be1, We2, be2,
           Wr1, br1, Wr2, br2):
    n = nxyz.shape[0]
    e = nbr_list.shape[0]
    np_ = _rup(n, NBLK)
    ep = _rup(e, 4096)

    z = nxyz[:, 0].astype(jnp.int32)
    z = jnp.pad(z, (0, np_ - n))
    xyz = nxyz[:, 1:4]
    xyz_t = jnp.zeros((np_, 16), jnp.float32).at[:n, 0:3].set(xyz)
    xyz_t = xyz_t.at[n:, 0].set(jnp.arange(np_ - n, dtype=jnp.float32) + 1.0)
    src = jnp.concatenate([nbr_list[:, 0].astype(jnp.int32),
                           jnp.full((ep - e,), np_ - 1, jnp.int32)])
    dst = jnp.concatenate([nbr_list[:, 1].astype(jnp.int32),
                           jnp.full((ep - e,), np_ - 2, jnp.int32)])
    src2d = src.reshape(ep // 128, 128)
    dst2d = dst.reshape(ep // 128, 128)
    zeros = jnp.zeros((128, F), jnp.float32)

    wf1t = jnp.zeros((32, 2 * F), jnp.float32).at[:RBF].set(Wf1.T)
    wf2t = Wf2.T
    r2 = lambda b: b.reshape(1, -1)
    wdt = [jnp.zeros((32, 3 * F), jnp.float32).at[:RBF].set(Wd[i].T)
           for i in range(NCONV)]

    s_i = _gather_rows(embed, z)
    xs = _gather_rows(xyz_t, src)
    xd = _gather_rows(xyz_t, dst)

    geom, rbf, e_ij = _run_geom(xs, xd, wf1t, r2(bf1), wf2t, r2(bf2), ep)

    v_i = None
    for i in range(NCONV):
        phi = _run_phi(s_i, Wm1[i].T, r2(bm1[i]), Wm2[i].T, r2(bm2[i]), np_)
        phi_e = _sc_gather(phi, dst2d, ep, 3 * F)
        ve = _sc_gather(v_i, dst2d, ep, 3 * F) if v_i is not None else None
        m0, m1, m2, m3, e_ij = _run_msg(
            phi_e, ve, geom, rbf, e_ij, wdt[i], r2(bd[i]),
            We1[i].T, r2(be1[i]), We2[i].T, r2(be2[i]), ep)
        parts = _scatter_cols([m0, m1, m2, m3], src2d, zeros, np_, ep)
        s_i, v_i = _run_upd(s_i, v_i, parts, Wu[i].T, Wv[i].T,
                            Ws1[i].T, r2(bs1[i]), Ws2[i].T, r2(bs2[i]), np_)

    fpad = _run_fedge(e_ij, geom, Wr1.T, r2(br1), Wr2, br2.reshape(1, 1), ep)
    fparts = _scatter_f(fpad, src, np_)
    f_all = _run_comb(fparts, np_)
    return f_all[:n, 0:3]

# --- scband reference (transcript-rebuilt; emitter-appended) ---
"""Pipeline reference for scband-force-pai-34926674051550 (READ-ONLY COPY).

The authoritative reference and input builder live on the scoring server;
editing this copy changes nothing except your own understanding.
"""

import jax, jax.numpy as jnp
import numpy as np

EPS = 1e-15
FEAT = 128
N_RBF = 20
CUTOFF = 5.0
NUM_CONV = 2
N_NODES = 10000
N_EDGES = 160000


def swish(x):
    return x * jax.nn.sigmoid(x)


def ssp(x):
    return jax.nn.softplus(x) - jnp.log(2.0)


def setup_inputs(seed=0):
    key = jax.random.key(seed)
    ks = jax.random.split(key, 20)
    half = N_EDGES // 2
    src = jax.random.randint(ks[0], (half,), 0, N_NODES)
    dst = jax.random.randint(ks[1], (half,), 0, N_NODES)
    dst = jnp.where(dst == src, (dst + 1) % N_NODES, dst)
    e = jnp.stack([src, dst], axis=1)
    # already-directed neighbor list (contains both (i,j) and (j,i)) so make_directed is identity
    nbr_list = jnp.concatenate([e, e[:, ::-1]], axis=0)
    z = jax.random.randint(ks[2], (N_NODES, 1), 1, 100).astype(jnp.float32)
    xyz = jax.random.uniform(ks[3], (N_NODES, 3), dtype=jnp.float32) * 10.0
    nxyz = jnp.concatenate([z, xyz], axis=1)

    def w(k, *shape):
        return jax.random.normal(k, shape, dtype=jnp.float32) * 0.1

    inp = {"nxyz": nxyz, "nbr_list": nbr_list}
    inp["embed"] = w(ks[4], 100, FEAT)
    inp["Wf1"] = w(ks[5], 2 * FEAT, N_RBF)
    inp["bf1"] = jnp.zeros(2 * FEAT, dtype=jnp.float32)
    inp["Wf2"] = w(ks[6], FEAT, 2 * FEAT)
    inp["bf2"] = jnp.zeros(FEAT, dtype=jnp.float32)
    inp["Wm1"] = w(ks[7], NUM_CONV, FEAT, FEAT)
    inp["bm1"] = jnp.zeros((NUM_CONV, FEAT), dtype=jnp.float32)
    inp["Wm2"] = w(ks[8], NUM_CONV, 3 * FEAT, FEAT)
    inp["bm2"] = jnp.zeros((NUM_CONV, 3 * FEAT), dtype=jnp.float32)
    inp["Wd"] = w(ks[9], NUM_CONV, 3 * FEAT, N_RBF)
    inp["bd"] = jnp.zeros((NUM_CONV, 3 * FEAT), dtype=jnp.float32)
    inp["Wu"] = w(ks[10], NUM_CONV, FEAT, FEAT)
    inp["Wv"] = w(ks[11], NUM_CONV, FEAT, FEAT)
    inp["Ws1"] = w(ks[12], NUM_CONV, FEAT, 2 * FEAT)
    inp["bs1"] = jnp.zeros((NUM_CONV, FEAT), dtype=jnp.float32)
    inp["Ws2"] = w(ks[13], NUM_CONV, 3 * FEAT, FEAT)
    inp["bs2"] = jnp.zeros((NUM_CONV, 3 * FEAT), dtype=jnp.float32)
    inp["We1"] = w(ks[14], NUM_CONV, 2 * FEAT, FEAT)
    inp["be1"] = jnp.zeros((NUM_CONV, 2 * FEAT), dtype=jnp.float32)
    inp["We2"] = w(ks[15], NUM_CONV, FEAT, 2 * FEAT)
    inp["be2"] = jnp.zeros((NUM_CONV, FEAT), dtype=jnp.float32)
    inp["Wr1"] = w(ks[16], FEAT, FEAT)
    inp["br1"] = jnp.zeros(FEAT, dtype=jnp.float32)
    inp["Wr2"] = w(ks[17], 1, FEAT)
    inp["br2"] = jnp.zeros(1, dtype=jnp.float32)
    return inp


def _forward(nxyz, nbr_list, embed, Wf1, bf1, Wf2, bf2, Wm1, bm1, Wm2, bm2, Wd, bd,
             Wu, Wv, Ws1, bs1, Ws2, bs2, We1, be1, We2, be2, Wr1, br1, Wr2, br2):
    nbrs = nbr_list  # constructed directed, so make_directed is identity
    xyz = nxyz[:, 1:]
    z = nxyz[:, 0].astype(jnp.int32)
    n_atoms = nxyz.shape[0]
    r_ij = xyz[nbrs[:, 1]] - xyz[nbrs[:, 0]]
    s_i = jnp.take(embed, z, axis=0)
    v_i = jnp.zeros((n_atoms, FEAT, 3), dtype=jnp.float32)
    dis_vec = xyz[nbrs[:, 0]] - xyz[nbrs[:, 1]]
    dis = jnp.sqrt(jnp.sum(dis_vec ** 2, axis=1))[:, None]
    xyz_adjoint = dis_vec / dis
    # GaussianSmearing(start=0, stop=cutoff, n_gaussians=n_rbf)
    offsets = jnp.linspace(0.0, CUTOFF, N_RBF)
    widths = (offsets[1] - offsets[0]) * jnp.ones_like(offsets)
    coeff = -0.5 / widths ** 2
    e_ij = jnp.exp(coeff * (dis - offsets) ** 2)
    # edgefilter: Dense -> shifted_softplus -> Dense
    e_ij = ssp(e_ij @ Wf1.T + bf1) @ Wf2.T + bf2
    # preprocess_r
    dist = jnp.sqrt(jnp.sum(r_ij ** 2 + EPS, axis=-1))
    unit = r_ij / dist[:, None]
    n_arr = jnp.arange(1, N_RBF + 1, dtype=jnp.float32)
    for i in range(NUM_CONV):
        # MessageBlock / InvariantMessage
        phi_all = swish(s_i @ Wm1[i].T + bm1[i]) @ Wm2[i].T + bm2[i]
        phi = phi_all[nbrs[:, 1]]
        # DistanceEmbed: PainnRadialBasis -> Dense, times CosineEnvelope
        rbf = jnp.sin(n_arr * jnp.pi * dist[:, None] / CUTOFF) / dist[:, None]
        w_s = rbf @ Wd[i].T + bd[i]
        envelope = jnp.where(dist < CUTOFF, 0.5 * (jnp.cos(jnp.pi * dist / CUTOFF) + 1.0), 0.0)[:, None]
        w_s = w_s * envelope
        inv_out = (phi * w_s).reshape(-1, 3, FEAT)
        split0 = inv_out[:, 0, :][..., None]
        ds_ij = inv_out[:, 1, :]
        split2 = inv_out[:, 2, :][..., None]
        dv_ij = split2 * unit[:, None, :] + split0 * v_i[nbrs[:, 1]]
        s_i = s_i + jax.ops.segment_sum(ds_ij, nbrs[:, 0], num_segments=n_atoms)
        v_i = v_i + jax.ops.segment_sum(dv_ij, nbrs[:, 0], num_segments=n_atoms)
        # UpdateBlock
        u_v = jnp.einsum('nfc,gf->ngc', v_i, Wu[i])
        v_v = jnp.einsum('nfc,gf->ngc', v_i, Wv[i])
        v_v_norm = jnp.sqrt(jnp.sum(v_v ** 2 + EPS, axis=-1))
        s_stack = jnp.concatenate([s_i, v_v_norm], axis=-1)
        split = (swish(s_stack @ Ws1[i].T + bs1[i]) @ Ws2[i].T + bs2[i]).reshape(n_atoms, 3, FEAT)
        a_vv = split[:, 0, :][..., None]
        a_sv = split[:, 1, :]
        a_ss = split[:, 2, :]
        inner = jnp.sum(u_v * v_v, axis=-1)
        s_i = s_i + inner * a_sv + a_ss
        v_i = v_i + u_v * a_vv
        # edge update
        e_ij = e_ij + ssp(ds_ij @ We1[i].T + be1[i]) @ We2[i].T + be2[i]
    f_edge = (ssp(e_ij @ Wr1.T + br1) @ Wr2.T + br2) * xyz_adjoint
    f_atom = jax.ops.segment_sum(f_edge, nbrs[:, 0], num_segments=n_atoms)
    return f_atom  # results['energy_grad']


def reference(nxyz, nbr_list, embed, Wf1, bf1, Wf2, bf2, Wm1, bm1, Wm2, bm2, Wd, bd,
              Wu, Wv, Ws1, bs1, Ws2, bs2, We1, be1, We2, be2, Wr1, br1, Wr2, br2):
    return _forward(nxyz, nbr_list, embed, Wf1, bf1, Wf2, bf2, Wm1, bm1, Wm2, bm2,
                    Wd, bd, Wu, Wv, Ws1, bs1, Ws2, bs2, We1, be1, We2, be2,
                    Wr1, br1, Wr2, br2)

if __name__ == "__main__":
    import jax
    _d = setup_inputs()
    print(jax.jit(kernel)(*tuple(_d.values())))

</pallas_src>

<mosaic_0001>
#map = affine_map<(d0, d1) -> (0, 0)>
module attributes {stable_mosaic.version = 14 : i64} {
  func.func @k(%arg0: i32, %arg1: i32, %arg2: memref<10240x384xf32, #tpu.memory_space<hbm>>, %arg3: memref<1280x128xi32, #tpu.memory_space<hbm>>, %arg4: memref<163840x384xf32, #tpu.memory_space<hbm>>, %arg5: memref<40x128xi32, #tpu.memory_space<vmem>>, %arg6: memref<128x384xf32, #tpu.memory_space<vmem>>, %arg7: memref<!tpu.dma_semaphore, #tpu.memory_space<semaphore_mem>>) attributes {dimension_semantics = [#tpu.dimension_semantics<core_parallel>, #tpu.dimension_semantics<subcore_parallel>], iteration_bounds = array<i64: 2, 16>, scalar_prefetch = 0 : i64, scratch_operands = 3 : i64, tpu.core_type = #tpu.core_type<sc_vector_subcore>, window_params = [{transform_indices = #map}, {transform_indices = #map}, {transform_indices = #map}]} {
    %mul3A = arith.constant 16 : i32
    %mul3A_0 = arith.muli %arg0, %mul3A : i32
    %add3A = arith.addi %mul3A_0, %arg1 : i32
    %mul3A_1 = arith.constant 40 : i32
    %mul3A_2 = arith.muli %add3A, %mul3A_1 : i32
    "tpu.region"() ({
      %run_scoped3A = tpu.sem_alloc : memref<!tpu.dma_semaphore, #tpu.memory_space<semaphore_mem>>
      %dma_start3A = arith.constant 0 : i32
      %dma_start3A_8 = tpu.memref_slice %arg3[%mul3A_2, %dma_start3A] : memref<1280x128xi32, #tpu.memory_space<hbm>> -> memref<40x128xi32, #tpu.memory_space<hbm>>
      %dma_start3A_9 = arith.constant 0 : i32
      %dma_start3A_10 = tpu.memref_slice %arg3[%mul3A_2, %dma_start3A_9] : memref<1280x128xi32, #tpu.memory_space<hbm>> -> memref<40x128xi32, #tpu.memory_space<hbm>>
      tpu.enqueue_dma source(%dma_start3A_10 : memref<40x128xi32, #tpu.memory_space<hbm>>) target(%arg5 : memref<40x128xi32, #tpu.memory_space<vmem>>) target_semaphore(%run_scoped3A : memref<!tpu.dma_semaphore, #tpu.memory_space<semaphore_mem>>)
      %dma_wait3A = arith.constant 0 : i32
      %dma_wait3A_11 = tpu.memref_slice %arg3[%mul3A_2, %dma_wait3A] : memref<1280x128xi32, #tpu.memory_space<hbm>> -> memref<40x128xi32, #tpu.memory_space<hbm>>
      %dma_wait3A_12 = arith.constant 0 : i32
      %dma_wait3A_13 = tpu.memref_slice %arg3[%mul3A_2, %dma_wait3A_12] : memref<1280x128xi32, #tpu.memory_space<hbm>> -> memref<40x128xi32, #tpu.memory_space<hbm>>
      tpu.wait_dma2 semaphore(%run_scoped3A : memref<!tpu.dma_semaphore, #tpu.memory_space<semaphore_mem>>) src(%dma_wait3A_13 : memref<40x128xi32, #tpu.memory_space<hbm>>) dst(%arg5 : memref<40x128xi32, #tpu.memory_space<vmem>>)
      tpu.yield
    }) : () -> ()
    %scan3A = arith.constant 0 : i32
    %scan3A_3 = arith.constant 0 : i32
    %scan3A_4 = arith.constant 40 : i32
    %scan3A_5 = arith.addi %scan3A_3, %scan3A_4 : i32
    %scan3A_6 = arith.constant 1 : i32
    scf.for %scan3A_8 = %scan3A_3 to %scan3A_5 step %scan3A_6  : i32 {
      %dma_start3A = arith.constant 0 : i32
      %dma_start3A_9 = tpu.memref_slice %arg5[%scan3A_8, %dma_start3A] : memref<40x128xi32, #tpu.memory_space<vmem>> -> memref<1x128xi32, #tpu.memory_space<vmem>>
      %dma_start3A_10 = tpu.memref_squeeze %dma_start3A_9 : memref<1x128xi32, #tpu.memory_space<vmem>> -> memref<128xi32, #tpu.memory_space<vmem>>
      %dma_start3A_11 = arith.constant 0 : i32
      %dma_start3A_12 = arith.constant 0 : i32
      %dma_start3A_13 = tpu.memref_slice %arg2[%dma_start3A_11, %dma_start3A_12] : memref<10240x384xf32, #tpu.memory_space<hbm>> -> memref<10240x384xf32, #tpu.memory_space<hbm>>
      tpu.enqueue_indirect_dma source(%dma_start3A_13 : memref<10240x384xf32, #tpu.memory_space<hbm>>) target(%arg6 : memref<128x384xf32, #tpu.memory_space<vmem>>) offsets(%dma_start3A_10 : memref<128xi32, #tpu.memory_space<vmem>>) semaphore(%arg7 : memref<!tpu.dma_semaphore, #tpu.memory_space<semaphore_mem>>)
      %dma_wait3A = arith.constant 0 : i32
      %dma_wait3A_14 = tpu.memref_slice %arg5[%scan3A_8, %dma_wait3A] : memref<40x128xi32, #tpu.memory_space<vmem>> -> memref<1x128xi32, #tpu.memory_space<vmem>>
      %dma_wait3A_15 = tpu.memref_squeeze %dma_wait3A_14 : memref<1x128xi32, #tpu.memory_space<vmem>> -> memref<128xi32, #tpu.memory_space<vmem>>
      %dma_wait3A_16 = arith.constant 0 : i32
      %dma_wait3A_17 = arith.constant 0 : i32
      %dma_wait3A_18 = tpu.memref_slice %arg2[%dma_wait3A_16, %dma_wait3A_17] : memref<10240x384xf32, #tpu.memory_space<hbm>> -> memref<10240x384xf32, #tpu.memory_space<hbm>>
      tpu.wait_indirect_dma semaphore(%arg7 : memref<!tpu.dma_semaphore, #tpu.memory_space<semaphore_mem>>) src(%dma_wait3A_18 : memref<10240x384xf32, #tpu.memory_space<hbm>>) dst(%arg6 : memref<128x384xf32, #tpu.memory_space<vmem>>)
      %add3A_19 = arith.addi %mul3A_2, %scan3A_8 : i32
      %mul3A_20 = arith.constant 128 : i32
      %mul3A_21 = arith.muli %add3A_19, %mul3A_20 : i32
      "tpu.region"() ({
        %run_scoped3A = tpu.sem_alloc : memref<!tpu.dma_semaphore, #tpu.memory_space<semaphore_mem>>
        %dma_start3A_22 = arith.constant 0 : i32
        %dma_start3A_23 = tpu.memref_slice %arg4[%mul3A_21, %dma_start3A_22] : memref<163840x384xf32, #tpu.memory_space<hbm>> -> memref<128x384xf32, #tpu.memory_space<hbm>>
        %dma_start3A_24 = arith.constant 0 : i32
        %dma_start3A_25 = tpu.memref_slice %arg4[%mul3A_21, %dma_start3A_24] : memref<163840x384xf32, #tpu.memory_space<hbm>> -> memref<128x384xf32, #tpu.memory_space<hbm>>
        tpu.enqueue_dma source(%arg6 : memref<128x384xf32, #tpu.memory_space<vmem>>) target(%dma_start3A_25 : memref<128x384xf32, #tpu.memory_space<hbm>>) target_semaphore(%run_scoped3A : memref<!tpu.dma_semaphore, #tpu.memory_space<semaphore_mem>>)
        %dma_wait3A_26 = arith.constant 0 : i32
        %dma_wait3A_27 = tpu.memref_slice %arg4[%mul3A_21, %dma_wait3A_26] : memref<163840x384xf32, #tpu.memory_space<hbm>> -> memref<128x384xf32, #tpu.memory_space<hbm>>
        %dma_wait3A_28 = arith.constant 0 : i32
        %dma_wait3A_29 = tpu.memref_slice %arg4[%mul3A_21, %dma_wait3A_28] : memref<163840x384xf32, #tpu.memory_space<hbm>> -> memref<128x384xf32, #tpu.memory_space<hbm>>
        tpu.wait_dma2 semaphore(%run_scoped3A : memref<!tpu.dma_semaphore, #tpu.memory_space<semaphore_mem>>) src(%arg6 : memref<128x384xf32, #tpu.memory_space<vmem>>) dst(%dma_wait3A_29 : memref<128x384xf32, #tpu.memory_space<hbm>>)
        tpu.yield
      }) : () -> ()
    }
    %scan3A_7 = arith.constant 40 : i32
    return
  }
}

#map = affine_map<(d0, d1) -> (0, 0)>
module attributes {stable_mosaic.version = 14 : i64} {
  func.func @k(%arg0: i32, %arg1: i32, %arg2: memref<10240x384xf32, #tpu.memory_space<hbm>>, %arg3: memref<1280x128xi32, #tpu.memory_space<hbm>>, %arg4: memref<163840x384xf32, #tpu.memory_space<hbm>>, %arg5: memref<40x128xi32, #tpu.memory_space<vmem>>, %arg6: memref<128x384xf32, #tpu.memory_space<vmem>>, %arg7: memref<!tpu.dma_semaphore, #tpu.memory_space<semaphore_mem>>) attributes {dimension_semantics = [#tpu.dimension_semantics<core_parallel>, #tpu.dimension_semantics<subcore_parallel>], iteration_bounds = array<i64: 2, 16>, scalar_prefetch = 0 : i64, scratch_operands = 3 : i64, tpu.core_type = #tpu.core_type<sc_vector_subcore>, window_params = [{transform_indices = #map}, {transform_indices = #map}, {transform_indices = #map}]} {
    %mul3A = arith.constant 16 : i32
    %mul3A_0 = arith.muli %arg0, %mul3A : i32
    %add3A = arith.addi %mul3A_0, %arg1 : i32
    %mul3A_1 = arith.constant 40 : i32
    %mul3A_2 = arith.muli %add3A, %mul3A_1 : i32
    "tpu.region"() ({
      %run_scoped3A = tpu.sem_alloc : memref<!tpu.dma_semaphore, #tpu.memory_space<semaphore_mem>>
      %dma_start3A = arith.constant 0 : i32
      %dma_start3A_8 = tpu.memref_slice %arg3[%mul3A_2, %dma_start3A] : memref<1280x128xi32, #tpu.memory_space<hbm>> -> memref<40x128xi32, #tpu.memory_space<hbm>>
      %dma_start3A_9 = arith.constant 0 : i32
      %dma_start3A_10 = tpu.memref_slice %arg3[%mul3A_2, %dma_start3A_9] : memref<1280x128xi32, #tpu.memory_space<hbm>> -> memref<40x128xi32, #tpu.memory_space<hbm>>
      tpu.enqueue_dma source(%dma_start3A_10 : memref<40x128xi32, #tpu.memory_space<hbm>>) target(%arg5 : memref<40x128xi32, #tpu.memory_space<vmem>>) target_semaphore(%run_scoped3A : memref<!tpu.dma_semaphore, #tpu.memory_space<semaphore_mem>>)
      %dma_wait3A = arith.constant 0 : i32
      %dma_wait3A_11 = tpu.memref_slice %arg3[%mul3A_2, %dma_wait3A] : memref<1280x128xi32, #tpu.memory_space<hbm>> -> memref<40x128xi32, #tpu.memory_space<hbm>>
      %dma_wait3A_12 = arith.constant 0 : i32
      %dma_wait3A_13 = tpu.memref_slice %arg3[%mul3A_2, %dma_wait3A_12] : memref<1280x128xi32, #tpu.memory_space<hbm>> -> memref<40x128xi32, #tpu.memory_space<hbm>>
      tpu.wait_dma2 semaphore(%run_scoped3A : memref<!tpu.dma_semaphore, #tpu.memory_space<semaphore_mem>>) src(%dma_wait3A_13 : memref<40x128xi32, #tpu.memory_space<hbm>>) dst(%arg5 : memref<40x128xi32, #tpu.memory_space<vmem>>)
      tpu.yield
    }) : () -> ()
    %scan3A = arith.constant 0 : i32
    %scan3A_3 = arith.constant 0 : i32
    %scan3A_4 = arith.constant 40 : i32
    %scan3A_5 = arith.addi %scan3A_3, %scan3A_4 : i32
    %scan3A_6 = arith.constant 1 : i32
    scf.for %scan3A_8 = %scan3A_3 to %scan3A_5 step %scan3A_6  : i32 {
      %dma_start3A = arith.constant 0 : i32
      %dma_start3A_9 = tpu.memref_slice %arg5[%scan3A_8, %dma_start3A] : memref<40x128xi32, #tpu.memory_space<vmem>> -> memref<1x128xi32, #tpu.memory_space<vmem>>
      %dma_start3A_10 = tpu.memref_squeeze %dma_start3A_9 : memref<1x128xi32, #tpu.memory_space<vmem>> -> memref<128xi32, #tpu.memory_space<vmem>>
      %dma_start3A_11 = arith.constant 0 : i32
      %dma_start3A_12 = arith.constant 0 : i32
      %dma_start3A_13 = tpu.memref_slice %arg2[%dma_start3A_11, %dma_start3A_12] : memref<10240x384xf32, #tpu.memory_space<hbm>> -> memref<10240x384xf32, #tpu.memory_space<hbm>>
      tpu.enqueue_indirect_dma source(%dma_start3A_13 : memref<10240x384xf32, #tpu.memory_space<hbm>>) target(%arg6 : memref<128x384xf32, #tpu.memory_space<vmem>>) offsets(%dma_start3A_10 : memref<128xi32, #tpu.memory_space<vmem>>) semaphore(%arg7 : memref<!tpu.dma_semaphore, #tpu.memory_space<semaphore_mem>>)
      %dma_wait3A = arith.constant 0 : i32
      %dma_wait3A_14 = tpu.memref_slice %arg5[%scan3A_8, %dma_wait3A] : memref<40x128xi32, #tpu.memory_space<vmem>> -> memref<1x128xi32, #tpu.memory_space<vmem>>
      %dma_wait3A_15 = tpu.memref_squeeze %dma_wait3A_14 : memref<1x128xi32, #tpu.memory_space<vmem>> -> memref<128xi32, #tpu.memory_space<vmem>>
      %dma_wait3A_16 = arith.constant 0 : i32
      %dma_wait3A_17 = arith.constant 0 : i32
      %dma_wait3A_18 = tpu.memref_slice %arg2[%dma_wait3A_16, %dma_wait3A_17] : memref<10240x384xf32, #tpu.memory_space<hbm>> -> memref<10240x384xf32, #tpu.memory_space<hbm>>
      tpu.wait_indirect_dma semaphore(%arg7 : memref<!tpu.dma_semaphore, #tpu.memory_space<semaphore_mem>>) src(%dma_wait3A_18 : memref<10240x384xf32, #tpu.memory_space<hbm>>) dst(%arg6 : memref<128x384xf32, #tpu.memory_space<vmem>>)
      %add3A_19 = arith.addi %mul3A_2, %scan3A_8 : i32
      %mul3A_20 = arith.constant 128 : i32
      %mul3A_21 = arith.muli %add3A_19, %mul3A_20 : i32
      "tpu.region"() ({
        %run_scoped3A = tpu.sem_alloc : memref<!tpu.dma_semaphore, #tpu.memory_space<semaphore_mem>>
        %dma_start3A_22 = arith.constant 0 : i32
        %dma_start3A_23 = tpu.memref_slice %arg4[%mul3A_21, %dma_start3A_22] : memref<163840x384xf32, #tpu.memory_space<hbm>> -> memref<128x384xf32, #tpu.memory_space<hbm>>
        %dma_start3A_24 = arith.constant 0 : i32
        %dma_start3A_25 = tpu.memref_slice %arg4[%mul3A_21, %dma_start3A_24] : memref<163840x384xf32, #tpu.memory_space<hbm>> -> memref<128x384xf32, #tpu.memory_space<hbm>>
        tpu.enqueue_dma source(%arg6 : memref<128x384xf32, #tpu.memory_space<vmem>>) target(%dma_start3A_25 : memref<128x384xf32, #tpu.memory_space<hbm>>) target_semaphore(%run_scoped3A : memref<!tpu.dma_semaphore, #tpu.memory_space<semaphore_mem>>)
        %dma_wait3A_26 = arith.constant 0 : i32
        %dma_wait3A_27 = tpu.memref_slice %arg4[%mul3A_21, %dma_wait3A_26] : memref<163840x384xf32, #tpu.memory_space<hbm>> -> memref<128x384xf32, #tpu.memory_space<hbm>>
        %dma_wait3A_28 = arith.constant 0 : i32
        %dma_wait3A_29 = tpu.memref_slice %arg4[%mul3A_21, %dma_wait3A_28] : memref<163840x384xf32, #tpu.memory_space<hbm>> -> memref<128x384xf32, #tpu.memory_space<hbm>>
        tpu.wait_dma2 semaphore(%run_scoped3A : memref<!tpu.dma_semaphore, #tpu.memory_space<semaphore_mem>>) src(%arg6 : memref<128x384xf32, #tpu.memory_space<vmem>>) dst(%dma_wait3A_29 : memref<128x384xf32, #tpu.memory_space<hbm>>)
        tpu.yield
      }) : () -> ()
    }
    %scan3A_7 = arith.constant 40 : i32
    return
  }
}

#map = affine_map<(d0, d1) -> (0, 0)>
#map1 = affine_map<(d0, d1) -> (0, 0, 0, 0)>
module attributes {stable_mosaic.version = 14 : i64} {
  func.func @k(%arg0: i32, %arg1: i32, %arg2: memref<163840x128xf32, #tpu.memory_space<hbm>>, %arg3: memref<163840x128xf32, #tpu.memory_space<hbm>>, %arg4: memref<163840x128xf32, #tpu.memory_space<hbm>>, %arg5: memref<163840x128xf32, #tpu.memory_space<hbm>>, %arg6: memref<1280x128xi32, #tpu.memory_space<hbm>>, %arg7: memref<128x128xf32, #tpu.memory_space<hbm>>, %arg8: memref<2x4x10240x128xf32, #tpu.memory_space<hbm>>, %arg9: memref<40x128xi32, #tpu.memory_space<vmem>>, %arg10: memref<128x128xf32, #tpu.memory_space<vmem>>, %arg11: memref<10240x128xf32, #tpu.memory_space<vmem_shared>>) attributes {dimension_semantics = [#tpu.dimension_semantics<core_parallel>, #tpu.dimension_semantics<subcore_parallel>], iteration_bounds = array<i64: 2, 16>, scalar_prefetch = 0 : i64, scratch_operands = 3 : i64, tpu.core_type = #tpu.core_type<sc_vector_subcore>, window_params = [{transform_indices = #map}, {transform_indices = #map}, {transform_indices = #map}, {transform_indices = #map}, {transform_indices = #map}, {transform_indices = #map}, {transform_indices = #map1}]} {
    %mul3A = arith.constant 16 : i32
    %mul3A_0 = arith.muli %arg0, %mul3A : i32
    %add3A = arith.addi %mul3A_0, %arg1 : i32
    %mul3A_1 = arith.constant 40 : i32
    %mul3A_2 = arith.muli %add3A, %mul3A_1 : i32
    "tpu.region"() ({
      %run_scoped3A_136 = tpu.sem_alloc : memref<!tpu.dma_semaphore, #tpu.memory_space<semaphore_mem>>
      %dma_start3A = arith.constant 0 : i32
      %dma_start3A_137 = tpu.memref_slice %arg6[%mul3A_2, %dma_start3A] : memref<1280x128xi32, #tpu.memory_space<hbm>> -> memref<40x128xi32, #tpu.memory_space<hbm>>
      %dma_start3A_138 = arith.constant 0 : i32
      %dma_start3A_139 = tpu.memref_slice %arg6[%mul3A_2, %dma_start3A_138] : memref<1280x128xi32, #tpu.memory_space<hbm>> -> memref<40x128xi32, #tpu.memory_space<hbm>>
      tpu.enqueue_dma source(%dma_start3A_139 : memref<40x128xi32, #tpu.memory_space<hbm>>) target(%arg9 : memref<40x128xi32, #tpu.memory_space<vmem>>) target_semaphore(%run_scoped3A_136 : memref<!tpu.dma_semaphore, #tpu.memory_space<semaphore_mem>>)
      %dma_wait3A = arith.constant 0 : i32
      %dma_wait3A_140 = tpu.memref_slice %arg6[%mul3A_2, %dma_wait3A] : memref<1280x128xi32, #tpu.memory_space<hbm>> -> memref<40x128xi32, #tpu.memory_space<hbm>>
      %dma_wait3A_141 = arith.constant 0 : i32
      %dma_wait3A_142 = tpu.memref_slice %arg6[%mul3A_2, %dma_wait3A_141] : memref<1280x128xi32, #tpu.memory_space<hbm>> -> memref<40x128xi32, #tpu.memory_space<hbm>>
      tpu.wait_dma2 semaphore(%run_scoped3A_136 : memref<!tpu.dma_semaphore, #tpu.memory_space<semaphore_mem>>) src(%dma_wait3A_142 : memref<40x128xi32, #tpu.memory_space<hbm>>) dst(%arg9 : memref<40x128xi32, #tpu.memory_space<vmem>>)
      tpu.yield
    }) : () -> ()
    "tpu.region"() ({
      %run_scoped3A_136 = tpu.sem_alloc : memref<!tpu.dma_semaphore, #tpu.memory_space<semaphore_mem>>
      %dma_start3A = arith.constant 0 : i32
      %dma_start3A_137 = arith.constant 0 : i32
      %dma_start3A_138 = tpu.memref_slice %arg7[%dma_start3A, %dma_start3A_137] : memref<128x128xf32, #tpu.memory_space<hbm>> -> memref<128x128xf32, #tpu.memory_space<hbm>>
      %dma_start3A_139 = arith.constant 0 : i32
      %dma_start3A_140 = arith.constant 0 : i32
      %dma_start3A_141 = tpu.memref_slice %arg7[%dma_start3A_139, %dma_start3A_140] : memref<128x128xf32, #tpu.memory_space<hbm>> -> memref<128x128xf32, #tpu.memory_space<hbm>>
      tpu.enqueue_dma source(%dma_start3A_141 : memref<128x128xf32, #tpu.memory_space<hbm>>) target(%arg10 : memref<128x128xf32, #tpu.memory_space<vmem>>) target_semaphore(%run_scoped3A_136 : memref<!tpu.dma_semaphore, #tpu.memory_space<semaphore_mem>>)
      %dma_wait3A = arith.constant 0 : i32
      %dma_wait3A_142 = arith.constant 0 : i32
      %dma_wait3A_143 = tpu.memref_slice %arg7[%dma_wait3A, %dma_wait3A_142] : memref<128x128xf32, #tpu.memory_space<hbm>> -> memref<128x128xf32, #tpu.memory_space<hbm>>
      %dma_wait3A_144 = arith.constant 0 : i32
      %dma_wait3A_145 = arith.constant 0 : i32
      %dma_wait3A_146 = tpu.memref_slice %arg7[%dma_wait3A_144, %dma_wait3A_145] : memref<128x128xf32, #tpu.memory_space<hbm>> -> memref<128x128xf32, #tpu.memory_space<hbm>>
      tpu.wait_dma2 semaphore(%run_scoped3A_136 : memref<!tpu.dma_semaphore, #tpu.memory_space<semaphore_mem>>) src(%dma_wait3A_146 : memref<128x128xf32, #tpu.memory_space<hbm>>) dst(%arg10 : memref<128x128xf32, #tpu.memory_space<vmem>>)
      tpu.yield
    }) : () -> ()
    %mul3A_3 = arith.constant 640 : i32
    %mul3A_4 = arith.muli %arg1, %mul3A_3 : i32
    %add3A_5 = arith.constant 0 : i32
    %add3A_6 = arith.addi %mul3A_4, %add3A_5 : i32
    "tpu.region"() ({
      %run_scoped3A_136 = tpu.sem_alloc : memref<!tpu.dma_semaphore, #tpu.memory_space<semaphore_mem>>
      %dma_start3A = arith.constant 0 : i32
      %dma_start3A_137 = tpu.memref_slice %arg11[%add3A_6, %dma_start3A] : memref<10240x128xf32, #tpu.memory_space<vmem_shared>> -> memref<128x128xf32, #tpu.memory_space<vmem_shared>>
      %dma_start3A_138 = arith.constant 0 : i32
      %dma_start3A_139 = tpu.memref_slice %arg11[%add3A_6, %dma_start3A_138] : memref<10240x128xf32, #tpu.memory_space<vmem_shared>> -> memref<128x128xf32, #tpu.memory_space<vmem_shared>>
      tpu.enqueue_dma source(%arg10 : memref<128x128xf32, #tpu.memory_space<vmem>>) target(%dma_start3A_139 : memref<128x128xf32, #tpu.memory_space<vmem_shared>>) target_semaphore(%run_scoped3A_136 : memref<!tpu.dma_semaphore, #tpu.memory_space<semaphore_mem>>)
      %dma_wait3A = arith.constant 0 : i32
      %dma_wait3A_140 = tpu.memref_slice %arg11[%add3A_6, %dma_wait3A] : memref<10240x128xf32, #tpu.memory_space<vmem_shared>> -> memref<128x128xf32, #tpu.memory_space<vmem_shared>>
      %dma_wait3A_141 = arith.constant 0 : i32
      %dma_wait3A_142 = tpu.memref_slice %arg11[%add3A_6, %dma_wait3A_141] : memref<10240x128xf32, #tpu.memory_space<vmem_shared>> -> memref<128x128xf32, #tpu.memory_space<vmem_shared>>
      tpu.wait_dma2 semaphore(%run_scoped3A_136 : memref<!tpu.dma_semaphore, #tpu.memory_space<semaphore_mem>>) src(%arg10 : memref<128x128xf32, #tpu.memory_space<vmem>>) dst(%dma_wait3A_142 : memref<128x128xf32, #tpu.memory_space<vmem_shared>>)
      tpu.yield
    }) : () -> ()
    %mul3A_7 = arith.constant 640 : i32
    %mul3A_8 = arith.muli %arg1, %mul3A_7 : i32
    %add3A_9 = arith.constant 128 : i32
    %add3A_10 = arith.addi %mul3A_8, %add3A_9 : i32
    "tpu.region"() ({
      %run_scoped3A_136 = tpu.sem_alloc : memref<!tpu.dma_semaphore, #tpu.memory_space<semaphore_mem>>
      %dma_start3A = arith.constant 0 : i32
      %dma_start3A_137 = tpu.memref_slice %arg11[%add3A_10, %dma_start3A] : memref<10240x128xf32, #tpu.memory_space<vmem_shared>> -> memref<128x128xf32, #tpu.memory_space<vmem_shared>>
      %dma_start3A_138 = arith.constant 0 : i32
      %dma_start3A_139 = tpu.memref_slice %arg11[%add3A_10, %dma_start3A_138] : memref<10240x128xf32, #tpu.memory_space<vmem_shared>> -> memref<128x128xf32, #tpu.memory_space<vmem_shared>>
      tpu.enqueue_dma source(%arg10 : memref<128x128xf32, #tpu.memory_space<vmem>>) target(%dma_start3A_139 : memref<128x128xf32, #tpu.memory_space<vmem_shared>>) target_semaphore(%run_scoped3A_136 : memref<!tpu.dma_semaphore, #tpu.memory_space<semaphore_mem>>)
      %dma_wait3A = arith.constant 0 : i32
      %dma_wait3A_140 = tpu.memref_slice %arg11[%add3A_10, %dma_wait3A] : memref<10240x128xf32, #tpu.memory_space<vmem_shared>> -> memref<128x128xf32, #tpu.memory_space<vmem_shared>>
      %dma_wait3A_141 = arith.constant 0 : i32
      %dma_wait3A_142 = tpu.memref_slice %arg11[%add3A_10, %dma_wait3A_141] : memref<10240x128xf32, #tpu.memory_space<vmem_shared>> -> memref<128x128xf32, #tpu.memory_space<vmem_shared>>
      tpu.wait_dma2 semaphore(%run_scoped3A_136 : memref<!tpu.dma_semaphore, #tpu.memory_space<semaphore_mem>>) src(%arg10 : memref<128x128xf32, #tpu.memory_space<vmem>>) dst(%dma_wait3A_142 : memref<128x128xf32, #tpu.memory_space<vmem_shared>>)
      tpu.yield
    }) : () -> ()
    %mul3A_11 = arith.constant 640 : i32
    %mul3A_12 = arith.muli %arg1, %mul3A_11 : i32
    %add3A_13 = arith.constant 256 : i32
    %add3A_14 = arith.addi %mul3A_12, %add3A_13 : i32
    "tpu.region"() ({
      %run_scoped3A_136 = tpu.sem_alloc : memref<!tpu.dma_semaphore, #tpu.memory_space<semaphore_mem>>
      %dma_start3A = arith.constant 0 : i32
      %dma_start3A_137 = tpu.memref_slice %arg11[%add3A_14, %dma_start3A] : memref<10240x128xf32, #tpu.memory_space<vmem_shared>> -> memref<128x128xf32, #tpu.memory_space<vmem_shared>>
      %dma_start3A_138 = arith.constant 0 : i32
      %dma_start3A_139 = tpu.memref_slice %arg11[%add3A_14, %dma_start3A_138] : memref<10240x128xf32, #tpu.memory_space<vmem_shared>> -> memref<128x128xf32, #tpu.memory_space<vmem_shared>>
      tpu.enqueue_dma source(%arg10 : memref<128x128xf32, #tpu.memory_space<vmem>>) target(%dma_start3A_139 : memref<128x128xf32, #tpu.memory_space<vmem_shared>>) target_semaphore(%run_scoped3A_136 : memref<!tpu.dma_semaphore, #tpu.memory_space<semaphore_mem>>)
      %dma_wait3A = arith.constant 0 : i32
      %dma_wait3A_140 = tpu.memref_slice %arg11[%add3A_14, %dma_wait3A] : memref<10240x128xf32, #tpu.memory_space<vmem_shared>> -> memref<128x128xf32, #tpu.memory_space<vmem_shared>>
      %dma_wait3A_141 = arith.constant 0 : i32
      %dma_wait3A_142 = tpu.memref_slice %arg11[%add3A_14, %dma_wait3A_141] : memref<10240x128xf32, #tpu.memory_space<vmem_shared>> -> memref<128x128xf32, #tpu.memory_space<vmem_shared>>
      tpu.wait_dma2 semaphore(%run_scoped3A_136 : memref<!tpu.dma_semaphore, #tpu.memory_space<semaphore_mem>>) src(%arg10 : memref<128x128xf32, #tpu.memory_space<vmem>>) dst(%dma_wait3A_142 : memref<128x128xf32, #tpu.memory_space<vmem_shared>>)
      tpu.yield
    }) : () -> ()
    %mul3A_15 = arith.constant 640 : i32
    %mul3A_16 = arith.muli %arg1, %mul3A_15 : i32
    %add3A_17 = arith.constant 384 : i32
    %add3A_18 = arith.addi %mul3A_16, %add3A_17 : i32
    "tpu.region"() ({
      %run_scoped3A_136 = tpu.sem_alloc : memref<!tpu.dma_semaphore, #tpu.memory_space<semaphore_mem>>
      %dma_start3A = arith.constant 0 : i32
      %dma_start3A_137 = tpu.memref_slice %arg11[%add3A_18, %dma_start3A] : memref<10240x128xf32, #tpu.memory_space<vmem_shared>> -> memref<128x128xf32, #tpu.memory_space<vmem_shared>>
      %dma_start3A_138 = arith.constant 0 : i32
      %dma_start3A_139 = tpu.memref_slice %arg11[%add3A_18, %dma_start3A_138] : memref<10240x128xf32, #tpu.memory_space<vmem_shared>> -> memref<128x128xf32, #tpu.memory_space<vmem_shared>>
      tpu.enqueue_dma source(%arg10 : memref<128x128xf32, #tpu.memory_space<vmem>>) target(%dma_start3A_139 : memref<128x128xf32, #tpu.memory_space<vmem_shared>>) target_semaphore(%run_scoped3A_136 : memref<!tpu.dma_semaphore, #tpu.memory_space<semaphore_mem>>)
      %dma_wait3A = arith.constant 0 : i32
      %dma_wait3A_140 = tpu.memref_slice %arg11[%add3A_18, %dma_wait3A] : memref<10240x128xf32, #tpu.memory_space<vmem_shared>> -> memref<128x128xf32, #tpu.memory_space<vmem_shared>>
      %dma_wait3A_141 = arith.constant 0 : i32
      %dma_wait3A_142 = tpu.memref_slice %arg11[%add3A_18, %dma_wait3A_141] : memref<10240x128xf32, #tpu.memory_space<vmem_shared>> -> memref<128x128xf32, #tpu.memory_space<vmem_shared>>
      tpu.wait_dma2 semaphore(%run_scoped3A_136 : memref<!tpu.dma_semaphore, #tpu.memory_space<semaphore_mem>>) src(%arg10 : memref<128x128xf32, #tpu.memory_space<vmem>>) dst(%dma_wait3A_142 : memref<128x128xf32, #tpu.memory_space<vmem_shared>>)
      tpu.yield
    }) : () -> ()
    %mul3A_19 = arith.constant 640 : i32
    %mul3A_20 = arith.muli %arg1, %mul3A_19 : i32
    %add3A_21 = arith.constant 512 : i32
    %add3A_22 = arith.addi %mul3A_20, %add3A_21 : i32
    "tpu.region"() ({
      %run_scoped3A_136 = tpu.sem_alloc : memref<!tpu.dma_semaphore, #tpu.memory_space<semaphore_mem>>
      %dma_start3A = arith.constant 0 : i32
      %dma_start3A_137 = tpu.memref_slice %arg11[%add3A_22, %dma_start3A] : memref<10240x128xf32, #tpu.memory_space<vmem_shared>> -> memref<128x128xf32, #tpu.memory_space<vmem_shared>>
      %dma_start3A_138 = arith.constant 0 : i32
      %dma_start3A_139 = tpu.memref_slice %arg11[%add3A_22, %dma_start3A_138] : memref<10240x128xf32, #tpu.memory_space<vmem_shared>> -> memref<128x128xf32, #tpu.memory_space<vmem_shared>>
      tpu.enqueue_dma source(%arg10 : memref<128x128xf32, #tpu.memory_space<vmem>>) target(%dma_start3A_139 : memref<128x128xf32, #tpu.memory_space<vmem_shared>>) target_semaphore(%run_scoped3A_136 : memref<!tpu.dma_semaphore, #tpu.memory_space<semaphore_mem>>)
      %dma_wait3A = arith.constant 0 : i32
      %dma_wait3A_140 = tpu.memref_slice %arg11[%add3A_22, %dma_wait3A] : memref<10240x128xf32, #tpu.memory_space<vmem_shared>> -> memref<128x128xf32, #tpu.memory_space<vmem_shared>>
      %dma_wait3A_141 = arith.constant 0 : i32
      %dma_wait3A_142 = tpu.memref_slice %arg11[%add3A_22, %dma_wait3A_141] : memref<10240x128xf32, #tpu.memory_space<vmem_shared>> -> memref<128x128xf32, #tpu.memory_space<vmem_shared>>
      tpu.wait_dma2 semaphore(%run_scoped3A_136 : memref<!tpu.dma_semaphore, #tpu.memory_space<semaphore_mem>>) src(%arg10 : memref<128x128xf32, #tpu.memory_space<vmem>>) dst(%dma_wait3A_142 : memref<128x128xf32, #tpu.memory_space<vmem_shared>>)
      tpu.yield
    }) : () -> ()
    %barrier3A = arith.constant 0 : index
    tpu.barrier barrier_id(%barrier3A)
    %scan3A = arith.constant 0 : i32
    %scan3A_23 = arith.constant 0 : i32
    %scan3A_24 = arith.constant 40 : i32
    %scan3A_25 = arith.addi %scan3A_23, %scan3A_24 : i32
    %scan3A_26 = arith.constant 1 : i32
    scf.for %scan3A_136 = %scan3A_23 to %scan3A_25 step %scan3A_26  : i32 {
      %add3A_137 = arith.addi %mul3A_2, %scan3A_136 : i32
      %mul3A_138 = arith.constant 128 : i32
      %mul3A_139 = arith.muli %add3A_137, %mul3A_138 : i32
      "tpu.region"() ({
        %run_scoped3A_140 = tpu.sem_alloc : memref<!tpu.dma_semaphore, #tpu.memory_space<semaphore_mem>>
        %dma_start3A = arith.constant 0 : i32
        %dma_start3A_141 = tpu.memref_slice %arg2[%mul3A_139, %dma_start3A] : memref<163840x128xf32, #tpu.memory_space<hbm>> -> memref<128x128xf32, #tpu.memory_space<hbm>>
        %dma_start3A_142 = arith.constant 0 : i32
        %dma_start3A_143 = tpu.memref_slice %arg2[%mul3A_139, %dma_start3A_142] : memref<163840x128xf32, #tpu.memory_space<hbm>> -> memref<128x128xf32, #tpu.memory_space<hbm>>
        tpu.enqueue_dma source(%dma_start3A_143 : memref<128x128xf32, #tpu.memory_space<hbm>>) target(%arg10 : memref<128x128xf32, #tpu.memory_space<vmem>>) target_semaphore(%run_scoped3A_140 : memref<!tpu.dma_semaphore, #tpu.memory_space<semaphore_mem>>)
        %dma_wait3A = arith.constant 0 : i32
        %dma_wait3A_144 = tpu.memref_slice %arg2[%mul3A_139, %dma_wait3A] : memref<163840x128xf32, #tpu.memory_space<hbm>> -> memref<128x128xf32, #tpu.memory_space<hbm>>
        %dma_wait3A_145 = arith.constant 0 : i32
        %dma_wait3A_146 = tpu.memref_slice %arg2[%mul3A_139, %dma_wait3A_145] : memref<163840x128xf32, #tpu.memory_space<hbm>> -> memref<128x128xf32, #tpu.memory_space<hbm>>
        tpu.wait_dma2 semaphore(%run_scoped3A_140 : memref<!tpu.dma_semaphore, #tpu.memory_space<semaphore_mem>>) src(%dma_wait3A_146 : memref<128x128xf32, #tpu.memory_space<hbm>>) dst(%arg10 : memref<128x128xf32, #tpu.memory_space<vmem>>)
        tpu.yield
      }) : () -> ()
      "tpu.region"() ({
        %run_scoped3A_140 = tpu.sem_alloc : memref<!tpu.dma_semaphore, #tpu.memory_space<semaphore_mem>>
        %dma_start3A = arith.constant 0 : i32
        %dma_start3A_141 = tpu.memref_slice %arg9[%scan3A_136, %dma_start3A] : memref<40x128xi32, #tpu.memory_space<vmem>> -> memref<1x128xi32, #tpu.memory_space<vmem>>
        %dma_start3A_142 = tpu.memref_squeeze %dma_start3A_141 : memref<1x128xi32, #tpu.memory_space<vmem>> -> memref<128xi32, #tpu.memory_space<vmem>>
        %dma_start3A_143 = arith.constant 0 : i32
        %dma_start3A_144 = arith.constant 0 : i32
        %dma_start3A_145 = tpu.memref_slice %arg11[%dma_start3A_143, %dma_start3A_144] : memref<10240x128xf32, #tpu.memory_space<vmem_shared>> -> memref<10240x128xf32, #tpu.memory_space<vmem_shared>>
        tpu.enqueue_indirect_dma source(%arg10 : memref<128x128xf32, #tpu.memory_space<vmem>>) target(%dma_start3A_145 : memref<10240x128xf32, #tpu.memory_space<vmem_shared>>) offsets(%dma_start3A_142 : memref<128xi32, #tpu.memory_space<vmem>>) semaphore(%run_scoped3A_140 : memref<!tpu.dma_semaphore, #tpu.memory_space<semaphore_mem>>) {add = true}
        %dma_wait3A = arith.constant 0 : i32
        %dma_wait3A_146 = tpu.memref_slice %arg9[%scan3A_136, %dma_wait3A] : memref<40x128xi32, #tpu.memory_space<vmem>> -> memref<1x128xi32, #tpu.memory_space<vmem>>
        %dma_wait3A_147 = tpu.memref_squeeze %dma_wait3A_146 : memref<1x128xi32, #tpu.memory_space<vmem>> -> memref<128xi32, #tpu.memory_space<vmem>>
        %dma_wait3A_148 = arith.constant 0 : i32
        %dma_wait3A_149 = arith.constant 0 : i32
        %dma_wait3A_150 = tpu.memref_slice %arg11[%dma_wait3A_148, %dma_wait3A_149] : memref<10240x128xf32, #tpu.memory_space<vmem_shared>> -> memref<10240x128xf32, #tpu.memory_space<vmem_shared>>
        tpu.wait_indirect_dma semaphore(%run_scoped3A_140 : memref<!tpu.dma_semaphore, #tpu.memory_space<semaphore_mem>>) src(%arg10 : memref<128x128xf32, #tpu.memory_space<vmem>>) dst(%dma_wait3A_150 : memref<10240x128xf32, #tpu.memory_space<vmem_shared>>)
        tpu.yield
      }) : () -> ()
    }
    %scan3A_27 = arith.constant 40 : i32
    %barrier3A_28 = arith.constant 0 : index
    tpu.barrier barrier_id(%barrier3A_28)
    %mul3A_29 = arith.constant 640 : i32
    %mul3A_30 = arith.muli %arg1, %mul3A_29 : i32
    %mul3A_31 = arith.constant 640 : i32
    %mul3A_32 = arith.muli %arg1, %mul3A_31 : i32
    %run_scoped3A = arith.constant 0 : i32
    "tpu.region"() ({
      %run_scoped3A_136 = tpu.sem_alloc : memref<!tpu.dma_semaphore, #tpu.memory_space<semaphore_mem>>
      %dma_start3A = arith.constant 0 : i32
      %dma_start3A_137 = tpu.memref_slice %arg8[%arg0, %run_scoped3A, %mul3A_32, %dma_start3A] : memref<2x4x10240x128xf32, #tpu.memory_space<hbm>> -> memref<1x1x640x128xf32, #tpu.memory_space<hbm>>
      %dma_start3A_138 = tpu.memref_squeeze %dma_start3A_137 : memref<1x1x640x128xf32, #tpu.memory_space<hbm>> -> memref<640x128xf32, #tpu.memory_space<hbm>>
      %dma_start3A_139 = arith.constant 0 : i32
      %dma_start3A_140 = tpu.memref_slice %arg11[%mul3A_30, %dma_start3A_139] : memref<10240x128xf32, #tpu.memory_space<vmem_shared>> -> memref<640x128xf32, #tpu.memory_space<vmem_shared>>
      tpu.enqueue_dma source(%dma_start3A_140 : memref<640x128xf32, #tpu.memory_space<vmem_shared>>) target(%dma_start3A_138 : memref<640x128xf32, #tpu.memory_space<hbm>>) target_semaphore(%run_scoped3A_136 : memref<!tpu.dma_semaphore, #tpu.memory_space<semaphore_mem>>)
      %dma_wait3A = arith.constant 0 : i32
      %dma_wait3A_141 = tpu.memref_slice %arg8[%arg0, %run_scoped3A, %mul3A_32, %dma_wait3A] : memref<2x4x10240x128xf32, #tpu.memory_space<hbm>> -> memref<1x1x640x128xf32, #tpu.memory_space<hbm>>
      %dma_wait3A_142 = tpu.memref_squeeze %dma_wait3A_141 : memref<1x1x640x128xf32, #tpu.memory_space<hbm>> -> memref<640x128xf32, #tpu.memory_space<hbm>>
      %dma_wait3A_143 = arith.constant 0 : i32
      %dma_wait3A_144 = tpu.memref_slice %arg11[%mul3A_30, %dma_wait3A_143] : memref<10240x128xf32, #tpu.memory_space<vmem_shared>> -> memref<640x128xf32, #tpu.memory_space<vmem_shared>>
      tpu.wait_dma2 semaphore(%run_scoped3A_136 : memref<!tpu.dma_semaphore, #tpu.memory_space<semaphore_mem>>) src(%dma_wait3A_144 : memref<640x128xf32, #tpu.memory_space<vmem_shared>>) dst(%dma_wait3A_142 : memref<640x128xf32, #tpu.memory_space<hbm>>)
      tpu.yield
    }) : () -> ()
    %barrier3A_33 = arith.constant 0 : index
    tpu.barrier barrier_id(%barrier3A_33)
    "tpu.region"() ({
      %run_scoped3A_136 = tpu.sem_alloc : memref<!tpu.dma_semaphore, #tpu.memory_space<semaphore_mem>>
      %dma_start3A = arith.constant 0 : i32
      %dma_start3A_137 = arith.constant 0 : i32
      %dma_start3A_138 = tpu.memref_slice %arg7[%dma_start3A, %dma_start3A_137] : memref<128x128xf32, #tpu.memory_space<hbm>> -> memref<128x128xf32, #tpu.memory_space<hbm>>
      %dma_start3A_139 = arith.constant 0 : i32
      %dma_start3A_140 = arith.constant 0 : i32
      %dma_start3A_141 = tpu.memref_slice %arg7[%dma_start3A_139, %dma_start3A_140] : memref<128x128xf32, #tpu.memory_space<hbm>> -> memref<128x128xf32, #tpu.memory_space<hbm>>
      tpu.enqueue_dma source(%dma_start3A_141 : memref<128x128xf32, #tpu.memory_space<hbm>>) target(%arg10 : memref<128x128xf32, #tpu.memory_space<vmem>>) target_semaphore(%run_scoped3A_136 : memref<!tpu.dma_semaphore, #tpu.memory_space<semaphore_mem>>)
      %dma_wait3A = arith.constant 0 : i32
      %dma_wait3A_142 = arith.constant 0 : i32
      %dma_wait3A_143 = tpu.memref_slice %arg7[%dma_wait3A, %dma_wait3A_142] : memref<128x128xf32, #tpu.memory_space<hbm>> -> memref<128x128xf32, #tpu.memory_space<hbm>>
      %dma_wait3A_144 = arith.constant 0 : i32
      %dma_wait3A_145 = arith.constant 0 : i32
      %dma_wait3A_146 = tpu.memref_slice %arg7[%dma_wait3A_144, %dma_wait3A_145] : memref<128x128xf32, #tpu.memory_space<hbm>> -> memref<128x128xf32, #tpu.memory_space<hbm>>
      tpu.wait_dma2 semaphore(%run_scoped3A_136 : memref<!tpu.dma_semaphore, #tpu.memory_space<semaphore_mem>>) src(%dma_wait3A_146 : memref<128x128xf32, #tpu.memory_space<hbm>>) dst(%arg10 : memref<128x128xf32, #tpu.memory_space<vmem>>)
      tpu.yield
    }) : () -> ()
    %mul3A_34 = arith.constant 640 : i32
    %mul3A_35 = arith.muli %arg1, %mul3A_34 : i32
    %add3A_36 = arith.constant 0 : i32
    %add3A_37 = arith.addi %mul3A_35, %add3A_36 : i32
    "tpu.region"() ({
      %run_scoped3A_136 = tpu.sem_alloc : memref<!tpu.dma_semaphore, #tpu.memory_space<semaphore_mem>>
      %dma_start3A = arith.constant 0 : i32
      %dma_start3A_137 = tpu.memref_slice %arg11[%add3A_37, %dma_start3A] : memref<10240x128xf32, #tpu.memory_space<vmem_shared>> -> memref<128x128xf32, #tpu.memory_space<vmem_shared>>
      %dma_start3A_138 = arith.constant 0 : i32
      %dma_start3A_139 = tpu.memref_slice %arg11[%add3A_37, %dma_start3A_138] : memref<10240x128xf32, #tpu.memory_space<vmem_shared>> -> memref<128x128xf32, #tpu.memory_space<vmem_shared>>
      tpu.enqueue_dma source(%arg10 : memref<128x128xf32, #tpu.memory_space<vmem>>) target(%dma_start3A_139 : memref<128x128xf32, #tpu.memory_space<vmem_shared>>) target_semaphore(%run_scoped3A_136 : memref<!tpu.dma_semaphore, #tpu.memory_space<semaphore_mem>>)
      %dma_wait3A = arith.constant 0 : i32
      %dma_wait3A_140 = tpu.memref_slice %arg11[%add3A_37, %dma_wait3A] : memref<10240x128xf32, #tpu.memory_space<vmem_shared>> -> memref<128x128xf32, #tpu.memory_space<vmem_shared>>
      %dma_wait3A_141 = arith.constant 0 : i32
      %dma_wait3A_142 = tpu.memref_slice %arg11[%add3A_37, %dma_wait3A_141] : memref<10240x128xf32, #tpu.memory_space<vmem_shared>> -> memref<128x128xf32, #tpu.memory_space<vmem_shared>>
      tpu.wait_dma2 semaphore(%run_scoped3A_136 : memref<!tpu.dma_semaphore, #tpu.memory_space<semaphore_mem>>) src(%arg10 : memref<128x128xf32, #tpu.memory_space<vmem>>) dst(%dma_wait3A_142 : memref<128x128xf32, #tpu.memory_space<vmem_shared>>)
      tpu.yield
    }) : () -> ()
    %mul3A_38 = arith.constant 640 : i32
    %mul3A_39 = arith.muli %arg1, %mul3A_38 : i32
    %add3A_40 = arith.constant 128 : i32
    %add3A_41 = arith.addi %mul3A_39, %add3A_40 : i32
    "tpu.region"() ({
      %run_scoped3A_136 = tpu.sem_alloc : memref<!tpu.dma_semaphore, #tpu.memory_space<semaphore_mem>>
      %dma_start3A = arith.constant 0 : i32
      %dma_start3A_137 = tpu.memref_slice %arg11[%add3A_41, %dma_start3A] : memref<10240x128xf32, #tpu.memory_space<vmem_shared>> -> memref<128x128xf32, #tpu.memory_space<vmem_shared>>
      %dma_start3A_138 = arith.constant 0 : i32
      %dma_start3A_139 = tpu.memref_slice %arg11[%add3A_41, %dma_start3A_138] : memref<10240x128xf32, #tpu.memory_space<vmem_shared>> -> memref<128x128xf32, #tpu.memory_space<vmem_shared>>
      tpu.enqueue_dma source(%arg10 : memref<128x128xf32, #tpu.memory_space<vmem>>) target(%dma_start3A_139 : memref<128x128xf32, #tpu.memory_space<vmem_shared>>) target_semaphore(%run_scoped3A_136 : memref<!tpu.dma_semaphore, #tpu.memory_space<semaphore_mem>>)
      %dma_wait3A = arith.constant 0 : i32
      %dma_wait3A_140 = tpu.memref_slice %arg11[%add3A_41, %dma_wait3A] : memref<10240x128xf32, #tpu.memory_space<vmem_shared>> -> memref<128x128xf32, #tpu.memory_space<vmem_shared>>
      %dma_wait3A_141 = arith.constant 0 : i32
      %dma_wait3A_142 = tpu.memref_slice %arg11[%add3A_41, %dma_wait3A_141] : memref<10240x128xf32, #tpu.memory_space<vmem_shared>> -> memref<128x128xf32, #tpu.memory_space<vmem_shared>>
      tpu.wait_dma2 semaphore(%run_scoped3A_136 : memref<!tpu.dma_semaphore, #tpu.memory_space<semaphore_mem>>) src(%arg10 : memref<128x128xf32, #tpu.memory_space<vmem>>) dst(%dma_wait3A_142 : memref<128x128xf32, #tpu.memory_space<vmem_shared>>)
      tpu.yield
    }) : () -> ()
    %mul3A_42 = arith.constant 640 : i32
    %mul3A_43 = arith.muli %arg1, %mul3A_42 : i32
    %add3A_44 = arith.constant 256 : i32
    %add3A_45 = arith.addi %mul3A_43, %add3A_44 : i32
    "tpu.region"() ({
      %run_scoped3A_136 = tpu.sem_alloc : memref<!tpu.dma_semaphore, #tpu.memory_space<semaphore_mem>>
      %dma_start3A = arith.constant 0 : i32
      %dma_start3A_137 = tpu.memref_slice %arg11[%add3A_45, %dma_start3A] : memref<10240x128xf32, #tpu.memory_space<vmem_shared>> -> memref<128x128xf32, #tpu.memory_space<vmem_shared>>
      %dma_start3A_138 = arith.constant 0 : i32
      %dma_start3A_139 = tpu.memref_slice %arg11[%add3A_45, %dma_start3A_138] : memref<10240x128xf32, #tpu.memory_space<vmem_shared>> -> memref<128x128xf32, #tpu.memory_space<vmem_shared>>
      tpu.enqueue_dma source(%arg10 : memref<128x128xf32, #tpu.memory_space<vmem>>) target(%dma_start3A_139 : memref<128x128xf32, #tpu.memory_space<vmem_shared>>) target_semaphore(%run_scoped3A_136 : memref<!tpu.dma_semaphore, #tpu.memory_space<semaphore_mem>>)
      %dma_wait3A = arith.constant 0 : i32
      %dma_wait3A_140 = tpu.memref_slice %arg11[%add3A_45, %dma_wait3A] : memref<10240x128xf32, #tpu.memory_space<vmem_shared>> -> memref<128x128xf32, #tpu.memory_space<vmem_shared>>
      %dma_wait3A_141 = arith.constant 0 : i32
      %dma_wait3A_142 = tpu.memref_slice %arg11[%add3A_45, %dma_wait3A_141] : memref<10240x128xf32, #tpu.memory_space<vmem_shared>> -> memref<128x128xf32, #tpu.memory_space<vmem_shared>>
      tpu.wait_dma2 semaphore(%run_scoped3A_136 : memref<!tpu.dma_semaphore, #tpu.memory_space<semaphore_mem>>) src(%arg10 : memref<128x128xf32, #tpu.memory_space<vmem>>) dst(%dma_wait3A_142 : memref<128x128xf32, #tpu.memory_space<vmem_shared>>)
      tpu.yield
    }) : () -> ()
    %mul3A_46 = arith.constant 640 : i32
    %mul3A_47 = arith.muli %arg1, %mul3A_46 : i32
    %add3A_48 = arith.constant 384 : i32
    %add3A_49 = arith.addi %mul3A_47, %add3A_48 : i32
    "tpu.region"() ({
      %run_scoped3A_136 = tpu.sem_alloc : memref<!tpu.dma_semaphore, #tpu.memory_space<semaphore_mem>>
      %dma_start3A = arith.constant 0 : i32
      %dma_start3A_137 = tpu.memref_slice %arg11[%add3A_49, %dma_start3A] : memref<10240x128xf32, #tpu.memory_space<vmem_shared>> -> memref<128x128xf32, #tpu.memory_space<vmem_shared>>
      %dma_start3A_138 = arith.constant 0 : i32
      %dma_start3A_139 = tpu.memref_slice %arg11[%add3A_49, %dma_start3A_138] : memref<10240x128xf32, #tpu.memory_space<vmem_shared>> -> memref<128x128xf32, #tpu.memory_space<vmem_shared>>
      tpu.enqueue_dma source(%arg10 : memref<128x128xf32, #tpu.memory_space<vmem>>) target(%dma_start3A_139 : memref<128x128xf32, #tpu.memory_space<vmem_shared>>) target_semaphore(%run_scoped3A_136 : memref<!tpu.dma_semaphore, #tpu.memory_space<semaphore_mem>>)
      %dma_wait3A = arith.constant 0 : i32
      %dma_wait3A_140 = tpu.memref_slice %arg11[%add3A_49, %dma_wait3A] : memref<10240x128xf32, #tpu.memory_space<vmem_shared>> -> memref<128x128xf32, #tpu.memory_space<vmem_shared>>
      %dma_wait3A_141 = arith.constant 0 : i32
      %dma_wait3A_142 = tpu.memref_slice %arg11[%add3A_49, %dma_wait3A_141] : memref<10240x128xf32, #tpu.memory_space<vmem_shared>> -> memref<128x128xf32, #tpu.memory_space<vmem_shared>>
      tpu.wait_dma2 semaphore(%run_scoped3A_136 : memref<!tpu.dma_semaphore, #tpu.memory_space<semaphore_mem>>) src(%arg10 : memref<128x128xf32, #tpu.memory_space<vmem>>) dst(%dma_wait3A_142 : memref<128x128xf32, #tpu.memory_space<vmem_shared>>)
      tpu.yield
    }) : () -> ()
    %mul3A_50 = arith.constant 640 : i32
    %mul3A_51 = arith.muli %arg1, %mul3A_50 : i32
    %add3A_52 = arith.constant 512 : i32
    %add3A_53 = arith.addi %mul3A_51, %add3A_52 : i32
    "tpu.region"() ({
      %run_scoped3A_136 = tpu.sem_alloc : memref<!tpu.dma_semaphore, #tpu.memory_space<semaphore_mem>>
      %dma_start3A = arith.constant 0 : i32
      %dma_start3A_137 = tpu.memref_slice %arg11[%add3A_53, %dma_start3A] : memref<10240x128xf32, #tpu.memory_space<vmem_shared>> -> memref<128x128xf32, #tpu.memory_space<vmem_shared>>
      %dma_start3A_138 = arith.constant 0 : i32
      %dma_start3A_139 = tpu.memref_slice %arg11[%add3A_53, %dma_start3A_138] : memref<10240x128xf32, #tpu.memory_space<vmem_shared>> -> memref<128x128xf32, #tpu.memory_space<vmem_shared>>
      tpu.enqueue_dma source(%arg10 : memref<128x128xf32, #tpu.memory_space<vmem>>) target(%dma_start3A_139 : memref<128x128xf32, #tpu.memory_space<vmem_shared>>) target_semaphore(%run_scoped3A_136 : memref<!tpu.dma_semaphore, #tpu.memory_space<semaphore_mem>>)
      %dma_wait3A = arith.constant 0 : i32
      %dma_wait3A_140 = tpu.memref_slice %arg11[%add3A_53, %dma_wait3A] : memref<10240x128xf32, #tpu.memory_space<vmem_shared>> -> memref<128x128xf32, #tpu.memory_space<vmem_shared>>
      %dma_wait3A_141 = arith.constant 0 : i32
      %dma_wait3A_142 = tpu.memref_slice %arg11[%add3A_53, %dma_wait3A_141] : memref<10240x128xf32, #tpu.memory_space<vmem_shared>> -> memref<128x128xf32, #tpu.memory_space<vmem_shared>>
      tpu.wait_dma2 semaphore(%run_scoped3A_136 : memref<!tpu.dma_semaphore, #tpu.memory_space<semaphore_mem>>) src(%arg10 : memref<128x128xf32, #tpu.memory_space<vmem>>) dst(%dma_wait3A_142 : memref<128x128xf32, #tpu.memory_space<vmem_shared>>)
      tpu.yield
    }) : () -> ()
    %barrier3A_54 = arith.constant 0 : index
    tpu.barrier barrier_id(%barrier3A_54)
    %scan3A_55 = arith.constant 0 : i32
    %scan3A_56 = arith.constant 0 : i32
    %scan3A_57 = arith.constant 40 : i32
    %scan3A_58 = arith.addi %scan3A_56, %scan3A_57 : i32
    %scan3A_59 = arith.constant 1 : i32
    scf.for %scan3A_136 = %scan3A_56 to %scan3A_58 step %scan3A_59  : i32 {
      %add3A_137 = arith.addi %mul3A_2, %scan3A_136 : i32
      %mul3A_138 = arith.constant 128 : i32
      %mul3A_139 = arith.muli %add3A_137, %mul3A_138 : i32
      "tpu.region"() ({
        %run_scoped3A_140 = tpu.sem_alloc : memref<!tpu.dma_semaphore, #tpu.memory_space<semaphore_mem>>
        %dma_start3A = arith.constant 0 : i32
        %dma_start3A_141 = tpu.memref_slice %arg3[%mul3A_139, %dma_start3A] : memref<163840x128xf32, #tpu.memory_space<hbm>> -> memref<128x128xf32, #tpu.memory_space<hbm>>
        %dma_start3A_142 = arith.constant 0 : i32
        %dma_start3A_143 = tpu.memref_slice %arg3[%mul3A_139, %dma_start3A_142] : memref<163840x128xf32, #tpu.memory_space<hbm>> -> memref<128x128xf32, #tpu.memory_space<hbm>>
        tpu.enqueue_dma source(%dma_start3A_143 : memref<128x128xf32, #tpu.memory_space<hbm>>) target(%arg10 : memref<128x128xf32, #tpu.memory_space<vmem>>) target_semaphore(%run_scoped3A_140 : memref<!tpu.dma_semaphore, #tpu.memory_space<semaphore_mem>>)
        %dma_wait3A = arith.constant 0 : i32
        %dma_wait3A_144 = tpu.memref_slice %arg3[%mul3A_139, %dma_wait3A] : memref<163840x128xf32, #tpu.memory_space<hbm>> -> memref<128x128xf32, #tpu.memory_space<hbm>>
        %dma_wait3A_145 = arith.constant 0 : i32
        %dma_wait3A_146 = tpu.memref_slice %arg3[%mul3A_139, %dma_wait3A_145] : memref<163840x128xf32, #tpu.memory_space<hbm>> -> memref<128x128xf32, #tpu.memory_space<hbm>>
        tpu.wait_dma2 semaphore(%run_scoped3A_140 : memref<!tpu.dma_semaphore, #tpu.memory_space<semaphore_mem>>) src(%dma_wait3A_146 : memref<128x128xf32, #tpu.memory_space<hbm>>) dst(%arg10 : memref<128x128xf32, #tpu.memory_space<vmem>>)
        tpu.yield
      }) : () -> ()
      "tpu.region"() ({
        %run_scoped3A_140 = tpu.sem_alloc : memref<!tpu.dma_semaphore, #tpu.memory_space<semaphore_mem>>
        %dma_start3A = arith.constant 0 : i32
        %dma_start3A_141 = tpu.memref_slice %arg9[%scan3A_136, %dma_start3A] : memref<40x128xi32, #tpu.memory_space<vmem>> -> memref<1x128xi32, #tpu.memory_space<vmem>>
        %dma_start3A_142 = tpu.memref_squeeze %dma_start3A_141 : memref<1x128xi32, #tpu.memory_space<vmem>> -> memref<128xi32, #tpu.memory_space<vmem>>
        %dma_start3A_143 = arith.constant 0 : i32
        %dma_start3A_144 = arith.constant 0 : i32
        %dma_start3A_145 = tpu.memref_slice %arg11[%dma_start3A_143, %dma_start3A_144] : memref<10240x128xf32, #tpu.memory_space<vmem_shared>> -> memref<10240x128xf32, #tpu.memory_space<vmem_shared>>
        tpu.enqueue_indirect_dma source(%arg10 : memref<128x128xf32, #tpu.memory_space<vmem>>) target(%dma_start3A_145 : memref<10240x128xf32, #tpu.memory_space<vmem_shared>>) offsets(%dma_start3A_142 : memref<128xi32, #tpu.memory_space<vmem>>) semaphore(%run_scoped3A_140 : memref<!tpu.dma_semaphore, #tpu.memory_space<semaphore_mem>>) {add = true}
        %dma_wait3A = arith.constant 0 : i32
        %dma_wait3A_146 = tpu.memref_slice %arg9[%scan3A_136, %dma_wait3A] : memref<40x128xi32, #tpu.memory_space<vmem>> -> memref<1x128xi32, #tpu.memory_space<vmem>>
        %dma_wait3A_147 = tpu.memref_squeeze %dma_wait3A_146 : memref<1x128xi32, #tpu.memory_space<vmem>> -> memref<128xi32, #tpu.memory_space<vmem>>
        %dma_wait3A_148 = arith.constant 0 : i32
        %dma_wait3A_149 = arith.constant 0 : i32
        %dma_wait3A_150 = tpu.memref_slice %arg11[%dma_wait3A_148, %dma_wait3A_149] : memref<10240x128xf32, #tpu.memory_space<vmem_shared>> -> memref<10240x128xf32, #tpu.memory_space<vmem_shared>>
        tpu.wait_indirect_dma semaphore(%run_scoped3A_140 : memref<!tpu.dma_semaphore, #tpu.memory_space<semaphore_mem>>) src(%arg10 : memref<128x128xf32, #tpu.memory_space<vmem>>) dst(%dma_wait3A_150 : memref<10240x128xf32, #tpu.memory_space<vmem_shared>>)
        tpu.yield
      }) : () -> ()
    }
    %scan3A_60 = arith.constant 40 : i32
    %barrier3A_61 = arith.constant 0 : index
    tpu.barrier barrier_id(%barrier3A_61)
    %mul3A_62 = arith.constant 640 : i32
    %mul3A_63 = arith.muli %arg1, %mul3A_62 : i32
    %mul3A_64 = arith.constant 640 : i32
    %mul3A_65 = arith.muli %arg1, %mul3A_64 : i32
    %run_scoped3A_66 = arith.constant 1 : i32
    "tpu.region"() ({
      %run_scoped3A_136 = tpu.sem_alloc : memref<!tpu.dma_semaphore, #tpu.memory_space<semaphore_mem>>
      %dma_start3A = arith.constant 0 : i32
      %dma_start3A_137 = tpu.memref_slice %arg8[%arg0, %run_scoped3A_66, %mul3A_65, %dma_start3A] : memref<2x4x10240x128xf32, #tpu.memory_space<hbm>> -> memref<1x1x640x128xf32, #tpu.memory_space<hbm>>
      %dma_start3A_138 = tpu.memref_squeeze %dma_start3A_137 : memref<1x1x640x128xf32, #tpu.memory_space<hbm>> -> memref<640x128xf32, #tpu.memory_space<hbm>>
      %dma_start3A_139 = arith.constant 0 : i32
      %dma_start3A_140 = tpu.memref_slice %arg11[%mul3A_63, %dma_start3A_139] : memref<10240x128xf32, #tpu.memory_space<vmem_shared>> -> memref<640x128xf32, #tpu.memory_space<vmem_shared>>
      tpu.enqueue_dma source(%dma_start3A_140 : memref<640x128xf32, #tpu.memory_space<vmem_shared>>) target(%dma_start3A_138 : memref<640x128xf32, #tpu.memory_space<hbm>>) target_semaphore(%run_scoped3A_136 : memref<!tpu.dma_semaphore, #tpu.memory_space<semaphore_mem>>)
      %dma_wait3A = arith.constant 0 : i32
      %dma_wait3A_141 = tpu.memref_slice %arg8[%arg0, %run_scoped3A_66, %mul3A_65, %dma_wait3A] : memref<2x4x10240x128xf32, #tpu.memory_space<hbm>> -> memref<1x1x640x128xf32, #tpu.memory_space<hbm>>
      %dma_wait3A_142 = tpu.memref_squeeze %dma_wait3A_141 : memref<1x1x640x128xf32, #tpu.memory_space<hbm>> -> memref<640x128xf32, #tpu.memory_space<hbm>>
      %dma_wait3A_143 = arith.constant 0 : i32
      %dma_wait3A_144 = tpu.memref_slice %arg11[%mul3A_63, %dma_wait3A_143] : memref<10240x128xf32, #tpu.memory_space<vmem_shared>> -> memref<640x128xf32, #tpu.memory_space<vmem_shared>>
      tpu.wait_dma2 semaphore(%run_scoped3A_136 : memref<!tpu.dma_semaphore, #tpu.memory_space<semaphore_mem>>) src(%dma_wait3A_144 : memref<640x128xf32, #tpu.memory_space<vmem_shared>>) dst(%dma_wait3A_142 : memref<640x128xf32, #tpu.memory_space<hbm>>)
      tpu.yield
    }) : () -> ()
    %barrier3A_67 = arith.constant 0 : index
    tpu.barrier barrier_id(%barrier3A_67)
    "tpu.region"() ({
      %run_scoped3A_136 = tpu.sem_alloc : memref<!tpu.dma_semaphore, #tpu.memory_space<semaphore_mem>>
      %dma_start3A = arith.constant 0 : i32
      %dma_start3A_137 = arith.constant 0 : i32
      %dma_start3A_138 = tpu.memref_slice %arg7[%dma_start3A, %dma_start3A_137] : memref<128x128xf32, #tpu.memory_space<hbm>> -> memref<128x128xf32, #tpu.memory_space<hbm>>
      %dma_start3A_139 = arith.constant 0 : i32
      %dma_start3A_140 = arith.constant 0 : i32
      %dma_start3A_141 = tpu.memref_slice %arg7[%dma_start3A_139, %dma_start3A_140] : memref<128x128xf32, #tpu.memory_space<hbm>> -> memref<128x128xf32, #tpu.memory_space<hbm>>
      tpu.enqueue_dma source(%dma_start3A_141 : memref<128x128xf32, #tpu.memory_space<hbm>>) target(%arg10 : memref<128x128xf32, #tpu.memory_space<vmem>>) target_semaphore(%run_scoped3A_136 : memref<!tpu.dma_semaphore, #tpu.memory_space<semaphore_mem>>)
      %dma_wait3A = arith.constant 0 : i32
      %dma_wait3A_142 = arith.constant 0 : i32
      %dma_wait3A_143 = tpu.memref_slice %arg7[%dma_wait3A, %dma_wait3A_142] : memref<128x128xf32, #tpu.memory_space<hbm>> -> memref<128x128xf32, #tpu.memory_space<hbm>>
      %dma_wait3A_144 = arith.constant 0 : i32
      %dma_wait3A_145 = arith.constant 0 : i32
      %dma_wait3A_146 = tpu.memref_slice %arg7[%dma_wait3A_144, %dma_wait3A_145] : memref<128x128xf32, #tpu.memory_space<hbm>> -> memref<128x128xf32, #tpu.memory_space<hbm>>
      tpu.wait_dma2 semaphore(%run_scoped3A_136 : memref<!tpu.dma_semaphore, #tpu.memory_space<semaphore_mem>>) src(%dma_wait3A_146 : memref<128x128xf32, #tpu.memory_space<hbm>>) dst(%arg10 : memref<128x128xf32, #tpu.memory_space<vmem>>)
      tpu.yield
    }) : () -> ()
    %mul3A_68 = arith.constant 640 : i32
    %mul3A_69 = arith.muli %arg1, %mul3A_68 : i32
    %add3A_70 = arith.constant 0 : i32
    %add3A_71 = arith.addi %mul3A_69, %add3A_70 : i32
    "tpu.region"() ({
      %run_scoped3A_136 = tpu.sem_alloc : memref<!tpu.dma_semaphore, #tpu.memory_space<semaphore_mem>>
      %dma_start3A = arith.constant 0 : i32
      %dma_start3A_137 = tpu.memref_slice %arg11[%add3A_71, %dma_start3A] : memref<10240x128xf32, #tpu.memory_space<vmem_shared>> -> memref<128x128xf32, #tpu.memory_space<vmem_shared>>
      %dma_start3A_138 = arith.constant 0 : i32
      %dma_start3A_139 = tpu.memref_slice %arg11[%add3A_71, %dma_start3A_138] : memref<10240x128xf32, #tpu.memory_space<vmem_shared>> -> memref<128x128xf32, #tpu.memory_space<vmem_shared>>
      tpu.enqueue_dma source(%arg10 : memref<128x128xf32, #tpu.memory_space<vmem>>) target(%dma_start3A_139 : memref<128x128xf32, #tpu.memory_space<vmem_shared>>) target_semaphore(%run_scoped3A_136 : memref<!tpu.dma_semaphore, #tpu.memory_space<semaphore_mem>>)
      %dma_wait3A = arith.constant 0 : i32
      %dma_wait3A_140 = tpu.memref_slice %arg11[%add3A_71, %dma_wait3A] : memref<10240x128xf32, #tpu.memory_space<vmem_shared>> -> memref<128x128xf32, #tpu.memory_space<vmem_shared>>
      %dma_wait3A_141 = arith.constant 0 : i32
      %dma_wait3A_142 = tpu.memref_slice %arg11[%add3A_71, %dma_wait3A_141] : memref<10240x128xf32, #tpu.memory_space<vmem_shared>> -> memref<128x128xf32, #tpu.memory_space<vmem_shared>>
      tpu.wait_dma2 semaphore(%run_scoped3A_136 : memref<!tpu.dma_semaphore, #tpu.memory_space<semaphore_mem>>) src(%arg10 : memref<128x128xf32, #tpu.memory_space<vmem>>) dst(%dma_wait3A_142 : memref<128x128xf32, #tpu.memory_space<vmem_shared>>)
      tpu.yield
    }) : () -> ()
    %mul3A_72 = arith.constant 640 : i32
    %mul3A_73 = arith.muli %arg1, %mul3A_72 : i32
    %add3A_74 = arith.constant 128 : i32
    %add3A_75 = arith.addi %mul3A_73, %add3A_74 : i32
    "tpu.region"() ({
      %run_scoped3A_136 = tpu.sem_alloc : memref<!tpu.dma_semaphore, #tpu.memory_space<semaphore_mem>>
      %dma_start3A = arith.constant 0 : i32
      %dma_start3A_137 = tpu.memref_slice %arg11[%add3A_75, %dma_start3A] : memref<10240x128xf32, #tpu.memory_space<vmem_shared>> -> memref<128x128xf32, #tpu.memory_space<vmem_shared>>
      %dma_start3A_138 = arith.constant 0 : i32
      %dma_start3A_139 = tpu.memref_slice %arg11[%add3A_75, %dma_start3A_138] : memref<10240x128xf32, #tpu.memory_space<vmem_shared>> -> memref<128x128xf32, #tpu.memory_space<vmem_shared>>
      tpu.enqueue_dma source(%arg10 : memref<128x128xf32, #tpu.memory_space<vmem>>) target(%dma_start3A_139 : memref<128x128xf32, #tpu.memory_space<vmem_shared>>) target_semaphore(%run_scoped3A_136 : memref<!tpu.dma_semaphore, #tpu.memory_space<semaphore_mem>>)
      %dma_wait3A = arith.constant 0 : i32
      %dma_wait3A_140 = tpu.memref_slice %arg11[%add3A_75, %dma_wait3A] : memref<10240x128xf32, #tpu.memory_space<vmem_shared>> -> memref<128x128xf32, #tpu.memory_space<vmem_shared>>
      %dma_wait3A_141 = arith.constant 0 : i32
      %dma_wait3A_142 = tpu.memref_slice %arg11[%add3A_75, %dma_wait3A_141] : memref<10240x128xf32, #tpu.memory_space<vmem_shared>> -> memref<128x128xf32, #tpu.memory_space<vmem_shared>>
      tpu.wait_dma2 semaphore(%run_scoped3A_136 : memref<!tpu.dma_semaphore, #tpu.memory_space<semaphore_mem>>) src(%arg10 : memref<128x128xf32, #tpu.memory_space<vmem>>) dst(%dma_wait3A_142 : memref<128x128xf32, #tpu.memory_space<vmem_shared>>)
      tpu.yield
    }) : () -> ()
    %mul3A_76 = arith.constant 640 : i32
    %mul3A_77 = arith.muli %arg1, %mul3A_76 : i32
    %add3A_78 = arith.constant 256 : i32
    %add3A_79 = arith.addi %mul3A_77, %add3A_78 : i32
    "tpu.region"() ({
      %run_scoped3A_136 = tpu.sem_alloc : memref<!tpu.dma_semaphore, #tpu.memory_space<semaphore_mem>>
      %dma_start3A = arith.constant 0 : i32
      %dma_start3A_137 = tpu.memref_slice %arg11[%add3A_79, %dma_start3A] : memref<10240x128xf32, #tpu.memory_space<vmem_shared>> -> memref<128x128xf32, #tpu.memory_space<vmem_shared>>
      %dma_start3A_138 = arith.constant 0 : i32
      %dma_start3A_139 = tpu.memref_slice %arg11[%add3A_79, %dma_start3A_138] : memref<10240x128xf32, #tpu.memory_space<vmem_shared>> -> memref<128x128xf32, #tpu.memory_space<vmem_shared>>
      tpu.enqueue_dma source(%arg10 : memref<128x128xf32, #tpu.memory_space<vmem>>) target(%dma_start3A_139 : memref<128x128xf32, #tpu.memory_space<vmem_shared>>) target_semaphore(%run_scoped3A_136 : memref<!tpu.dma_semaphore, #tpu.memory_space<semaphore_mem>>)
      %dma_wait3A = arith.constant 0 : i32
      %dma_wait3A_140 = tpu.memref_slice %arg11[%add3A_79, %dma_wait3A] : memref<10240x128xf32, #tpu.memory_space<vmem_shared>> -> memref<128x128xf32, #tpu.memory_space<vmem_shared>>
      %dma_wait3A_141 = arith.constant 0 : i32
      %dma_wait3A_142 = tpu.memref_slice %arg11[%add3A_79, %dma_wait3A_141] : memref<10240x128xf32, #tpu.memory_space<vmem_shared>> -> memref<128x128xf32, #tpu.memory_space<vmem_shared>>
      tpu.wait_dma2 semaphore(%run_scoped3A_136 : memref<!tpu.dma_semaphore, #tpu.memory_space<semaphore_mem>>) src(%arg10 : memref<128x128xf32, #tpu.memory_space<vmem>>) dst(%dma_wait3A_142 : memref<128x128xf32, #tpu.memory_space<vmem_shared>>)
      tpu.yield
    }) : () -> ()
    %mul3A_80 = arith.constant 640 : i32
    %mul3A_81 = arith.muli %arg1, %mul3A_80 : i32
    %add3A_82 = arith.constant 384 : i32
    %add3A_83 = arith.addi %mul3A_81, %add3A_82 : i32
    "tpu.region"() ({
      %run_scoped3A_136 = tpu.sem_alloc : memref<!tpu.dma_semaphore, #tpu.memory_space<semaphore_mem>>
      %dma_start3A = arith.constant 0 : i32
      %dma_start3A_137 = tpu.memref_slice %arg11[%add3A_83, %dma_start3A] : memref<10240x128xf32, #tpu.memory_space<vmem_shared>> -> memref<128x128xf32, #tpu.memory_space<vmem_shared>>
      %dma_start3A_138 = arith.constant 0 : i32
      %dma_start3A_139 = tpu.memref_slice %arg11[%add3A_83, %dma_start3A_138] : memref<10240x128xf32, #tpu.memory_space<vmem_shared>> -> memref<128x128xf32, #tpu.memory_space<vmem_shared>>
      tpu.enqueue_dma source(%arg10 : memref<128x128xf32, #tpu.memory_space<vmem>>) target(%dma_start3A_139 : memref<128x128xf32, #tpu.memory_space<vmem_shared>>) target_semaphore(%run_scoped3A_136 : memref<!tpu.dma_semaphore, #tpu.memory_space<semaphore_mem>>)
      %dma_wait3A = arith.constant 0 : i32
      %dma_wait3A_140 = tpu.memref_slice %arg11[%add3A_83, %dma_wait3A] : memref<10240x128xf32, #tpu.memory_space<vmem_shared>> -> memref<128x128xf32, #tpu.memory_space<vmem_shared>>
      %dma_wait3A_141 = arith.constant 0 : i32
      %dma_wait3A_142 = tpu.memref_slice %arg11[%add3A_83, %dma_wait3A_141] : memref<10240x128xf32, #tpu.memory_space<vmem_shared>> -> memref<128x128xf32, #tpu.memory_space<vmem_shared>>
      tpu.wait_dma2 semaphore(%run_scoped3A_136 : memref<!tpu.dma_semaphore, #tpu.memory_space<semaphore_mem>>) src(%arg10 : memref<128x128xf32, #tpu.memory_space<vmem>>) dst(%dma_wait3A_142 : memref<128x128xf32, #tpu.memory_space<vmem_shared>>)
      tpu.yield
    }) : () -> ()
    %mul3A_84 = arith.constant 640 : i32
    %mul3A_85 = arith.muli %arg1, %mul3A_84 : i32
    %add3A_86 = arith.constant 512 : i32
    %add3A_87 = arith.addi %mul3A_85, %add3A_86 : i32
    "tpu.region"() ({
      %run_scoped3A_136 = tpu.sem_alloc : memref<!tpu.dma_semaphore, #tpu.memory_space<semaphore_mem>>
      %dma_start3A = arith.constant 0 : i32
      %dma_start3A_137 = tpu.memref_slice %arg11[%add3A_87, %dma_start3A] : memref<10240x128xf32, #tpu.memory_space<vmem_shared>> -> memref<128x128xf32, #tpu.memory_space<vmem_shared>>
      %dma_start3A_138 = arith.constant 0 : i32
      %dma_start3A_139 = tpu.memref_slice %arg11[%add3A_87, %dma_start3A_138] : memref<10240x128xf32, #tpu.memory_space<vmem_shared>> -> memref<128x128xf32, #tpu.memory_space<vmem_shared>>
      tpu.enqueue_dma source(%arg10 : memref<128x128xf32, #tpu.memory_space<vmem>>) target(%dma_start3A_139 : memref<128x128xf32, #tpu.memory_space<vmem_shared>>) target_semaphore(%run_scoped3A_136 : memref<!tpu.dma_semaphore, #tpu.memory_space<semaphore_mem>>)
      %dma_wait3A = arith.constant 0 : i32
      %dma_wait3A_140 = tpu.memref_slice %arg11[%add3A_87, %dma_wait3A] : memref<10240x128xf32, #tpu.memory_space<vmem_shared>> -> memref<128x128xf32, #tpu.memory_space<vmem_shared>>
      %dma_wait3A_141 = arith.constant 0 : i32
      %dma_wait3A_142 = tpu.memref_slice %arg11[%add3A_87, %dma_wait3A_141] : memref<10240x128xf32, #tpu.memory_space<vmem_shared>> -> memref<128x128xf32, #tpu.memory_space<vmem_shared>>
      tpu.wait_dma2 semaphore(%run_scoped3A_136 : memref<!tpu.dma_semaphore, #tpu.memory_space<semaphore_mem>>) src(%arg10 : memref<128x128xf32, #tpu.memory_space<vmem>>) dst(%dma_wait3A_142 : memref<128x128xf32, #tpu.memory_space<vmem_shared>>)
      tpu.yield
    }) : () -> ()
    %barrier3A_88 = arith.constant 0 : index
    tpu.barrier barrier_id(%barrier3A_88)
    %scan3A_89 = arith.constant 0 : i32
    %scan3A_90 = arith.constant 0 : i32
    %scan3A_91 = arith.constant 40 : i32
    %scan3A_92 = arith.addi %scan3A_90, %scan3A_91 : i32
    %scan3A_93 = arith.constant 1 : i32
    scf.for %scan3A_136 = %scan3A_90 to %scan3A_92 step %scan3A_93  : i32 {
      %add3A_137 = arith.addi %mul3A_2, %scan3A_136 : i32
      %mul3A_138 = arith.constant 128 : i32
      %mul3A_139 = arith.muli %add3A_137, %mul3A_138 : i32
      "tpu.region"() ({
        %run_scoped3A_140 = tpu.sem_alloc : memref<!tpu.dma_semaphore, #tpu.memory_space<semaphore_mem>>
        %dma_start3A = arith.constant 0 : i32
        %dma_start3A_141 = tpu.memref_slice %arg4[%mul3A_139, %dma_start3A] : memref<163840x128xf32, #tpu.memory_space<hbm>> -> memref<128x128xf32, #tpu.memory_space<hbm>>
        %dma_start3A_142 = arith.constant 0 : i32
        %dma_start3A_143 = tpu.memref_slice %arg4[%mul3A_139, %dma_start3A_142] : memref<163840x128xf32, #tpu.memory_space<hbm>> -> memref<128x128xf32, #tpu.memory_space<hbm>>
        tpu.enqueue_dma source(%dma_start3A_143 : memref<128x128xf32, #tpu.memory_space<hbm>>) target(%arg10 : memref<128x128xf32, #tpu.memory_space<vmem>>) target_semaphore(%run_scoped3A_140 : memref<!tpu.dma_semaphore, #tpu.memory_space<semaphore_mem>>)
        %dma_wait3A = arith.constant 0 : i32
        %dma_wait3A_144 = tpu.memref_slice %arg4[%mul3A_139, %dma_wait3A] : memref<163840x128xf32, #tpu.memory_space<hbm>> -> memref<128x128xf32, #tpu.memory_space<hbm>>
        %dma_wait3A_145 = arith.constant 0 : i32
        %dma_wait3A_146 = tpu.memref_slice %arg4[%mul3A_139, %dma_wait3A_145] : memref<163840x128xf32, #tpu.memory_space<hbm>> -> memref<128x128xf32, #tpu.memory_space<hbm>>
        tpu.wait_dma2 semaphore(%run_scoped3A_140 : memref<!tpu.dma_semaphore, #tpu.memory_space<semaphore_mem>>) src(%dma_wait3A_146 : memref<128x128xf32, #tpu.memory_space<hbm>>) dst(%arg10 : memref<128x128xf32, #tpu.memory_space<vmem>>)
        tpu.yield
      }) : () -> ()
      "tpu.region"() ({
        %run_scoped3A_140 = tpu.sem_alloc : memref<!tpu.dma_semaphore, #tpu.memory_space<semaphore_mem>>
        %dma_start3A = arith.constant 0 : i32
        %dma_start3A_141 = tpu.memref_slice %arg9[%scan3A_136, %dma_start3A] : memref<40x128xi32, #tpu.memory_space<vmem>> -> memref<1x128xi32, #tpu.memory_space<vmem>>
        %dma_start3A_142 = tpu.memref_squeeze %dma_start3A_141 : memref<1x128xi32, #tpu.memory_space<vmem>> -> memref<128xi32, #tpu.memory_space<vmem>>
        %dma_start3A_143 = arith.constant 0 : i32
        %dma_start3A_144 = arith.constant 0 : i32
        %dma_start3A_145 = tpu.memref_slice %arg11[%dma_start3A_143, %dma_start3A_144] : memref<10240x128xf32, #tpu.memory_space<vmem_shared>> -> memref<10240x128xf32, #tpu.memory_space<vmem_shared>>
        tpu.enqueue_indirect_dma source(%arg10 : memref<128x128xf32, #tpu.memory_space<vmem>>) target(%dma_start3A_145 : memref<10240x128xf32, #tpu.memory_space<vmem_shared>>) offsets(%dma_start3A_142 : memref<128xi32, #tpu.memory_space<vmem>>) semaphore(%run_scoped3A_140 : memref<!tpu.dma_semaphore, #tpu.memory_space<semaphore_mem>>) {add = true}
        %dma_wait3A = arith.constant 0 : i32
        %dma_wait3A_146 = tpu.memref_slice %arg9[%scan3A_136, %dma_wait3A] : memref<40x128xi32, #tpu.memory_space<vmem>> -> memref<1x128xi32, #tpu.memory_space<vmem>>
        %dma_wait3A_147 = tpu.memref_squeeze %dma_wait3A_146 : memref<1x128xi32, #tpu.memory_space<vmem>> -> memref<128xi32, #tpu.memory_space<vmem>>
        %dma_wait3A_148 = arith.constant 0 : i32
        %dma_wait3A_149 = arith.constant 0 : i32
        %dma_wait3A_150 = tpu.memref_slice %arg11[%dma_wait3A_148, %dma_wait3A_149] : memref<10240x128xf32, #tpu.memory_space<vmem_shared>> -> memref<10240x128xf32, #tpu.memory_space<vmem_shared>>
        tpu.wait_indirect_dma semaphore(%run_scoped3A_140 : memref<!tpu.dma_semaphore, #tpu.memory_space<semaphore_mem>>) src(%arg10 : memref<128x128xf32, #tpu.memory_space<vmem>>) dst(%dma_wait3A_150 : memref<10240x128xf32, #tpu.memory_space<vmem_shared>>)
        tpu.yield
      }) : () -> ()
    }
    %scan3A_94 = arith.constant 40 : i32
    %barrier3A_95 = arith.constant 0 : index
    tpu.barrier barrier_id(%barrier3A_95)
    %mul3A_96 = arith.constant 640 : i32
    %mul3A_97 = arith.muli %arg1, %mul3A_96 : i32
    %mul3A_98 = arith.constant 640 : i32
    %mul3A_99 = arith.muli %arg1, %mul3A_98 : i32
    %run_scoped3A_100 = arith.constant 2 : i32
    "tpu.region"() ({
      %run_scoped3A_136 = tpu.sem_alloc : memref<!tpu.dma_semaphore, #tpu.memory_space<semaphore_mem>>
      %dma_start3A = arith.constant 0 : i32
      %dma_start3A_137 = tpu.memref_slice %arg8[%arg0, %run_scoped3A_100, %mul3A_99, %dma_start3A] : memref<2x4x10240x128xf32, #tpu.memory_space<hbm>> -> memref<1x1x640x128xf32, #tpu.memory_space<hbm>>
      %dma_start3A_138 = tpu.memref_squeeze %dma_start3A_137 : memref<1x1x640x128xf32, #tpu.memory_space<hbm>> -> memref<640x128xf32, #tpu.memory_space<hbm>>
      %dma_start3A_139 = arith.constant 0 : i32
      %dma_start3A_140 = tpu.memref_slice %arg11[%mul3A_97, %dma_start3A_139] : memref<10240x128xf32, #tpu.memory_space<vmem_shared>> -> memref<640x128xf32, #tpu.memory_space<vmem_shared>>
      tpu.enqueue_dma source(%dma_start3A_140 : memref<640x128xf32, #tpu.memory_space<vmem_shared>>) target(%dma_start3A_138 : memref<640x128xf32, #tpu.memory_space<hbm>>) target_semaphore(%run_scoped3A_136 : memref<!tpu.dma_semaphore, #tpu.memory_space<semaphore_mem>>)
      %dma_wait3A = arith.constant 0 : i32
      %dma_wait3A_141 = tpu.memref_slice %arg8[%arg0, %run_scoped3A_100, %mul3A_99, %dma_wait3A] : memref<2x4x10240x128xf32, #tpu.memory_space<hbm>> -> memref<1x1x640x128xf32, #tpu.memory_space<hbm>>
      %dma_wait3A_142 = tpu.memref_squeeze %dma_wait3A_141 : memref<1x1x640x128xf32, #tpu.memory_space<hbm>> -> memref<640x128xf32, #tpu.memory_space<hbm>>
      %dma_wait3A_143 = arith.constant 0 : i32
      %dma_wait3A_144 = tpu.memref_slice %arg11[%mul3A_97, %dma_wait3A_143] : memref<10240x128xf32, #tpu.memory_space<vmem_shared>> -> memref<640x128xf32, #tpu.memory_space<vmem_shared>>
      tpu.wait_dma2 semaphore(%run_scoped3A_136 : memref<!tpu.dma_semaphore, #tpu.memory_space<semaphore_mem>>) src(%dma_wait3A_144 : memref<640x128xf32, #tpu.memory_space<vmem_shared>>) dst(%dma_wait3A_142 : memref<640x128xf32, #tpu.memory_space<hbm>>)
      tpu.yield
    }) : () -> ()
    %barrier3A_101 = arith.constant 0 : index
    tpu.barrier barrier_id(%barrier3A_101)
    "tpu.region"() ({
      %run_scoped3A_136 = tpu.sem_alloc : memref<!tpu.dma_semaphore, #tpu.memory_space<semaphore_mem>>
      %dma_start3A = arith.constant 0 : i32
      %dma_start3A_137 = arith.constant 0 : i32
      %dma_start3A_138 = tpu.memref_slice %arg7[%dma_start3A, %dma_start3A_137] : memref<128x128xf32, #tpu.memory_space<hbm>> -> memref<128x128xf32, #tpu.memory_space<hbm>>
      %dma_start3A_139 = arith.constant 0 : i32
      %dma_start3A_140 = arith.constant 0 : i32
      %dma_start3A_141 = tpu.memref_slice %arg7[%dma_start3A_139, %dma_start3A_140] : memref<128x128xf32, #tpu.memory_space<hbm>> -> memref<128x128xf32, #tpu.memory_space<hbm>>
      tpu.enqueue_dma source(%dma_start3A_141 : memref<128x128xf32, #tpu.memory_space<hbm>>) target(%arg10 : memref<128x128xf32, #tpu.memory_space<vmem>>) target_semaphore(%run_scoped3A_136 : memref<!tpu.dma_semaphore, #tpu.memory_space<semaphore_mem>>)
      %dma_wait3A = arith.constant 0 : i32
      %dma_wait3A_142 = arith.constant 0 : i32
      %dma_wait3A_143 = tpu.memref_slice %arg7[%dma_wait3A, %dma_wait3A_142] : memref<128x128xf32, #tpu.memory_space<hbm>> -> memref<128x128xf32, #tpu.memory_space<hbm>>
      %dma_wait3A_144 = arith.constant 0 : i32
      %dma_wait3A_145 = arith.constant 0 : i32
      %dma_wait3A_146 = tpu.memref_slice %arg7[%dma_wait3A_144, %dma_wait3A_145] : memref<128x128xf32, #tpu.memory_space<hbm>> -> memref<128x128xf32, #tpu.memory_space<hbm>>
      tpu.wait_dma2 semaphore(%run_scoped3A_136 : memref<!tpu.dma_semaphore, #tpu.memory_space<semaphore_mem>>) src(%dma_wait3A_146 : memref<128x128xf32, #tpu.memory_space<hbm>>) dst(%arg10 : memref<128x128xf32, #tpu.memory_space<vmem>>)
      tpu.yield
    }) : () -> ()
    %mul3A_102 = arith.constant 640 : i32
    %mul3A_103 = arith.muli %arg1, %mul3A_102 : i32
    %add3A_104 = arith.constant 0 : i32
    %add3A_105 = arith.addi %mul3A_103, %add3A_104 : i32
    "tpu.region"() ({
      %run_scoped3A_136 = tpu.sem_alloc : memref<!tpu.dma_semaphore, #tpu.memory_space<semaphore_mem>>
      %dma_start3A = arith.constant 0 : i32
      %dma_start3A_137 = tpu.memref_slice %arg11[%add3A_105, %dma_start3A] : memref<10240x128xf32, #tpu.memory_space<vmem_shared>> -> memref<128x128xf32, #tpu.memory_space<vmem_shared>>
      %dma_start3A_138 = arith.constant 0 : i32
      %dma_start3A_139 = tpu.memref_slice %arg11[%add3A_105, %dma_start3A_138] : memref<10240x128xf32, #tpu.memory_space<vmem_shared>> -> memref<128x128xf32, #tpu.memory_space<vmem_shared>>
      tpu.enqueue_dma source(%arg10 : memref<128x128xf32, #tpu.memory_space<vmem>>) target(%dma_start3A_139 : memref<128x128xf32, #tpu.memory_space<vmem_shared>>) target_semaphore(%run_scoped3A_136 : memref<!tpu.dma_semaphore, #tpu.memory_space<semaphore_mem>>)
      %dma_wait3A = arith.constant 0 : i32
      %dma_wait3A_140 = tpu.memref_slice %arg11[%add3A_105, %dma_wait3A] : memref<10240x128xf32, #tpu.memory_space<vmem_shared>> -> memref<128x128xf32, #tpu.memory_space<vmem_shared>>
      %dma_wait3A_141 = arith.constant 0 : i32
      %dma_wait3A_142 = tpu.memref_slice %arg11[%add3A_105, %dma_wait3A_141] : memref<10240x128xf32, #tpu.memory_space<vmem_shared>> -> memref<128x128xf32, #tpu.memory_space<vmem_shared>>
      tpu.wait_dma2 semaphore(%run_scoped3A_136 : memref<!tpu.dma_semaphore, #tpu.memory_space<semaphore_mem>>) src(%arg10 : memref<128x128xf32, #tpu.memory_space<vmem>>) dst(%dma_wait3A_142 : memref<128x128xf32, #tpu.memory_space<vmem_shared>>)
      tpu.yield
    }) : () -> ()
    %mul3A_106 = arith.constant 640 : i32
    %mul3A_107 = arith.muli %arg1, %mul3A_106 : i32
    %add3A_108 = arith.constant 128 : i32
    %add3A_109 = arith.addi %mul3A_107, %add3A_108 : i32
    "tpu.region"() ({
      %run_scoped3A_136 = tpu.sem_alloc : memref<!tpu.dma_semaphore, #tpu.memory_space<semaphore_mem>>
      %dma_start3A = arith.constant 0 : i32
      %dma_start3A_137 = tpu.memref_slice %arg11[%add3A_109, %dma_start3A] : memref<10240x128xf32, #tpu.memory_space<vmem_shared>> -> memref<128x128xf32, #tpu.memory_space<vmem_shared>>
      %dma_start3A_138 = arith.constant 0 : i32
      %dma_start3A_139 = tpu.memref_slice %arg11[%add3A_109, %dma_start3A_138] : memref<10240x128xf32, #tpu.memory_space<vmem_shared>> -> memref<128x128xf32, #tpu.memory_space<vmem_shared>>
      tpu.enqueue_dma source(%arg10 : memref<128x128xf32, #tpu.memory_space<vmem>>) target(%dma_start3A_139 : memref<128x128xf32, #tpu.memory_space<vmem_shared>>) target_semaphore(%run_scoped3A_136 : memref<!tpu.dma_semaphore, #tpu.memory_space<semaphore_mem>>)
      %dma_wait3A = arith.constant 0 : i32
      %dma_wait3A_140 = tpu.memref_slice %arg11[%add3A_109, %dma_wait3A] : memref<10240x128xf32, #tpu.memory_space<vmem_shared>> -> memref<128x128xf32, #tpu.memory_space<vmem_shared>>
      %dma_wait3A_141 = arith.constant 0 : i32
      %dma_wait3A_142 = tpu.memref_slice %arg11[%add3A_109, %dma_wait3A_141] : memref<10240x128xf32, #tpu.memory_space<vmem_shared>> -> memref<128x128xf32, #tpu.memory_space<vmem_shared>>
      tpu.wait_dma2 semaphore(%run_scoped3A_136 : memref<!tpu.dma_semaphore, #tpu.memory_space<semaphore_mem>>) src(%arg10 : memref<128x128xf32, #tpu.memory_space<vmem>>) dst(%dma_wait3A_142 : memref<128x128xf32, #tpu.memory_space<vmem_shared>>)
      tpu.yield
    }) : () -> ()
    %mul3A_110 = arith.constant 640 : i32
    %mul3A_111 = arith.muli %arg1, %mul3A_110 : i32
    %add3A_112 = arith.constant 256 : i32
    %add3A_113 = arith.addi %mul3A_111, %add3A_112 : i32
    "tpu.region"() ({
      %run_scoped3A_136 = tpu.sem_alloc : memref<!tpu.dma_semaphore, #tpu.memory_space<semaphore_mem>>
      %dma_start3A = arith.constant 0 : i32
      %dma_start3A_137 = tpu.memref_slice %arg11[%add3A_113, %dma_start3A] : memref<10240x128xf32, #tpu.memory_space<vmem_shared>> -> memref<128x128xf32, #tpu.memory_space<vmem_shared>>
      %dma_start3A_138 = arith.constant 0 : i32
      %dma_start3A_139 = tpu.memref_slice %arg11[%add3A_113, %dma_start3A_138] : memref<10240x128xf32, #tpu.memory_space<vmem_shared>> -> memref<128x128xf32, #tpu.memory_space<vmem_shared>>
      tpu.enqueue_dma source(%arg10 : memref<128x128xf32, #tpu.memory_space<vmem>>) target(%dma_start3A_139 : memref<128x128xf32, #tpu.memory_space<vmem_shared>>) target_semaphore(%run_scoped3A_136 : memref<!tpu.dma_semaphore, #tpu.memory_space<semaphore_mem>>)
      %dma_wait3A = arith.constant 0 : i32
      %dma_wait3A_140 = tpu.memref_slice %arg11[%add3A_113, %dma_wait3A] : memref<10240x128xf32, #tpu.memory_space<vmem_shared>> -> memref<128x128xf32, #tpu.memory_space<vmem_shared>>
      %dma_wait3A_141 = arith.constant 0 : i32
      %dma_wait3A_142 = tpu.memref_slice %arg11[%add3A_113, %dma_wait3A_141] : memref<10240x128xf32, #tpu.memory_space<vmem_shared>> -> memref<128x128xf32, #tpu.memory_space<vmem_shared>>
      tpu.wait_dma2 semaphore(%run_scoped3A_136 : memref<!tpu.dma_semaphore, #tpu.memory_space<semaphore_mem>>) src(%arg10 : memref<128x128xf32, #tpu.memory_space<vmem>>) dst(%dma_wait3A_142 : memref<128x128xf32, #tpu.memory_space<vmem_shared>>)
      tpu.yield
    }) : () -> ()
    %mul3A_114 = arith.constant 640 : i32
    %mul3A_115 = arith.muli %arg1, %mul3A_114 : i32
    %add3A_116 = arith.constant 384 : i32
    %add3A_117 = arith.addi %mul3A_115, %add3A_116 : i32
    "tpu.region"() ({
      %run_scoped3A_136 = tpu.sem_alloc : memref<!tpu.dma_semaphore, #tpu.memory_space<semaphore_mem>>
      %dma_start3A = arith.constant 0 : i32
      %dma_start3A_137 = tpu.memref_slice %arg11[%add3A_117, %dma_start3A] : memref<10240x128xf32, #tpu.memory_space<vmem_shared>> -> memref<128x128xf32, #tpu.memory_space<vmem_shared>>
      %dma_start3A_138 = arith.constant 0 : i32
      %dma_start3A_139 = tpu.memref_slice %arg11[%add3A_117, %dma_start3A_138] : memref<10240x128xf32, #tpu.memory_space<vmem_shared>> -> memref<128x128xf32, #tpu.memory_space<vmem_shared>>
      tpu.enqueue_dma source(%arg10 : memref<128x128xf32, #tpu.memory_space<vmem>>) target(%dma_start3A_139 : memref<128x128xf32, #tpu.memory_space<vmem_shared>>) target_semaphore(%run_scoped3A_136 : memref<!tpu.dma_semaphore, #tpu.memory_space<semaphore_mem>>)
      %dma_wait3A = arith.constant 0 : i32
      %dma_wait3A_140 = tpu.memref_slice %arg11[%add3A_117, %dma_wait3A] : memref<10240x128xf32, #tpu.memory_space<vmem_shared>> -> memref<128x128xf32, #tpu.memory_space<vmem_shared>>
      %dma_wait3A_141 = arith.constant 0 : i32
      %dma_wait3A_142 = tpu.memref_slice %arg11[%add3A_117, %dma_wait3A_141] : memref<10240x128xf32, #tpu.memory_space<vmem_shared>> -> memref<128x128xf32, #tpu.memory_space<vmem_shared>>
      tpu.wait_dma2 semaphore(%run_scoped3A_136 : memref<!tpu.dma_semaphore, #tpu.memory_space<semaphore_mem>>) src(%arg10 : memref<128x128xf32, #tpu.memory_space<vmem>>) dst(%dma_wait3A_142 : memref<128x128xf32, #tpu.memory_space<vmem_shared>>)
      tpu.yield
    }) : () -> ()
    %mul3A_118 = arith.constant 640 : i32
    %mul3A_119 = arith.muli %arg1, %mul3A_118 : i32
    %add3A_120 = arith.constant 512 : i32
    %add3A_121 = arith.addi %mul3A_119, %add3A_120 : i32
    "tpu.region"() ({
      %run_scoped3A_136 = tpu.sem_alloc : memref<!tpu.dma_semaphore, #tpu.memory_space<semaphore_mem>>
      %dma_start3A = arith.constant 0 : i32
      %dma_start3A_137 = tpu.memref_slice %arg11[%add3A_121, %dma_start3A] : memref<10240x128xf32, #tpu.memory_space<vmem_shared>> -> memref<128x128xf32, #tpu.memory_space<vmem_shared>>
      %dma_start3A_138 = arith.constant 0 : i32
      %dma_start3A_139 = tpu.memref_slice %arg11[%add3A_121, %dma_start3A_138] : memref<10240x128xf32, #tpu.memory_space<vmem_shared>> -> memref<128x128xf32, #tpu.memory_space<vmem_shared>>
      tpu.enqueue_dma source(%arg10 : memref<128x128xf32, #tpu.memory_space<vmem>>) target(%dma_start3A_139 : memref<128x128xf32, #tpu.memory_space<vmem_shared>>) target_semaphore(%run_scoped3A_136 : memref<!tpu.dma_semaphore, #tpu.memory_space<semaphore_mem>>)
      %dma_wait3A = arith.constant 0 : i32
      %dma_wait3A_140 = tpu.memref_slice %arg11[%add3A_121, %dma_wait3A] : memref<10240x128xf32, #tpu.memory_space<vmem_shared>> -> memref<128x128xf32, #tpu.memory_space<vmem_shared>>
      %dma_wait3A_141 = arith.constant 0 : i32
      %dma_wait3A_142 = tpu.memref_slice %arg11[%add3A_121, %dma_wait3A_141] : memref<10240x128xf32, #tpu.memory_space<vmem_shared>> -> memref<128x128xf32, #tpu.memory_space<vmem_shared>>
      tpu.wait_dma2 semaphore(%run_scoped3A_136 : memref<!tpu.dma_semaphore, #tpu.memory_space<semaphore_mem>>) src(%arg10 : memref<128x128xf32, #tpu.memory_space<vmem>>) dst(%dma_wait3A_142 : memref<128x128xf32, #tpu.memory_space<vmem_shared>>)
      tpu.yield
    }) : () -> ()
    %barrier3A_122 = arith.constant 0 : index
    tpu.barrier barrier_id(%barrier3A_122)
    %scan3A_123 = arith.constant 0 : i32
    %scan3A_124 = arith.constant 0 : i32
    %scan3A_125 = arith.constant 40 : i32
    %scan3A_126 = arith.addi %scan3A_124, %scan3A_125 : i32
    %scan3A_127 = arith.constant 1 : i32
    scf.for %scan3A_136 = %scan3A_124 to %scan3A_126 step %scan3A_127  : i32 {
      %add3A_137 = arith.addi %mul3A_2, %scan3A_136 : i32
      %mul3A_138 = arith.constant 128 : i32
      %mul3A_139 = arith.muli %add3A_137, %mul3A_138 : i32
      "tpu.region"() ({
        %run_scoped3A_140 = tpu.sem_alloc : memref<!tpu.dma_semaphore, #tpu.memory_space<semaphore_mem>>
        %dma_start3A = arith.constant 0 : i32
        %dma_start3A_141 = tpu.memref_slice %arg5[%mul3A_139, %dma_start3A] : memref<163840x128xf32, #tpu.memory_space<hbm>> -> memref<128x128xf32, #tpu.memory_space<hbm>>
        %dma_start3A_142 = arith.constant 0 : i32
        %dma_start3A_143 = tpu.memref_slice %arg5[%mul3A_139, %dma_start3A_142] : memref<163840x128xf32, #tpu.memory_space<hbm>> -> memref<128x128xf32, #tpu.memory_space<hbm>>
        tpu.enqueue_dma source(%dma_start3A_143 : memref<128x128xf32, #tpu.memory_space<hbm>>) target(%arg10 : memref<128x128xf32, #tpu.memory_space<vmem>>) target_semaphore(%run_scoped3A_140 : memref<!tpu.dma_semaphore, #tpu.memory_space<semaphore_mem>>)
        %dma_wait3A = arith.constant 0 : i32
        %dma_wait3A_144 = tpu.memref_slice %arg5[%mul3A_139, %dma_wait3A] : memref<163840x128xf32, #tpu.memory_space<hbm>> -> memref<128x128xf32, #tpu.memory_space<hbm>>
        %dma_wait3A_145 = arith.constant 0 : i32
        %dma_wait3A_146 = tpu.memref_slice %arg5[%mul3A_139, %dma_wait3A_145] : memref<163840x128xf32, #tpu.memory_space<hbm>> -> memref<128x128xf32, #tpu.memory_space<hbm>>
        tpu.wait_dma2 semaphore(%run_scoped3A_140 : memref<!tpu.dma_semaphore, #tpu.memory_space<semaphore_mem>>) src(%dma_wait3A_146 : memref<128x128xf32, #tpu.memory_space<hbm>>) dst(%arg10 : memref<128x128xf32, #tpu.memory_space<vmem>>)
        tpu.yield
      }) : () -> ()
      "tpu.region"() ({
        %run_scoped3A_140 = tpu.sem_alloc : memref<!tpu.dma_semaphore, #tpu.memory_space<semaphore_mem>>
        %dma_start3A = arith.constant 0 : i32
        %dma_start3A_141 = tpu.memref_slice %arg9[%scan3A_136, %dma_start3A] : memref<40x128xi32, #tpu.memory_space<vmem>> -> memref<1x128xi32, #tpu.memory_space<vmem>>
        %dma_start3A_142 = tpu.memref_squeeze %dma_start3A_141 : memref<1x128xi32, #tpu.memory_space<vmem>> -> memref<128xi32, #tpu.memory_space<vmem>>
        %dma_start3A_143 = arith.constant 0 : i32
        %dma_start3A_144 = arith.constant 0 : i32
        %dma_start3A_145 = tpu.memref_slice %arg11[%dma_start3A_143, %dma_start3A_144] : memref<10240x128xf32, #tpu.memory_space<vmem_shared>> -> memref<10240x128xf32, #tpu.memory_space<vmem_shared>>
        tpu.enqueue_indirect_dma source(%arg10 : memref<128x128xf32, #tpu.memory_space<vmem>>) target(%dma_start3A_145 : memref<10240x128xf32, #tpu.memory_space<vmem_shared>>) offsets(%dma_start3A_142 : memref<128xi32, #tpu.memory_space<vmem>>) semaphore(%run_scoped3A_140 : memref<!tpu.dma_semaphore, #tpu.memory_space<semaphore_mem>>) {add = true}
        %dma_wait3A = arith.constant 0 : i32
        %dma_wait3A_146 = tpu.memref_slice %arg9[%scan3A_136, %dma_wait3A] : memref<40x128xi32, #tpu.memory_space<vmem>> -> memref<1x128xi32, #tpu.memory_space<vmem>>
        %dma_wait3A_147 = tpu.memref_squeeze %dma_wait3A_146 : memref<1x128xi32, #tpu.memory_space<vmem>> -> memref<128xi32, #tpu.memory_space<vmem>>
        %dma_wait3A_148 = arith.constant 0 : i32
        %dma_wait3A_149 = arith.constant 0 : i32
        %dma_wait3A_150 = tpu.memref_slice %arg11[%dma_wait3A_148, %dma_wait3A_149] : memref<10240x128xf32, #tpu.memory_space<vmem_shared>> -> memref<10240x128xf32, #tpu.memory_space<vmem_shared>>
        tpu.wait_indirect_dma semaphore(%run_scoped3A_140 : memref<!tpu.dma_semaphore, #tpu.memory_space<semaphore_mem>>) src(%arg10 : memref<128x128xf32, #tpu.memory_space<vmem>>) dst(%dma_wait3A_150 : memref<10240x128xf32, #tpu.memory_space<vmem_shared>>)
        tpu.yield
      }) : () -> ()
    }
    %scan3A_128 = arith.constant 40 : i32
    %barrier3A_129 = arith.constant 0 : index
    tpu.barrier barrier_id(%barrier3A_129)
    %mul3A_130 = arith.constant 640 : i32
    %mul3A_131 = arith.muli %arg1, %mul3A_130 : i32
    %mul3A_132 = arith.constant 640 : i32
    %mul3A_133 = arith.muli %arg1, %mul3A_132 : i32
    %run_scoped3A_134 = arith.constant 3 : i32
    "tpu.region"() ({
      %run_scoped3A_136 = tpu.sem_alloc : memref<!tpu.dma_semaphore, #tpu.memory_space<semaphore_mem>>
      %dma_start3A = arith.constant 0 : i32
      %dma_start3A_137 = tpu.memref_slice %arg8[%arg0, %run_scoped3A_134, %mul3A_133, %dma_start3A] : memref<2x4x10240x128xf32, #tpu.memory_space<hbm>> -> memref<1x1x640x128xf32, #tpu.memory_space<hbm>>
      %dma_start3A_138 = tpu.memref_squeeze %dma_start3A_137 : memref<1x1x640x128xf32, #tpu.memory_space<hbm>> -> memref<640x128xf32, #tpu.memory_space<hbm>>
      %dma_start3A_139 = arith.constant 0 : i32
      %dma_start3A_140 = tpu.memref_slice %arg11[%mul3A_131, %dma_start3A_139] : memref<10240x128xf32, #tpu.memory_space<vmem_shared>> -> memref<640x128xf32, #tpu.memory_space<vmem_shared>>
      tpu.enqueue_dma source(%dma_start3A_140 : memref<640x128xf32, #tpu.memory_space<vmem_shared>>) target(%dma_start3A_138 : memref<640x128xf32, #tpu.memory_space<hbm>>) target_semaphore(%run_scoped3A_136 : memref<!tpu.dma_semaphore, #tpu.memory_space<semaphore_mem>>)
      %dma_wait3A = arith.constant 0 : i32
      %dma_wait3A_141 = tpu.memref_slice %arg8[%arg0, %run_scoped3A_134, %mul3A_133, %dma_wait3A] : memref<2x4x10240x128xf32, #tpu.memory_space<hbm>> -> memref<1x1x640x128xf32, #tpu.memory_space<hbm>>
      %dma_wait3A_142 = tpu.memref_squeeze %dma_wait3A_141 : memref<1x1x640x128xf32, #tpu.memory_space<hbm>> -> memref<640x128xf32, #tpu.memory_space<hbm>>
      %dma_wait3A_143 = arith.constant 0 : i32
      %dma_wait3A_144 = tpu.memref_slice %arg11[%mul3A_131, %dma_wait3A_143] : memref<10240x128xf32, #tpu.memory_space<vmem_shared>> -> memref<640x128xf32, #tpu.memory_space<vmem_shared>>
      tpu.wait_dma2 semaphore(%run_scoped3A_136 : memref<!tpu.dma_semaphore, #tpu.memory_space<semaphore_mem>>) src(%dma_wait3A_144 : memref<640x128xf32, #tpu.memory_space<vmem_shared>>) dst(%dma_wait3A_142 : memref<640x128xf32, #tpu.memory_space<hbm>>)
      tpu.yield
    }) : () -> ()
    %barrier3A_135 = arith.constant 0 : index
    tpu.barrier barrier_id(%barrier3A_135)
    return
  }
}

#map = affine_map<(d0, d1) -> (0, 0)>
module attributes {stable_mosaic.version = 14 : i64} {
  func.func @k(%arg0: i32, %arg1: i32, %arg2: memref<10240x384xf32, #tpu.memory_space<hbm>>, %arg3: memref<1280x128xi32, #tpu.memory_space<hbm>>, %arg4: memref<163840x384xf32, #tpu.memory_space<hbm>>, %arg5: memref<40x128xi32, #tpu.memory_space<vmem>>, %arg6: memref<128x384xf32, #tpu.memory_space<vmem>>, %arg7: memref<!tpu.dma_semaphore, #tpu.memory_space<semaphore_mem>>) attributes {dimension_semantics = [#tpu.dimension_semantics<core_parallel>, #tpu.dimension_semantics<subcore_parallel>], iteration_bounds = array<i64: 2, 16>, scalar_prefetch = 0 : i64, scratch_operands = 3 : i64, tpu.core_type = #tpu.core_type<sc_vector_subcore>, window_params = [{transform_indices = #map}, {transform_indices = #map}, {transform_indices = #map}]} {
    %mul3A = arith.constant 16 : i32
    %mul3A_0 = arith.muli %arg0, %mul3A : i32
    %add3A = arith.addi %mul3A_0, %arg1 : i32
    %mul3A_1 = arith.constant 40 : i32
    %mul3A_2 = arith.muli %add3A, %mul3A_1 : i32
    "tpu.region"() ({
      %run_scoped3A = tpu.sem_alloc : memref<!tpu.dma_semaphore, #tpu.memory_space<semaphore_mem>>
      %dma_start3A = arith.constant 0 : i32
      %dma_start3A_8 = tpu.memref_slice %arg3[%mul3A_2, %dma_start3A] : memref<1280x128xi32, #tpu.memory_space<hbm>> -> memref<40x128xi32, #tpu.memory_space<hbm>>
      %dma_start3A_9 = arith.constant 0 : i32
      %dma_start3A_10 = tpu.memref_slice %arg3[%mul3A_2, %dma_start3A_9] : memref<1280x128xi32, #tpu.memory_space<hbm>> -> memref<40x128xi32, #tpu.memory_space<hbm>>
      tpu.enqueue_dma source(%dma_start3A_10 : memref<40x128xi32, #tpu.memory_space<hbm>>) target(%arg5 : memref<40x128xi32, #tpu.memory_space<vmem>>) target_semaphore(%run_scoped3A : memref<!tpu.dma_semaphore, #tpu.memory_space<semaphore_mem>>)
      %dma_wait3A = arith.constant 0 : i32
      %dma_wait3A_11 = tpu.memref_slice %arg3[%mul3A_2, %dma_wait3A] : memref<1280x128xi32, #tpu.memory_space<hbm>> -> memref<40x128xi32, #tpu.memory_space<hbm>>
      %dma_wait3A_12 = arith.constant 0 : i32
      %dma_wait3A_13 = tpu.memref_slice %arg3[%mul3A_2, %dma_wait3A_12] : memref<1280x128xi32, #tpu.memory_space<hbm>> -> memref<40x128xi32, #tpu.memory_space<hbm>>
      tpu.wait_dma2 semaphore(%run_scoped3A : memref<!tpu.dma_semaphore, #tpu.memory_space<semaphore_mem>>) src(%dma_wait3A_13 : memref<40x128xi32, #tpu.memory_space<hbm>>) dst(%arg5 : memref<40x128xi32, #tpu.memory_space<vmem>>)
      tpu.yield
    }) : () -> ()
    %scan3A = arith.constant 0 : i32
    %scan3A_3 = arith.constant 0 : i32
    %scan3A_4 = arith.constant 40 : i32
    %scan3A_5 = arith.addi %scan3A_3, %scan3A_4 : i32
    %scan3A_6 = arith.constant 1 : i32
    scf.for %scan3A_8 = %scan3A_3 to %scan3A_5 step %scan3A_6  : i32 {
      %dma_start3A = arith.constant 0 : i32
      %dma_start3A_9 = tpu.memref_slice %arg5[%scan3A_8, %dma_start3A] : memref<40x128xi32, #tpu.memory_space<vmem>> -> memref<1x128xi32, #tpu.memory_space<vmem>>
      %dma_start3A_10 = tpu.memref_squeeze %dma_start3A_9 : memref<1x128xi32, #tpu.memory_space<vmem>> -> memref<128xi32, #tpu.memory_space<vmem>>
      %dma_start3A_11 = arith.constant 0 : i32
      %dma_start3A_12 = arith.constant 0 : i32
      %dma_start3A_13 = tpu.memref_slice %arg2[%dma_start3A_11, %dma_start3A_12] : memref<10240x384xf32, #tpu.memory_space<hbm>> -> memref<10240x384xf32, #tpu.memory_space<hbm>>
      tpu.enqueue_indirect_dma source(%dma_start3A_13 : memref<10240x384xf32, #tpu.memory_space<hbm>>) target(%arg6 : memref<128x384xf32, #tpu.memory_space<vmem>>) offsets(%dma_start3A_10 : memref<128xi32, #tpu.memory_space<vmem>>) semaphore(%arg7 : memref<!tpu.dma_semaphore, #tpu.memory_space<semaphore_mem>>)
      %dma_wait3A = arith.constant 0 : i32
      %dma_wait3A_14 = tpu.memref_slice %arg5[%scan3A_8, %dma_wait3A] : memref<40x128xi32, #tpu.memory_space<vmem>> -> memref<1x128xi32, #tpu.memory_space<vmem>>
      %dma_wait3A_15 = tpu.memref_squeeze %dma_wait3A_14 : memref<1x128xi32, #tpu.memory_space<vmem>> -> memref<128xi32, #tpu.memory_space<vmem>>
      %dma_wait3A_16 = arith.constant 0 : i32
      %dma_wait3A_17 = arith.constant 0 : i32
      %dma_wait3A_18 = tpu.memref_slice %arg2[%dma_wait3A_16, %dma_wait3A_17] : memref<10240x384xf32, #tpu.memory_space<hbm>> -> memref<10240x384xf32, #tpu.memory_space<hbm>>
      tpu.wait_indirect_dma semaphore(%arg7 : memref<!tpu.dma_semaphore, #tpu.memory_space<semaphore_mem>>) src(%dma_wait3A_18 : memref<10240x384xf32, #tpu.memory_space<hbm>>) dst(%arg6 : memref<128x384xf32, #tpu.memory_space<vmem>>)
      %add3A_19 = arith.addi %mul3A_2, %scan3A_8 : i32
      %mul3A_20 = arith.constant 128 : i32
      %mul3A_21 = arith.muli %add3A_19, %mul3A_20 : i32
      "tpu.region"() ({
        %run_scoped3A = tpu.sem_alloc : memref<!tpu.dma_semaphore, #tpu.memory_space<semaphore_mem>>
        %dma_start3A_22 = arith.constant 0 : i32
        %dma_start3A_23 = tpu.memref_slice %arg4[%mul3A_21, %dma_start3A_22] : memref<163840x384xf32, #tpu.memory_space<hbm>> -> memref<128x384xf32, #tpu.memory_space<hbm>>
        %dma_start3A_24 = arith.constant 0 : i32
        %dma_start3A_25 = tpu.memref_slice %arg4[%mul3A_21, %dma_start3A_24] : memref<163840x384xf32, #tpu.memory_space<hbm>> -> memref<128x384xf32, #tpu.memory_space<hbm>>
        tpu.enqueue_dma source(%arg6 : memref<128x384xf32, #tpu.memory_space<vmem>>) target(%dma_start3A_25 : memref<128x384xf32, #tpu.memory_space<hbm>>) target_semaphore(%run_scoped3A : memref<!tpu.dma_semaphore, #tpu.memory_space<semaphore_mem>>)
        %dma_wait3A_26 = arith.constant 0 : i32
        %dma_wait3A_27 = tpu.memref_slice %arg4[%mul3A_21, %dma_wait3A_26] : memref<163840x384xf32, #tpu.memory_space<hbm>> -> memref<128x384xf32, #tpu.memory_space<hbm>>
        %dma_wait3A_28 = arith.constant 0 : i32
        %dma_wait3A_29 = tpu.memref_slice %arg4[%mul3A_21, %dma_wait3A_28] : memref<163840x384xf32, #tpu.memory_space<hbm>> -> memref<128x384xf32, #tpu.memory_space<hbm>>
        tpu.wait_dma2 semaphore(%run_scoped3A : memref<!tpu.dma_semaphore, #tpu.memory_space<semaphore_mem>>) src(%arg6 : memref<128x384xf32, #tpu.memory_space<vmem>>) dst(%dma_wait3A_29 : memref<128x384xf32, #tpu.memory_space<hbm>>)
        tpu.yield
      }) : () -> ()
    }
    %scan3A_7 = arith.constant 40 : i32
    return
  }
}

module attributes {stable_mosaic.version = 14 : i64} {
  func.func @_phi_body(%arg0: i32, %arg1: memref<1024x128xf32, #tpu.memory_space<vmem>>, %arg2: memref<128x128xf32, #tpu.memory_space<vmem>>, %arg3: memref<1x128xf32, #tpu.memory_space<vmem>>, %arg4: memref<128x384xf32, #tpu.memory_space<vmem>>, %arg5: memref<1x384xf32, #tpu.memory_space<vmem>>, %arg6: memref<1024x384xf32, #tpu.memory_space<vmem>>) attributes {dimension_semantics = [#tpu.dimension_semantics<arbitrary>], iteration_bounds = array<i64: 10>, scalar_prefetch = 0 : i64, scratch_operands = 0 : i64, tpu.core_type = #tpu.core_type<tc>, window_params = [{transform_indices = @transform_0, window_bounds = array<i64: 1024, 128>}, {pipeline_mode = #tpu.pipeline_mode<synchronous>, transform_indices = @transform_1, window_bounds = array<i64: 128, 128>}, {pipeline_mode = #tpu.pipeline_mode<synchronous>, transform_indices = @transform_2, window_bounds = array<i64: 1, 128>}, {pipeline_mode = #tpu.pipeline_mode<synchronous>, transform_indices = @transform_3, window_bounds = array<i64: 128, 384>}, {pipeline_mode = #tpu.pipeline_mode<synchronous>, transform_indices = @transform_4, window_bounds = array<i64: 1, 384>}, {transform_indices = @transform_5, window_bounds = array<i64: 1024, 384>}]} {
    %get3A = arith.constant 0 : index
    %get3A_0 = arith.constant 0 : index
    %get3A_1 = vector.load %arg1[%get3A, %get3A_0] : memref<1024x128xf32, #tpu.memory_space<vmem>>, vector<1024x128xf32>
    %get3A_2 = arith.constant 0 : index
    %get3A_3 = arith.constant 0 : index
    %get3A_4 = vector.load %arg2[%get3A_2, %get3A_3] : memref<128x128xf32, #tpu.memory_space<vmem>>, vector<128x128xf32>
    %dot_general3A = arith.constant dense<0.000000e+00> : vector<1024x128xf32>
    %dot_general3A_5 = tpu.matmul %get3A_1, %get3A_4, %dot_general3A {dimension_numbers = #tpu.dot_dimension_numbers<[1], [0], [0], [1], [0, 0, 1, 1], [], []>, transpose_lhs_hint = false} : vector<1024x128xf32>, vector<128x128xf32>, vector<1024x128xf32> -> vector<1024x128xf32>
    %get3A_6 = arith.constant 0 : index
    %get3A_7 = arith.constant 0 : index
    %get3A_8 = vector.load %arg3[%get3A_6, %get3A_7] : memref<1x128xf32, #tpu.memory_space<vmem>>, vector<1x128xf32>
    %add3A = vector.broadcast %get3A_8 : vector<1x128xf32> to vector<1024x128xf32>
    %add3A_9 = arith.addf %dot_general3A_5, %add3A : vector<1024x128xf32>
    %logistic3A = arith.negf %add3A_9 : vector<1024x128xf32>
    %logistic3A_10 = math.exp %logistic3A : vector<1024x128xf32>
    %logistic3A_11 = arith.constant 1.000000e+00 : f32
    %logistic3A_12 = vector.broadcast %logistic3A_11 : f32 to vector<1024x128xf32>
    %logistic3A_13 = arith.addf %logistic3A_12, %logistic3A_10 : vector<1024x128xf32>
    %logistic3A_14 = arith.divf %logistic3A_12, %logistic3A_13 : vector<1024x128xf32>
    %mul3A = arith.mulf %add3A_9, %logistic3A_14 : vector<1024x128xf32>
    %get3A_15 = arith.constant 0 : index
    %get3A_16 = arith.constant 0 : index
    %get3A_17 = vector.load %arg4[%get3A_15, %get3A_16] : memref<128x384xf32, #tpu.memory_space<vmem>>, vector<128x384xf32>
    %dot_general3A_18 = arith.constant dense<0.000000e+00> : vector<1024x384xf32>
    %dot_general3A_19 = tpu.matmul %mul3A, %get3A_17, %dot_general3A_18 {dimension_numbers = #tpu.dot_dimension_numbers<[1], [0], [0], [1], [0, 0, 1, 1], [], []>, transpose_lhs_hint = false} : vector<1024x128xf32>, vector<128x384xf32>, vector<1024x384xf32> -> vector<1024x384xf32>
    %get3A_20 = arith.constant 0 : index
    %get3A_21 = arith.constant 0 : index
    %get3A_22 = vector.load %arg5[%get3A_20, %get3A_21] : memref<1x384xf32, #tpu.memory_space<vmem>>, vector<1x384xf32>
    %add3A_23 = vector.broadcast %get3A_22 : vector<1x384xf32> to vector<1024x384xf32>
    %add3A_24 = arith.addf %dot_general3A_19, %add3A_23 : vector<1024x384xf32>
    %swap3A = arith.constant 0 : index
    %swap3A_25 = arith.constant 0 : index
    %swap3A_26 = vector.load %arg6[%swap3A, %swap3A_25] : memref<1024x384xf32, #tpu.memory_space<vmem>>, vector<1024x384xf32>
    tpu.vector_store %arg6[%swap3A, %swap3A_25], %add3A_24 {strides = array<i32>} : memref<1024x384xf32, #tpu.memory_space<vmem>>, vector<1024x384xf32>,
    return
  }
  func.func @transform_0(%arg0: i32) -> (i32, i32) {
    %c0_i32 = arith.constant 0 : i32
    %c0_i32_0 = arith.constant 0 : i32
    return %arg0, %c0_i32 : i32, i32
  }
  func.func @transform_1(%arg0: i32) -> (i32, i32) {
    %c0_i32 = arith.constant 0 : i32
    %c0_i32_0 = arith.constant 0 : i32
    %c0_i32_1 = arith.constant 0 : i32
    return %c0_i32, %c0_i32_0 : i32, i32
  }
  func.func @transform_2(%arg0: i32) -> (i32, i32) {
    %c0_i32 = arith.constant 0 : i32
    %c0_i32_0 = arith.constant 0 : i32
    %c0_i32_1 = arith.constant 0 : i32
    return %c0_i32, %c0_i32_0 : i32, i32
  }
  func.func @transform_3(%arg0: i32) -> (i32, i32) {
    %c0_i32 = arith.constant 0 : i32
    %c0_i32_0 = arith.constant 0 : i32
    %c0_i32_1 = arith.constant 0 : i32
    return %c0_i32, %c0_i32_0 : i32, i32
  }
  func.func @transform_4(%arg0: i32) -> (i32, i32) {
    %c0_i32 = arith.constant 0 : i32
    %c0_i32_0 = arith.constant 0 : i32
    %c0_i32_1 = arith.constant 0 : i32
    return %c0_i32, %c0_i32_0 : i32, i32
  }
  func.func @transform_5(%arg0: i32) -> (i32, i32) {
    %c0_i32 = arith.constant 0 : i32
    %c0_i32_0 = arith.constant 0 : i32
    return %arg0, %c0_i32 : i32, i32
  }
}

module attributes {stable_mosaic.version = 14 : i64} {
  func.func @_geom_body(%arg0: i32, %arg1: memref<2048x16xf32, #tpu.memory_space<vmem>>, %arg2: memref<2048x16xf32, #tpu.memory_space<vmem>>, %arg3: memref<32x256xf32, #tpu.memory_space<vmem>>, %arg4: memref<1x256xf32, #tpu.memory_space<vmem>>, %arg5: memref<256x128xf32, #tpu.memory_space<vmem>>, %arg6: memref<1x128xf32, #tpu.memory_space<vmem>>, %arg7: memref<2048x16xf32, #tpu.memory_space<vmem>>, %arg8: memref<2048x32xf32, #tpu.memory_space<vmem>>, %arg9: memref<2048x128xf32, #tpu.memory_space<vmem>>) attributes {dimension_semantics = [#tpu.dimension_semantics<arbitrary>], iteration_bounds = array<i64: 80>, scalar_prefetch = 0 : i64, scratch_operands = 0 : i64, tpu.core_type = #tpu.core_type<tc>, window_params = [{transform_indices = @transform_0, window_bounds = array<i64: 2048, 16>}, {transform_indices = @transform_1, window_bounds = array<i64: 2048, 16>}, {pipeline_mode = #tpu.pipeline_mode<synchronous>, transform_indices = @transform_2, window_bounds = array<i64: 32, 256>}, {pipeline_mode = #tpu.pipeline_mode<synchronous>, transform_indices = @transform_3, window_bounds = array<i64: 1, 256>}, {pipeline_mode = #tpu.pipeline_mode<synchronous>, transform_indices = @transform_4, window_bounds = array<i64: 256, 128>}, {pipeline_mode = #tpu.pipeline_mode<synchronous>, transform_indices = @transform_5, window_bounds = array<i64: 1, 128>}, {transform_indices = @transform_6, window_bounds = array<i64: 2048, 16>}, {transform_indices = @transform_7, window_bounds = array<i64: 2048, 32>}, {transform_indices = @transform_8, window_bounds = array<i64: 2048, 128>}]} {
    %get3A = arith.constant 0 : index
    %get3A_0 = arith.constant 0 : index
    %get3A_1 = vector.load %arg1[%get3A, %get3A_0] : memref<2048x16xf32, #tpu.memory_space<vmem>>, vector<2048x3xf32>
    %get3A_2 = arith.constant 0 : index
    %get3A_3 = arith.constant 0 : index
    %get3A_4 = vector.load %arg2[%get3A_2, %get3A_3] : memref<2048x16xf32, #tpu.memory_space<vmem>>, vector<2048x3xf32>
    %sub3A = arith.subf %get3A_1, %get3A_4 : vector<2048x3xf32>
    %mul3A = arith.mulf %sub3A, %sub3A : vector<2048x3xf32>
    %reduce_sum3A = arith.constant dense<0.000000e+00> : vector<2048xf32>
    %reduce_sum3A_5 = vector.multi_reduction <add>, %mul3A, %reduce_sum3A [1] : vector<2048x3xf32> to vector<2048xf32>
    %broadcast_in_dim3A = vector.shape_cast %reduce_sum3A_5 : vector<2048xf32> to vector<2048x1xf32>
    %sqrt3A = math.sqrt %broadcast_in_dim3A : vector<2048x1xf32>
    %div3A = vector.broadcast %sqrt3A : vector<2048x1xf32> to vector<2048x3xf32>
    %div3A_6 = arith.divf %sub3A, %div3A : vector<2048x3xf32>
    %add3A = arith.constant 3.000000e-15 : f32
    %add3A_7 = vector.broadcast %add3A : f32 to vector<2048x1xf32>
    %add3A_8 = arith.addf %broadcast_in_dim3A, %add3A_7 : vector<2048x1xf32>
    %sqrt3A_9 = math.sqrt %add3A_8 : vector<2048x1xf32>
    %neg3A = arith.constant 0.000000e+00 : f32
    %neg3A_10 = vector.broadcast %neg3A : f32 to vector<2048x3xf32>
    %neg3A_11 = arith.subf %neg3A_10, %sub3A : vector<2048x3xf32>
    %div3A_12 = vector.broadcast %sqrt3A_9 : vector<2048x1xf32> to vector<2048x3xf32>
    %div3A_13 = arith.divf %neg3A_11, %div3A_12 : vector<2048x3xf32>
    %lt3A = arith.constant 5.000000e+00 : f32
    %lt3A_14 = vector.broadcast %lt3A : f32 to vector<2048x1xf32>
    %lt3A_15 = arith.cmpf olt, %sqrt3A_9, %lt3A_14 : vector<2048x1xf32>
    %mul3A_16 = arith.constant 3.14159274 : f32
    %mul3A_17 = vector.broadcast %mul3A_16 : f32 to vector<2048x1xf32>
    %mul3A_18 = arith.mulf %mul3A_17, %sqrt3A_9 : vector<2048x1xf32>
    %div3A_19 = arith.constant 5.000000e+00 : f32
    %div3A_20 = vector.broadcast %div3A_19 : f32 to vector<2048x1xf32>
    %div3A_21 = arith.divf %mul3A_18, %div3A_20 : vector<2048x1xf32>
    %cos3A = math.cos %div3A_21 : vector<2048x1xf32>
    %add3A_22 = arith.constant 1.000000e+00 : f32
    %add3A_23 = vector.broadcast %add3A_22 : f32 to vector<2048x1xf32>
    %add3A_24 = arith.addf %cos3A, %add3A_23 : vector<2048x1xf32>
    %mul3A_25 = arith.constant 5.000000e-01 : f32
    %mul3A_26 = vector.broadcast %mul3A_25 : f32 to vector<2048x1xf32>
    %mul3A_27 = arith.mulf %mul3A_26, %add3A_24 : vector<2048x1xf32>
    %jit3A = arith.constant 0.000000e+00 : f32
    %broadcast_in_dim3A_28 = vector.broadcast %jit3A : f32 to vector<2048x1xf32>
    %select_n3A = arith.select %lt3A_15, %mul3A_27, %broadcast_in_dim3A_28 : vector<2048x1xi1>, vector<2048x1xf32>
    %iota3A = tpu.iota {dimensions = array<i32: 1>} : vector<2048x32xi32>
    %convert_element_type3A = arith.sitofp %iota3A : vector<2048x32xi32> to vector<2048x32xf32>
    %add3A_29 = arith.constant 1.000000e+00 : f32
    %add3A_30 = vector.broadcast %add3A_29 : f32 to vector<2048x32xf32>
    %add3A_31 = arith.addf %convert_element_type3A, %add3A_30 : vector<2048x32xf32>
    %le3A = arith.constant 2.000000e+01 : f32
    %le3A_32 = vector.broadcast %le3A : f32 to vector<2048x32xf32>
    %le3A_33 = arith.cmpf ole, %add3A_31, %le3A_32 : vector<2048x32xf32>
    %mul3A_34 = arith.constant 3.14159274 : f32
    %mul3A_35 = vector.broadcast %mul3A_34 : f32 to vector<2048x32xf32>
    %mul3A_36 = arith.mulf %add3A_31, %mul3A_35 : vector<2048x32xf32>
    %mul3A_37 = vector.broadcast %sqrt3A_9 : vector<2048x1xf32> to vector<2048x32xf32>
    %mul3A_38 = arith.mulf %mul3A_36, %mul3A_37 : vector<2048x32xf32>
    %div3A_39 = arith.constant 5.000000e+00 : f32
    %div3A_40 = vector.broadcast %div3A_39 : f32 to vector<2048x32xf32>
    %div3A_41 = arith.divf %mul3A_38, %div3A_40 : vector<2048x32xf32>
    %sin3A = math.sin %div3A_41 : vector<2048x32xf32>
    %div3A_42 = vector.broadcast %sqrt3A_9 : vector<2048x1xf32> to vector<2048x32xf32>
    %div3A_43 = arith.divf %sin3A, %div3A_42 : vector<2048x32xf32>
    %jit3A_44 = arith.constant 0.000000e+00 : f32
    %broadcast_in_dim3A_45 = vector.broadcast %jit3A_44 : f32 to vector<2048x32xf32>
    %select_n3A_46 = arith.select %le3A_33, %div3A_43, %broadcast_in_dim3A_45 : vector<2048x32xi1>, vector<2048x32xf32>
    %swap3A = arith.constant 0 : index
    %swap3A_47 = arith.constant 0 : index
    %swap3A_48 = vector.load %arg8[%swap3A, %swap3A_47] : memref<2048x32xf32, #tpu.memory_space<vmem>>, vector<2048x32xf32>
    tpu.vector_store %arg8[%swap3A, %swap3A_47], %select_n3A_46 {strides = array<i32>} : memref<2048x32xf32, #tpu.memory_space<vmem>>, vector<2048x32xf32>,
    %broadcast_in_dim3A_49 = arith.constant 0.000000e+00 : f32
    %broadcast_in_dim3A_50 = vector.broadcast %broadcast_in_dim3A_49 : f32 to vector<2048x8xf32>
    %concatenate3A = tpu.concatenate %div3A_13, %div3A_6, %select_n3A, %sqrt3A_9, %broadcast_in_dim3A_50 in 1 : vector<2048x3xf32>, vector<2048x3xf32>, vector<2048x1xf32>, vector<2048x1xf32>, vector<2048x8xf32> -> vector<2048x16xf32>
    %swap3A_51 = arith.constant 0 : index
    %swap3A_52 = arith.constant 0 : index
    %swap3A_53 = vector.load %arg7[%swap3A_51, %swap3A_52] : memref<2048x16xf32, #tpu.memory_space<vmem>>, vector<2048x16xf32>
    tpu.vector_store %arg7[%swap3A_51, %swap3A_52], %concatenate3A {strides = array<i32>} : memref<2048x16xf32, #tpu.memory_space<vmem>>, vector<2048x16xf32>,
    %sub3A_54 = arith.constant 1.000000e+00 : f32
    %sub3A_55 = vector.broadcast %sub3A_54 : f32 to vector<2048x32xf32>
    %sub3A_56 = arith.subf %add3A_31, %sub3A_55 : vector<2048x32xf32>
    %mul3A_57 = arith.constant 0.263157904 : f32
    %mul3A_58 = vector.broadcast %mul3A_57 : f32 to vector<2048x32xf32>
    %mul3A_59 = arith.mulf %sub3A_56, %mul3A_58 : vector<2048x32xf32>
    %jit3A_60 = arith.constant 0.000000e+00 : f32
    %broadcast_in_dim3A_61 = vector.broadcast %jit3A_60 : f32 to vector<2048x32xf32>
    %select_n3A_62 = arith.select %le3A_33, %mul3A_59, %broadcast_in_dim3A_61 : vector<2048x32xi1>, vector<2048x32xf32>
    %sub3A_63 = vector.broadcast %sqrt3A : vector<2048x1xf32> to vector<2048x32xf32>
    %sub3A_64 = arith.subf %sub3A_63, %select_n3A_62 : vector<2048x32xf32>
    %integer_pow3A = arith.mulf %sub3A_64, %sub3A_64 : vector<2048x32xf32>
    %mul3A_65 = arith.constant -7.220000e+00 : f32
    %mul3A_66 = vector.broadcast %mul3A_65 : f32 to vector<2048x32xf32>
    %mul3A_67 = arith.mulf %mul3A_66, %integer_pow3A : vector<2048x32xf32>
    %exp3A = math.exp %mul3A_67 : vector<2048x32xf32>
    %jit3A_68 = arith.constant 0.000000e+00 : f32
    %broadcast_in_dim3A_69 = vector.broadcast %jit3A_68 : f32 to vector<2048x32xf32>
    %select_n3A_70 = arith.select %le3A_33, %exp3A, %broadcast_in_dim3A_69 : vector<2048x32xi1>, vector<2048x32xf32>
    %get3A_71 = arith.constant 0 : index
    %get3A_72 = arith.constant 0 : index
    %get3A_73 = vector.load %arg3[%get3A_71, %get3A_72] : memref<32x256xf32, #tpu.memory_space<vmem>>, vector<32x256xf32>
    %dot_general3A = arith.constant dense<0.000000e+00> : vector<2048x256xf32>
    %dot_general3A_74 = tpu.matmul %select_n3A_70, %get3A_73, %dot_general3A {dimension_numbers = #tpu.dot_dimension_numbers<[1], [0], [0], [1], [0, 0, 1, 1], [], []>, transpose_lhs_hint = false} : vector<2048x32xf32>, vector<32x256xf32>, vector<2048x256xf32> -> vector<2048x256xf32>
    %get3A_75 = arith.constant 0 : index
    %get3A_76 = arith.constant 0 : index
    %get3A_77 = vector.load %arg4[%get3A_75, %get3A_76] : memref<1x256xf32, #tpu.memory_space<vmem>>, vector<1x256xf32>
    %add3A_78 = vector.broadcast %get3A_77 : vector<1x256xf32> to vector<2048x256xf32>
    %add3A_79 = arith.addf %dot_general3A_74, %add3A_78 : vector<2048x256xf32>
    %max3A = arith.constant 0.000000e+00 : f32
    %max3A_80 = vector.broadcast %max3A : f32 to vector<2048x256xf32>
    %max3A_81 = arith.maximumf %add3A_79, %max3A_80 : vector<2048x256xf32>
    %abs3A = math.absf %add3A_79 : vector<2048x256xf32>
    %neg3A_82 = arith.constant 0.000000e+00 : f32
    %neg3A_83 = vector.broadcast %neg3A_82 : f32 to vector<2048x256xf32>
    %neg3A_84 = arith.subf %neg3A_83, %abs3A : vector<2048x256xf32>
    %exp3A_85 = math.exp %neg3A_84 : vector<2048x256xf32>
    %log1p3A = math.log1p %exp3A_85 : vector<2048x256xf32>
    %add3A_86 = arith.addf %max3A_81, %log1p3A : vector<2048x256xf32>
    %sub3A_87 = arith.constant 0.693147182 : f32
    %sub3A_88 = vector.broadcast %sub3A_87 : f32 to vector<2048x256xf32>
    %sub3A_89 = arith.subf %add3A_86, %sub3A_88 : vector<2048x256xf32>
    %get3A_90 = arith.constant 0 : index
    %get3A_91 = arith.constant 0 : index
    %get3A_92 = vector.load %arg5[%get3A_90, %get3A_91] : memref<256x128xf32, #tpu.memory_space<vmem>>, vector<256x128xf32>
    %dot_general3A_93 = arith.constant dense<0.000000e+00> : vector<2048x128xf32>
    %dot_general3A_94 = tpu.matmul %sub3A_89, %get3A_92, %dot_general3A_93 {dimension_numbers = #tpu.dot_dimension_numbers<[1], [0], [0], [1], [0, 0, 1, 1], [], []>, transpose_lhs_hint = false} : vector<2048x256xf32>, vector<256x128xf32>, vector<2048x128xf32> -> vector<2048x128xf32>
    %get3A_95 = arith.constant 0 : index
    %get3A_96 = arith.constant 0 : index
    %get3A_97 = vector.load %arg6[%get3A_95, %get3A_96] : memref<1x128xf32, #tpu.memory_space<vmem>>, vector<1x128xf32>
    %add3A_98 = vector.broadcast %get3A_97 : vector<1x128xf32> to vector<2048x128xf32>
    %add3A_99 = arith.addf %dot_general3A_94, %add3A_98 : vector<2048x128xf32>
    %swap3A_100 = arith.constant 0 : index
    %swap3A_101 = arith.constant 0 : index
    %swap3A_102 = vector.load %arg9[%swap3A_100, %swap3A_101] : memref<2048x128xf32, #tpu.memory_space<vmem>>, vector<2048x128xf32>
    tpu.vector_store %arg9[%swap3A_100, %swap3A_101], %add3A_99 {strides = array<i32>} : memref<2048x128xf32, #tpu.memory_space<vmem>>, vector<2048x128xf32>,
    return
  }
  func.func @transform_0(%arg0: i32) -> (i32, i32) {
    %c0_i32 = arith.constant 0 : i32
    %c0_i32_0 = arith.constant 0 : i32
    return %arg0, %c0_i32 : i32, i32
  }
  func.func @transform_1(%arg0: i32) -> (i32, i32) {
    %c0_i32 = arith.constant 0 : i32
    %c0_i32_0 = arith.constant 0 : i32
    return %arg0, %c0_i32 : i32, i32
  }
  func.func @transform_2(%arg0: i32) -> (i32, i32) {
    %c0_i32 = arith.constant 0 : i32
    %c0_i32_0 = arith.constant 0 : i32
    %c0_i32_1 = arith.constant 0 : i32
    return %c0_i32, %c0_i32_0 : i32, i32
  }
  func.func @transform_3(%arg0: i32) -> (i32, i32) {
    %c0_i32 = arith.constant 0 : i32
    %c0_i32_0 = arith.constant 0 : i32
    %c0_i32_1 = arith.constant 0 : i32
    return %c0_i32, %c0_i32_0 : i32, i32
  }
  func.func @transform_4(%arg0: i32) -> (i32, i32) {
    %c0_i32 = arith.constant 0 : i32
    %c0_i32_0 = arith.constant 0 : i32
    %c0_i32_1 = arith.constant 0 : i32
    return %c0_i32, %c0_i32_0 : i32, i32
  }
  func.func @transform_5(%arg0: i32) -> (i32, i32) {
    %c0_i32 = arith.constant 0 : i32
    %c0_i32_0 = arith.constant 0 : i32
    %c0_i32_1 = arith.constant 0 : i32
    return %c0_i32, %c0_i32_0 : i32, i32
  }
  func.func @transform_6(%arg0: i32) -> (i32, i32) {
    %c0_i32 = arith.constant 0 : i32
    %c0_i32_0 = arith.constant 0 : i32
    return %arg0, %c0_i32 : i32, i32
  }
  func.func @transform_7(%arg0: i32) -> (i32, i32) {
    %c0_i32 = arith.constant 0 : i32
    %c0_i32_0 = arith.constant 0 : i32
    return %arg0, %c0_i32 : i32, i32
  }
  func.func @transform_8(%arg0: i32) -> (i32, i32) {
    %c0_i32 = arith.constant 0 : i32
    %c0_i32_0 = arith.constant 0 : i32
    return %arg0, %c0_i32 : i32, i32
  }
}

module attributes {stable_mosaic.version = 14 : i64} {
  func.func @_msg_body(%arg0: i32, %arg1: memref<2048x384xf32, #tpu.memory_space<vmem>>, %arg2: memref<2048x16xf32, #tpu.memory_space<vmem>>, %arg3: memref<2048x32xf32, #tpu.memory_space<vmem>>, %arg4: memref<2048x128xf32, #tpu.memory_space<vmem>>, %arg5: memref<32x384xf32, #tpu.memory_space<vmem>>, %arg6: memref<1x384xf32, #tpu.memory_space<vmem>>, %arg7: memref<128x256xf32, #tpu.memory_space<vmem>>, %arg8: memref<1x256xf32, #tpu.memory_space<vmem>>, %arg9: memref<256x128xf32, #tpu.memory_space<vmem>>, %arg10: memref<1x128xf32, #tpu.memory_space<vmem>>, %arg11: memref<2048x128xf32, #tpu.memory_space<vmem>>, %arg12: memref<2048x128xf32, #tpu.memory_space<vmem>>, %arg13: memref<2048x128xf32, #tpu.memory_space<vmem>>, %arg14: memref<2048x128xf32, #tpu.memory_space<vmem>>, %arg15: memref<2048x128xf32, #tpu.memory_space<vmem>>) attributes {dimension_semantics = [#tpu.dimension_semantics<arbitrary>], iteration_bounds = array<i64: 80>, scalar_prefetch = 0 : i64, scratch_operands = 0 : i64, tpu.core_type = #tpu.core_type<tc>, window_params = [{transform_indices = @transform_0, window_bounds = array<i64: 2048, 384>}, {transform_indices = @transform_1, window_bounds = array<i64: 2048, 16>}, {transform_indices = @transform_2, window_bounds = array<i64: 2048, 32>}, {transform_indices = @transform_3, window_bounds = array<i64: 2048, 128>}, {pipeline_mode = #tpu.pipeline_mode<synchronous>, transform_indices = @transform_4, window_bounds = array<i64: 32, 384>}, {pipeline_mode = #tpu.pipeline_mode<synchronous>, transform_indices = @transform_5, window_bounds = array<i64: 1, 384>}, {pipeline_mode = #tpu.pipeline_mode<synchronous>, transform_indices = @transform_6, window_bounds = array<i64: 128, 256>}, {pipeline_mode = #tpu.pipeline_mode<synchronous>, transform_indices = @transform_7, window_bounds = array<i64: 1, 256>}, {pipeline_mode = #tpu.pipeline_mode<synchronous>, transform_indices = @transform_8, window_bounds = array<i64: 256, 128>}, {pipeline_mode = #tpu.pipeline_mode<synchronous>, transform_indices = @transform_9, window_bounds = array<i64: 1, 128>}, {transform_indices = @transform_10, window_bounds = array<i64: 2048, 128>}, {transform_indices = @transform_11, window_bounds = array<i64: 2048, 128>}, {transform_indices = @transform_12, window_bounds = array<i64: 2048, 128>}, {transform_indices = @transform_13, window_bounds = array<i64: 2048, 128>}, {transform_indices = @transform_14, window_bounds = array<i64: 2048, 128>}]} {
    %get3A = arith.constant 0 : index
    %get3A_0 = arith.constant 0 : index
    %get3A_1 = vector.load %arg2[%get3A, %get3A_0] : memref<2048x16xf32, #tpu.memory_space<vmem>>, vector<2048x16xf32>
    %get3A_2 = arith.constant 0 : index
    %get3A_3 = arith.constant 0 : index
    %get3A_4 = vector.load %arg3[%get3A_2, %get3A_3] : memref<2048x32xf32, #tpu.memory_space<vmem>>, vector<2048x32xf32>
    %get3A_5 = arith.constant 0 : index
    %get3A_6 = arith.constant 0 : index
    %get3A_7 = vector.load %arg5[%get3A_5, %get3A_6] : memref<32x384xf32, #tpu.memory_space<vmem>>, vector<32x384xf32>
    %dot_general3A = arith.constant dense<0.000000e+00> : vector<2048x384xf32>
    %dot_general3A_8 = tpu.matmul %get3A_4, %get3A_7, %dot_general3A {dimension_numbers = #tpu.dot_dimension_numbers<[1], [0], [0], [1], [0, 0, 1, 1], [], []>, transpose_lhs_hint = false} : vector<2048x32xf32>, vector<32x384xf32>, vector<2048x384xf32> -> vector<2048x384xf32>
    %get3A_9 = arith.constant 0 : index
    %get3A_10 = arith.constant 0 : index
    %get3A_11 = vector.load %arg6[%get3A_9, %get3A_10] : memref<1x384xf32, #tpu.memory_space<vmem>>, vector<1x384xf32>
    %add3A = vector.broadcast %get3A_11 : vector<1x384xf32> to vector<2048x384xf32>
    %add3A_12 = arith.addf %dot_general3A_8, %add3A : vector<2048x384xf32>
    %slice3A = vector.extract_strided_slice %get3A_1 {offsets = [0, 6], sizes = [2048, 1], strides = [1, 1]} : vector<2048x16xf32> to vector<2048x1xf32>
    %mul3A = vector.broadcast %slice3A : vector<2048x1xf32> to vector<2048x384xf32>
    %mul3A_13 = arith.mulf %add3A_12, %mul3A : vector<2048x384xf32>
    %get3A_14 = arith.constant 0 : index
    %get3A_15 = arith.constant 0 : index
    %get3A_16 = vector.load %arg1[%get3A_14, %get3A_15] : memref<2048x384xf32, #tpu.memory_space<vmem>>, vector<2048x384xf32>
    %mul3A_17 = arith.mulf %get3A_16, %mul3A_13 : vector<2048x384xf32>
    %slice3A_18 = vector.extract_strided_slice %mul3A_17 {offsets = [0, 128], sizes = [2048, 128], strides = [1, 1]} : vector<2048x384xf32> to vector<2048x128xf32>
    %slice3A_19 = vector.extract_strided_slice %mul3A_17 {offsets = [0, 256], sizes = [2048, 128], strides = [1, 1]} : vector<2048x384xf32> to vector<2048x128xf32>
    %swap3A = arith.constant 0 : index
    %swap3A_20 = arith.constant 0 : index
    %swap3A_21 = vector.load %arg11[%swap3A, %swap3A_20] : memref<2048x128xf32, #tpu.memory_space<vmem>>, vector<2048x128xf32>
    tpu.vector_store %arg11[%swap3A, %swap3A_20], %slice3A_18 {strides = array<i32>} : memref<2048x128xf32, #tpu.memory_space<vmem>>, vector<2048x128xf32>,
    %slice3A_22 = vector.extract_strided_slice %get3A_1 {offsets = [0, 0], sizes = [2048, 1], strides = [1, 1]} : vector<2048x16xf32> to vector<2048x1xf32>
    %mul3A_23 = vector.broadcast %slice3A_22 : vector<2048x1xf32> to vector<2048x128xf32>
    %mul3A_24 = arith.mulf %slice3A_19, %mul3A_23 : vector<2048x128xf32>
    %swap3A_25 = arith.constant 0 : index
    %swap3A_26 = arith.constant 0 : index
    %swap3A_27 = vector.load %arg12[%swap3A_25, %swap3A_26] : memref<2048x128xf32, #tpu.memory_space<vmem>>, vector<2048x128xf32>
    tpu.vector_store %arg12[%swap3A_25, %swap3A_26], %mul3A_24 {strides = array<i32>} : memref<2048x128xf32, #tpu.memory_space<vmem>>, vector<2048x128xf32>,
    %slice3A_28 = vector.extract_strided_slice %get3A_1 {offsets = [0, 1], sizes = [2048, 1], strides = [1, 1]} : vector<2048x16xf32> to vector<2048x1xf32>
    %mul3A_29 = vector.broadcast %slice3A_28 : vector<2048x1xf32> to vector<2048x128xf32>
    %mul3A_30 = arith.mulf %slice3A_19, %mul3A_29 : vector<2048x128xf32>
    %swap3A_31 = arith.constant 0 : index
    %swap3A_32 = arith.constant 0 : index
    %swap3A_33 = vector.load %arg13[%swap3A_31, %swap3A_32] : memref<2048x128xf32, #tpu.memory_space<vmem>>, vector<2048x128xf32>
    tpu.vector_store %arg13[%swap3A_31, %swap3A_32], %mul3A_30 {strides = array<i32>} : memref<2048x128xf32, #tpu.memory_space<vmem>>, vector<2048x128xf32>,
    %slice3A_34 = vector.extract_strided_slice %get3A_1 {offsets = [0, 2], sizes = [2048, 1], strides = [1, 1]} : vector<2048x16xf32> to vector<2048x1xf32>
    %mul3A_35 = vector.broadcast %slice3A_34 : vector<2048x1xf32> to vector<2048x128xf32>
    %mul3A_36 = arith.mulf %slice3A_19, %mul3A_35 : vector<2048x128xf32>
    %swap3A_37 = arith.constant 0 : index
    %swap3A_38 = arith.constant 0 : index
    %swap3A_39 = vector.load %arg14[%swap3A_37, %swap3A_38] : memref<2048x128xf32, #tpu.memory_space<vmem>>, vector<2048x128xf32>
    tpu.vector_store %arg14[%swap3A_37, %swap3A_38], %mul3A_36 {strides = array<i32>} : memref<2048x128xf32, #tpu.memory_space<vmem>>, vector<2048x128xf32>,
    %get3A_40 = arith.constant 0 : index
    %get3A_41 = arith.constant 0 : index
    %get3A_42 = vector.load %arg7[%get3A_40, %get3A_41] : memref<128x256xf32, #tpu.memory_space<vmem>>, vector<128x256xf32>
    %dot_general3A_43 = arith.constant dense<0.000000e+00> : vector<2048x256xf32>
    %dot_general3A_44 = tpu.matmul %slice3A_18, %get3A_42, %dot_general3A_43 {dimension_numbers = #tpu.dot_dimension_numbers<[1], [0], [0], [1], [0, 0, 1, 1], [], []>, transpose_lhs_hint = false} : vector<2048x128xf32>, vector<128x256xf32>, vector<2048x256xf32> -> vector<2048x256xf32>
    %get3A_45 = arith.constant 0 : index
    %get3A_46 = arith.constant 0 : index
    %get3A_47 = vector.load %arg8[%get3A_45, %get3A_46] : memref<1x256xf32, #tpu.memory_space<vmem>>, vector<1x256xf32>
    %add3A_48 = vector.broadcast %get3A_47 : vector<1x256xf32> to vector<2048x256xf32>
    %add3A_49 = arith.addf %dot_general3A_44, %add3A_48 : vector<2048x256xf32>
    %max3A = arith.constant 0.000000e+00 : f32
    %max3A_50 = vector.broadcast %max3A : f32 to vector<2048x256xf32>
    %max3A_51 = arith.maximumf %add3A_49, %max3A_50 : vector<2048x256xf32>
    %abs3A = math.absf %add3A_49 : vector<2048x256xf32>
    %neg3A = arith.constant 0.000000e+00 : f32
    %neg3A_52 = vector.broadcast %neg3A : f32 to vector<2048x256xf32>
    %neg3A_53 = arith.subf %neg3A_52, %abs3A : vector<2048x256xf32>
    %exp3A = math.exp %neg3A_53 : vector<2048x256xf32>
    %log1p3A = math.log1p %exp3A : vector<2048x256xf32>
    %add3A_54 = arith.addf %max3A_51, %log1p3A : vector<2048x256xf32>
    %sub3A = arith.constant 0.693147182 : f32
    %sub3A_55 = vector.broadcast %sub3A : f32 to vector<2048x256xf32>
    %sub3A_56 = arith.subf %add3A_54, %sub3A_55 : vector<2048x256xf32>
    %get3A_57 = arith.constant 0 : index
    %get3A_58 = arith.constant 0 : index
    %get3A_59 = vector.load %arg4[%get3A_57, %get3A_58] : memref<2048x128xf32, #tpu.memory_space<vmem>>, vector<2048x128xf32>
    %get3A_60 = arith.constant 0 : index
    %get3A_61 = arith.constant 0 : index
    %get3A_62 = vector.load %arg9[%get3A_60, %get3A_61] : memref<256x128xf32, #tpu.memory_space<vmem>>, vector<256x128xf32>
    %dot_general3A_63 = arith.constant dense<0.000000e+00> : vector<2048x128xf32>
    %dot_general3A_64 = tpu.matmul %sub3A_56, %get3A_62, %dot_general3A_63 {dimension_numbers = #tpu.dot_dimension_numbers<[1], [0], [0], [1], [0, 0, 1, 1], [], []>, transpose_lhs_hint = false} : vector<2048x256xf32>, vector<256x128xf32>, vector<2048x128xf32> -> vector<2048x128xf32>
    %add3A_65 = arith.addf %get3A_59, %dot_general3A_64 : vector<2048x128xf32>
    %get3A_66 = arith.constant 0 : index
    %get3A_67 = arith.constant 0 : index
    %get3A_68 = vector.load %arg10[%get3A_66, %get3A_67] : memref<1x128xf32, #tpu.memory_space<vmem>>, vector<1x128xf32>
    %add3A_69 = vector.broadcast %get3A_68 : vector<1x128xf32> to vector<2048x128xf32>
    %add3A_70 = arith.addf %add3A_65, %add3A_69 : vector<2048x128xf32>
    %swap3A_71 = arith.constant 0 : index
    %swap3A_72 = arith.constant 0 : index
    %swap3A_73 = vector.load %arg15[%swap3A_71, %swap3A_72] : memref<2048x128xf32, #tpu.memory_space<vmem>>, vector<2048x128xf32>
    tpu.vector_store %arg15[%swap3A_71, %swap3A_72], %add3A_70 {strides = array<i32>} : memref<2048x128xf32, #tpu.memory_space<vmem>>, vector<2048x128xf32>,
    return
  }
  func.func @transform_0(%arg0: i32) -> (i32, i32) {
    %c0_i32 = arith.constant 0 : i32
    %c0_i32_0 = arith.constant 0 : i32
    return %arg0, %c0_i32 : i32, i32
  }
  func.func @transform_1(%arg0: i32) -> (i32, i32) {
    %c0_i32 = arith.constant 0 : i32
    %c0_i32_0 = arith.constant 0 : i32
    return %arg0, %c0_i32 : i32, i32
  }
  func.func @transform_2(%arg0: i32) -> (i32, i32) {
    %c0_i32 = arith.constant 0 : i32
    %c0_i32_0 = arith.constant 0 : i32
    return %arg0, %c0_i32 : i32, i32
  }
  func.func @transform_3(%arg0: i32) -> (i32, i32) {
    %c0_i32 = arith.constant 0 : i32
    %c0_i32_0 = arith.constant 0 : i32
    return %arg0, %c0_i32 : i32, i32
  }
  func.func @transform_4(%arg0: i32) -> (i32, i32) {
    %c0_i32 = arith.constant 0 : i32
    %c0_i32_0 = arith.constant 0 : i32
    %c0_i32_1 = arith.constant 0 : i32
    return %c0_i32, %c0_i32_0 : i32, i32
  }
  func.func @transform_5(%arg0: i32) -> (i32, i32) {
    %c0_i32 = arith.constant 0 : i32
    %c0_i32_0 = arith.constant 0 : i32
    %c0_i32_1 = arith.constant 0 : i32
    return %c0_i32, %c0_i32_0 : i32, i32
  }
  func.func @transform_6(%arg0: i32) -> (i32, i32) {
    %c0_i32 = arith.constant 0 : i32
    %c0_i32_0 = arith.constant 0 : i32
    %c0_i32_1 = arith.constant 0 : i32
    return %c0_i32, %c0_i32_0 : i32, i32
  }
  func.func @transform_7(%arg0: i32) -> (i32, i32) {
    %c0_i32 = arith.constant 0 : i32
    %c0_i32_0 = arith.constant 0 : i32
    %c0_i32_1 = arith.constant 0 : i32
    return %c0_i32, %c0_i32_0 : i32, i32
  }
  func.func @transform_8(%arg0: i32) -> (i32, i32) {
    %c0_i32 = arith.constant 0 : i32
    %c0_i32_0 = arith.constant 0 : i32
    %c0_i32_1 = arith.constant 0 : i32
    return %c0_i32, %c0_i32_0 : i32, i32
  }
  func.func @transform_9(%arg0: i32) -> (i32, i32) {
    %c0_i32 = arith.constant 0 : i32
    %c0_i32_0 = arith.constant 0 : i32
    %c0_i32_1 = arith.constant 0 : i32
    return %c0_i32, %c0_i32_0 : i32, i32
  }
  func.func @transform_10(%arg0: i32) -> (i32, i32) {
    %c0_i32 = arith.constant 0 : i32
    %c0_i32_0 = arith.constant 0 : i32
    return %arg0, %c0_i32 : i32, i32
  }
  func.func @transform_11(%arg0: i32) -> (i32, i32) {
    %c0_i32 = arith.constant 0 : i32
    %c0_i32_0 = arith.constant 0 : i32
    return %arg0, %c0_i32 : i32, i32
  }
  func.func @transform_12(%arg0: i32) -> (i32, i32) {
    %c0_i32 = arith.constant 0 : i32
    %c0_i32_0 = arith.constant 0 : i32
    return %arg0, %c0_i32 : i32, i32
  }
  func.func @transform_13(%arg0: i32) -> (i32, i32) {
    %c0_i32 = arith.constant 0 : i32
    %c0_i32_0 = arith.constant 0 : i32
    return %arg0, %c0_i32 : i32, i32
  }
  func.func @transform_14(%arg0: i32) -> (i32, i32) {
    %c0_i32 = arith.constant 0 : i32
    %c0_i32_0 = arith.constant 0 : i32
    return %arg0, %c0_i32 : i32, i32
  }
}

module attributes {stable_mosaic.version = 14 : i64} {
  func.func @_upd_body(%arg0: i32, %arg1: memref<1024x128xf32, #tpu.memory_space<vmem>>, %arg2: memref<2x4x1024x128xf32, #tpu.memory_space<vmem>>, %arg3: memref<128x128xf32, #tpu.memory_space<vmem>>, %arg4: memref<128x128xf32, #tpu.memory_space<vmem>>, %arg5: memref<256x128xf32, #tpu.memory_space<vmem>>, %arg6: memref<1x128xf32, #tpu.memory_space<vmem>>, %arg7: memref<128x384xf32, #tpu.memory_space<vmem>>, %arg8: memref<1x384xf32, #tpu.memory_space<vmem>>, %arg9: memref<1024x128xf32, #tpu.memory_space<vmem>>, %arg10: memref<1024x384xf32, #tpu.memory_space<vmem>>) attributes {dimension_semantics = [#tpu.dimension_semantics<arbitrary>], iteration_bounds = array<i64: 10>, scalar_prefetch = 0 : i64, scratch_operands = 0 : i64, tpu.core_type = #tpu.core_type<tc>, window_params = [{transform_indices = @transform_0, window_bounds = array<i64: 1024, 128>}, {transform_indices = @transform_1, window_bounds = array<i64: 2, 4, 1024, 128>}, {pipeline_mode = #tpu.pipeline_mode<synchronous>, transform_indices = @transform_2, window_bounds = array<i64: 128, 128>}, {pipeline_mode = #tpu.pipeline_mode<synchronous>, transform_indices = @transform_3, window_bounds = array<i64: 128, 128>}, {pipeline_mode = #tpu.pipeline_mode<synchronous>, transform_indices = @transform_4, window_bounds = array<i64: 256, 128>}, {pipeline_mode = #tpu.pipeline_mode<synchronous>, transform_indices = @transform_5, window_bounds = array<i64: 1, 128>}, {pipeline_mode = #tpu.pipeline_mode<synchronous>, transform_indices = @transform_6, window_bounds = array<i64: 128, 384>}, {pipeline_mode = #tpu.pipeline_mode<synchronous>, transform_indices = @transform_7, window_bounds = array<i64: 1, 384>}, {transform_indices = @transform_8, window_bounds = array<i64: 1024, 128>}, {transform_indices = @transform_9, window_bounds = array<i64: 1024, 384>}]} {
    %get3A = arith.constant 0 : index
    %get3A_0 = arith.constant 0 : index
    %get3A_1 = arith.constant 0 : index
    %get3A_2 = arith.constant 0 : index
    %get3A_3 = vector.load %arg2[%get3A, %get3A_0, %get3A_1, %get3A_2] : memref<2x4x1024x128xf32, #tpu.memory_space<vmem>>, vector<2x4x1024x128xf32>
    %get3A_4 = arith.constant 0 : index
    %get3A_5 = arith.constant 0 : index
    %get3A_6 = vector.load %arg1[%get3A_4, %get3A_5] : memref<1024x128xf32, #tpu.memory_space<vmem>>, vector<1024x128xf32>
    %slice3A = vector.extract_strided_slice %get3A_3 {offsets = [0, 0, 0, 0], sizes = [1, 1, 1024, 128], strides = [1, 1, 1, 1]} : vector<2x4x1024x128xf32> to vector<1x1x1024x128xf32>
    %squeeze3A = vector.shape_cast %slice3A : vector<1x1x1024x128xf32> to vector<1024x128xf32>
    %add3A = arith.addf %get3A_6, %squeeze3A : vector<1024x128xf32>
    %slice3A_7 = vector.extract_strided_slice %get3A_3 {offsets = [1, 0, 0, 0], sizes = [1, 1, 1024, 128], strides = [1, 1, 1, 1]} : vector<2x4x1024x128xf32> to vector<1x1x1024x128xf32>
    %squeeze3A_8 = vector.shape_cast %slice3A_7 : vector<1x1x1024x128xf32> to vector<1024x128xf32>
    %add3A_9 = arith.addf %add3A, %squeeze3A_8 : vector<1024x128xf32>
    %slice3A_10 = vector.extract_strided_slice %get3A_3 {offsets = [0, 1, 0, 0], sizes = [1, 1, 1024, 128], strides = [1, 1, 1, 1]} : vector<2x4x1024x128xf32> to vector<1x1x1024x128xf32>
    %squeeze3A_11 = vector.shape_cast %slice3A_10 : vector<1x1x1024x128xf32> to vector<1024x128xf32>
    %slice3A_12 = vector.extract_strided_slice %get3A_3 {offsets = [1, 1, 0, 0], sizes = [1, 1, 1024, 128], strides = [1, 1, 1, 1]} : vector<2x4x1024x128xf32> to vector<1x1x1024x128xf32>
    %squeeze3A_13 = vector.shape_cast %slice3A_12 : vector<1x1x1024x128xf32> to vector<1024x128xf32>
    %add3A_14 = arith.addf %squeeze3A_11, %squeeze3A_13 : vector<1024x128xf32>
    %get3A_15 = arith.constant 0 : index
    %get3A_16 = arith.constant 0 : index
    %get3A_17 = vector.load %arg3[%get3A_15, %get3A_16] : memref<128x128xf32, #tpu.memory_space<vmem>>, vector<128x128xf32>
    %dot_general3A = arith.constant dense<0.000000e+00> : vector<1024x128xf32>
    %dot_general3A_18 = tpu.matmul %add3A_14, %get3A_17, %dot_general3A {dimension_numbers = #tpu.dot_dimension_numbers<[1], [0], [0], [1], [0, 0, 1, 1], [], []>, transpose_lhs_hint = false} : vector<1024x128xf32>, vector<128x128xf32>, vector<1024x128xf32> -> vector<1024x128xf32>
    %get3A_19 = arith.constant 0 : index
    %get3A_20 = arith.constant 0 : index
    %get3A_21 = vector.load %arg4[%get3A_19, %get3A_20] : memref<128x128xf32, #tpu.memory_space<vmem>>, vector<128x128xf32>
    %dot_general3A_22 = arith.constant dense<0.000000e+00> : vector<1024x128xf32>
    %dot_general3A_23 = tpu.matmul %add3A_14, %get3A_21, %dot_general3A_22 {dimension_numbers = #tpu.dot_dimension_numbers<[1], [0], [0], [1], [0, 0, 1, 1], [], []>, transpose_lhs_hint = false} : vector<1024x128xf32>, vector<128x128xf32>, vector<1024x128xf32> -> vector<1024x128xf32>
    %slice3A_24 = vector.extract_strided_slice %get3A_3 {offsets = [0, 2, 0, 0], sizes = [1, 1, 1024, 128], strides = [1, 1, 1, 1]} : vector<2x4x1024x128xf32> to vector<1x1x1024x128xf32>
    %squeeze3A_25 = vector.shape_cast %slice3A_24 : vector<1x1x1024x128xf32> to vector<1024x128xf32>
    %slice3A_26 = vector.extract_strided_slice %get3A_3 {offsets = [1, 2, 0, 0], sizes = [1, 1, 1024, 128], strides = [1, 1, 1, 1]} : vector<2x4x1024x128xf32> to vector<1x1x1024x128xf32>
    %squeeze3A_27 = vector.shape_cast %slice3A_26 : vector<1x1x1024x128xf32> to vector<1024x128xf32>
    %add3A_28 = arith.addf %squeeze3A_25, %squeeze3A_27 : vector<1024x128xf32>
    %get3A_29 = arith.constant 0 : index
    %get3A_30 = arith.constant 0 : index
    %get3A_31 = vector.load %arg3[%get3A_29, %get3A_30] : memref<128x128xf32, #tpu.memory_space<vmem>>, vector<128x128xf32>
    %dot_general3A_32 = arith.constant dense<0.000000e+00> : vector<1024x128xf32>
    %dot_general3A_33 = tpu.matmul %add3A_28, %get3A_31, %dot_general3A_32 {dimension_numbers = #tpu.dot_dimension_numbers<[1], [0], [0], [1], [0, 0, 1, 1], [], []>, transpose_lhs_hint = false} : vector<1024x128xf32>, vector<128x128xf32>, vector<1024x128xf32> -> vector<1024x128xf32>
    %get3A_34 = arith.constant 0 : index
    %get3A_35 = arith.constant 0 : index
    %get3A_36 = vector.load %arg4[%get3A_34, %get3A_35] : memref<128x128xf32, #tpu.memory_space<vmem>>, vector<128x128xf32>
    %dot_general3A_37 = arith.constant dense<0.000000e+00> : vector<1024x128xf32>
    %dot_general3A_38 = tpu.matmul %add3A_28, %get3A_36, %dot_general3A_37 {dimension_numbers = #tpu.dot_dimension_numbers<[1], [0], [0], [1], [0, 0, 1, 1], [], []>, transpose_lhs_hint = false} : vector<1024x128xf32>, vector<128x128xf32>, vector<1024x128xf32> -> vector<1024x128xf32>
    %slice3A_39 = vector.extract_strided_slice %get3A_3 {offsets = [0, 3, 0, 0], sizes = [1, 1, 1024, 128], strides = [1, 1, 1, 1]} : vector<2x4x1024x128xf32> to vector<1x1x1024x128xf32>
    %squeeze3A_40 = vector.shape_cast %slice3A_39 : vector<1x1x1024x128xf32> to vector<1024x128xf32>
    %slice3A_41 = vector.extract_strided_slice %get3A_3 {offsets = [1, 3, 0, 0], sizes = [1, 1, 1024, 128], strides = [1, 1, 1, 1]} : vector<2x4x1024x128xf32> to vector<1x1x1024x128xf32>
    %squeeze3A_42 = vector.shape_cast %slice3A_41 : vector<1x1x1024x128xf32> to vector<1024x128xf32>
    %add3A_43 = arith.addf %squeeze3A_40, %squeeze3A_42 : vector<1024x128xf32>
    %get3A_44 = arith.constant 0 : index
    %get3A_45 = arith.constant 0 : index
    %get3A_46 = vector.load %arg3[%get3A_44, %get3A_45] : memref<128x128xf32, #tpu.memory_space<vmem>>, vector<128x128xf32>
    %dot_general3A_47 = arith.constant dense<0.000000e+00> : vector<1024x128xf32>
    %dot_general3A_48 = tpu.matmul %add3A_43, %get3A_46, %dot_general3A_47 {dimension_numbers = #tpu.dot_dimension_numbers<[1], [0], [0], [1], [0, 0, 1, 1], [], []>, transpose_lhs_hint = false} : vector<1024x128xf32>, vector<128x128xf32>, vector<1024x128xf32> -> vector<1024x128xf32>
    %get3A_49 = arith.constant 0 : index
    %get3A_50 = arith.constant 0 : index
    %get3A_51 = vector.load %arg4[%get3A_49, %get3A_50] : memref<128x128xf32, #tpu.memory_space<vmem>>, vector<128x128xf32>
    %dot_general3A_52 = arith.constant dense<0.000000e+00> : vector<1024x128xf32>
    %dot_general3A_53 = tpu.matmul %add3A_43, %get3A_51, %dot_general3A_52 {dimension_numbers = #tpu.dot_dimension_numbers<[1], [0], [0], [1], [0, 0, 1, 1], [], []>, transpose_lhs_hint = false} : vector<1024x128xf32>, vector<128x128xf32>, vector<1024x128xf32> -> vector<1024x128xf32>
    %integer_pow3A = arith.mulf %dot_general3A_23, %dot_general3A_23 : vector<1024x128xf32>
    %integer_pow3A_54 = arith.mulf %dot_general3A_38, %dot_general3A_38 : vector<1024x128xf32>
    %add3A_55 = arith.addf %integer_pow3A, %integer_pow3A_54 : vector<1024x128xf32>
    %integer_pow3A_56 = arith.mulf %dot_general3A_53, %dot_general3A_53 : vector<1024x128xf32>
    %add3A_57 = arith.addf %add3A_55, %integer_pow3A_56 : vector<1024x128xf32>
    %add3A_58 = arith.constant 3.000000e-15 : f32
    %add3A_59 = vector.broadcast %add3A_58 : f32 to vector<1024x128xf32>
    %add3A_60 = arith.addf %add3A_57, %add3A_59 : vector<1024x128xf32>
    %sqrt3A = math.sqrt %add3A_60 : vector<1024x128xf32>
    %concatenate3A = tpu.concatenate %add3A_9, %sqrt3A in 1 : vector<1024x128xf32>, vector<1024x128xf32> -> vector<1024x256xf32>
    %get3A_61 = arith.constant 0 : index
    %get3A_62 = arith.constant 0 : index
    %get3A_63 = vector.load %arg5[%get3A_61, %get3A_62] : memref<256x128xf32, #tpu.memory_space<vmem>>, vector<256x128xf32>
    %dot_general3A_64 = arith.constant dense<0.000000e+00> : vector<1024x128xf32>
    %dot_general3A_65 = tpu.matmul %concatenate3A, %get3A_63, %dot_general3A_64 {dimension_numbers = #tpu.dot_dimension_numbers<[1], [0], [0], [1], [0, 0, 1, 1], [], []>, transpose_lhs_hint = false} : vector<1024x256xf32>, vector<256x128xf32>, vector<1024x128xf32> -> vector<1024x128xf32>
    %get3A_66 = arith.constant 0 : index
    %get3A_67 = arith.constant 0 : index
    %get3A_68 = vector.load %arg6[%get3A_66, %get3A_67] : memref<1x128xf32, #tpu.memory_space<vmem>>, vector<1x128xf32>
    %add3A_69 = vector.broadcast %get3A_68 : vector<1x128xf32> to vector<1024x128xf32>
    %add3A_70 = arith.addf %dot_general3A_65, %add3A_69 : vector<1024x128xf32>
    %logistic3A = arith.negf %add3A_70 : vector<1024x128xf32>
    %logistic3A_71 = math.exp %logistic3A : vector<1024x128xf32>
    %logistic3A_72 = arith.constant 1.000000e+00 : f32
    %logistic3A_73 = vector.broadcast %logistic3A_72 : f32 to vector<1024x128xf32>
    %logistic3A_74 = arith.addf %logistic3A_73, %logistic3A_71 : vector<1024x128xf32>
    %logistic3A_75 = arith.divf %logistic3A_73, %logistic3A_74 : vector<1024x128xf32>
    %mul3A = arith.mulf %add3A_70, %logistic3A_75 : vector<1024x128xf32>
    %get3A_76 = arith.constant 0 : index
    %get3A_77 = arith.constant 0 : index
    %get3A_78 = vector.load %arg7[%get3A_76, %get3A_77] : memref<128x384xf32, #tpu.memory_space<vmem>>, vector<128x384xf32>
    %dot_general3A_79 = arith.constant dense<0.000000e+00> : vector<1024x384xf32>
    %dot_general3A_80 = tpu.matmul %mul3A, %get3A_78, %dot_general3A_79 {dimension_numbers = #tpu.dot_dimension_numbers<[1], [0], [0], [1], [0, 0, 1, 1], [], []>, transpose_lhs_hint = false} : vector<1024x128xf32>, vector<128x384xf32>, vector<1024x384xf32> -> vector<1024x384xf32>
    %get3A_81 = arith.constant 0 : index
    %get3A_82 = arith.constant 0 : index
    %get3A_83 = vector.load %arg8[%get3A_81, %get3A_82] : memref<1x384xf32, #tpu.memory_space<vmem>>, vector<1x384xf32>
    %add3A_84 = vector.broadcast %get3A_83 : vector<1x384xf32> to vector<1024x384xf32>
    %add3A_85 = arith.addf %dot_general3A_80, %add3A_84 : vector<1024x384xf32>
    %slice3A_86 = vector.extract_strided_slice %add3A_85 {offsets = [0, 0], sizes = [1024, 128], strides = [1, 1]} : vector<1024x384xf32> to vector<1024x128xf32>
    %slice3A_87 = vector.extract_strided_slice %add3A_85 {offsets = [0, 128], sizes = [1024, 128], strides = [1, 1]} : vector<1024x384xf32> to vector<1024x128xf32>
    %slice3A_88 = vector.extract_strided_slice %add3A_85 {offsets = [0, 256], sizes = [1024, 128], strides = [1, 1]} : vector<1024x384xf32> to vector<1024x128xf32>
    %mul3A_89 = arith.mulf %dot_general3A_18, %dot_general3A_23 : vector<1024x128xf32>
    %mul3A_90 = arith.mulf %dot_general3A_33, %dot_general3A_38 : vector<1024x128xf32>
    %add3A_91 = arith.addf %mul3A_89, %mul3A_90 : vector<1024x128xf32>
    %mul3A_92 = arith.mulf %dot_general3A_48, %dot_general3A_53 : vector<1024x128xf32>
    %add3A_93 = arith.addf %add3A_91, %mul3A_92 : vector<1024x128xf32>
    %mul3A_94 = arith.mulf %add3A_93, %slice3A_87 : vector<1024x128xf32>
    %add3A_95 = arith.addf %add3A_9, %mul3A_94 : vector<1024x128xf32>
    %add3A_96 = arith.addf %add3A_95, %slice3A_88 : vector<1024x128xf32>
    %swap3A = arith.constant 0 : index
    %swap3A_97 = arith.constant 0 : index
    %swap3A_98 = vector.load %arg9[%swap3A, %swap3A_97] : memref<1024x128xf32, #tpu.memory_space<vmem>>, vector<1024x128xf32>
    tpu.vector_store %arg9[%swap3A, %swap3A_97], %add3A_96 {strides = array<i32>} : memref<1024x128xf32, #tpu.memory_space<vmem>>, vector<1024x128xf32>,
    %mul3A_99 = arith.mulf %dot_general3A_18, %slice3A_86 : vector<1024x128xf32>
    %add3A_100 = arith.addf %add3A_14, %mul3A_99 : vector<1024x128xf32>
    %mul3A_101 = arith.mulf %dot_general3A_33, %slice3A_86 : vector<1024x128xf32>
    %add3A_102 = arith.addf %add3A_28, %mul3A_101 : vector<1024x128xf32>
    %mul3A_103 = arith.mulf %dot_general3A_48, %slice3A_86 : vector<1024x128xf32>
    %add3A_104 = arith.addf %add3A_43, %mul3A_103 : vector<1024x128xf32>
    %concatenate3A_105 = tpu.concatenate %add3A_100, %add3A_102, %add3A_104 in 1 : vector<1024x128xf32>, vector<1024x128xf32>, vector<1024x128xf32> -> vector<1024x384xf32>
    %swap3A_106 = arith.constant 0 : index
    %swap3A_107 = arith.constant 0 : index
    %swap3A_108 = vector.load %arg10[%swap3A_106, %swap3A_107] : memref<1024x384xf32, #tpu.memory_space<vmem>>, vector<1024x384xf32>
    tpu.vector_store %arg10[%swap3A_106, %swap3A_107], %concatenate3A_105 {strides = array<i32>} : memref<1024x384xf32, #tpu.memory_space<vmem>>, vector<1024x384xf32>,
    return
  }
  func.func @transform_0(%arg0: i32) -> (i32, i32) {
    %c0_i32 = arith.constant 0 : i32
    %c0_i32_0 = arith.constant 0 : i32
    return %arg0, %c0_i32 : i32, i32
  }
  func.func @transform_1(%arg0: i32) -> (i32, i32, i32, i32) {
    %c0_i32 = arith.constant 0 : i32
    %c0_i32_0 = arith.constant 0 : i32
    %c0_i32_1 = arith.constant 0 : i32
    %c0_i32_2 = arith.constant 0 : i32
    return %c0_i32, %c0_i32_0, %arg0, %c0_i32_1 : i32, i32, i32, i32
  }
  func.func @transform_2(%arg0: i32) -> (i32, i32) {
    %c0_i32 = arith.constant 0 : i32
    %c0_i32_0 = arith.constant 0 : i32
    %c0_i32_1 = arith.constant 0 : i32
    return %c0_i32, %c0_i32_0 : i32, i32
  }
  func.func @transform_3(%arg0: i32) -> (i32, i32) {
    %c0_i32 = arith.constant 0 : i32
    %c0_i32_0 = arith.constant 0 : i32
    %c0_i32_1 = arith.constant 0 : i32
    return %c0_i32, %c0_i32_0 : i32, i32
  }
  func.func @transform_4(%arg0: i32) -> (i32, i32) {
    %c0_i32 = arith.constant 0 : i32
    %c0_i32_0 = arith.constant 0 : i32
    %c0_i32_1 = arith.constant 0 : i32
    return %c0_i32, %c0_i32_0 : i32, i32
  }
  func.func @transform_5(%arg0: i32) -> (i32, i32) {
    %c0_i32 = arith.constant 0 : i32
    %c0_i32_0 = arith.constant 0 : i32
    %c0_i32_1 = arith.constant 0 : i32
    return %c0_i32, %c0_i32_0 : i32, i32
  }
  func.func @transform_6(%arg0: i32) -> (i32, i32) {
    %c0_i32 = arith.constant 0 : i32
    %c0_i32_0 = arith.constant 0 : i32
    %c0_i32_1 = arith.constant 0 : i32
    return %c0_i32, %c0_i32_0 : i32, i32
  }
  func.func @transform_7(%arg0: i32) -> (i32, i32) {
    %c0_i32 = arith.constant 0 : i32
    %c0_i32_0 = arith.constant 0 : i32
    %c0_i32_1 = arith.constant 0 : i32
    return %c0_i32, %c0_i32_0 : i32, i32
  }
  func.func @transform_8(%arg0: i32) -> (i32, i32) {
    %c0_i32 = arith.constant 0 : i32
    %c0_i32_0 = arith.constant 0 : i32
    return %arg0, %c0_i32 : i32, i32
  }
  func.func @transform_9(%arg0: i32) -> (i32, i32) {
    %c0_i32 = arith.constant 0 : i32
    %c0_i32_0 = arith.constant 0 : i32
    return %arg0, %c0_i32 : i32, i32
  }
}

module attributes {stable_mosaic.version = 14 : i64} {
  func.func @_msg_body(%arg0: i32, %arg1: memref<2048x384xf32, #tpu.memory_space<vmem>>, %arg2: memref<2048x384xf32, #tpu.memory_space<vmem>>, %arg3: memref<2048x16xf32, #tpu.memory_space<vmem>>, %arg4: memref<2048x32xf32, #tpu.memory_space<vmem>>, %arg5: memref<2048x128xf32, #tpu.memory_space<vmem>>, %arg6: memref<32x384xf32, #tpu.memory_space<vmem>>, %arg7: memref<1x384xf32, #tpu.memory_space<vmem>>, %arg8: memref<128x256xf32, #tpu.memory_space<vmem>>, %arg9: memref<1x256xf32, #tpu.memory_space<vmem>>, %arg10: memref<256x128xf32, #tpu.memory_space<vmem>>, %arg11: memref<1x128xf32, #tpu.memory_space<vmem>>, %arg12: memref<2048x128xf32, #tpu.memory_space<vmem>>, %arg13: memref<2048x128xf32, #tpu.memory_space<vmem>>, %arg14: memref<2048x128xf32, #tpu.memory_space<vmem>>, %arg15: memref<2048x128xf32, #tpu.memory_space<vmem>>, %arg16: memref<2048x128xf32, #tpu.memory_space<vmem>>) attributes {dimension_semantics = [#tpu.dimension_semantics<arbitrary>], iteration_bounds = array<i64: 80>, scalar_prefetch = 0 : i64, scratch_operands = 0 : i64, tpu.core_type = #tpu.core_type<tc>, window_params = [{transform_indices = @transform_0, window_bounds = array<i64: 2048, 384>}, {transform_indices = @transform_1, window_bounds = array<i64: 2048, 384>}, {transform_indices = @transform_2, window_bounds = array<i64: 2048, 16>}, {transform_indices = @transform_3, window_bounds = array<i64: 2048, 32>}, {transform_indices = @transform_4, window_bounds = array<i64: 2048, 128>}, {pipeline_mode = #tpu.pipeline_mode<synchronous>, transform_indices = @transform_5, window_bounds = array<i64: 32, 384>}, {pipeline_mode = #tpu.pipeline_mode<synchronous>, transform_indices = @transform_6, window_bounds = array<i64: 1, 384>}, {pipeline_mode = #tpu.pipeline_mode<synchronous>, transform_indices = @transform_7, window_bounds = array<i64: 128, 256>}, {pipeline_mode = #tpu.pipeline_mode<synchronous>, transform_indices = @transform_8, window_bounds = array<i64: 1, 256>}, {pipeline_mode = #tpu.pipeline_mode<synchronous>, transform_indices = @transform_9, window_bounds = array<i64: 256, 128>}, {pipeline_mode = #tpu.pipeline_mode<synchronous>, transform_indices = @transform_10, window_bounds = array<i64: 1, 128>}, {transform_indices = @transform_11, window_bounds = array<i64: 2048, 128>}, {transform_indices = @transform_12, window_bounds = array<i64: 2048, 128>}, {transform_indices = @transform_13, window_bounds = array<i64: 2048, 128>}, {transform_indices = @transform_14, window_bounds = array<i64: 2048, 128>}, {transform_indices = @transform_15, window_bounds = array<i64: 2048, 128>}]} {
    %get3A = arith.constant 0 : index
    %get3A_0 = arith.constant 0 : index
    %get3A_1 = vector.load %arg3[%get3A, %get3A_0] : memref<2048x16xf32, #tpu.memory_space<vmem>>, vector<2048x16xf32>
    %get3A_2 = arith.constant 0 : index
    %get3A_3 = arith.constant 0 : index
    %get3A_4 = vector.load %arg4[%get3A_2, %get3A_3] : memref<2048x32xf32, #tpu.memory_space<vmem>>, vector<2048x32xf32>
    %get3A_5 = arith.constant 0 : index
    %get3A_6 = arith.constant 0 : index
    %get3A_7 = vector.load %arg6[%get3A_5, %get3A_6] : memref<32x384xf32, #tpu.memory_space<vmem>>, vector<32x384xf32>
    %dot_general3A = arith.constant dense<0.000000e+00> : vector<2048x384xf32>
    %dot_general3A_8 = tpu.matmul %get3A_4, %get3A_7, %dot_general3A {dimension_numbers = #tpu.dot_dimension_numbers<[1], [0], [0], [1], [0, 0, 1, 1], [], []>, transpose_lhs_hint = false} : vector<2048x32xf32>, vector<32x384xf32>, vector<2048x384xf32> -> vector<2048x384xf32>
    %get3A_9 = arith.constant 0 : index
    %get3A_10 = arith.constant 0 : index
    %get3A_11 = vector.load %arg7[%get3A_9, %get3A_10] : memref<1x384xf32, #tpu.memory_space<vmem>>, vector<1x384xf32>
    %add3A = vector.broadcast %get3A_11 : vector<1x384xf32> to vector<2048x384xf32>
    %add3A_12 = arith.addf %dot_general3A_8, %add3A : vector<2048x384xf32>
    %slice3A = vector.extract_strided_slice %get3A_1 {offsets = [0, 6], sizes = [2048, 1], strides = [1, 1]} : vector<2048x16xf32> to vector<2048x1xf32>
    %mul3A = vector.broadcast %slice3A : vector<2048x1xf32> to vector<2048x384xf32>
    %mul3A_13 = arith.mulf %add3A_12, %mul3A : vector<2048x384xf32>
    %get3A_14 = arith.constant 0 : index
    %get3A_15 = arith.constant 0 : index
    %get3A_16 = vector.load %arg1[%get3A_14, %get3A_15] : memref<2048x384xf32, #tpu.memory_space<vmem>>, vector<2048x384xf32>
    %mul3A_17 = arith.mulf %get3A_16, %mul3A_13 : vector<2048x384xf32>
    %slice3A_18 = vector.extract_strided_slice %mul3A_17 {offsets = [0, 0], sizes = [2048, 128], strides = [1, 1]} : vector<2048x384xf32> to vector<2048x128xf32>
    %slice3A_19 = vector.extract_strided_slice %mul3A_17 {offsets = [0, 128], sizes = [2048, 128], strides = [1, 1]} : vector<2048x384xf32> to vector<2048x128xf32>
    %slice3A_20 = vector.extract_strided_slice %mul3A_17 {offsets = [0, 256], sizes = [2048, 128], strides = [1, 1]} : vector<2048x384xf32> to vector<2048x128xf32>
    %swap3A = arith.constant 0 : index
    %swap3A_21 = arith.constant 0 : index
    %swap3A_22 = vector.load %arg12[%swap3A, %swap3A_21] : memref<2048x128xf32, #tpu.memory_space<vmem>>, vector<2048x128xf32>
    tpu.vector_store %arg12[%swap3A, %swap3A_21], %slice3A_19 {strides = array<i32>} : memref<2048x128xf32, #tpu.memory_space<vmem>>, vector<2048x128xf32>,
    %slice3A_23 = vector.extract_strided_slice %get3A_1 {offsets = [0, 0], sizes = [2048, 1], strides = [1, 1]} : vector<2048x16xf32> to vector<2048x1xf32>
    %mul3A_24 = vector.broadcast %slice3A_23 : vector<2048x1xf32> to vector<2048x128xf32>
    %mul3A_25 = arith.mulf %slice3A_20, %mul3A_24 : vector<2048x128xf32>
    %get3A_26 = arith.constant 0 : index
    %get3A_27 = arith.constant 0 : index
    %get3A_28 = vector.load %arg2[%get3A_26, %get3A_27] : memref<2048x384xf32, #tpu.memory_space<vmem>>, vector<2048x128xf32>
    %mul3A_29 = arith.mulf %slice3A_18, %get3A_28 : vector<2048x128xf32>
    %add3A_30 = arith.addf %mul3A_25, %mul3A_29 : vector<2048x128xf32>
    %swap3A_31 = arith.constant 0 : index
    %swap3A_32 = arith.constant 0 : index
    %swap3A_33 = vector.load %arg13[%swap3A_31, %swap3A_32] : memref<2048x128xf32, #tpu.memory_space<vmem>>, vector<2048x128xf32>
    tpu.vector_store %arg13[%swap3A_31, %swap3A_32], %add3A_30 {strides = array<i32>} : memref<2048x128xf32, #tpu.memory_space<vmem>>, vector<2048x128xf32>,
    %slice3A_34 = vector.extract_strided_slice %get3A_1 {offsets = [0, 1], sizes = [2048, 1], strides = [1, 1]} : vector<2048x16xf32> to vector<2048x1xf32>
    %mul3A_35 = vector.broadcast %slice3A_34 : vector<2048x1xf32> to vector<2048x128xf32>
    %mul3A_36 = arith.mulf %slice3A_20, %mul3A_35 : vector<2048x128xf32>
    %get3A_37 = arith.constant 0 : index
    %get3A_38 = arith.constant 128 : index
    %get3A_39 = vector.load %arg2[%get3A_37, %get3A_38] : memref<2048x384xf32, #tpu.memory_space<vmem>>, vector<2048x128xf32>
    %mul3A_40 = arith.mulf %slice3A_18, %get3A_39 : vector<2048x128xf32>
    %add3A_41 = arith.addf %mul3A_36, %mul3A_40 : vector<2048x128xf32>
    %swap3A_42 = arith.constant 0 : index
    %swap3A_43 = arith.constant 0 : index
    %swap3A_44 = vector.load %arg14[%swap3A_42, %swap3A_43] : memref<2048x128xf32, #tpu.memory_space<vmem>>, vector<2048x128xf32>
    tpu.vector_store %arg14[%swap3A_42, %swap3A_43], %add3A_41 {strides = array<i32>} : memref<2048x128xf32, #tpu.memory_space<vmem>>, vector<2048x128xf32>,
    %slice3A_45 = vector.extract_strided_slice %get3A_1 {offsets = [0, 2], sizes = [2048, 1], strides = [1, 1]} : vector<2048x16xf32> to vector<2048x1xf32>
    %mul3A_46 = vector.broadcast %slice3A_45 : vector<2048x1xf32> to vector<2048x128xf32>
    %mul3A_47 = arith.mulf %slice3A_20, %mul3A_46 : vector<2048x128xf32>
    %get3A_48 = arith.constant 0 : index
    %get3A_49 = arith.constant 256 : index
    %get3A_50 = vector.load %arg2[%get3A_48, %get3A_49] : memref<2048x384xf32, #tpu.memory_space<vmem>>, vector<2048x128xf32>
    %mul3A_51 = arith.mulf %slice3A_18, %get3A_50 : vector<2048x128xf32>
    %add3A_52 = arith.addf %mul3A_47, %mul3A_51 : vector<2048x128xf32>
    %swap3A_53 = arith.constant 0 : index
    %swap3A_54 = arith.constant 0 : index
    %swap3A_55 = vector.load %arg15[%swap3A_53, %swap3A_54] : memref<2048x128xf32, #tpu.memory_space<vmem>>, vector<2048x128xf32>
    tpu.vector_store %arg15[%swap3A_53, %swap3A_54], %add3A_52 {strides = array<i32>} : memref<2048x128xf32, #tpu.memory_space<vmem>>, vector<2048x128xf32>,
    %get3A_56 = arith.constant 0 : index
    %get3A_57 = arith.constant 0 : index
    %get3A_58 = vector.load %arg8[%get3A_56, %get3A_57] : memref<128x256xf32, #tpu.memory_space<vmem>>, vector<128x256xf32>
    %dot_general3A_59 = arith.constant dense<0.000000e+00> : vector<2048x256xf32>
    %dot_general3A_60 = tpu.matmul %slice3A_19, %get3A_58, %dot_general3A_59 {dimension_numbers = #tpu.dot_dimension_numbers<[1], [0], [0], [1], [0, 0, 1, 1], [], []>, transpose_lhs_hint = false} : vector<2048x128xf32>, vector<128x256xf32>, vector<2048x256xf32> -> vector<2048x256xf32>
    %get3A_61 = arith.constant 0 : index
    %get3A_62 = arith.constant 0 : index
    %get3A_63 = vector.load %arg9[%get3A_61, %get3A_62] : memref<1x256xf32, #tpu.memory_space<vmem>>, vector<1x256xf32>
    %add3A_64 = vector.broadcast %get3A_63 : vector<1x256xf32> to vector<2048x256xf32>
    %add3A_65 = arith.addf %dot_general3A_60, %add3A_64 : vector<2048x256xf32>
    %max3A = arith.constant 0.000000e+00 : f32
    %max3A_66 = vector.broadcast %max3A : f32 to vector<2048x256xf32>
    %max3A_67 = arith.maximumf %add3A_65, %max3A_66 : vector<2048x256xf32>
    %abs3A = math.absf %add3A_65 : vector<2048x256xf32>
    %neg3A = arith.constant 0.000000e+00 : f32
    %neg3A_68 = vector.broadcast %neg3A : f32 to vector<2048x256xf32>
    %neg3A_69 = arith.subf %neg3A_68, %abs3A : vector<2048x256xf32>
    %exp3A = math.exp %neg3A_69 : vector<2048x256xf32>
    %log1p3A = math.log1p %exp3A : vector<2048x256xf32>
    %add3A_70 = arith.addf %max3A_67, %log1p3A : vector<2048x256xf32>
    %sub3A = arith.constant 0.693147182 : f32
    %sub3A_71 = vector.broadcast %sub3A : f32 to vector<2048x256xf32>
    %sub3A_72 = arith.subf %add3A_70, %sub3A_71 : vector<2048x256xf32>
    %get3A_73 = arith.constant 0 : index
    %get3A_74 = arith.constant 0 : index
    %get3A_75 = vector.load %arg5[%get3A_73, %get3A_74] : memref<2048x128xf32, #tpu.memory_space<vmem>>, vector<2048x128xf32>
    %get3A_76 = arith.constant 0 : index
    %get3A_77 = arith.constant 0 : index
    %get3A_78 = vector.load %arg10[%get3A_76, %get3A_77] : memref<256x128xf32, #tpu.memory_space<vmem>>, vector<256x128xf32>
    %dot_general3A_79 = arith.constant dense<0.000000e+00> : vector<2048x128xf32>
    %dot_general3A_80 = tpu.matmul %sub3A_72, %get3A_78, %dot_general3A_79 {dimension_numbers = #tpu.dot_dimension_numbers<[1], [0], [0], [1], [0, 0, 1, 1], [], []>, transpose_lhs_hint = false} : vector<2048x256xf32>, vector<256x128xf32>, vector<2048x128xf32> -> vector<2048x128xf32>
    %add3A_81 = arith.addf %get3A_75, %dot_general3A_80 : vector<2048x128xf32>
    %get3A_82 = arith.constant 0 : index
    %get3A_83 = arith.constant 0 : index
    %get3A_84 = vector.load %arg11[%get3A_82, %get3A_83] : memref<1x128xf32, #tpu.memory_space<vmem>>, vector<1x128xf32>
    %add3A_85 = vector.broadcast %get3A_84 : vector<1x128xf32> to vector<2048x128xf32>
    %add3A_86 = arith.addf %add3A_81, %add3A_85 : vector<2048x128xf32>
    %swap3A_87 = arith.constant 0 : index
    %swap3A_88 = arith.constant 0 : index
    %swap3A_89 = vector.load %arg16[%swap3A_87, %swap3A_88] : memref<2048x128xf32, #tpu.memory_space<vmem>>, vector<2048x128xf32>
    tpu.vector_store %arg16[%swap3A_87, %swap3A_88], %add3A_86 {strides = array<i32>} : memref<2048x128xf32, #tpu.memory_space<vmem>>, vector<2048x128xf32>,
    return
  }
  func.func @transform_0(%arg0: i32) -> (i32, i32) {
    %c0_i32 = arith.constant 0 : i32
    %c0_i32_0 = arith.constant 0 : i32
    return %arg0, %c0_i32 : i32, i32
  }
  func.func @transform_1(%arg0: i32) -> (i32, i32) {
    %c0_i32 = arith.constant 0 : i32
    %c0_i32_0 = arith.constant 0 : i32
    return %arg0, %c0_i32 : i32, i32
  }
  func.func @transform_2(%arg0: i32) -> (i32, i32) {
    %c0_i32 = arith.constant 0 : i32
    %c0_i32_0 = arith.constant 0 : i32
    return %arg0, %c0_i32 : i32, i32
  }
  func.func @transform_3(%arg0: i32) -> (i32, i32) {
    %c0_i32 = arith.constant 0 : i32
    %c0_i32_0 = arith.constant 0 : i32
    return %arg0, %c0_i32 : i32, i32
  }
  func.func @transform_4(%arg0: i32) -> (i32, i32) {
    %c0_i32 = arith.constant 0 : i32
    %c0_i32_0 = arith.constant 0 : i32
    return %arg0, %c0_i32 : i32, i32
  }
  func.func @transform_5(%arg0: i32) -> (i32, i32) {
    %c0_i32 = arith.constant 0 : i32
    %c0_i32_0 = arith.constant 0 : i32
    %c0_i32_1 = arith.constant 0 : i32
    return %c0_i32, %c0_i32_0 : i32, i32
  }
  func.func @transform_6(%arg0: i32) -> (i32, i32) {
    %c0_i32 = arith.constant 0 : i32
    %c0_i32_0 = arith.constant 0 : i32
    %c0_i32_1 = arith.constant 0 : i32
    return %c0_i32, %c0_i32_0 : i32, i32
  }
  func.func @transform_7(%arg0: i32) -> (i32, i32) {
    %c0_i32 = arith.constant 0 : i32
    %c0_i32_0 = arith.constant 0 : i32
    %c0_i32_1 = arith.constant 0 : i32
    return %c0_i32, %c0_i32_0 : i32, i32
  }
  func.func @transform_8(%arg0: i32) -> (i32, i32) {
    %c0_i32 = arith.constant 0 : i32
    %c0_i32_0 = arith.constant 0 : i32
    %c0_i32_1 = arith.constant 0 : i32
    return %c0_i32, %c0_i32_0 : i32, i32
  }
  func.func @transform_9(%arg0: i32) -> (i32, i32) {
    %c0_i32 = arith.constant 0 : i32
    %c0_i32_0 = arith.constant 0 : i32
    %c0_i32_1 = arith.constant 0 : i32
    return %c0_i32, %c0_i32_0 : i32, i32
  }
  func.func @transform_10(%arg0: i32) -> (i32, i32) {
    %c0_i32 = arith.constant 0 : i32
    %c0_i32_0 = arith.constant 0 : i32
    %c0_i32_1 = arith.constant 0 : i32
    return %c0_i32, %c0_i32_0 : i32, i32
  }
  func.func @transform_11(%arg0: i32) -> (i32, i32) {
    %c0_i32 = arith.constant 0 : i32
    %c0_i32_0 = arith.constant 0 : i32
    return %arg0, %c0_i32 : i32, i32
  }
  func.func @transform_12(%arg0: i32) -> (i32, i32) {
    %c0_i32 = arith.constant 0 : i32
    %c0_i32_0 = arith.constant 0 : i32
    return %arg0, %c0_i32 : i32, i32
  }
  func.func @transform_13(%arg0: i32) -> (i32, i32) {
    %c0_i32 = arith.constant 0 : i32
    %c0_i32_0 = arith.constant 0 : i32
    return %arg0, %c0_i32 : i32, i32
  }
  func.func @transform_14(%arg0: i32) -> (i32, i32) {
    %c0_i32 = arith.constant 0 : i32
    %c0_i32_0 = arith.constant 0 : i32
    return %arg0, %c0_i32 : i32, i32
  }
  func.func @transform_15(%arg0: i32) -> (i32, i32) {
    %c0_i32 = arith.constant 0 : i32
    %c0_i32_0 = arith.constant 0 : i32
    return %arg0, %c0_i32 : i32, i32
  }
}

module attributes {stable_mosaic.version = 14 : i64} {
  func.func @_fedge_body(%arg0: i32, %arg1: memref<2048x128xf32, #tpu.memory_space<vmem>>, %arg2: memref<2048x16xf32, #tpu.memory_space<vmem>>, %arg3: memref<128x128xf32, #tpu.memory_space<vmem>>, %arg4: memref<1x128xf32, #tpu.memory_space<vmem>>, %arg5: memref<1x128xf32, #tpu.memory_space<vmem>>, %arg6: memref<1x1xf32, #tpu.memory_space<vmem>>, %arg7: memref<2048x16xf32, #tpu.memory_space<vmem>>) attributes {dimension_semantics = [#tpu.dimension_semantics<arbitrary>], iteration_bounds = array<i64: 80>, scalar_prefetch = 0 : i64, scratch_operands = 0 : i64, tpu.core_type = #tpu.core_type<tc>, window_params = [{transform_indices = @transform_0, window_bounds = array<i64: 2048, 128>}, {transform_indices = @transform_1, window_bounds = array<i64: 2048, 16>}, {pipeline_mode = #tpu.pipeline_mode<synchronous>, transform_indices = @transform_2, window_bounds = array<i64: 128, 128>}, {pipeline_mode = #tpu.pipeline_mode<synchronous>, transform_indices = @transform_3, window_bounds = array<i64: 1, 128>}, {pipeline_mode = #tpu.pipeline_mode<synchronous>, transform_indices = @transform_4, window_bounds = array<i64: 1, 128>}, {pipeline_mode = #tpu.pipeline_mode<synchronous>, transform_indices = @transform_5, window_bounds = array<i64: 1, 1>}, {transform_indices = @transform_6, window_bounds = array<i64: 2048, 16>}]} {
    %get3A = arith.constant 0 : index
    %get3A_0 = arith.constant 0 : index
    %get3A_1 = vector.load %arg1[%get3A, %get3A_0] : memref<2048x128xf32, #tpu.memory_space<vmem>>, vector<2048x128xf32>
    %get3A_2 = arith.constant 0 : index
    %get3A_3 = arith.constant 0 : index
    %get3A_4 = vector.load %arg3[%get3A_2, %get3A_3] : memref<128x128xf32, #tpu.memory_space<vmem>>, vector<128x128xf32>
    %dot_general3A = arith.constant dense<0.000000e+00> : vector<2048x128xf32>
    %dot_general3A_5 = tpu.matmul %get3A_1, %get3A_4, %dot_general3A {dimension_numbers = #tpu.dot_dimension_numbers<[1], [0], [0], [1], [0, 0, 1, 1], [], []>, transpose_lhs_hint = false} : vector<2048x128xf32>, vector<128x128xf32>, vector<2048x128xf32> -> vector<2048x128xf32>
    %get3A_6 = arith.constant 0 : index
    %get3A_7 = arith.constant 0 : index
    %get3A_8 = vector.load %arg4[%get3A_6, %get3A_7] : memref<1x128xf32, #tpu.memory_space<vmem>>, vector<1x128xf32>
    %add3A = vector.broadcast %get3A_8 : vector<1x128xf32> to vector<2048x128xf32>
    %add3A_9 = arith.addf %dot_general3A_5, %add3A : vector<2048x128xf32>
    %max3A = arith.constant 0.000000e+00 : f32
    %max3A_10 = vector.broadcast %max3A : f32 to vector<2048x128xf32>
    %max3A_11 = arith.maximumf %add3A_9, %max3A_10 : vector<2048x128xf32>
    %abs3A = math.absf %add3A_9 : vector<2048x128xf32>
    %neg3A = arith.constant 0.000000e+00 : f32
    %neg3A_12 = vector.broadcast %neg3A : f32 to vector<2048x128xf32>
    %neg3A_13 = arith.subf %neg3A_12, %abs3A : vector<2048x128xf32>
    %exp3A = math.exp %neg3A_13 : vector<2048x128xf32>
    %log1p3A = math.log1p %exp3A : vector<2048x128xf32>
    %add3A_14 = arith.addf %max3A_11, %log1p3A : vector<2048x128xf32>
    %sub3A = arith.constant 0.693147182 : f32
    %sub3A_15 = vector.broadcast %sub3A : f32 to vector<2048x128xf32>
    %sub3A_16 = arith.subf %add3A_14, %sub3A_15 : vector<2048x128xf32>
    %get3A_17 = arith.constant 0 : index
    %get3A_18 = arith.constant 0 : index
    %get3A_19 = vector.load %arg5[%get3A_17, %get3A_18] : memref<1x128xf32, #tpu.memory_space<vmem>>, vector<1x128xf32>
    %mul3A = vector.broadcast %get3A_19 : vector<1x128xf32> to vector<2048x128xf32>
    %mul3A_20 = arith.mulf %sub3A_16, %mul3A : vector<2048x128xf32>
    %reduce_sum3A = arith.constant dense<0.000000e+00> : vector<2048xf32>
    %reduce_sum3A_21 = vector.multi_reduction <add>, %mul3A_20, %reduce_sum3A [1] : vector<2048x128xf32> to vector<2048xf32>
    %broadcast_in_dim3A = vector.shape_cast %reduce_sum3A_21 : vector<2048xf32> to vector<2048x1xf32>
    %get3A_22 = arith.constant 0 : index
    %get3A_23 = arith.constant 0 : index
    %get3A_24 = vector.load %arg6[%get3A_22, %get3A_23] : memref<1x1xf32, #tpu.memory_space<vmem>>, vector<1x1xf32>
    %add3A_25 = vector.broadcast %get3A_24 : vector<1x1xf32> to vector<2048x1xf32>
    %add3A_26 = arith.addf %broadcast_in_dim3A, %add3A_25 : vector<2048x1xf32>
    %get3A_27 = arith.constant 0 : index
    %get3A_28 = arith.constant 3 : index
    %get3A_29 = vector.load %arg2[%get3A_27, %get3A_28] : memref<2048x16xf32, #tpu.memory_space<vmem>>, vector<2048x3xf32>
    %mul3A_30 = vector.broadcast %add3A_26 : vector<2048x1xf32> to vector<2048x3xf32>
    %mul3A_31 = arith.mulf %mul3A_30, %get3A_29 : vector<2048x3xf32>
    %broadcast_in_dim3A_32 = arith.constant 0.000000e+00 : f32
    %broadcast_in_dim3A_33 = vector.broadcast %broadcast_in_dim3A_32 : f32 to vector<2048x13xf32>
    %concatenate3A = tpu.concatenate %mul3A_31, %broadcast_in_dim3A_33 in 1 : vector<2048x3xf32>, vector<2048x13xf32> -> vector<2048x16xf32>
    %swap3A = arith.constant 0 : index
    %swap3A_34 = arith.constant 0 : index
    %swap3A_35 = vector.load %arg7[%swap3A, %swap3A_34] : memref<2048x16xf32, #tpu.memory_space<vmem>>, vector<2048x16xf32>
    tpu.vector_store %arg7[%swap3A, %swap3A_34], %concatenate3A {strides = array<i32>} : memref<2048x16xf32, #tpu.memory_space<vmem>>, vector<2048x16xf32>,
    return
  }
  func.func @transform_0(%arg0: i32) -> (i32, i32) {
    %c0_i32 = arith.constant 0 : i32
    %c0_i32_0 = arith.constant 0 : i32
    return %arg0, %c0_i32 : i32, i32
  }
  func.func @transform_1(%arg0: i32) -> (i32, i32) {
    %c0_i32 = arith.constant 0 : i32
    %c0_i32_0 = arith.constant 0 : i32
    return %arg0, %c0_i32 : i32, i32
  }
  func.func @transform_2(%arg0: i32) -> (i32, i32) {
    %c0_i32 = arith.constant 0 : i32
    %c0_i32_0 = arith.constant 0 : i32
    %c0_i32_1 = arith.constant 0 : i32
    return %c0_i32, %c0_i32_0 : i32, i32
  }
  func.func @transform_3(%arg0: i32) -> (i32, i32) {
    %c0_i32 = arith.constant 0 : i32
    %c0_i32_0 = arith.constant 0 : i32
    %c0_i32_1 = arith.constant 0 : i32
    return %c0_i32, %c0_i32_0 : i32, i32
  }
  func.func @transform_4(%arg0: i32) -> (i32, i32) {
    %c0_i32 = arith.constant 0 : i32
    %c0_i32_0 = arith.constant 0 : i32
    %c0_i32_1 = arith.constant 0 : i32
    return %c0_i32, %c0_i32_0 : i32, i32
  }
  func.func @transform_5(%arg0: i32) -> (i32, i32) {
    %c0_i32 = arith.constant 0 : i32
    %c0_i32_0 = arith.constant 0 : i32
    %c0_i32_1 = arith.constant 0 : i32
    return %c0_i32, %c0_i32_0 : i32, i32
  }
  func.func @transform_6(%arg0: i32) -> (i32, i32) {
    %c0_i32 = arith.constant 0 : i32
    %c0_i32_0 = arith.constant 0 : i32
    return %arg0, %c0_i32 : i32, i32
  }
}

module attributes {stable_mosaic.version = 14 : i64} {
  func.func @_comb_body(%arg0: i32, %arg1: memref<2x1024x16xf32, #tpu.memory_space<vmem>>, %arg2: memref<1024x16xf32, #tpu.memory_space<vmem>>) attributes {dimension_semantics = [#tpu.dimension_semantics<arbitrary>], iteration_bounds = array<i64: 10>, scalar_prefetch = 0 : i64, scratch_operands = 0 : i64, tpu.core_type = #tpu.core_type<tc>, window_params = [{transform_indices = @transform_0, window_bounds = array<i64: 2, 1024, 16>}, {transform_indices = @transform_1, window_bounds = array<i64: 1024, 16>}]} {
    %get3A = arith.constant 0 : index
    %get3A_0 = arith.constant 0 : index
    %get3A_1 = arith.constant 0 : index
    %get3A_2 = vector.load %arg1[%get3A, %get3A_0, %get3A_1] : memref<2x1024x16xf32, #tpu.memory_space<vmem>>, vector<1x1024x16xf32>
    %get3A_3 = vector.shape_cast %get3A_2 : vector<1x1024x16xf32> to vector<1024x16xf32>
    %get3A_4 = arith.constant 1 : index
    %get3A_5 = arith.constant 0 : index
    %get3A_6 = arith.constant 0 : index
    %get3A_7 = vector.load %arg1[%get3A_4, %get3A_5, %get3A_6] : memref<2x1024x16xf32, #tpu.memory_space<vmem>>, vector<1x1024x16xf32>
    %get3A_8 = vector.shape_cast %get3A_7 : vector<1x1024x16xf32> to vector<1024x16xf32>
    %add3A = arith.addf %get3A_3, %get3A_8 : vector<1024x16xf32>
    %swap3A = arith.constant 0 : index
    %swap3A_9 = arith.constant 0 : index
    %swap3A_10 = vector.load %arg2[%swap3A, %swap3A_9] : memref<1024x16xf32, #tpu.memory_space<vmem>>, vector<1024x16xf32>
    tpu.vector_store %arg2[%swap3A, %swap3A_9], %add3A {strides = array<i32>} : memref<1024x16xf32, #tpu.memory_space<vmem>>, vector<1024x16xf32>,
    return
  }
  func.func @transform_0(%arg0: i32) -> (i32, i32, i32) {
    %c0_i32 = arith.constant 0 : i32
    %c0_i32_0 = arith.constant 0 : i32
    %c0_i32_1 = arith.constant 0 : i32
    return %c0_i32, %arg0, %c0_i32_0 : i32, i32, i32
  }
  func.func @transform_1(%arg0: i32) -> (i32, i32) {
    %c0_i32 = arith.constant 0 : i32
    %c0_i32_0 = arith.constant 0 : i32
    return %arg0, %c0_i32 : i32, i32
  }
}

</mosaic_0001>

<sc_bundles>
// kernel: kernel.14.cloned.1.call-start
scs
__scs_entry_jumppad:
0x0: {  	(pc) =	sbr.rel $0x88, $3  }
0x1: {  	(tag) =	ssettag $0x0;
	lr =	simm.s32 $0x1  }
0x2: {  	[smem:$0x3F86] =	sst lr;
	_ =	strace $0xD0000000  }
0x3: {  	_ = 	snop  }
0x4: {  	_ = 	snop  }
0x5: {  	_ = 	snop  }
0x6: {  	_ = 	snop  }
0x7: {  	_ = 	snop  }
__scs_overlays_trampoline_lowered:
0x8: {  	[smem:$0x3F95] =	sst s0  }
0x9: {  	[smem:$0x3F96] =	sst s1  }
0xa: {  	[smem:$0x3F97] =	sst s2  }
0xb: {  	[smem:$0x3F98] =	sst s3  }
0xc: {  	[smem:$0x3F99] =	sst s4  }
0xd: {  	[smem:$0x3F9A] =	sst s5  }
0xe: {  	[smem:$0x3F9B] =	sst s6  }
0xf: {  	[smem:$0x3F9C] =	sst s7  }
0x10: {  	[smem:$0x3F9D] =	sst s8  }
0x11: {  	[smem:$0x3F9E] =	sst s9;
	s0 =	simm.s32 @!p0 $0x0  }
0x12: {  	s1 =	sld [smem:$0x3F84];
	s0 =	simm.s32 @p0 $0x1  }
0x13: {  	[smem:$0x3F9F] =	sst s0;
	s0 =	simm.s32 @!p1 $0x0  }
0x14: {  	s2 =	sld [smem:$0x3F83];
	s0 =	simm.s32 @p1 $0x1  }
0x15: {  	[smem:$0x3FA0] =	sst s0;
	s0 =	simm.s32 @!p2 $0x0  }
0x16: {  	s3 =	sld [smem:$0x3FDB];
	s0 =	simm.s32 @p2 $0x1  }
0x17: {  	s4 =	simm.s32 $0x1BF5;
	[smem:$0x3FA2] =	sst s0  }
0x18: {  	s0 =	sld [smem:$0x3F85];
	_ =	swait.ge [sflag:s4], $0x0  }
0x19: {  	s7 =	sld [smem:$0x3F86]  }
0x1a: {  	s8 =	sadd.s32 $0xFFFFE003, lr  }
0x1b: {  	s9 =	sadd.s32 $0xFFFFFEF7, lr;
	s5 =	simm.s32 $0xFFFFFFFF;
	p2 =	slt.u32 s8, $0xFFFFF086  }
0x1c: {  	p1 =	slt.u32 s9, $0xF7A;
	s5 =	simm.s32 @!p2 $0x0  }
0x1d: {  	s5 =	simm.s32 @p1 $0x1;
	p0 =	seq.s32 s7, s2  }
0x1e: {  	s7 =	smul.u32 @!p0 $0xF7A, s2;
	p2 =	seq.s32 @!p0 s5, $0x0  }
0x1f: {  	s9 =	smul.u32 $0xF7A, s1;
	s8 =	simm.s32 @!p0 $0x1BF5;
	p2 =	por !p2, p0  }
0x20: {  	[sflag:s8] =	ssyncset.s32 @!p0 $0xFFFFF086;
	s6 =	sadd.s32 @!p0 s3, s7;
	s7 =	simm.s32 @!p0 $0x108  }
0x21: {  	s3 =	sadd.s32 s3, s9;
	s6 =	sadd.s32 @!p0 $0x88, s6;
	s7 =	simm.s32 @p2 $0x1082  }
0x22: {  	[simem:s7], [sflag:s8] =	dma.local @!p0 [hbm:s6], $0xF7A  }
0x23: {  	s9 =	sor.u32 $0xD0000000, s2;
	s6 =	simm.s32 $0x108;
	_ =	swait.ge @!p0 [sflag:s8], $0x0  }
0x24: {  	s3 =	sadd.s32 $0x88, s3;
	s6 =	simm.s32 @!p1 $0x1082;
	[sflag:s4] =	ssyncset.s32 $0xFFFFF086  }
0x25: {  	[simem:s6], [sflag:s4] =	dma.local [hbm:s3], $0xF7A  }
0x26: {  	[smem:$0x3F86] =	sst s1;
	(tag) =	ssettag s2;
	_ =	strace s9  }
0x27: {  	s1 =	sld [smem:$0x3F96]  }
0x28: {  	s2 =	sld [smem:$0x3F97]  }
0x29: {  	s4 =	sld [smem:$0x3F99]  }
0x2a: {  	p0 =	seq.s32 s5, $0x0;
	s5 =	sld [smem:$0x3F9A]  }
0x2b: {  	s6 =	sld [smem:$0x3F9B]  }
0x2c: {  	s7 =	sld [smem:$0x3F9C]  }
0x2d: {  	s3 =	simm.s32 $0x108;
	s8 =	sld [smem:$0x3F9D]  }
0x2e: {  	s3 =	simm.s32 @!p0 $0x1082;
	s9 =	sld [smem:$0x3F9E]  }
0x2f: {  	lr =	sadd.s32 s0, s3;
	s0 =	sld [smem:$0x3F95]  }
0x30: {  	s3 =	sld [smem:$0x3F98]  }
0x31: {  	[smem:$0x3FA1] =	sst s10  }
0x32: {  	s10 =	sld [smem:$0x3F9F];
	_ =	sdelay $0x3  }
0x33: {  	p0 =	seq.s32 s10, $0x1;
	s10 =	sld [smem:$0x3FA1];
	_ =	sdelay $0x3  }
0x34: {  	[smem:$0x3FA1] =	sst s10  }
0x35: {  	s10 =	sld [smem:$0x3FA0];
	_ =	sdelay $0x3  }
0x36: {  	p1 =	seq.s32 s10, $0x1;
	s10 =	sld [smem:$0x3FA1];
	_ =	sdelay $0x3  }
0x37: {  	[smem:$0x3FA1] =	sst s10  }
0x38: {  	s10 =	sld [smem:$0x3FA2]  }
0x39: {  	_ = 	snop;
	(pc) =	sbr.ind lr, $3  }
0x3a: {  	_ = 	snop  }
0x3b: {  	_ = 	snop  }
0x3c: {  	p2 =	seq.s32 s10, $0x1;
	s10 =	sld [smem:$0x3FA1]  }
0x3d: {  	_ =	shalt  }
0x3e: {  	_ =	shalt  }
0x3f: {  	_ =	shalt  }
0x40: {  	_ =	shalt  }
0x41: {  	_ =	shalt  }
0x42: {  	_ =	shalt  }
0x43: {  	_ =	shalt  }
0x44: {  	_ =	shalt  }
0x45: {  	_ =	shalt  }
0x46: {  	_ =	shalt  }
0x47: {  	_ =	shalt  }
0x48: {  	_ =	shalt  }
0x49: {  	_ =	shalt  }
0x4a: {  	_ =	shalt  }
0x4b: {  	_ =	shalt  }
0x4c: {  	_ =	shalt  }
0x4d: {  	_ =	shalt  }
0x4e: {  	_ =	shalt  }
0x4f: {  	_ =	shalt  }
0x50: {  	_ =	shalt  }
0x51: {  	_ =	shalt  }
0x52: {  	_ =	shalt  }
0x53: {  	_ =	shalt  }
0x54: {  	_ =	shalt  }
0x55: {  	_ =	shalt  }
0x56: {  	_ =	shalt  }
0x57: {  	_ =	shalt  }
0x58: {  	_ =	shalt  }
0x59: {  	_ =	shalt  }
0x5a: {  	_ =	shalt  }
0x5b: {  	_ =	shalt  }
0x5c: {  	_ =	shalt  }
0x5d: {  	_ =	shalt  }
0x5e: {  	_ =	shalt  }
0x5f: {  	_ =	shalt  }
0x60: {  	_ =	shalt  }
0x61: {  	_ =	shalt  }
0x62: {  	_ =	shalt  }
0x63: {  	_ =	shalt  }
0x64: {  	_ =	shalt  }
0x65: {  	_ =	shalt  }
0x66: {  	_ =	shalt  }
0x67: {  	_ =	shalt  }
0x68: {  	_ =	shalt  }
0x69: {  	_ =	shalt  }
0x6a: {  	_ =	shalt  }
0x6b: {  	_ =	shalt  }
0x6c: {  	_ =	shalt  }
0x6d: {  	_ =	shalt  }
0x6e: {  	_ =	shalt  }
0x6f: {  	_ =	shalt  }
0x70: {  	_ =	shalt  }
0x71: {  	_ =	shalt  }
0x72: {  	_ =	shalt  }
0x73: {  	_ =	shalt  }
0x74: {  	_ =	shalt  }
0x75: {  	_ =	shalt  }
0x76: {  	_ =	shalt  }
0x77: {  	_ =	shalt  }
0x78: {  	_ =	shalt  }
0x79: {  	_ =	shalt  }
0x7a: {  	_ =	shalt  }
0x7b: {  	_ =	shalt  }
0x7c: {  	_ =	shalt  }
0x7d: {  	_ =	shalt  }
0x7e: {  	_ =	shalt  }
0x7f: {  	_ =	shalt  }
0x80: {  	_ =	shalt  }
0x81: {  	_ =	shalt  }
0x82: {  	_ =	shalt  }
0x83: {  	_ =	shalt  }
0x84: {  	_ =	shalt  }
0x85: {  	_ =	shalt  }
0x86: {  	_ =	shalt  }
0x87: {  	_ =	shalt  }
.Lfunc_end0:
.L_simem_size_0:
called_computation.2_lowered:
.L_overlay_start_0:
0x88: {  	s2 =	sld [smem:$0x3FD9]  }
0x89: {  	s3 =	sld [smem:$0x3FFE];
	_ =	sdelay $0x1  }
0x8a: {  	s1 =	srdreg.scid  }
0x8b: {  	s0 =	sand.u32 $0x1, s1  }
0x8c: {  	s16 =	sshll.u32 s0, $0xA;
	s2 =	sadd.s32 s3, s2  }
0x8d: {  	s2 =	sadd.s32 s2, s16  }
0x8e: {  	[smem:$0x3FAD] =	sst s2  }
0x8f: {  	_ = 	snop  }
0x90: {  	(tm) =	ssettm $0x1  }
0x91: {  	s17 =	sld [smem:$0x3FFB];
	_ =	sdelay $0x3  }
0x92: {  	_ =	strace s17  }
0x93: {  	s2 =	sld [smem:$0x3FFC];
	_ =	sdelay $0x3  }
0x94: {  	_ =	strace s2  }
0x95: {  	s2 =	sld [smem:$0x3FFD];
	_ =	sdelay $0x3  }
0x96: {  	_ =	strace s2  }
0x97: {  	_ =	strace $0x8FFFFFFF  }
0x98: {  	s18 =	sld [smem:$0x3FDB];
	_ =	sdelay $0x1  }
0x99: {  	s19 =	simm.s32 $_scs_section_size  }
0x9a: {  	s4 =	simm.s32 $_size__tile_overlayer_lowered;
	s5 =	simm.s32 $_tile_overlayer_lowered  }
0x9b: {  	s22 =	simm.s32 $0x1BFF;
	s21 =	sshll.u32 s5, $0x1;
	s2 =	sadd.s32 s19, s18  }
0x9c: {  	s6 =	simm.s32 $0x0;
	s20 =	sshll.u32 s4, $0x1;
	s4 =	sadd.s32 s21, s2  }
0x9d: {  	[timem:s6], [sflag:s22] =	dma.local [hbm:s4], s20  }
0x9e: {  	_ =	swait.ge [sflag:s22], s20  }
0x9f: {  	s3 =	ssub.s32 $0x0, s20;
	[sflag:s22] =	ssyncset.done $0x0  }
0xa0: {  	[sflag:s22] =	ssyncadd.s32 s3;
	_ =	sdelay $0x1  }
0xa1: {  	s23 =	simm.s32 $0x1B8B  }
0xa2: {  	_ =	swait.ge [sflag:s23], $0x1  }
0xa3: {  	[sflag:s23] =	ssyncset.done $0x0  }
0xa4: {  	s25 =	simm.s32 $0x1B8E;
	s24 =	sld [smem:$0x3FFE];
	[sflag:s23] =	ssyncadd.s32 $0xFFFFFFFF  }
0xa5: {  	s26 =	simm.s32 $execute0_lowered;
	[smem:$0x3FD2] =	sst s25  }
0xa6: {  	s4 =	sshll.u32 s26, $0x1;
	_ =	strace $0x80000046;
	[dreg:$0x1] =	wrdreg $0xFFFFFFFF  }
0xa7: {  	s28 =	simm.s32 $_size_execute0_lowered;
	s2 =	sadd.s32 s2, s4;
	[dreg:$0x0] =	wrdreg $0x0  }
0xa8: {  	s4 =	sshll.u32 s28, $0x1;
	[dreg:$0x2] =	wrdreg s2  }
0xa9: {  	[dreg:$0x3] =	wrdreg s4  }
0xaa: {  	[dreg:$0x4] =	wrdreg $0xC0  }
0xab: {  	_ =	task [dreg:s6], $0x5FFFF  }
0xac: {  	[dreg:$0x1] =	wrdreg $0xFFFFFFFF  }
0xad: {  	[dreg:$0x0] =	wrdreg $0x60  }
0xae: {  	[dreg:$0x2] =	wrdreg s24  }
0xaf: {  	[dreg:$0x3] =	wrdreg $0x9  }
0xb0: {  	_ =	task.clear_ibuf [dreg:s6], $0x4FFFF;
	_ =	strace $0x90000046  }
0xb1: {  	s29 =	simm.s32 $0x9;
	_ =	strace $0x80000048  }
0xb2: {  	_ =	swait.ge [sflag:s29], $0x1  }
0xb3: {  	[sflag:s29] =	ssyncadd.s32 $0xFFFFFFFF  }
0xb4: {  	_ =	strace $0x90000048  }
0xb5: {  	_ =	sfence  }
0xb6: {  	s30 =	sld [smem:$0x0];
	_ =	sdelay $0x2  }
0xb7: {  	s31 =	sshll.u32 s1, $0xD;
	s1 =	sshrl.u32 s1, $0x2  }
0xb8: {  	s3 =	sand.u32 $0x4000, s31;
	s1 =	sadd.s32 s1, s30  }
0xb9: {  	s0 =	sor.u32 s3, s0;
	s1 =	sshll.u32 s1, $0x11  }
0xba: {  	s0 =	sor.u32 s1, s0  }
0xbb: {  	s0 =	sadd.s32 $0x8F2B, s0  }
0xbc: {  	[sflag:s0] =	ssyncadd.remote.s32 $0x1  }
0xbd: {  	_ =	sfence.sel $0xFFFF  }
0xbe: {  	[dreg:$0x0] =	wrdreg $0xFFFFFFFF;
	(pc) =	sbr.abs _section_cstart, $3  }
0xbf: {  	[dreg:$0x1] =	wrdreg $0xFFFFFFFF  }
0xc0: {  	_ =	task.clear_ibuf [dreg:s6], $0x2FFFF;
	_ =	strace $0x9FFFFFFF  }
0xc1: {  	(tm) =	ssettm $0x7FFFFFFF  }
tec
execute0_lowered:
.L_overlay_start_1:
0x0: {  	(tag) =	ssettag $0x1  }
0x1: {  	s0 =	srdreg.scid  }
0x2: {  	s4 =	stileid.u32;
	s5 =	rddreg [dreg:$0x0]  }
0x3: {  	s2 =	simm.s32 $0x0;
	s16 =	simm.s32 $0x1C00;
	s17 =	simm.s32 $0x2000  }
0x4: {  	s18 =	simm.s32 $0x2800;
	s19 =	simm.s32 $0x2C00;
	s20 =	simm.s32 $0x3400  }
0x5: {  	s21 =	simm.s32 $0x3800;
	s22 =	simm.s32 $0x4000;
	[smem:$0x7FF] =	sst s2  }
0x6: {  	s23 =	simm.s32 $0x4400;
	_ =	strace $0x80000047;
	[dreg:$0x3] =	wrdreg s16  }
0x7: {  	s24 =	simm.s32 $0x4C00;
	s25 =	simm.s32 $0x5000;
	[dreg:$0x4] =	wrdreg s17  }
0x8: {  	s7 =	simm.s32 $0x2;
	s26 =	simm.s32 $0x5800;
	[dreg:$0x5] =	wrdreg s18  }
0x9: {  	s8 =	simm.s32 $0x1400;
	s9 =	simm.s32 $0x5C00;
	[dreg:$0x6] =	wrdreg s19  }
0xa: {  	s10 =	simm.s32 $0x6400;
	s11 =	simm.s32 $0x6800;
	[dreg:$0x7] =	wrdreg s20  }
0xb: {  	s12 =	simm.s32 $0x7000;
	s13 =	simm.s32 $0x7400;
	[dreg:$0x8] =	wrdreg s21  }
0xc: {  	s14 =	simm.s32 $0x7C00;
	s28 =	simm.s32 $0xC800;
	[dreg:$0x9] =	wrdreg s22  }
0xd: {  	s29 =	simm.s32 $0xD000;
	s30 =	simm.s32 $0x1;
	[dreg:$0xa] =	wrdreg s23  }
0xe: {  	s0 =	sand.u32 $0x1, s0;
	s3 =	smul.u32 $0x3C000, s4;
	[dreg:$0xb] =	wrdreg s24  }
0xf: {  	s31 =	simm.s32 $0x0;
	s1 =	smul.u32 $0x3C0000, s0;
	[dreg:$0xc] =	wrdreg s25  }
0x10: {  	s15 =	sshll.u32 s0, $0x4;
	s0 =	ssub.s32 $0x2, s0;
	[dreg:$0xd] =	wrdreg s26  }
0x11: {  	s16 =	simm.s32 $0x8800;
	s17 =	simm.s32 $0x8C00;
	s18 =	simm.s32 $0x9400  }
0x12: {  	s19 =	simm.s32 $0x9800;
	s20 =	simm.s32 $0xA000;
	s21 =	simm.s32 $0xA400  }
0x13: {  	s22 =	simm.s32 $0xAC00;
	s23 =	simm.s32 $0xB000;
	s1 =	sadd.s32 s1, s5  }
0x14: {  	s6 =	sshrl.u32 s0, $0x1;
	s1 =	sadd.s32 s3, s1;
	s3 =	sor.u32 s4, s15  }
0x15: {  	s24 =	simm.s32 $0xB800;
	s0 =	ssub.s32 s0, s6;
	s4 =	smul.u32 $0x280, s3  }
0x16: {  	s25 =	simm.s32 $0xBC00;
	s26 =	simm.s32 $0xC400;
	s0 =	smax.u32 s0, $0x1  }
0x17: {  	v2 =	vlaneseq.u32;
	s1 =	sadd.s32 $0xC6A00, s1;
	[dreg:$0xf] =	wrdreg s0;
	s4 =	sadd.s32 s4, s5  }
0x18: {  	vm0 =	vmmov $0xffff;
	vm1 =	vmmov $0xff;
	v1 =	vshrl.u32 v2, $0x3;
	s15 =	simm.s32 $0x8000;
	[dreg:$0x2] =	wrdreg s1;
	s4 =	sadd.s32 $0x21A00, s4  }
0x19: {  	v0 =	vand.u32 $0x7, v2;
	v2 =	vor.u32 $0x8, v2;
	v1 =	vmul.u32 $0x8, v1;
	s3 =	sadd.s32 $0x4EA00, s5;
	s5 =	sadd.s32 $0x4EB00, s5;
	[dreg:$0xe] =	wrdreg s4  }
.LBB2_1:
0x1a: {  	s0 =	rddreg [dreg:$0xe]  }
0x1b: {  	[tilespmem:s2], [sflag:$0x2] =	stream.linear.gather [hbm4b:s0+s2], $0x1400, $0x38;
	[tilespmem:$0xD400] =	vst v63  }
0x1c: {  	_ =	swait.ge [sflag:s7], $0x1400  }
0x1d: {  	[sflag:s7] =	ssyncset.done $0x0  }
0x1e: {  	s1 =	simm.s32 $0x40;
	s0 =	simm.s32 $0x0;
	[sflag:s7] =	ssyncadd.s32 $0xFFFFEC00  }
.LBB2_2:
0x1f: {  	v3 =	vld [tilespmem:s1+$0xFFFFFFC0];
	_ =	sdelay $0x4  }
0x20: {  	v4 =	vshrl.u32 v3, $0x3  }
0x21: {  	v4 =	vmul.u32 $0x18, v4  }
0x22: {  	v3 =	vand.u32 $0x7, v3  }
0x23: {  	v3 =	vor.u32 v3, v4  }
0x24: {  	v4 =	vperm.xlane v3, v0;
	_ =	sdelay $0x1  }
0x25: {  	v4 =	vadd.s32 v1, v4;
	_ =	sdelay $0x1  }
0x26: {  	v3 =	vperm.xlane v3, v2;
	_ =	sdelay $0x1  }
0x27: {  	v3 =	vadd.s32 v1, v3  }
0x28: {  	[tilespmem:s8], [sflag:$0x1] =	stream.indirect_vreg.gather [hbm4b:s3+s2], $0x80, v4, vm0, $0xb8;
	[tilespmem:$0xD400] =	vst v63  }
0x29: {  	s4 =	rddreg [dreg:$0x3]  }
0x2a: {  	[tilespmem:s4], [sflag:$0x1] =	stream.indirect_vreg.gather [hbm4b:s5+s2], $0x80, v4, vm1, $0xb8;
	[tilespmem:$0xD400] =	vst v63  }
0x2b: {  	s6 =	rddreg [dreg:$0x4]  }
0x2c: {  	[tilespmem:s6], [sflag:$0x1] =	stream.indirect_vreg.gather [hbm4b:s3+s2], $0x80, v3, vm0, $0xb8;
	[tilespmem:$0xD400] =	vst v63  }
0x2d: {  	s4 =	rddreg [dreg:$0x5]  }
0x2e: {  	[tilespmem:s4], [sflag:$0x1] =	stream.indirect_vreg.gather [hbm4b:s5+s2], $0x80, v3, vm1, $0xb8;
	[tilespmem:$0xD400] =	vst v63  }
0x2f: {  	v3 =	vld [tilespmem:s1+$0xFFFFFFD0];
	_ =	sdelay $0x4  }
0x30: {  	v57 =	vshrl.u32 v3, $0x3  }
0x31: {  	v4 =	vmul.u32 $0x18, v57  }
0x32: {  	v3 =	vand.u32 $0x7, v3  }
0x33: {  	v3 =	vor.u32 v3, v4  }
0x34: {  	v4 =	vperm.xlane v3, v0;
	_ =	sdelay $0x1  }
0x35: {  	v4 =	vadd.s32 v1, v4;
	_ =	sdelay $0x1  }
0x36: {  	v3 =	vperm.xlane v3, v2;
	_ =	sdelay $0x1  }
0x37: {  	s4 =	rddreg [dreg:$0x6];
	v3 =	vadd.s32 v1, v3  }
0x38: {  	[tilespmem:s4], [sflag:$0x1] =	stream.indirect_vreg.gather [hbm4b:s3+s2], $0x80, v4, vm0, $0xb8;
	[tilespmem:$0xD400] =	vst v63  }
0x39: {  	s6 =	rddreg [dreg:$0x7]  }
0x3a: {  	[tilespmem:s6], [sflag:$0x1] =	stream.indirect_vreg.gather [hbm4b:s5+s2], $0x80, v4, vm1, $0xb8;
	[tilespmem:$0xD400] =	vst v63  }
0x3b: {  	s4 =	rddreg [dreg:$0x8]  }
0x3c: {  	[tilespmem:s4], [sflag:$0x1] =	stream.indirect_vreg.gather [hbm4b:s3+s2], $0x80, v3, vm0, $0xb8;
	[tilespmem:$0xD400] =	vst v63  }
0x3d: {  	s6 =	rddreg [dreg:$0x9]  }
0x3e: {  	[tilespmem:s6], [sflag:$0x1] =	stream.indirect_vreg.gather [hbm4b:s5+s2], $0x80, v3, vm1, $0xb8;
	[tilespmem:$0xD400] =	vst v63  }
0x3f: {  	v3 =	vld [tilespmem:s1+$0xFFFFFFE0];
	_ =	sdelay $0x4  }
0x40: {  	v58 =	vshrl.u32 v3, $0x3  }
0x41: {  	v4 =	vmul.u32 $0x18, v58  }
0x42: {  	v3 =	vand.u32 $0x7, v3  }
0x43: {  	v3 =	vor.u32 v3, v4  }
0x44: {  	v4 =	vperm.xlane v3, v0;
	_ =	sdelay $0x1  }
0x45: {  	v4 =	vadd.s32 v1, v4;
	_ =	sdelay $0x1  }
0x46: {  	v3 =	vperm.xlane v3, v2;
	_ =	sdelay $0x1  }
0x47: {  	s4 =	rddreg [dreg:$0xa];
	v3 =	vadd.s32 v1, v3  }
0x48: {  	[tilespmem:s4], [sflag:$0x1] =	stream.indirect_vreg.gather [hbm4b:s3+s2], $0x80, v4, vm0, $0xb8;
	[tilespmem:$0xD400] =	vst v63  }
0x49: {  	s6 =	rddreg [dreg:$0xb]  }
0x4a: {  	[tilespmem:s6], [sflag:$0x1] =	stream.indirect_vreg.gather [hbm4b:s5+s2], $0x80, v4, vm1, $0xb8;
	[tilespmem:$0xD400] =	vst v63  }
0x4b: {  	s4 =	rddreg [dreg:$0xc]  }
0x4c: {  	[tilespmem:s4], [sflag:$0x1] =	stream.indirect_vreg.gather [hbm4b:s3+s2], $0x80, v3, vm0, $0xb8;
	[tilespmem:$0xD400] =	vst v63  }
0x4d: {  	s6 =	rddreg [dreg:$0xd]  }
0x4e: {  	[tilespmem:s6], [sflag:$0x1] =	stream.indirect_vreg.gather [hbm4b:s5+s2], $0x80, v3, vm1, $0xb8;
	[tilespmem:$0xD400] =	vst v63  }
0x4f: {  	v3 =	vld [tilespmem:s1+$0xFFFFFFF0];
	_ =	sdelay $0x4  }
0x50: {  	v59 =	vshrl.u32 v3, $0x3  }
0x51: {  	v4 =	vmul.u32 $0x18, v59  }
0x52: {  	v3 =	vand.u32 $0x7, v3  }
0x53: {  	v3 =	vor.u32 v3, v4  }
0x54: {  	v4 =	vperm.xlane v3, v0;
	_ =	sdelay $0x1  }
0x55: {  	v4 =	vadd.s32 v1, v4;
	_ =	sdelay $0x1  }
0x56: {  	v3 =	vperm.xlane v3, v2;
	_ =	sdelay $0x1  }
0x57: {  	v3 =	vadd.s32 v1, v3  }
0x58: {  	[tilespmem:s9], [sflag:$0x1] =	stream.indirect_vreg.gather [hbm4b:s3+s2], $0x80, v4, vm0, $0xb8;
	[tilespmem:$0xD400] =	vst v63  }
0x59: {  	_ = 	snop  }
0x5a: {  	[tilespmem:s10], [sflag:$0x1] =	stream.indirect_vreg.gather [hbm4b:s5+s2], $0x80, v4, vm1, $0xb8;
	[tilespmem:$0xD400] =	vst v63  }
0x5b: {  	_ = 	snop  }
0x5c: {  	[tilespmem:s11], [sflag:$0x1] =	stream.indirect_vreg.gather [hbm4b:s3+s2], $0x80, v3, vm0, $0xb8;
	[tilespmem:$0xD400] =	vst v63  }
0x5d: {  	_ = 	snop  }
0x5e: {  	[tilespmem:s12], [sflag:$0x1] =	stream.indirect_vreg.gather [hbm4b:s5+s2], $0x80, v3, vm1, $0xb8;
	[tilespmem:$0xD400] =	vst v63  }
0x5f: {  	v3 =	vld [tilespmem:s1+$0x0];
	_ =	sdelay $0x4  }
0x60: {  	v60 =	vshrl.u32 v3, $0x3  }
0x61: {  	v4 =	vmul.u32 $0x18, v60  }
0x62: {  	v3 =	vand.u32 $0x7, v3  }
0x63: {  	v3 =	vor.u32 v3, v4  }
0x64: {  	v4 =	vperm.xlane v3, v0;
	_ =	sdelay $0x1  }
0x65: {  	v4 =	vadd.s32 v1, v4;
	_ =	sdelay $0x1  }
0x66: {  	v3 =	vperm.xlane v3, v2;
	_ =	sdelay $0x1  }
0x67: {  	v3 =	vadd.s32 v1, v3  }
0x68: {  	[tilespmem:s13], [sflag:$0x1] =	stream.indirect_vreg.gather [hbm4b:s3+s2], $0x80, v4, vm0, $0xb8;
	[tilespmem:$0xD400] =	vst v63  }
0x69: {  	_ = 	snop  }
0x6a: {  	[tilespmem:s14], [sflag:$0x1] =	stream.indirect_vreg.gather [hbm4b:s5+s2], $0x80, v4, vm1, $0xb8;
	[tilespmem:$0xD400] =	vst v63  }
0x6b: {  	_ = 	snop  }
0x6c: {  	[tilespmem:s15], [sflag:$0x1] =	stream.indirect_vreg.gather [hbm4b:s3+s2], $0x80, v3, vm0, $0xb8;
	[tilespmem:$0xD400] =	vst v63  }
0x6d: {  	_ = 	snop  }
0x6e: {  	[tilespmem:s16], [sflag:$0x1] =	stream.indirect_vreg.gather [hbm4b:s5+s2], $0x80, v3, vm1, $0xb8;
	[tilespmem:$0xD400] =	vst v63  }
0x6f: {  	v3 =	vld [tilespmem:s1+$0x10];
	_ =	sdelay $0x4  }
0x70: {  	v61 =	vshrl.u32 v3, $0x3  }
0x71: {  	v4 =	vmul.u32 $0x18, v61  }
0x72: {  	v3 =	vand.u32 $0x7, v3  }
0x73: {  	v3 =	vor.u32 v3, v4  }
0x74: {  	v4 =	vperm.xlane v3, v0;
	_ =	sdelay $0x1  }
0x75: {  	v4 =	vadd.s32 v1, v4;
	_ =	sdelay $0x1  }
0x76: {  	v3 =	vperm.xlane v3, v2;
	_ =	sdelay $0x1  }
0x77: {  	v3 =	vadd.s32 v1, v3  }
0x78: {  	[tilespmem:s17], [sflag:$0x1] =	stream.indirect_vreg.gather [hbm4b:s3+s2], $0x80, v4, vm0, $0xb8;
	[tilespmem:$0xD400] =	vst v63  }
0x79: {  	_ = 	snop  }
0x7a: {  	[tilespmem:s18], [sflag:$0x1] =	stream.indirect_vreg.gather [hbm4b:s5+s2], $0x80, v4, vm1, $0xb8;
	[tilespmem:$0xD400] =	vst v63  }
0x7b: {  	_ = 	snop  }
0x7c: {  	[tilespmem:s19], [sflag:$0x1] =	stream.indirect_vreg.gather [hbm4b:s3+s2], $0x80, v3, vm0, $0xb8;
	[tilespmem:$0xD400] =	vst v63  }
0x7d: {  	_ = 	snop  }
0x7e: {  	[tilespmem:s20], [sflag:$0x1] =	stream.indirect_vreg.gather [hbm4b:s5+s2], $0x80, v3, vm1, $0xb8;
	[tilespmem:$0xD400] =	vst v63  }
0x7f: {  	v3 =	vld [tilespmem:s1+$0x20];
	_ =	sdelay $0x4  }
0x80: {  	v62 =	vshrl.u32 v3, $0x3  }
0x81: {  	v4 =	vmul.u32 $0x18, v62  }
0x82: {  	v3 =	vand.u32 $0x7, v3  }
0x83: {  	v3 =	vor.u32 v3, v4  }
0x84: {  	v4 =	vperm.xlane v3, v0;
	_ =	sdelay $0x1  }
0x85: {  	v4 =	vadd.s32 v1, v4;
	_ =	sdelay $0x1  }
0x86: {  	v3 =	vperm.xlane v3, v2;
	_ =	sdelay $0x1  }
0x87: {  	v3 =	vadd.s32 v1, v3  }
0x88: {  	[tilespmem:s21], [sflag:$0x1] =	stream.indirect_vreg.gather [hbm4b:s3+s2], $0x80, v4, vm0, $0xb8;
	[tilespmem:$0xD400] =	vst v63  }
0x89: {  	_ = 	snop  }
0x8a: {  	[tilespmem:s22], [sflag:$0x1] =	stream.indirect_vreg.gather [hbm4b:s5+s2], $0x80, v4, vm1, $0xb8;
	[tilespmem:$0xD400] =	vst v63  }
0x8b: {  	_ = 	snop  }
0x8c: {  	[tilespmem:s23], [sflag:$0x1] =	stream.indirect_vreg.gather [hbm4b:s3+s2], $0x80, v3, vm0, $0xb8;
	[tilespmem:$0xD400] =	vst v63  }
0x8d: {  	_ = 	snop  }
0x8e: {  	[tilespmem:s24], [sflag:$0x1] =	stream.indirect_vreg.gather [hbm4b:s5+s2], $0x80, v3, vm1, $0xb8;
	[tilespmem:$0xD400] =	vst v63  }
0x8f: {  	v3 =	vld [tilespmem:s1+$0x30];
	_ =	sdelay $0x4  }
0x90: {  	v63 =	vshrl.u32 v3, $0x3  }
0x91: {  	v4 =	vmul.u32 $0x18, v63  }
0x92: {  	v3 =	vand.u32 $0x7, v3  }
0x93: {  	v3 =	vor.u32 v3, v4  }
0x94: {  	v4 =	vperm.xlane v3, v0;
	_ =	sdelay $0x1  }
0x95: {  	v4 =	vadd.s32 v1, v4;
	_ =	sdelay $0x1  }
0x96: {  	v3 =	vperm.xlane v3, v2;
	_ =	sdelay $0x1  }
0x97: {  	v3 =	vadd.s32 v1, v3  }
0x98: {  	[tilespmem:s25], [sflag:$0x1] =	stream.indirect_vreg.gather [hbm4b:s3+s2], $0x80, v4, vm0, $0xb8;
	[tilespmem:$0xD400] =	vst v63  }
0x99: {  	_ = 	snop  }
0x9a: {  	[tilespmem:s26], [sflag:$0x1] =	stream.indirect_vreg.gather [hbm4b:s5+s2], $0x80, v4, vm1, $0xb8;
	[tilespmem:$0xD400] =	vst v63  }
0x9b: {  	_ = 	snop  }
0x9c: {  	[tilespmem:s28], [sflag:$0x1] =	stream.indirect_vreg.gather [hbm4b:s3+s2], $0x80, v3, vm0, $0xb8;
	[tilespmem:$0xD400] =	vst v63  }
0x9d: {  	_ = 	snop  }
0x9e: {  	[tilespmem:s29], [sflag:$0x1] =	stream.indirect_vreg.gather [hbm4b:s5+s2], $0x80, v3, vm1, $0xb8;
	[tilespmem:$0xD400] =	vst v63  }
0x9f: {  	_ =	swait.ge [sflag:s30], $0xC000  }
0xa0: {  	p0 =	sne.s32 s0, $0x3A800;
	s6 =	rddreg [dreg:$0x2];
	[sflag:s30] =	ssyncset.done $0x0  }
.Ltmp0:
0xa1: {  	[sflag:s30] =	ssyncadd.s32 $0xFFFF4000;
	s4 =	sadd.s32 s0, s6;
	(pc) =	sbr.rel @p0 .LBB2_2-.Ltmp0, $4  }
0xa2: {  	[hbm4b:s4+s2] =	stream.linear.scatter [tilespmem:s8], [sflag:$0x2], $0xC000, $0x38;
	[tilespmem:$0xD400] =	vst v63  }
0xa3: {  	_ =	swait.ge [sflag:s7], $0xC000  }
0xa4: {  	[sflag:s7] =	ssyncset.done $0x0  }
0xa5: {  	s1 =	sadd.s32 $0x80, s1;
	s0 =	sadd.s32 $0x1800, s0;
	[sflag:s7] =	ssyncadd.s32 $0xFFFF4000  }
0xa6: {  	s31 =	sadd.s32 $0x1, s31;
	s0 =	rddreg [dreg:$0xf]  }
0xa7: {  	p0 =	sne.s32 s31, s0  }
.Ltmp1:
0xa8: {  	_ = 	snop;
	(pc) =	sbr.rel @p0 .LBB2_1-.Ltmp1, $1  }
0xa9: {  	_ =	sdelay $0x3  }
0xaa: {  	_ =	sfence.sel $0x180000  }
0xab: {  	[bflag:$0x0] =	sbarrier.arrive $0xFFFF  }
0xac: {  	_ =	strace $0x90000047  }
0xad: {  	s0 =	stileid.u32;
	[bflag:$0x2] =	sbarrier.arrive $0xFFFF  }
0xae: {  	p0 =	sne.s32 s0, $0x0;
	s0 =	rddreg [dreg:$0x1]  }
0xaf: {  	s0 =	sadd.s32 @!p0 $0x100000, s0  }
0xb0: {  	[sflag:s0] =	ssyncadd.tile.s32 @!p0 $0x1;
	_ =	shalt  }
.Lfunc_end2:
_tile_overlayer_lowered:
.L_overlay_start_2:
0xb1: {  	(tag) =	ssettag $0x2  }
0xb2: {  	s0 =	rddreg [dreg:$0x0];
	s2 =	stileid.u32  }
0xb3: {  	s1 =	rddreg [dreg:$0x1];
	p0 =	sne.s32 s2, $0x0  }
0xb4: {  	s3 =	rddreg [dreg:$0x2];
	[bflag:$0x3] =	sbarrier.arrive $0xFFFF;
	s2 =	simm.s32 @!p0 $0x1C02  }
0xb5: {  	[timem:s3], [sflag:s2] =	dma.local @!p0 [hbm:s0], s1  }
0xb6: {  	s0 =	simm.s32 @!p0 $0x2  }
0xb7: {  	_ =	swait.ge @!p0 [sflag:s0], s1  }
0xb8: {  	s1 =	ssub.s32 @!p0 $0x0, s1;
	[sflag:s0] =	ssyncset.done @!p0 $0x0  }
0xb9: {  	[sflag:s0] =	ssyncadd.s32 @!p0 s1  }
0xba: {  	[bflag:$0x3] =	sbarrier.arrive $0xFFFF  }
0xbb: {  	_ =	shalt  }

// kernel: kernel.17.cloned.1.call-start
scs
__scs_entry_jumppad:
0x0: {  	(pc) =	sbr.rel $0x88, $3  }
0x1: {  	(tag) =	ssettag $0x0;
	lr =	simm.s32 $0x1  }
0x2: {  	[smem:$0x3F86] =	sst lr;
	_ =	strace $0xD0000000  }
0x3: {  	_ = 	snop  }
0x4: {  	_ = 	snop  }
0x5: {  	_ = 	snop  }
0x6: {  	_ = 	snop  }
0x7: {  	_ = 	snop  }
__scs_overlays_trampoline_lowered:
0x8: {  	[smem:$0x3F95] =	sst s0  }
0x9: {  	[smem:$0x3F96] =	sst s1  }
0xa: {  	[smem:$0x3F97] =	sst s2  }
0xb: {  	[smem:$0x3F98] =	sst s3  }
0xc: {  	[smem:$0x3F99] =	sst s4  }
0xd: {  	[smem:$0x3F9A] =	sst s5  }
0xe: {  	[smem:$0x3F9B] =	sst s6  }
0xf: {  	[smem:$0x3F9C] =	sst s7  }
0x10: {  	[smem:$0x3F9D] =	sst s8  }
0x11: {  	[smem:$0x3F9E] =	sst s9;
	s0 =	simm.s32 @!p0 $0x0  }
0x12: {  	s1 =	sld [smem:$0x3F84];
	s0 =	simm.s32 @p0 $0x1  }
0x13: {  	[smem:$0x3F9F] =	sst s0;
	s0 =	simm.s32 @!p1 $0x0  }
0x14: {  	s2 =	sld [smem:$0x3F83];
	s0 =	simm.s32 @p1 $0x1  }
0x15: {  	[smem:$0x3FA0] =	sst s0;
	s0 =	simm.s32 @!p2 $0x0  }
0x16: {  	s3 =	sld [smem:$0x3FDB];
	s0 =	simm.s32 @p2 $0x1  }
0x17: {  	s4 =	simm.s32 $0x1BF5;
	[smem:$0x3FA2] =	sst s0  }
0x18: {  	s0 =	sld [smem:$0x3F85];
	_ =	swait.ge [sflag:s4], $0x0  }
0x19: {  	s7 =	sld [smem:$0x3F86]  }
0x1a: {  	s8 =	sadd.s32 $0xFFFFE003, lr  }
0x1b: {  	s9 =	sadd.s32 $0xFFFFFEF7, lr;
	s5 =	simm.s32 $0xFFFFFFFF;
	p2 =	slt.u32 s8, $0xFFFFF086  }
0x1c: {  	p1 =	slt.u32 s9, $0xF7A;
	s5 =	simm.s32 @!p2 $0x0  }
0x1d: {  	s5 =	simm.s32 @p1 $0x1;
	p0 =	seq.s32 s7, s2  }
0x1e: {  	s7 =	smul.u32 @!p0 $0xF7A, s2;
	p2 =	seq.s32 @!p0 s5, $0x0  }
0x1f: {  	s9 =	smul.u32 $0xF7A, s1;
	s8 =	simm.s32 @!p0 $0x1BF5;
	p2 =	por !p2, p0  }
0x20: {  	[sflag:s8] =	ssyncset.s32 @!p0 $0xFFFFF086;
	s6 =	sadd.s32 @!p0 s3, s7;
	s7 =	simm.s32 @!p0 $0x108  }
0x21: {  	s3 =	sadd.s32 s3, s9;
	s6 =	sadd.s32 @!p0 $0x88, s6;
	s7 =	simm.s32 @p2 $0x1082  }
0x22: {  	[simem:s7], [sflag:s8] =	dma.local @!p0 [hbm:s6], $0xF7A  }
0x23: {  	s9 =	sor.u32 $0xD0000000, s2;
	s6 =	simm.s32 $0x108;
	_ =	swait.ge @!p0 [sflag:s8], $0x0  }
0x24: {  	s3 =	sadd.s32 $0x88, s3;
	s6 =	simm.s32 @!p1 $0x1082;
	[sflag:s4] =	ssyncset.s32 $0xFFFFF086  }
0x25: {  	[simem:s6], [sflag:s4] =	dma.local [hbm:s3], $0xF7A  }
0x26: {  	[smem:$0x3F86] =	sst s1;
	(tag) =	ssettag s2;
	_ =	strace s9  }
0x27: {  	s1 =	sld [smem:$0x3F96]  }
0x28: {  	s2 =	sld [smem:$0x3F97]  }
0x29: {  	s4 =	sld [smem:$0x3F99]  }
0x2a: {  	p0 =	seq.s32 s5, $0x0;
	s5 =	sld [smem:$0x3F9A]  }
0x2b: {  	s6 =	sld [smem:$0x3F9B]  }
0x2c: {  	s7 =	sld [smem:$0x3F9C]  }
0x2d: {  	s3 =	simm.s32 $0x108;
	s8 =	sld [smem:$0x3F9D]  }
0x2e: {  	s3 =	simm.s32 @!p0 $0x1082;
	s9 =	sld [smem:$0x3F9E]  }
0x2f: {  	lr =	sadd.s32 s0, s3;
	s0 =	sld [smem:$0x3F95]  }
0x30: {  	s3 =	sld [smem:$0x3F98]  }
0x31: {  	[smem:$0x3FA1] =	sst s10  }
0x32: {  	s10 =	sld [smem:$0x3F9F];
	_ =	sdelay $0x3  }
0x33: {  	p0 =	seq.s32 s10, $0x1;
	s10 =	sld [smem:$0x3FA1];
	_ =	sdelay $0x3  }
0x34: {  	[smem:$0x3FA1] =	sst s10  }
0x35: {  	s10 =	sld [smem:$0x3FA0];
	_ =	sdelay $0x3  }
0x36: {  	p1 =	seq.s32 s10, $0x1;
	s10 =	sld [smem:$0x3FA1];
	_ =	sdelay $0x3  }
0x37: {  	[smem:$0x3FA1] =	sst s10  }
0x38: {  	s10 =	sld [smem:$0x3FA2]  }
0x39: {  	_ = 	snop;
	(pc) =	sbr.ind lr, $3  }
0x3a: {  	_ = 	snop  }
0x3b: {  	_ = 	snop  }
0x3c: {  	p2 =	seq.s32 s10, $0x1;
	s10 =	sld [smem:$0x3FA1]  }
0x3d: {  	_ =	shalt  }
0x3e: {  	_ =	shalt  }
0x3f: {  	_ =	shalt  }
0x40: {  	_ =	shalt  }
0x41: {  	_ =	shalt  }
0x42: {  	_ =	shalt  }
0x43: {  	_ =	shalt  }
0x44: {  	_ =	shalt  }
0x45: {  	_ =	shalt  }
0x46: {  	_ =	shalt  }
0x47: {  	_ =	shalt  }
0x48: {  	_ =	shalt  }
0x49: {  	_ =	shalt  }
0x4a: {  	_ =	shalt  }
0x4b: {  	_ =	shalt  }
0x4c: {  	_ =	shalt  }
0x4d: {  	_ =	shalt  }
0x4e: {  	_ =	shalt  }
0x4f: {  	_ =	shalt  }
0x50: {  	_ =	shalt  }
0x51: {  	_ =	shalt  }
0x52: {  	_ =	shalt  }
0x53: {  	_ =	shalt  }
0x54: {  	_ =	shalt  }
0x55: {  	_ =	shalt  }
0x56: {  	_ =	shalt  }
0x57: {  	_ =	shalt  }
0x58: {  	_ =	shalt  }
0x59: {  	_ =	shalt  }
0x5a: {  	_ =	shalt  }
0x5b: {  	_ =	shalt  }
0x5c: {  	_ =	shalt  }
0x5d: {  	_ =	shalt  }
0x5e: {  	_ =	shalt  }
0x5f: {  	_ =	shalt  }
0x60: {  	_ =	shalt  }
0x61: {  	_ =	shalt  }
0x62: {  	_ =	shalt  }
0x63: {  	_ =	shalt  }
0x64: {  	_ =	shalt  }
0x65: {  	_ =	shalt  }
0x66: {  	_ =	shalt  }
0x67: {  	_ =	shalt  }
0x68: {  	_ =	shalt  }
0x69: {  	_ =	shalt  }
0x6a: {  	_ =	shalt  }
0x6b: {  	_ =	shalt  }
0x6c: {  	_ =	shalt  }
0x6d: {  	_ =	shalt  }
0x6e: {  	_ =	shalt  }
0x6f: {  	_ =	shalt  }
0x70: {  	_ =	shalt  }
0x71: {  	_ =	shalt  }
0x72: {  	_ =	shalt  }
0x73: {  	_ =	shalt  }
0x74: {  	_ =	shalt  }
0x75: {  	_ =	shalt  }
0x76: {  	_ =	shalt  }
0x77: {  	_ =	shalt  }
0x78: {  	_ =	shalt  }
0x79: {  	_ =	shalt  }
0x7a: {  	_ =	shalt  }
0x7b: {  	_ =	shalt  }
0x7c: {  	_ =	shalt  }
0x7d: {  	_ =	shalt  }
0x7e: {  	_ =	shalt  }
0x7f: {  	_ =	shalt  }
0x80: {  	_ =	shalt  }
0x81: {  	_ =	shalt  }
0x82: {  	_ =	shalt  }
0x83: {  	_ =	shalt  }
0x84: {  	_ =	shalt  }
0x85: {  	_ =	shalt  }
0x86: {  	_ =	shalt  }
0x87: {  	_ =	shalt  }
.Lfunc_end0:
.L_simem_size_0:
called_computation.3_lowered:
.L_overlay_start_0:
0x88: {  	s2 =	sld [smem:$0x3FD9]  }
0x89: {  	s3 =	sld [smem:$0x3FFE];
	_ =	sdelay $0x1  }
0x8a: {  	s1 =	srdreg.scid  }
0x8b: {  	s0 =	sand.u32 $0x1, s1  }
0x8c: {  	s16 =	sshll.u32 s0, $0xA;
	s2 =	sadd.s32 s3, s2  }
0x8d: {  	s2 =	sadd.s32 s2, s16  }
0x8e: {  	[smem:$0x3FAD] =	sst s2  }
0x8f: {  	_ = 	snop  }
0x90: {  	(tm) =	ssettm $0x1  }
0x91: {  	s17 =	sld [smem:$0x3FFB];
	_ =	sdelay $0x3  }
0x92: {  	_ =	strace s17  }
0x93: {  	s2 =	sld [smem:$0x3FFC];
	_ =	sdelay $0x3  }
0x94: {  	_ =	strace s2  }
0x95: {  	s2 =	sld [smem:$0x3FFD];
	_ =	sdelay $0x3  }
0x96: {  	_ =	strace s2  }
0x97: {  	_ =	strace $0x8FFFFFFF  }
0x98: {  	s18 =	sld [smem:$0x3FDB];
	_ =	sdelay $0x1  }
0x99: {  	s19 =	simm.s32 $_scs_section_size  }
0x9a: {  	s4 =	simm.s32 $_size__tile_overlayer_lowered;
	s5 =	simm.s32 $_tile_overlayer_lowered  }
0x9b: {  	s22 =	simm.s32 $0x1BFF;
	s21 =	sshll.u32 s5, $0x1;
	s2 =	sadd.s32 s19, s18  }
0x9c: {  	s6 =	simm.s32 $0x0;
	s20 =	sshll.u32 s4, $0x1;
	s4 =	sadd.s32 s21, s2  }
0x9d: {  	[timem:s6], [sflag:s22] =	dma.local [hbm:s4], s20  }
0x9e: {  	_ =	swait.ge [sflag:s22], s20  }
0x9f: {  	s3 =	ssub.s32 $0x0, s20;
	[sflag:s22] =	ssyncset.done $0x0  }
0xa0: {  	[sflag:s22] =	ssyncadd.s32 s3;
	_ =	sdelay $0x1  }
0xa1: {  	s23 =	simm.s32 $0x1B8B  }
0xa2: {  	_ =	swait.ge [sflag:s23], $0x1  }
0xa3: {  	[sflag:s23] =	ssyncset.done $0x0  }
0xa4: {  	s25 =	simm.s32 $0x1B8E;
	s24 =	sld [smem:$0x3FFE];
	[sflag:s23] =	ssyncadd.s32 $0xFFFFFFFF  }
0xa5: {  	s26 =	simm.s32 $execute0_lowered;
	[smem:$0x3FD2] =	sst s25  }
0xa6: {  	s4 =	sshll.u32 s26, $0x1;
	_ =	strace $0x80000049;
	[dreg:$0x1] =	wrdreg $0xFFFFFFFF  }
0xa7: {  	s28 =	simm.s32 $_size_execute0_lowered;
	s2 =	sadd.s32 s2, s4;
	[dreg:$0x0] =	wrdreg $0x0  }
0xa8: {  	s4 =	sshll.u32 s28, $0x1;
	[dreg:$0x2] =	wrdreg s2  }
0xa9: {  	[dreg:$0x3] =	wrdreg s4  }
0xaa: {  	[dreg:$0x4] =	wrdreg $0xC0  }
0xab: {  	_ =	task [dreg:s6], $0x5FFFF  }
0xac: {  	[dreg:$0x1] =	wrdreg $0xFFFFFFFF  }
0xad: {  	[dreg:$0x0] =	wrdreg $0x60  }
0xae: {  	[dreg:$0x2] =	wrdreg s24  }
0xaf: {  	[dreg:$0x3] =	wrdreg $0x54000  }
0xb0: {  	[dreg:$0x4] =	wrdreg $0x9  }
0xb1: {  	_ =	task.clear_ibuf [dreg:s6], $0x5FFFF;
	_ =	strace $0x90000049  }
0xb2: {  	s29 =	simm.s32 $0x9;
	_ =	strace $0x8000004B  }
0xb3: {  	_ =	swait.ge [sflag:s29], $0x1  }
0xb4: {  	[sflag:s29] =	ssyncadd.s32 $0xFFFFFFFF  }
0xb5: {  	_ =	strace $0x9000004B  }
0xb6: {  	_ =	sfence  }
0xb7: {  	s30 =	sld [smem:$0x0];
	_ =	sdelay $0x2  }
0xb8: {  	s31 =	sshll.u32 s1, $0xD;
	s1 =	sshrl.u32 s1, $0x2  }
0xb9: {  	s3 =	sand.u32 $0x4000, s31;
	s1 =	sadd.s32 s1, s30  }
0xba: {  	s0 =	sor.u32 s3, s0;
	s1 =	sshll.u32 s1, $0x11  }
0xbb: {  	s0 =	sor.u32 s1, s0  }
0xbc: {  	s0 =	sadd.s32 $0x8F2B, s0  }
0xbd: {  	[sflag:s0] =	ssyncadd.remote.s32 $0x1  }
0xbe: {  	_ =	sfence.sel $0xFFFF  }
0xbf: {  	[dreg:$0x0] =	wrdreg $0xFFFFFFFF;
	(pc) =	sbr.abs _section_cstart, $3  }
0xc0: {  	[dreg:$0x1] =	wrdreg $0xFFFFFFFF  }
0xc1: {  	_ =	task.clear_ibuf [dreg:s6], $0x2FFFF;
	_ =	strace $0x9FFFFFFF  }
0xc2: {  	(tm) =	ssettm $0x7FFFFFFF  }
0xc3: {  	_ =	shalt  }
tec
execute0_lowered:
.L_overlay_start_1:
0x0: {  	(tag) =	ssettag $0x1  }
0x1: {  	s0 =	srdreg.scid;
	s6 =	rddreg [dreg:$0x0]  }
0x2: {  	s2 =	rddreg [dreg:$0x1];
	s5 =	sand.u32 $0x1, s0  }
0x3: {  	s3 =	simm.s32 $0x0;
	s20 =	simm.s32 $0x1;
	s4 =	smul.u32 $0x140000, s5  }
0x4: {  	s21 =	simm.s32 $0x1400;
	s0 =	stileid.u32;
	s8 =	smul.u32 $0x500000, s5  }
0x5: {  	[smem:$0x7FF] =	sst s3;
	s1 =	sshll.u32 s5, $0x4;
	s15 =	smul.u32 $0x14000, s0  }
0x6: {  	s9 =	smul.u32 $0x50000, s0;
	s11 =	ssub.s32 $0x2, s5;
	s1 =	sor.u32 s0, s1  }
0x7: {  	s12 =	sshrl.u32 s11, $0x1;
	s7 =	smul.u32 $0x280, s1;
	s1 =	rddreg [dreg:$0x2]  }
0x8: {  	_ =	strace $0x8000004A;
	s16 =	sadd.s32 s4, s6;
	s8 =	sadd.s32 s15, s8  }
0x9: {  	s4 =	sadd.s32 $0xBC00, s6;
	s9 =	sshrl.u32 s9, $0x2;
	s17 =	ssub.s32 s11, s12  }
0xa: {  	s8 =	sshrl.u32 s8, $0x3;
	s5 =	sadd.s32 s9, s2;
	s19 =	sadd.s32 s15, s16  }
0xb: {  	s15 =	smax.u32 s17, $0x1;
	s14 =	sadd.s32 s8, s6;
	s8 =	sadd.s32 $0x8000, s5  }
0xc: {  	s9 =	sadd.s32 $0xC000, s5;
	s10 =	sadd.s32 $0x10000, s5;
	s16 =	sadd.s32 $0x846A00, s19  }
0xd: {  	s7 =	sadd.s32 s7, s6;
	s17 =	sadd.s32 $0xAC6A00, s19;
	s18 =	sadd.s32 $0x14C6A00, s19  }
0xe: {  	s19 =	sadd.s32 $0x1746A00, s19;
	s6 =	sadd.s32 $0x1CA00, s7;
	s7 =	sadd.s32 $0x4000, s5  }
0xf: {  	s22 =	simm.s32 $0x80;
	s11 =	sadd.s32 $0xD46A00, s14;
	s12 =	sadd.s32 $0xD6EA00, s14  }
0x10: {  	s23 =	simm.s32 $0x0;
	s13 =	sadd.s32 $0xD96A00, s14;
	s14 =	sadd.s32 $0xDBEA00, s14  }
.LBB2_1:
0x11: {  	[tilespmem:s3], [sflag:$0x1] =	stream.linear.gather [hbm4b:s6+s3], $0x1400, $0x38;
	[tilespmem:$0x19400] =	vst v63  }
0x12: {  	_ =	swait.ge [sflag:s20], $0x1400  }
0x13: {  	[sflag:s20] =	ssyncset.done $0x0  }
0x14: {  	[sflag:s20] =	ssyncadd.s32 $0xFFFFEC00  }
0x15: {  	[tilespmem:s21], [sflag:$0x1] =	stream.linear.gather [hbm4b:s4+s3], $0x4000, $0x38;
	[tilespmem:$0x19400] =	vst v63  }
0x16: {  	_ =	swait.ge [sflag:s20], $0x4000  }
0x17: {  	[sflag:s20] =	ssyncset.done $0x0  }
0x18: {  	[sflag:s20] =	ssyncadd.s32 $0xFFFFC000  }
0x19: {  	[spmem:s5] =	stream.linear.scatter [tilespmem:s21], [sflag:$0x1], $0x4000, $0x38;
	[tilespmem:$0x19400] =	vst v63  }
0x1a: {  	_ =	swait.ge [sflag:s20], $0x4000  }
0x1b: {  	[sflag:s20] =	ssyncset.done $0x0  }
0x1c: {  	[sflag:s20] =	ssyncadd.s32 $0xFFFFC000  }
0x1d: {  	[spmem:s7] =	stream.linear.scatter [tilespmem:s21], [sflag:$0x1], $0x4000, $0x38;
	[tilespmem:$0x19400] =	vst v63  }
0x1e: {  	_ =	swait.ge [sflag:s20], $0x4000  }
0x1f: {  	[sflag:s20] =	ssyncset.done $0x0  }
0x20: {  	[sflag:s20] =	ssyncadd.s32 $0xFFFFC000  }
0x21: {  	[spmem:s8] =	stream.linear.scatter [tilespmem:s21], [sflag:$0x1], $0x4000, $0x38;
	[tilespmem:$0x19400] =	vst v63  }
0x22: {  	_ =	swait.ge [sflag:s20], $0x4000  }
0x23: {  	[sflag:s20] =	ssyncset.done $0x0  }
0x24: {  	[sflag:s20] =	ssyncadd.s32 $0xFFFFC000  }
0x25: {  	[spmem:s9] =	stream.linear.scatter [tilespmem:s21], [sflag:$0x1], $0x4000, $0x38;
	[tilespmem:$0x19400] =	vst v63  }
0x26: {  	_ =	swait.ge [sflag:s20], $0x4000  }
0x27: {  	[sflag:s20] =	ssyncset.done $0x0  }
0x28: {  	[sflag:s20] =	ssyncadd.s32 $0xFFFFC000  }
0x29: {  	[spmem:s10] =	stream.linear.scatter [tilespmem:s21], [sflag:$0x1], $0x4000, $0x38;
	[tilespmem:$0x19400] =	vst v63  }
0x2a: {  	_ =	swait.ge [sflag:s20], $0x4000  }
0x2b: {  	[sflag:s20] =	ssyncset.done $0x0  }
0x2c: {  	[sflag:s20] =	ssyncadd.s32 $0xFFFFC000  }
0x2d: {  	[bflag:$0x0] =	sbarrier.arrive $0xFFFF  }
0x2e: {  	[tilespmem:s21], [sflag:$0x1] =	stream.linear.gather [hbm4b:s16+s3], $0x4000, $0x38;
	[tilespmem:$0x19400] =	vst v63  }
0x2f: {  	_ =	swait.ge [sflag:s20], $0x4000  }
0x30: {  	[sflag:s20] =	ssyncset.done $0x0  }
0x31: {  	s24 =	simm.s32 $0x0;
	[sflag:s20] =	ssyncadd.s32 $0xFFFFC000  }
0x32: {  	[spmem:s2] =	stream.indirect.scatter.add.f32 [tilespmem:s21], [sflag:$0x1], $0x80, s24, s22, $0xb8;
	[tilespmem:$0x19400] =	vst v63  }
0x33: {  	_ =	swait.ge [sflag:s20], $0x4000  }
0x34: {  	s25 =	smov.u32 s16;
	s24 =	simm.s32 $0x200;
	[sflag:s20] =	ssyncset.done $0x0  }
.LBB2_2:
0x35: {  	p0 =	sne.s32 s24, $0x4E00;
	[sflag:s20] =	ssyncadd.s32 $0xFFFFC000;
	s25 =	sadd.s32 $0x800, s25  }
0x36: {  	[tilespmem:s21], [sflag:$0x1] =	stream.linear.gather [hbm4b:s25+s3], $0x4000, $0x38;
	[tilespmem:$0x19400] =	vst v63  }
0x37: {  	s26 =	smov.u32 s24;
	s24 =	sadd.s32 $0x200, s24;
	_ =	swait.ge [sflag:s20], $0x4000  }
.Ltmp0:
0x38: {  	[sflag:s20] =	ssyncset.done $0x0;
	(pc) =	sbr.rel @p0 .LBB2_2-.Ltmp0, $4  }
0x39: {  	s26 =	sshra.s32 s26, $0x2;
	[sflag:s20] =	ssyncadd.s32 $0xFFFFC000  }
0x3a: {  	[spmem:s2] =	stream.indirect.scatter.add.f32 [tilespmem:s21], [sflag:$0x1], $0x80, s26, s22, $0xb8;
	[tilespmem:$0x19400] =	vst v63  }
0x3b: {  	_ =	swait.ge [sflag:s20], $0x4000  }
0x3c: {  	[sflag:s20] =	ssyncset.done $0x0  }
0x3d: {  	[sflag:s20] =	ssyncadd.s32 $0xFFFFC000;
	s24 =	sshll.u32 s0, $0x6  }
0x3e: {  	s25 =	sshrl.u32 s5, $0x3;
	[bflag:$0x0] =	sbarrier.arrive $0xFFFF;
	s24 =	sor.u32 $0x1C01, s24  }
0x3f: {  	[hbm:s11], [sflag:s24] =	dma.local [spmem:s25], $0x2800  }
0x40: {  	_ =	swait.ge [sflag:s20], $0x2800  }
0x41: {  	[sflag:s20] =	ssyncset.done $0x0  }
0x42: {  	[sflag:s20] =	ssyncadd.s32 $0xFFFFD800  }
0x43: {  	s26 =	simm.s32 $0x0;
	[bflag:$0x0] =	sbarrier.arrive $0xFFFF  }
0x44: {  	[tilespmem:s21], [sflag:$0x1] =	stream.linear.gather [hbm4b:s4+s26], $0x4000, $0x38;
	[tilespmem:$0x19400] =	vst v63  }
0x45: {  	_ =	swait.ge [sflag:s20], $0x4000  }
0x46: {  	[sflag:s20] =	ssyncset.done $0x0  }
0x47: {  	[sflag:s20] =	ssyncadd.s32 $0xFFFFC000  }
0x48: {  	[spmem:s5] =	stream.linear.scatter [tilespmem:s21], [sflag:$0x1], $0x4000, $0x38;
	[tilespmem:$0x19400] =	vst v63  }
0x49: {  	_ =	swait.ge [sflag:s20], $0x4000  }
0x4a: {  	[sflag:s20] =	ssyncset.done $0x0  }
0x4b: {  	[sflag:s20] =	ssyncadd.s32 $0xFFFFC000  }
0x4c: {  	[spmem:s7] =	stream.linear.scatter [tilespmem:s21], [sflag:$0x1], $0x4000, $0x38;
	[tilespmem:$0x19400] =	vst v63  }
0x4d: {  	_ =	swait.ge [sflag:s20], $0x4000  }
0x4e: {  	[sflag:s20] =	ssyncset.done $0x0  }
0x4f: {  	[sflag:s20] =	ssyncadd.s32 $0xFFFFC000  }
0x50: {  	[spmem:s8] =	stream.linear.scatter [tilespmem:s21], [sflag:$0x1], $0x4000, $0x38;
	[tilespmem:$0x19400] =	vst v63  }
0x51: {  	_ =	swait.ge [sflag:s20], $0x4000  }
0x52: {  	[sflag:s20] =	ssyncset.done $0x0  }
0x53: {  	[sflag:s20] =	ssyncadd.s32 $0xFFFFC000  }
0x54: {  	[spmem:s9] =	stream.linear.scatter [tilespmem:s21], [sflag:$0x1], $0x4000, $0x38;
	[tilespmem:$0x19400] =	vst v63  }
0x55: {  	_ =	swait.ge [sflag:s20], $0x4000  }
0x56: {  	[sflag:s20] =	ssyncset.done $0x0  }
0x57: {  	[sflag:s20] =	ssyncadd.s32 $0xFFFFC000  }
0x58: {  	[spmem:s10] =	stream.linear.scatter [tilespmem:s21], [sflag:$0x1], $0x4000, $0x38;
	[tilespmem:$0x19400] =	vst v63  }
0x59: {  	_ =	swait.ge [sflag:s20], $0x4000  }
0x5a: {  	[sflag:s20] =	ssyncset.done $0x0  }
0x5b: {  	[sflag:s20] =	ssyncadd.s32 $0xFFFFC000  }
0x5c: {  	[bflag:$0x0] =	sbarrier.arrive $0xFFFF  }
0x5d: {  	[tilespmem:s21], [sflag:$0x1] =	stream.linear.gather [hbm4b:s17+s3], $0x4000, $0x38;
	[tilespmem:$0x19400] =	vst v63  }
0x5e: {  	_ =	swait.ge [sflag:s20], $0x4000  }
0x5f: {  	[sflag:s20] =	ssyncset.done $0x0  }
0x60: {  	s31 =	simm.s32 $0x0;
	[sflag:s20] =	ssyncadd.s32 $0xFFFFC000  }
0x61: {  	[spmem:s2] =	stream.indirect.scatter.add.f32 [tilespmem:s21], [sflag:$0x1], $0x80, s31, s22, $0xb8;
	[tilespmem:$0x19400] =	vst v63  }
0x62: {  	_ =	swait.ge [sflag:s20], $0x4000  }
0x63: {  	s28 =	smov.u32 s17;
	s26 =	simm.s32 $0x200;
	[sflag:s20] =	ssyncset.done $0x0  }
.LBB2_4:
0x64: {  	p0 =	sne.s32 s26, $0x4E00;
	[sflag:s20] =	ssyncadd.s32 $0xFFFFC000;
	s28 =	sadd.s32 $0x800, s28  }
0x65: {  	[tilespmem:s21], [sflag:$0x1] =	stream.linear.gather [hbm4b:s28+s3], $0x4000, $0x38;
	[tilespmem:$0x19400] =	vst v63  }
0x66: {  	s29 =	smov.u32 s26;
	s26 =	sadd.s32 $0x200, s26;
	_ =	swait.ge [sflag:s20], $0x4000  }
.Ltmp1:
0x67: {  	[sflag:s20] =	ssyncset.done $0x0;
	(pc) =	sbr.rel @p0 .LBB2_4-.Ltmp1, $4  }
0x68: {  	s29 =	sshra.s32 s29, $0x2;
	[sflag:s20] =	ssyncadd.s32 $0xFFFFC000  }
0x69: {  	[spmem:s2] =	stream.indirect.scatter.add.f32 [tilespmem:s21], [sflag:$0x1], $0x80, s29, s22, $0xb8;
	[tilespmem:$0x19400] =	vst v63  }
0x6a: {  	_ =	swait.ge [sflag:s20], $0x4000  }
0x6b: {  	[sflag:s20] =	ssyncset.done $0x0  }
0x6c: {  	[sflag:s20] =	ssyncadd.s32 $0xFFFFC000  }
0x6d: {  	[bflag:$0x0] =	sbarrier.arrive $0xFFFF  }
0x6e: {  	[hbm:s12], [sflag:s24] =	dma.local [spmem:s25], $0x2800  }
0x6f: {  	_ =	swait.ge [sflag:s20], $0x2800  }
0x70: {  	[sflag:s20] =	ssyncset.done $0x0  }
0x71: {  	[sflag:s20] =	ssyncadd.s32 $0xFFFFD800  }
0x72: {  	s26 =	simm.s32 $0x0;
	[bflag:$0x0] =	sbarrier.arrive $0xFFFF  }
0x73: {  	[tilespmem:s21], [sflag:$0x1] =	stream.linear.gather [hbm4b:s4+s26], $0x4000, $0x38;
	[tilespmem:$0x19400] =	vst v63  }
0x74: {  	_ =	swait.ge [sflag:s20], $0x4000  }
0x75: {  	[sflag:s20] =	ssyncset.done $0x0  }
0x76: {  	[sflag:s20] =	ssyncadd.s32 $0xFFFFC000  }
0x77: {  	[spmem:s5] =	stream.linear.scatter [tilespmem:s21], [sflag:$0x1], $0x4000, $0x38;
	[tilespmem:$0x19400] =	vst v63  }
0x78: {  	_ =	swait.ge [sflag:s20], $0x4000  }
0x79: {  	[sflag:s20] =	ssyncset.done $0x0  }
0x7a: {  	[sflag:s20] =	ssyncadd.s32 $0xFFFFC000  }
0x7b: {  	[spmem:s7] =	stream.linear.scatter [tilespmem:s21], [sflag:$0x1], $0x4000, $0x38;
	[tilespmem:$0x19400] =	vst v63  }
0x7c: {  	_ =	swait.ge [sflag:s20], $0x4000  }
0x7d: {  	[sflag:s20] =	ssyncset.done $0x0  }
0x7e: {  	[sflag:s20] =	ssyncadd.s32 $0xFFFFC000  }
0x7f: {  	[spmem:s8] =	stream.linear.scatter [tilespmem:s21], [sflag:$0x1], $0x4000, $0x38;
	[tilespmem:$0x19400] =	vst v63  }
0x80: {  	_ =	swait.ge [sflag:s20], $0x4000  }
0x81: {  	[sflag:s20] =	ssyncset.done $0x0  }
0x82: {  	[sflag:s20] =	ssyncadd.s32 $0xFFFFC000  }
0x83: {  	[spmem:s9] =	stream.linear.scatter [tilespmem:s21], [sflag:$0x1], $0x4000, $0x38;
	[tilespmem:$0x19400] =	vst v63  }
0x84: {  	_ =	swait.ge [sflag:s20], $0x4000  }
0x85: {  	[sflag:s20] =	ssyncset.done $0x0  }
0x86: {  	[sflag:s20] =	ssyncadd.s32 $0xFFFFC000  }
0x87: {  	[spmem:s10] =	stream.linear.scatter [tilespmem:s21], [sflag:$0x1], $0x4000, $0x38;
	[tilespmem:$0x19400] =	vst v63  }
0x88: {  	_ =	swait.ge [sflag:s20], $0x4000  }
0x89: {  	[sflag:s20] =	ssyncset.done $0x0  }
0x8a: {  	[sflag:s20] =	ssyncadd.s32 $0xFFFFC000  }
0x8b: {  	[bflag:$0x0] =	sbarrier.arrive $0xFFFF  }
0x8c: {  	[tilespmem:s21], [sflag:$0x1] =	stream.linear.gather [hbm4b:s18+s3], $0x4000, $0x38;
	[tilespmem:$0x19400] =	vst v63  }
0x8d: {  	_ =	swait.ge [sflag:s20], $0x4000  }
0x8e: {  	[sflag:s20] =	ssyncset.done $0x0  }
0x8f: {  	s31 =	simm.s32 $0x0;
	[sflag:s20] =	ssyncadd.s32 $0xFFFFC000  }
0x90: {  	[spmem:s2] =	stream.indirect.scatter.add.f32 [tilespmem:s21], [sflag:$0x1], $0x80, s31, s22, $0xb8;
	[tilespmem:$0x19400] =	vst v63  }
0x91: {  	_ =	swait.ge [sflag:s20], $0x4000  }
0x92: {  	s28 =	smov.u32 s18;
	s26 =	simm.s32 $0x200;
	[sflag:s20] =	ssyncset.done $0x0  }
.LBB2_6:
0x93: {  	p0 =	sne.s32 s26, $0x4E00;
	[sflag:s20] =	ssyncadd.s32 $0xFFFFC000;
	s28 =	sadd.s32 $0x800, s28  }
0x94: {  	[tilespmem:s21], [sflag:$0x1] =	stream.linear.gather [hbm4b:s28+s3], $0x4000, $0x38;
	[tilespmem:$0x19400] =	vst v63  }
0x95: {  	s29 =	smov.u32 s26;
	s26 =	sadd.s32 $0x200, s26;
	_ =	swait.ge [sflag:s20], $0x4000  }
.Ltmp2:
0x96: {  	[sflag:s20] =	ssyncset.done $0x0;
	(pc) =	sbr.rel @p0 .LBB2_6-.Ltmp2, $4  }
0x97: {  	s29 =	sshra.s32 s29, $0x2;
	[sflag:s20] =	ssyncadd.s32 $0xFFFFC000  }
0x98: {  	[spmem:s2] =	stream.indirect.scatter.add.f32 [tilespmem:s21], [sflag:$0x1], $0x80, s29, s22, $0xb8;
	[tilespmem:$0x19400] =	vst v63  }
0x99: {  	_ =	swait.ge [sflag:s20], $0x4000  }
0x9a: {  	[sflag:s20] =	ssyncset.done $0x0  }
0x9b: {  	[sflag:s20] =	ssyncadd.s32 $0xFFFFC000  }
0x9c: {  	[bflag:$0x0] =	sbarrier.arrive $0xFFFF  }
0x9d: {  	[hbm:s13], [sflag:s24] =	dma.local [spmem:s25], $0x2800  }
0x9e: {  	_ =	swait.ge [sflag:s20], $0x2800  }
0x9f: {  	[sflag:s20] =	ssyncset.done $0x0  }
0xa0: {  	[sflag:s20] =	ssyncadd.s32 $0xFFFFD800  }
0xa1: {  	s26 =	simm.s32 $0x0;
	[bflag:$0x0] =	sbarrier.arrive $0xFFFF  }
0xa2: {  	[tilespmem:s21], [sflag:$0x1] =	stream.linear.gather [hbm4b:s4+s26], $0x4000, $0x38;
	[tilespmem:$0x19400] =	vst v63  }
0xa3: {  	_ =	swait.ge [sflag:s20], $0x4000  }
0xa4: {  	[sflag:s20] =	ssyncset.done $0x0  }
0xa5: {  	[sflag:s20] =	ssyncadd.s32 $0xFFFFC000  }
0xa6: {  	[spmem:s5] =	stream.linear.scatter [tilespmem:s21], [sflag:$0x1], $0x4000, $0x38;
	[tilespmem:$0x19400] =	vst v63  }
0xa7: {  	_ =	swait.ge [sflag:s20], $0x4000  }
0xa8: {  	[sflag:s20] =	ssyncset.done $0x0  }
0xa9: {  	[sflag:s20] =	ssyncadd.s32 $0xFFFFC000  }
0xaa: {  	[spmem:s7] =	stream.linear.scatter [tilespmem:s21], [sflag:$0x1], $0x4000, $0x38;
	[tilespmem:$0x19400] =	vst v63  }
0xab: {  	_ =	swait.ge [sflag:s20], $0x4000  }
0xac: {  	[sflag:s20] =	ssyncset.done $0x0  }
0xad: {  	[sflag:s20] =	ssyncadd.s32 $0xFFFFC000  }
0xae: {  	[spmem:s8] =	stream.linear.scatter [tilespmem:s21], [sflag:$0x1], $0x4000, $0x38;
	[tilespmem:$0x19400] =	vst v63  }
0xaf: {  	_ =	swait.ge [sflag:s20], $0x4000  }
0xb0: {  	[sflag:s20] =	ssyncset.done $0x0  }
0xb1: {  	[sflag:s20] =	ssyncadd.s32 $0xFFFFC000  }
0xb2: {  	[spmem:s9] =	stream.linear.scatter [tilespmem:s21], [sflag:$0x1], $0x4000, $0x38;
	[tilespmem:$0x19400] =	vst v63  }
0xb3: {  	_ =	swait.ge [sflag:s20], $0x4000  }
0xb4: {  	[sflag:s20] =	ssyncset.done $0x0  }
0xb5: {  	[sflag:s20] =	ssyncadd.s32 $0xFFFFC000  }
0xb6: {  	[spmem:s10] =	stream.linear.scatter [tilespmem:s21], [sflag:$0x1], $0x4000, $0x38;
	[tilespmem:$0x19400] =	vst v63  }
0xb7: {  	_ =	swait.ge [sflag:s20], $0x4000  }
0xb8: {  	[sflag:s20] =	ssyncset.done $0x0  }
0xb9: {  	[sflag:s20] =	ssyncadd.s32 $0xFFFFC000  }
0xba: {  	[bflag:$0x0] =	sbarrier.arrive $0xFFFF  }
0xbb: {  	[tilespmem:s21], [sflag:$0x1] =	stream.linear.gather [hbm4b:s19+s3], $0x4000, $0x38;
	[tilespmem:$0x19400] =	vst v63  }
0xbc: {  	_ =	swait.ge [sflag:s20], $0x4000  }
0xbd: {  	[sflag:s20] =	ssyncset.done $0x0  }
0xbe: {  	s31 =	simm.s32 $0x0;
	[sflag:s20] =	ssyncadd.s32 $0xFFFFC000  }
0xbf: {  	[spmem:s2] =	stream.indirect.scatter.add.f32 [tilespmem:s21], [sflag:$0x1], $0x80, s31, s22, $0xb8;
	[tilespmem:$0x19400] =	vst v63  }
0xc0: {  	_ =	swait.ge [sflag:s20], $0x4000  }
0xc1: {  	s28 =	smov.u32 s19;
	s26 =	simm.s32 $0x200;
	[sflag:s20] =	ssyncset.done $0x0  }
.LBB2_8:
0xc2: {  	p0 =	sne.s32 s26, $0x4E00;
	[sflag:s20] =	ssyncadd.s32 $0xFFFFC000;
	s28 =	sadd.s32 $0x800, s28  }
0xc3: {  	[tilespmem:s21], [sflag:$0x1] =	stream.linear.gather [hbm4b:s28+s3], $0x4000, $0x38;
	[tilespmem:$0x19400] =	vst v63  }
0xc4: {  	s29 =	smov.u32 s26;
	s26 =	sadd.s32 $0x200, s26;
	_ =	swait.ge [sflag:s20], $0x4000  }
.Ltmp3:
0xc5: {  	[sflag:s20] =	ssyncset.done $0x0;
	(pc) =	sbr.rel @p0 .LBB2_8-.Ltmp3, $4  }
0xc6: {  	s29 =	sshra.s32 s29, $0x2;
	[sflag:s20] =	ssyncadd.s32 $0xFFFFC000  }
0xc7: {  	[spmem:s2] =	stream.indirect.scatter.add.f32 [tilespmem:s21], [sflag:$0x1], $0x80, s29, s22, $0xb8;
	[tilespmem:$0x19400] =	vst v63  }
0xc8: {  	_ =	swait.ge [sflag:s20], $0x4000  }
0xc9: {  	[sflag:s20] =	ssyncset.done $0x0  }
0xca: {  	[sflag:s20] =	ssyncadd.s32 $0xFFFFC000;
	s23 =	sadd.s32 $0x1, s23  }
0xcb: {  	[bflag:$0x0] =	sbarrier.arrive $0xFFFF;
	p0 =	sne.s32 s23, s15  }
0xcc: {  	[hbm:s14], [sflag:s24] =	dma.local [spmem:s25], $0x2800  }
.Ltmp4:
0xcd: {  	_ =	swait.ge [sflag:s20], $0x2800;
	(pc) =	sbr.rel @p0 .LBB2_1-.Ltmp4, $3  }
0xce: {  	[sflag:s20] =	ssyncset.done $0x0  }
0xcf: {  	[sflag:s20] =	ssyncadd.s32 $0xFFFFD800  }
0xd0: {  	[bflag:$0x0] =	sbarrier.arrive $0xFFFF;
	_ =	sdelay $0x1  }
0xd1: {  	_ =	sfence.sel $0x180000  }
0xd2: {  	[bflag:$0x0] =	sbarrier.arrive $0xFFFF  }
0xd3: {  	p0 =	sne.s32 s0, $0x0;
	_ =	strace $0x9000004A  }
0xd4: {  	s0 =	sadd.s32 @!p0 $0x100000, s1;
	[bflag:$0x2] =	sbarrier.arrive $0xFFFF  }
0xd5: {  	[sflag:s0] =	ssyncadd.tile.s32 @!p0 $0x1;
	_ =	shalt  }
.Lfunc_end2:
_tile_overlayer_lowered:
.L_overlay_start_2:
0xd6: {  	(tag) =	ssettag $0x2  }
0xd7: {  	s0 =	rddreg [dreg:$0x0];
	s2 =	stileid.u32  }
0xd8: {  	s1 =	rddreg [dreg:$0x1];
	p0 =	sne.s32 s2, $0x0  }
0xd9: {  	s3 =	rddreg [dreg:$0x2];
	[bflag:$0x3] =	sbarrier.arrive $0xFFFF;
	s2 =	simm.s32 @!p0 $0x1C01  }
0xda: {  	[timem:s3], [sflag:s2] =	dma.local @!p0 [hbm:s0], s1  }
0xdb: {  	s0 =	simm.s32 @!p0 $0x1  }
0xdc: {  	_ =	swait.ge @!p0 [sflag:s0], s1  }
0xdd: {  	s1 =	ssub.s32 @!p0 $0x0, s1;
	[sflag:s0] =	ssyncset.done @!p0 $0x0  }
0xde: {  	[sflag:s0] =	ssyncadd.s32 @!p0 s1  }
0xdf: {  	[bflag:$0x3] =	sbarrier.arrive $0xFFFF  }
0xe0: {  	_ =	shalt  }

// kernel: kernel.20.cloned.1.call-start
scs
__scs_entry_jumppad:
0x0: {  	(pc) =	sbr.rel $0x88, $3  }
0x1: {  	(tag) =	ssettag $0x0;
	lr =	simm.s32 $0x1  }
0x2: {  	[smem:$0x3F86] =	sst lr;
	_ =	strace $0xD0000000  }
0x3: {  	_ = 	snop  }
0x4: {  	_ = 	snop  }
0x5: {  	_ = 	snop  }
0x6: {  	_ = 	snop  }
0x7: {  	_ = 	snop  }
__scs_overlays_trampoline_lowered:
0x8: {  	[smem:$0x3F95] =	sst s0  }
0x9: {  	[smem:$0x3F96] =	sst s1  }
0xa: {  	[smem:$0x3F97] =	sst s2  }
0xb: {  	[smem:$0x3F98] =	sst s3  }
0xc: {  	[smem:$0x3F99] =	sst s4  }
0xd: {  	[smem:$0x3F9A] =	sst s5  }
0xe: {  	[smem:$0x3F9B] =	sst s6  }
0xf: {  	[smem:$0x3F9C] =	sst s7  }
0x10: {  	[smem:$0x3F9D] =	sst s8  }
0x11: {  	[smem:$0x3F9E] =	sst s9;
	s0 =	simm.s32 @!p0 $0x0  }
0x12: {  	s1 =	sld [smem:$0x3F84];
	s0 =	simm.s32 @p0 $0x1  }
0x13: {  	[smem:$0x3F9F] =	sst s0;
	s0 =	simm.s32 @!p1 $0x0  }
0x14: {  	s2 =	sld [smem:$0x3F83];
	s0 =	simm.s32 @p1 $0x1  }
0x15: {  	[smem:$0x3FA0] =	sst s0;
	s0 =	simm.s32 @!p2 $0x0  }
0x16: {  	s3 =	sld [smem:$0x3FDB];
	s0 =	simm.s32 @p2 $0x1  }
0x17: {  	s4 =	simm.s32 $0x1BF5;
	[smem:$0x3FA2] =	sst s0  }
0x18: {  	s0 =	sld [smem:$0x3F85];
	_ =	swait.ge [sflag:s4], $0x0  }
0x19: {  	s7 =	sld [smem:$0x3F86]  }
0x1a: {  	s8 =	sadd.s32 $0xFFFFE003, lr  }
0x1b: {  	s9 =	sadd.s32 $0xFFFFFEF7, lr;
	s5 =	simm.s32 $0xFFFFFFFF;
	p2 =	slt.u32 s8, $0xFFFFF086  }
0x1c: {  	p1 =	slt.u32 s9, $0xF7A;
	s5 =	simm.s32 @!p2 $0x0  }
0x1d: {  	s5 =	simm.s32 @p1 $0x1;
	p0 =	seq.s32 s7, s2  }
0x1e: {  	s7 =	smul.u32 @!p0 $0xF7A, s2;
	p2 =	seq.s32 @!p0 s5, $0x0  }
0x1f: {  	s9 =	smul.u32 $0xF7A, s1;
	s8 =	simm.s32 @!p0 $0x1BF5;
	p2 =	por !p2, p0  }
0x20: {  	[sflag:s8] =	ssyncset.s32 @!p0 $0xFFFFF086;
	s6 =	sadd.s32 @!p0 s3, s7;
	s7 =	simm.s32 @!p0 $0x108  }
0x21: {  	s3 =	sadd.s32 s3, s9;
	s6 =	sadd.s32 @!p0 $0x88, s6;
	s7 =	simm.s32 @p2 $0x1082  }
0x22: {  	[simem:s7], [sflag:s8] =	dma.local @!p0 [hbm:s6], $0xF7A  }
0x23: {  	s9 =	sor.u32 $0xD0000000, s2;
	s6 =	simm.s32 $0x108;
	_ =	swait.ge @!p0 [sflag:s8], $0x0  }
0x24: {  	s3 =	sadd.s32 $0x88, s3;
	s6 =	simm.s32 @!p1 $0x1082;
	[sflag:s4] =	ssyncset.s32 $0xFFFFF086  }
0x25: {  	[simem:s6], [sflag:s4] =	dma.local [hbm:s3], $0xF7A  }
0x26: {  	[smem:$0x3F86] =	sst s1;
	(tag) =	ssettag s2;
	_ =	strace s9  }
0x27: {  	s1 =	sld [smem:$0x3F96]  }
0x28: {  	s2 =	sld [smem:$0x3F97]  }
0x29: {  	s4 =	sld [smem:$0x3F99]  }
0x2a: {  	p0 =	seq.s32 s5, $0x0;
	s5 =	sld [smem:$0x3F9A]  }
0x2b: {  	s6 =	sld [smem:$0x3F9B]  }
0x2c: {  	s7 =	sld [smem:$0x3F9C]  }
0x2d: {  	s3 =	simm.s32 $0x108;
	s8 =	sld [smem:$0x3F9D]  }
0x2e: {  	s3 =	simm.s32 @!p0 $0x1082;
	s9 =	sld [smem:$0x3F9E]  }
0x2f: {  	lr =	sadd.s32 s0, s3;
	s0 =	sld [smem:$0x3F95]  }
0x30: {  	s3 =	sld [smem:$0x3F98]  }
0x31: {  	[smem:$0x3FA1] =	sst s10  }
0x32: {  	s10 =	sld [smem:$0x3F9F];
	_ =	sdelay $0x3  }
0x33: {  	p0 =	seq.s32 s10, $0x1;
	s10 =	sld [smem:$0x3FA1];
	_ =	sdelay $0x3  }
0x34: {  	[smem:$0x3FA1] =	sst s10  }
0x35: {  	s10 =	sld [smem:$0x3FA0];
	_ =	sdelay $0x3  }
0x36: {  	p1 =	seq.s32 s10, $0x1;
	s10 =	sld [smem:$0x3FA1];
	_ =	sdelay $0x3  }
0x37: {  	[smem:$0x3FA1] =	sst s10  }
0x38: {  	s10 =	sld [smem:$0x3FA2]  }
0x39: {  	_ = 	snop;
	(pc) =	sbr.ind lr, $3  }
0x3a: {  	_ = 	snop  }
0x3b: {  	_ = 	snop  }
0x3c: {  	p2 =	seq.s32 s10, $0x1;
	s10 =	sld [smem:$0x3FA1]  }
0x3d: {  	_ =	shalt  }
0x3e: {  	_ =	shalt  }
0x3f: {  	_ =	shalt  }
0x40: {  	_ =	shalt  }
0x41: {  	_ =	shalt  }
0x42: {  	_ =	shalt  }
0x43: {  	_ =	shalt  }
0x44: {  	_ =	shalt  }
0x45: {  	_ =	shalt  }
0x46: {  	_ =	shalt  }
0x47: {  	_ =	shalt  }
0x48: {  	_ =	shalt  }
0x49: {  	_ =	shalt  }
0x4a: {  	_ =	shalt  }
0x4b: {  	_ =	shalt  }
0x4c: {  	_ =	shalt  }
0x4d: {  	_ =	shalt  }
0x4e: {  	_ =	shalt  }
0x4f: {  	_ =	shalt  }
0x50: {  	_ =	shalt  }
0x51: {  	_ =	shalt  }
0x52: {  	_ =	shalt  }
0x53: {  	_ =	shalt  }
0x54: {  	_ =	shalt  }
0x55: {  	_ =	shalt  }
0x56: {  	_ =	shalt  }
0x57: {  	_ =	shalt  }
0x58: {  	_ =	shalt  }
0x59: {  	_ =	shalt  }
0x5a: {  	_ =	shalt  }
0x5b: {  	_ =	shalt  }
0x5c: {  	_ =	shalt  }
0x5d: {  	_ =	shalt  }
0x5e: {  	_ =	shalt  }
0x5f: {  	_ =	shalt  }
0x60: {  	_ =	shalt  }
0x61: {  	_ =	shalt  }
0x62: {  	_ =	shalt  }
0x63: {  	_ =	shalt  }
0x64: {  	_ =	shalt  }
0x65: {  	_ =	shalt  }
0x66: {  	_ =	shalt  }
0x67: {  	_ =	shalt  }
0x68: {  	_ =	shalt  }
0x69: {  	_ =	shalt  }
0x6a: {  	_ =	shalt  }
0x6b: {  	_ =	shalt  }
0x6c: {  	_ =	shalt  }
0x6d: {  	_ =	shalt  }
0x6e: {  	_ =	shalt  }
0x6f: {  	_ =	shalt  }
0x70: {  	_ =	shalt  }
0x71: {  	_ =	shalt  }
0x72: {  	_ =	shalt  }
0x73: {  	_ =	shalt  }
0x74: {  	_ =	shalt  }
0x75: {  	_ =	shalt  }
0x76: {  	_ =	shalt  }
0x77: {  	_ =	shalt  }
0x78: {  	_ =	shalt  }
0x79: {  	_ =	shalt  }
0x7a: {  	_ =	shalt  }
0x7b: {  	_ =	shalt  }
0x7c: {  	_ =	shalt  }
0x7d: {  	_ =	shalt  }
0x7e: {  	_ =	shalt  }
0x7f: {  	_ =	shalt  }
0x80: {  	_ =	shalt  }
0x81: {  	_ =	shalt  }
0x82: {  	_ =	shalt  }
0x83: {  	_ =	shalt  }
0x84: {  	_ =	shalt  }
0x85: {  	_ =	shalt  }
0x86: {  	_ =	shalt  }
0x87: {  	_ =	shalt  }
.Lfunc_end0:
.L_simem_size_0:
called_computation.4_lowered:
.L_overlay_start_0:
0x88: {  	s2 =	sld [smem:$0x3FD9]  }
0x89: {  	s3 =	sld [smem:$0x3FFE];
	_ =	sdelay $0x1  }
0x8a: {  	s1 =	srdreg.scid  }
0x8b: {  	s0 =	sand.u32 $0x1, s1  }
0x8c: {  	s16 =	sshll.u32 s0, $0xA;
	s2 =	sadd.s32 s3, s2  }
0x8d: {  	s2 =	sadd.s32 s2, s16  }
0x8e: {  	[smem:$0x3FAD] =	sst s2  }
0x8f: {  	_ = 	snop  }
0x90: {  	(tm) =	ssettm $0x1  }
0x91: {  	s17 =	sld [smem:$0x3FFB];
	_ =	sdelay $0x3  }
0x92: {  	_ =	strace s17  }
0x93: {  	s2 =	sld [smem:$0x3FFC];
	_ =	sdelay $0x3  }
0x94: {  	_ =	strace s2  }
0x95: {  	s2 =	sld [smem:$0x3FFD];
	_ =	sdelay $0x3  }
0x96: {  	_ =	strace s2  }
0x97: {  	_ =	strace $0x8FFFFFFF  }
0x98: {  	s18 =	sld [smem:$0x3FDB];
	_ =	sdelay $0x1  }
0x99: {  	s19 =	simm.s32 $_scs_section_size  }
0x9a: {  	s4 =	simm.s32 $_size__tile_overlayer_lowered;
	s5 =	simm.s32 $_tile_overlayer_lowered  }
0x9b: {  	s22 =	simm.s32 $0x1BFF;
	s21 =	sshll.u32 s5, $0x1;
	s2 =	sadd.s32 s19, s18  }
0x9c: {  	s6 =	simm.s32 $0x0;
	s20 =	sshll.u32 s4, $0x1;
	s4 =	sadd.s32 s21, s2  }
0x9d: {  	[timem:s6], [sflag:s22] =	dma.local [hbm:s4], s20  }
0x9e: {  	_ =	swait.ge [sflag:s22], s20  }
0x9f: {  	s3 =	ssub.s32 $0x0, s20;
	[sflag:s22] =	ssyncset.done $0x0  }
0xa0: {  	[sflag:s22] =	ssyncadd.s32 s3;
	_ =	sdelay $0x1  }
0xa1: {  	s23 =	simm.s32 $0x1B8B  }
0xa2: {  	_ =	swait.ge [sflag:s23], $0x1  }
0xa3: {  	[sflag:s23] =	ssyncset.done $0x0  }
0xa4: {  	s25 =	simm.s32 $0x1B8E;
	s24 =	sld [smem:$0x3FFE];
	[sflag:s23] =	ssyncadd.s32 $0xFFFFFFFF  }
0xa5: {  	s26 =	simm.s32 $execute0_lowered;
	[smem:$0x3FD2] =	sst s25  }
0xa6: {  	s4 =	sshll.u32 s26, $0x1;
	_ =	strace $0x8000004C;
	[dreg:$0x1] =	wrdreg $0xFFFFFFFF  }
0xa7: {  	s28 =	simm.s32 $_size_execute0_lowered;
	s2 =	sadd.s32 s2, s4;
	[dreg:$0x0] =	wrdreg $0x0  }
0xa8: {  	s4 =	sshll.u32 s28, $0x1;
	[dreg:$0x2] =	wrdreg s2  }
0xa9: {  	[dreg:$0x3] =	wrdreg s4  }
0xaa: {  	[dreg:$0x4] =	wrdreg $0xC0  }
0xab: {  	_ =	task [dreg:s6], $0x5FFFF  }
0xac: {  	[dreg:$0x1] =	wrdreg $0xFFFFFFFF  }
0xad: {  	[dreg:$0x0] =	wrdreg $0x60  }
0xae: {  	[dreg:$0x2] =	wrdreg s24  }
0xaf: {  	[dreg:$0x3] =	wrdreg $0x9  }
0xb0: {  	_ =	task.clear_ibuf [dreg:s6], $0x4FFFF;
	_ =	strace $0x9000004C  }
0xb1: {  	s29 =	simm.s32 $0x9;
	_ =	strace $0x8000004E  }
0xb2: {  	_ =	swait.ge [sflag:s29], $0x1  }
0xb3: {  	[sflag:s29] =	ssyncadd.s32 $0xFFFFFFFF  }
0xb4: {  	_ =	strace $0x9000004E  }
0xb5: {  	_ =	sfence  }
0xb6: {  	s30 =	sld [smem:$0x0];
	_ =	sdelay $0x2  }
0xb7: {  	s31 =	sshll.u32 s1, $0xD;
	s1 =	sshrl.u32 s1, $0x2  }
0xb8: {  	s3 =	sand.u32 $0x4000, s31;
	s1 =	sadd.s32 s1, s30  }
0xb9: {  	s0 =	sor.u32 s3, s0;
	s1 =	sshll.u32 s1, $0x11  }
0xba: {  	s0 =	sor.u32 s1, s0  }
0xbb: {  	s0 =	sadd.s32 $0x8F2B, s0  }
0xbc: {  	[sflag:s0] =	ssyncadd.remote.s32 $0x1  }
0xbd: {  	_ =	sfence.sel $0xFFFF  }
0xbe: {  	[dreg:$0x0] =	wrdreg $0xFFFFFFFF;
	(pc) =	sbr.abs _section_cstart, $3  }
0xbf: {  	[dreg:$0x1] =	wrdreg $0xFFFFFFFF  }
0xc0: {  	_ =	task.clear_ibuf [dreg:s6], $0x2FFFF;
	_ =	strace $0x9FFFFFFF  }
0xc1: {  	(tm) =	ssettm $0x7FFFFFFF  }
tec
execute0_lowered:
.L_overlay_start_1:
0x0: {  	(tag) =	ssettag $0x1  }
0x1: {  	s0 =	srdreg.scid  }
0x2: {  	s4 =	stileid.u32;
	s5 =	rddreg [dreg:$0x0]  }
0x3: {  	s2 =	simm.s32 $0x0;
	s16 =	simm.s32 $0x1C00;
	s17 =	simm.s32 $0x2000  }
0x4: {  	s18 =	simm.s32 $0x2800;
	s19 =	simm.s32 $0x2C00;
	s20 =	simm.s32 $0x3400  }
0x5: {  	s21 =	simm.s32 $0x3800;
	s22 =	simm.s32 $0x4000;
	[smem:$0x7FF] =	sst s2  }
0x6: {  	s23 =	simm.s32 $0x4400;
	_ =	strace $0x8000004D;
	[dreg:$0x3] =	wrdreg s16  }
0x7: {  	s24 =	simm.s32 $0x4C00;
	s25 =	simm.s32 $0x5000;
	[dreg:$0x4] =	wrdreg s17  }
0x8: {  	s7 =	simm.s32 $0x2;
	s26 =	simm.s32 $0x5800;
	[dreg:$0x5] =	wrdreg s18  }
0x9: {  	s8 =	simm.s32 $0x1400;
	s9 =	simm.s32 $0x5C00;
	[dreg:$0x6] =	wrdreg s19  }
0xa: {  	s10 =	simm.s32 $0x6400;
	s11 =	simm.s32 $0x6800;
	[dreg:$0x7] =	wrdreg s20  }
0xb: {  	s12 =	simm.s32 $0x7000;
	s13 =	simm.s32 $0x7400;
	[dreg:$0x8] =	wrdreg s21  }
0xc: {  	s14 =	simm.s32 $0x7C00;
	s28 =	simm.s32 $0xC800;
	[dreg:$0x9] =	wrdreg s22  }
0xd: {  	s29 =	simm.s32 $0xD000;
	s30 =	simm.s32 $0x1;
	[dreg:$0xa] =	wrdreg s23  }
0xe: {  	s0 =	sand.u32 $0x1, s0;
	s3 =	smul.u32 $0x3C000, s4;
	[dreg:$0xb] =	wrdreg s24  }
0xf: {  	s31 =	simm.s32 $0x0;
	s1 =	smul.u32 $0x3C0000, s0;
	[dreg:$0xc] =	wrdreg s25  }
0x10: {  	s15 =	sshll.u32 s0, $0x4;
	s0 =	ssub.s32 $0x2, s0;
	[dreg:$0xd] =	wrdreg s26  }
0x11: {  	s16 =	simm.s32 $0x8800;
	s17 =	simm.s32 $0x8C00;
	s18 =	simm.s32 $0x9400  }
0x12: {  	s19 =	simm.s32 $0x9800;
	s20 =	simm.s32 $0xA000;
	s21 =	simm.s32 $0xA400  }
0x13: {  	s22 =	simm.s32 $0xAC00;
	s23 =	simm.s32 $0xB000;
	s1 =	sadd.s32 s1, s5  }
0x14: {  	s6 =	sshrl.u32 s0, $0x1;
	s1 =	sadd.s32 s3, s1;
	s3 =	sor.u32 s4, s15  }
0x15: {  	s24 =	simm.s32 $0xB800;
	s0 =	ssub.s32 s0, s6;
	s4 =	smul.u32 $0x280, s3  }
0x16: {  	s25 =	simm.s32 $0xBC00;
	s26 =	simm.s32 $0xC400;
	s0 =	smax.u32 s0, $0x1  }
0x17: {  	v2 =	vlaneseq.u32;
	s1 =	sadd.s32 $0x26A00, s1;
	[dreg:$0xf] =	wrdreg s0;
	s4 =	sadd.s32 s4, s5  }
0x18: {  	vm0 =	vmmov $0xffff;
	vm1 =	vmmov $0xff;
	v1 =	vshrl.u32 v2, $0x3;
	s15 =	simm.s32 $0x8000;
	[dreg:$0x2] =	wrdreg s1;
	s4 =	sadd.s32 $0x21A00, s4  }
0x19: {  	v0 =	vand.u32 $0x7, v2;
	v2 =	vor.u32 $0x8, v2;
	v1 =	vmul.u32 $0x8, v1;
	s3 =	sadd.s32 $0xEFEA00, s5;
	s5 =	sadd.s32 $0xEFEB00, s5;
	[dreg:$0xe] =	wrdreg s4  }
.LBB2_1:
0x1a: {  	s0 =	rddreg [dreg:$0xe]  }
0x1b: {  	[tilespmem:s2], [sflag:$0x2] =	stream.linear.gather [hbm4b:s0+s2], $0x1400, $0x38;
	[tilespmem:$0xD400] =	vst v63  }
0x1c: {  	_ =	swait.ge [sflag:s7], $0x1400  }
0x1d: {  	[sflag:s7] =	ssyncset.done $0x0  }
0x1e: {  	s1 =	simm.s32 $0x40;
	s0 =	simm.s32 $0x0;
	[sflag:s7] =	ssyncadd.s32 $0xFFFFEC00  }
.LBB2_2:
0x1f: {  	v3 =	vld [tilespmem:s1+$0xFFFFFFC0];
	_ =	sdelay $0x4  }
0x20: {  	v4 =	vshrl.u32 v3, $0x3  }
0x21: {  	v4 =	vmul.u32 $0x18, v4  }
0x22: {  	v3 =	vand.u32 $0x7, v3  }
0x23: {  	v3 =	vor.u32 v3, v4  }
0x24: {  	v4 =	vperm.xlane v3, v0;
	_ =	sdelay $0x1  }
0x25: {  	v4 =	vadd.s32 v1, v4;
	_ =	sdelay $0x1  }
0x26: {  	v3 =	vperm.xlane v3, v2;
	_ =	sdelay $0x1  }
0x27: {  	v3 =	vadd.s32 v1, v3  }
0x28: {  	[tilespmem:s8], [sflag:$0x1] =	stream.indirect_vreg.gather [hbm4b:s3+s2], $0x80, v4, vm0, $0xb8;
	[tilespmem:$0xD400] =	vst v63  }
0x29: {  	s4 =	rddreg [dreg:$0x3]  }
0x2a: {  	[tilespmem:s4], [sflag:$0x1] =	stream.indirect_vreg.gather [hbm4b:s5+s2], $0x80, v4, vm1, $0xb8;
	[tilespmem:$0xD400] =	vst v63  }
0x2b: {  	s6 =	rddreg [dreg:$0x4]  }
0x2c: {  	[tilespmem:s6], [sflag:$0x1] =	stream.indirect_vreg.gather [hbm4b:s3+s2], $0x80, v3, vm0, $0xb8;
	[tilespmem:$0xD400] =	vst v63  }
0x2d: {  	s4 =	rddreg [dreg:$0x5]  }
0x2e: {  	[tilespmem:s4], [sflag:$0x1] =	stream.indirect_vreg.gather [hbm4b:s5+s2], $0x80, v3, vm1, $0xb8;
	[tilespmem:$0xD400] =	vst v63  }
0x2f: {  	v3 =	vld [tilespmem:s1+$0xFFFFFFD0];
	_ =	sdelay $0x4  }
0x30: {  	v57 =	vshrl.u32 v3, $0x3  }
0x31: {  	v4 =	vmul.u32 $0x18, v57  }
0x32: {  	v3 =	vand.u32 $0x7, v3  }
0x33: {  	v3 =	vor.u32 v3, v4  }
0x34: {  	v4 =	vperm.xlane v3, v0;
	_ =	sdelay $0x1  }
0x35: {  	v4 =	vadd.s32 v1, v4;
	_ =	sdelay $0x1  }
0x36: {  	v3 =	vperm.xlane v3, v2;
	_ =	sdelay $0x1  }
0x37: {  	s4 =	rddreg [dreg:$0x6];
	v3 =	vadd.s32 v1, v3  }
0x38: {  	[tilespmem:s4], [sflag:$0x1] =	stream.indirect_vreg.gather [hbm4b:s3+s2], $0x80, v4, vm0, $0xb8;
	[tilespmem:$0xD400] =	vst v63  }
0x39: {  	s6 =	rddreg [dreg:$0x7]  }
0x3a: {  	[tilespmem:s6], [sflag:$0x1] =	stream.indirect_vreg.gather [hbm4b:s5+s2], $0x80, v4, vm1, $0xb8;
	[tilespmem:$0xD400] =	vst v63  }
0x3b: {  	s4 =	rddreg [dreg:$0x8]  }
0x3c: {  	[tilespmem:s4], [sflag:$0x1] =	stream.indirect_vreg.gather [hbm4b:s3+s2], $0x80, v3, vm0, $0xb8;
	[tilespmem:$0xD400] =	vst v63  }
0x3d: {  	s6 =	rddreg [dreg:$0x9]  }
0x3e: {  	[tilespmem:s6], [sflag:$0x1] =	stream.indirect_vreg.gather [hbm4b:s5+s2], $0x80, v3, vm1, $0xb8;
	[tilespmem:$0xD400] =	vst v63  }
0x3f: {  	v3 =	vld [tilespmem:s1+$0xFFFFFFE0];
	_ =	sdelay $0x4  }
0x40: {  	v58 =	vshrl.u32 v3, $0x3  }
0x41: {  	v4 =	vmul.u32 $0x18, v58  }
0x42: {  	v3 =	vand.u32 $0x7, v3  }
0x43: {  	v3 =	vor.u32 v3, v4  }
0x44: {  	v4 =	vperm.xlane v3, v0;
	_ =	sdelay $0x1  }
0x45: {  	v4 =	vadd.s32 v1, v4;
	_ =	sdelay $0x1  }
0x46: {  	v3 =	vperm.xlane v3, v2;
	_ =	sdelay $0x1  }
0x47: {  	s4 =	rddreg [dreg:$0xa];
	v3 =	vadd.s32 v1, v3  }
0x48: {  	[tilespmem:s4], [sflag:$0x1] =	stream.indirect_vreg.gather [hbm4b:s3+s2], $0x80, v4, vm0, $0xb8;
	[tilespmem:$0xD400] =	vst v63  }
0x49: {  	s6 =	rddreg [dreg:$0xb]  }
0x4a: {  	[tilespmem:s6], [sflag:$0x1] =	stream.indirect_vreg.gather [hbm4b:s5+s2], $0x80, v4, vm1, $0xb8;
	[tilespmem:$0xD400] =	vst v63  }
0x4b: {  	s4 =	rddreg [dreg:$0xc]  }
0x4c: {  	[tilespmem:s4], [sflag:$0x1] =	stream.indirect_vreg.gather [hbm4b:s3+s2], $0x80, v3, vm0, $0xb8;
	[tilespmem:$0xD400] =	vst v63  }
0x4d: {  	s6 =	rddreg [dreg:$0xd]  }
0x4e: {  	[tilespmem:s6], [sflag:$0x1] =	stream.indirect_vreg.gather [hbm4b:s5+s2], $0x80, v3, vm1, $0xb8;
	[tilespmem:$0xD400] =	vst v63  }
0x4f: {  	v3 =	vld [tilespmem:s1+$0xFFFFFFF0];
	_ =	sdelay $0x4  }
0x50: {  	v59 =	vshrl.u32 v3, $0x3  }
0x51: {  	v4 =	vmul.u32 $0x18, v59  }
0x52: {  	v3 =	vand.u32 $0x7, v3  }
0x53: {  	v3 =	vor.u32 v3, v4  }
0x54: {  	v4 =	vperm.xlane v3, v0;
	_ =	sdelay $0x1  }
0x55: {  	v4 =	vadd.s32 v1, v4;
	_ =	sdelay $0x1  }
0x56: {  	v3 =	vperm.xlane v3, v2;
	_ =	sdelay $0x1  }
0x57: {  	v3 =	vadd.s32 v1, v3  }
0x58: {  	[tilespmem:s9], [sflag:$0x1] =	stream.indirect_vreg.gather [hbm4b:s3+s2], $0x80, v4, vm0, $0xb8;
	[tilespmem:$0xD400] =	vst v63  }
0x59: {  	_ = 	snop  }
0x5a: {  	[tilespmem:s10], [sflag:$0x1] =	stream.indirect_vreg.gather [hbm4b:s5+s2], $0x80, v4, vm1, $0xb8;
	[tilespmem:$0xD400] =	vst v63  }
0x5b: {  	_ = 	snop  }
0x5c: {  	[tilespmem:s11], [sflag:$0x1] =	stream.indirect_vreg.gather [hbm4b:s3+s2], $0x80, v3, vm0, $0xb8;
	[tilespmem:$0xD400] =	vst v63  }
0x5d: {  	_ = 	snop  }
0x5e: {  	[tilespmem:s12], [sflag:$0x1] =	stream.indirect_vreg.gather [hbm4b:s5+s2], $0x80, v3, vm1, $0xb8;
	[tilespmem:$0xD400] =	vst v63  }
0x5f: {  	v3 =	vld [tilespmem:s1+$0x0];
	_ =	sdelay $0x4  }
0x60: {  	v60 =	vshrl.u32 v3, $0x3  }
0x61: {  	v4 =	vmul.u32 $0x18, v60  }
0x62: {  	v3 =	vand.u32 $0x7, v3  }
0x63: {  	v3 =	vor.u32 v3, v4  }
0x64: {  	v4 =	vperm.xlane v3, v0;
	_ =	sdelay $0x1  }
0x65: {  	v4 =	vadd.s32 v1, v4;
	_ =	sdelay $0x1  }
0x66: {  	v3 =	vperm.xlane v3, v2;
	_ =	sdelay $0x1  }
0x67: {  	v3 =	vadd.s32 v1, v3  }
0x68: {  	[tilespmem:s13], [sflag:$0x1] =	stream.indirect_vreg.gather [hbm4b:s3+s2], $0x80, v4, vm0, $0xb8;
	[tilespmem:$0xD400] =	vst v63  }
0x69: {  	_ = 	snop  }
0x6a: {  	[tilespmem:s14], [sflag:$0x1] =	stream.indirect_vreg.gather [hbm4b:s5+s2], $0x80, v4, vm1, $0xb8;
	[tilespmem:$0xD400] =	vst v63  }
0x6b: {  	_ = 	snop  }
0x6c: {  	[tilespmem:s15], [sflag:$0x1] =	stream.indirect_vreg.gather [hbm4b:s3+s2], $0x80, v3, vm0, $0xb8;
	[tilespmem:$0xD400] =	vst v63  }
0x6d: {  	_ = 	snop  }
0x6e: {  	[tilespmem:s16], [sflag:$0x1] =	stream.indirect_vreg.gather [hbm4b:s5+s2], $0x80, v3, vm1, $0xb8;
	[tilespmem:$0xD400] =	vst v63  }
0x6f: {  	v3 =	vld [tilespmem:s1+$0x10];
	_ =	sdelay $0x4  }
0x70: {  	v61 =	vshrl.u32 v3, $0x3  }
0x71: {  	v4 =	vmul.u32 $0x18, v61  }
0x72: {  	v3 =	vand.u32 $0x7, v3  }
0x73: {  	v3 =	vor.u32 v3, v4  }
0x74: {  	v4 =	vperm.xlane v3, v0;
	_ =	sdelay $0x1  }
0x75: {  	v4 =	vadd.s32 v1, v4;
	_ =	sdelay $0x1  }
0x76: {  	v3 =	vperm.xlane v3, v2;
	_ =	sdelay $0x1  }
0x77: {  	v3 =	vadd.s32 v1, v3  }
0x78: {  	[tilespmem:s17], [sflag:$0x1] =	stream.indirect_vreg.gather [hbm4b:s3+s2], $0x80, v4, vm0, $0xb8;
	[tilespmem:$0xD400] =	vst v63  }
0x79: {  	_ = 	snop  }
0x7a: {  	[tilespmem:s18], [sflag:$0x1] =	stream.indirect_vreg.gather [hbm4b:s5+s2], $0x80, v4, vm1, $0xb8;
	[tilespmem:$0xD400] =	vst v63  }
0x7b: {  	_ = 	snop  }
0x7c: {  	[tilespmem:s19], [sflag:$0x1] =	stream.indirect_vreg.gather [hbm4b:s3+s2], $0x80, v3, vm0, $0xb8;
	[tilespmem:$0xD400] =	vst v63  }
0x7d: {  	_ = 	snop  }
0x7e: {  	[tilespmem:s20], [sflag:$0x1] =	stream.indirect_vreg.gather [hbm4b:s5+s2], $0x80, v3, vm1, $0xb8;
	[tilespmem:$0xD400] =	vst v63  }
0x7f: {  	v3 =	vld [tilespmem:s1+$0x20];
	_ =	sdelay $0x4  }
0x80: {  	v62 =	vshrl.u32 v3, $0x3  }
0x81: {  	v4 =	vmul.u32 $0x18, v62  }
0x82: {  	v3 =	vand.u32 $0x7, v3  }
0x83: {  	v3 =	vor.u32 v3, v4  }
0x84: {  	v4 =	vperm.xlane v3, v0;
	_ =	sdelay $0x1  }
0x85: {  	v4 =	vadd.s32 v1, v4;
	_ =	sdelay $0x1  }
0x86: {  	v3 =	vperm.xlane v3, v2;
	_ =	sdelay $0x1  }
0x87: {  	v3 =	vadd.s32 v1, v3  }
0x88: {  	[tilespmem:s21], [sflag:$0x1] =	stream.indirect_vreg.gather [hbm4b:s3+s2], $0x80, v4, vm0, $0xb8;
	[tilespmem:$0xD400] =	vst v63  }
0x89: {  	_ = 	snop  }
0x8a: {  	[tilespmem:s22], [sflag:$0x1] =	stream.indirect_vreg.gather [hbm4b:s5+s2], $0x80, v4, vm1, $0xb8;
	[tilespmem:$0xD400] =	vst v63  }
0x8b: {  	_ = 	snop  }
0x8c: {  	[tilespmem:s23], [sflag:$0x1] =	stream.indirect_vreg.gather [hbm4b:s3+s2], $0x80, v3, vm0, $0xb8;
	[tilespmem:$0xD400] =	vst v63  }
0x8d: {  	_ = 	snop  }
0x8e: {  	[tilespmem:s24], [sflag:$0x1] =	stream.indirect_vreg.gather [hbm4b:s5+s2], $0x80, v3, vm1, $0xb8;
	[tilespmem:$0xD400] =	vst v63  }
0x8f: {  	v3 =	vld [tilespmem:s1+$0x30];
	_ =	sdelay $0x4  }
0x90: {  	v63 =	vshrl.u32 v3, $0x3  }
0x91: {  	v4 =	vmul.u32 $0x18, v63  }
0x92: {  	v3 =	vand.u32 $0x7, v3  }
0x93: {  	v3 =	vor.u32 v3, v4  }
0x94: {  	v4 =	vperm.xlane v3, v0;
	_ =	sdelay $0x1  }
0x95: {  	v4 =	vadd.s32 v1, v4;
	_ =	sdelay $0x1  }
0x96: {  	v3 =	vperm.xlane v3, v2;
	_ =	sdelay $0x1  }
0x97: {  	v3 =	vadd.s32 v1, v3  }
0x98: {  	[tilespmem:s25], [sflag:$0x1] =	stream.indirect_vreg.gather [hbm4b:s3+s2], $0x80, v4, vm0, $0xb8;
	[tilespmem:$0xD400] =	vst v63  }
0x99: {  	_ = 	snop  }
0x9a: {  	[tilespmem:s26], [sflag:$0x1] =	stream.indirect_vreg.gather [hbm4b:s5+s2], $0x80, v4, vm1, $0xb8;
	[tilespmem:$0xD400] =	vst v63  }
0x9b: {  	_ = 	snop  }
0x9c: {  	[tilespmem:s28], [sflag:$0x1] =	stream.indirect_vreg.gather [hbm4b:s3+s2], $0x80, v3, vm0, $0xb8;
	[tilespmem:$0xD400] =	vst v63  }
0x9d: {  	_ = 	snop  }
0x9e: {  	[tilespmem:s29], [sflag:$0x1] =	stream.indirect_vreg.gather [hbm4b:s5+s2], $0x80, v3, vm1, $0xb8;
	[tilespmem:$0xD400] =	vst v63  }
0x9f: {  	_ =	swait.ge [sflag:s30], $0xC000  }
0xa0: {  	p0 =	sne.s32 s0, $0x3A800;
	s6 =	rddreg [dreg:$0x2];
	[sflag:s30] =	ssyncset.done $0x0  }
.Ltmp0:
0xa1: {  	[sflag:s30] =	ssyncadd.s32 $0xFFFF4000;
	s4 =	sadd.s32 s0, s6;
	(pc) =	sbr.rel @p0 .LBB2_2-.Ltmp0, $4  }
0xa2: {  	[hbm4b:s4+s2] =	stream.linear.scatter [tilespmem:s8], [sflag:$0x2], $0xC000, $0x38;
	[tilespmem:$0xD400] =	vst v63  }
0xa3: {  	_ =	swait.ge [sflag:s7], $0xC000  }
0xa4: {  	[sflag:s7] =	ssyncset.done $0x0  }
0xa5: {  	s1 =	sadd.s32 $0x80, s1;
	s0 =	sadd.s32 $0x1800, s0;
	[sflag:s7] =	ssyncadd.s32 $0xFFFF4000  }
0xa6: {  	s31 =	sadd.s32 $0x1, s31;
	s0 =	rddreg [dreg:$0xf]  }
0xa7: {  	p0 =	sne.s32 s31, s0  }
.Ltmp1:
0xa8: {  	_ = 	snop;
	(pc) =	sbr.rel @p0 .LBB2_1-.Ltmp1, $1  }
0xa9: {  	_ =	sdelay $0x3  }
0xaa: {  	_ =	sfence.sel $0x180000  }
0xab: {  	[bflag:$0x0] =	sbarrier.arrive $0xFFFF  }
0xac: {  	_ =	strace $0x9000004D  }
0xad: {  	s0 =	stileid.u32;
	[bflag:$0x2] =	sbarrier.arrive $0xFFFF  }
0xae: {  	p0 =	sne.s32 s0, $0x0;
	s0 =	rddreg [dreg:$0x1]  }
0xaf: {  	s0 =	sadd.s32 @!p0 $0x100000, s0  }
0xb0: {  	[sflag:s0] =	ssyncadd.tile.s32 @!p0 $0x1;
	_ =	shalt  }
.Lfunc_end2:
_tile_overlayer_lowered:
.L_overlay_start_2:
0xb1: {  	(tag) =	ssettag $0x2  }
0xb2: {  	s0 =	rddreg [dreg:$0x0];
	s2 =	stileid.u32  }
0xb3: {  	s1 =	rddreg [dreg:$0x1];
	p0 =	sne.s32 s2, $0x0  }
0xb4: {  	s3 =	rddreg [dreg:$0x2];
	[bflag:$0x3] =	sbarrier.arrive $0xFFFF;
	s2 =	simm.s32 @!p0 $0x1C02  }
0xb5: {  	[timem:s3], [sflag:s2] =	dma.local @!p0 [hbm:s0], s1  }
0xb6: {  	s0 =	simm.s32 @!p0 $0x2  }
0xb7: {  	_ =	swait.ge @!p0 [sflag:s0], s1  }
0xb8: {  	s1 =	ssub.s32 @!p0 $0x0, s1;
	[sflag:s0] =	ssyncset.done @!p0 $0x0  }
0xb9: {  	[sflag:s0] =	ssyncadd.s32 @!p0 s1  }
0xba: {  	[bflag:$0x3] =	sbarrier.arrive $0xFFFF  }
0xbb: {  	_ =	shalt  }

// kernel: kernel.23.cloned.1.call-start
scs
__scs_entry_jumppad:
0x0: {  	(pc) =	sbr.rel $0x88, $3  }
0x1: {  	(tag) =	ssettag $0x0;
	lr =	simm.s32 $0x1  }
0x2: {  	[smem:$0x3F86] =	sst lr;
	_ =	strace $0xD0000000  }
0x3: {  	_ = 	snop  }
0x4: {  	_ = 	snop  }
0x5: {  	_ = 	snop  }
0x6: {  	_ = 	snop  }
0x7: {  	_ = 	snop  }
__scs_overlays_trampoline_lowered:
0x8: {  	[smem:$0x3F95] =	sst s0  }
0x9: {  	[smem:$0x3F96] =	sst s1  }
0xa: {  	[smem:$0x3F97] =	sst s2  }
0xb: {  	[smem:$0x3F98] =	sst s3  }
0xc: {  	[smem:$0x3F99] =	sst s4  }
0xd: {  	[smem:$0x3F9A] =	sst s5  }
0xe: {  	[smem:$0x3F9B] =	sst s6  }
0xf: {  	[smem:$0x3F9C] =	sst s7  }
0x10: {  	[smem:$0x3F9D] =	sst s8  }
0x11: {  	[smem:$0x3F9E] =	sst s9;
	s0 =	simm.s32 @!p0 $0x0  }
0x12: {  	s1 =	sld [smem:$0x3F84];
	s0 =	simm.s32 @p0 $0x1  }
0x13: {  	[smem:$0x3F9F] =	sst s0;
	s0 =	simm.s32 @!p1 $0x0  }
0x14: {  	s2 =	sld [smem:$0x3F83];
	s0 =	simm.s32 @p1 $0x1  }
0x15: {  	[smem:$0x3FA0] =	sst s0;
	s0 =	simm.s32 @!p2 $0x0  }
0x16: {  	s3 =	sld [smem:$0x3FDB];
	s0 =	simm.s32 @p2 $0x1  }
0x17: {  	s4 =	simm.s32 $0x1BF5;
	[smem:$0x3FA2] =	sst s0  }
0x18: {  	s0 =	sld [smem:$0x3F85];
	_ =	swait.ge [sflag:s4], $0x0  }
0x19: {  	s7 =	sld [smem:$0x3F86]  }
0x1a: {  	s8 =	sadd.s32 $0xFFFFE003, lr  }
0x1b: {  	s9 =	sadd.s32 $0xFFFFFEF7, lr;
	s5 =	simm.s32 $0xFFFFFFFF;
	p2 =	slt.u32 s8, $0xFFFFF086  }
0x1c: {  	p1 =	slt.u32 s9, $0xF7A;
	s5 =	simm.s32 @!p2 $0x0  }
0x1d: {  	s5 =	simm.s32 @p1 $0x1;
	p0 =	seq.s32 s7, s2  }
0x1e: {  	s7 =	smul.u32 @!p0 $0xF7A, s2;
	p2 =	seq.s32 @!p0 s5, $0x0  }
0x1f: {  	s9 =	smul.u32 $0xF7A, s1;
	s8 =	simm.s32 @!p0 $0x1BF5;
	p2 =	por !p2, p0  }
0x20: {  	[sflag:s8] =	ssyncset.s32 @!p0 $0xFFFFF086;
	s6 =	sadd.s32 @!p0 s3, s7;
	s7 =	simm.s32 @!p0 $0x108  }
0x21: {  	s3 =	sadd.s32 s3, s9;
	s6 =	sadd.s32 @!p0 $0x88, s6;
	s7 =	simm.s32 @p2 $0x1082  }
0x22: {  	[simem:s7], [sflag:s8] =	dma.local @!p0 [hbm:s6], $0xF7A  }
0x23: {  	s9 =	sor.u32 $0xD0000000, s2;
	s6 =	simm.s32 $0x108;
	_ =	swait.ge @!p0 [sflag:s8], $0x0  }
0x24: {  	s3 =	sadd.s32 $0x88, s3;
	s6 =	simm.s32 @!p1 $0x1082;
	[sflag:s4] =	ssyncset.s32 $0xFFFFF086  }
0x25: {  	[simem:s6], [sflag:s4] =	dma.local [hbm:s3], $0xF7A  }
0x26: {  	[smem:$0x3F86] =	sst s1;
	(tag) =	ssettag s2;
	_ =	strace s9  }
0x27: {  	s1 =	sld [smem:$0x3F96]  }
0x28: {  	s2 =	sld [smem:$0x3F97]  }
0x29: {  	s4 =	sld [smem:$0x3F99]  }
0x2a: {  	p0 =	seq.s32 s5, $0x0;
	s5 =	sld [smem:$0x3F9A]  }
0x2b: {  	s6 =	sld [smem:$0x3F9B]  }
0x2c: {  	s7 =	sld [smem:$0x3F9C]  }
0x2d: {  	s3 =	simm.s32 $0x108;
	s8 =	sld [smem:$0x3F9D]  }
0x2e: {  	s3 =	simm.s32 @!p0 $0x1082;
	s9 =	sld [smem:$0x3F9E]  }
0x2f: {  	lr =	sadd.s32 s0, s3;
	s0 =	sld [smem:$0x3F95]  }
0x30: {  	s3 =	sld [smem:$0x3F98]  }
0x31: {  	[smem:$0x3FA1] =	sst s10  }
0x32: {  	s10 =	sld [smem:$0x3F9F];
	_ =	sdelay $0x3  }
0x33: {  	p0 =	seq.s32 s10, $0x1;
	s10 =	sld [smem:$0x3FA1];
	_ =	sdelay $0x3  }
0x34: {  	[smem:$0x3FA1] =	sst s10  }
0x35: {  	s10 =	sld [smem:$0x3FA0];
	_ =	sdelay $0x3  }
0x36: {  	p1 =	seq.s32 s10, $0x1;
	s10 =	sld [smem:$0x3FA1];
	_ =	sdelay $0x3  }
0x37: {  	[smem:$0x3FA1] =	sst s10  }
0x38: {  	s10 =	sld [smem:$0x3FA2]  }
0x39: {  	_ = 	snop;
	(pc) =	sbr.ind lr, $3  }
0x3a: {  	_ = 	snop  }
0x3b: {  	_ = 	snop  }
0x3c: {  	p2 =	seq.s32 s10, $0x1;
	s10 =	sld [smem:$0x3FA1]  }
0x3d: {  	_ =	shalt  }
0x3e: {  	_ =	shalt  }
0x3f: {  	_ =	shalt  }
0x40: {  	_ =	shalt  }
0x41: {  	_ =	shalt  }
0x42: {  	_ =	shalt  }
0x43: {  	_ =	shalt  }
0x44: {  	_ =	shalt  }
0x45: {  	_ =	shalt  }
0x46: {  	_ =	shalt  }
0x47: {  	_ =	shalt  }
0x48: {  	_ =	shalt  }
0x49: {  	_ =	shalt  }
0x4a: {  	_ =	shalt  }
0x4b: {  	_ =	shalt  }
0x4c: {  	_ =	shalt  }
0x4d: {  	_ =	shalt  }
0x4e: {  	_ =	shalt  }
0x4f: {  	_ =	shalt  }
0x50: {  	_ =	shalt  }
0x51: {  	_ =	shalt  }
0x52: {  	_ =	shalt  }
0x53: {  	_ =	shalt  }
0x54: {  	_ =	shalt  }
0x55: {  	_ =	shalt  }
0x56: {  	_ =	shalt  }
0x57: {  	_ =	shalt  }
0x58: {  	_ =	shalt  }
0x59: {  	_ =	shalt  }
0x5a: {  	_ =	shalt  }
0x5b: {  	_ =	shalt  }
0x5c: {  	_ =	shalt  }
0x5d: {  	_ =	shalt  }
0x5e: {  	_ =	shalt  }
0x5f: {  	_ =	shalt  }
0x60: {  	_ =	shalt  }
0x61: {  	_ =	shalt  }
0x62: {  	_ =	shalt  }
0x63: {  	_ =	shalt  }
0x64: {  	_ =	shalt  }
0x65: {  	_ =	shalt  }
0x66: {  	_ =	shalt  }
0x67: {  	_ =	shalt  }
0x68: {  	_ =	shalt  }
0x69: {  	_ =	shalt  }
0x6a: {  	_ =	shalt  }
0x6b: {  	_ =	shalt  }
0x6c: {  	_ =	shalt  }
0x6d: {  	_ =	shalt  }
0x6e: {  	_ =	shalt  }
0x6f: {  	_ =	shalt  }
0x70: {  	_ =	shalt  }
0x71: {  	_ =	shalt  }
0x72: {  	_ =	shalt  }
0x73: {  	_ =	shalt  }
0x74: {  	_ =	shalt  }
0x75: {  	_ =	shalt  }
0x76: {  	_ =	shalt  }
0x77: {  	_ =	shalt  }
0x78: {  	_ =	shalt  }
0x79: {  	_ =	shalt  }
0x7a: {  	_ =	shalt  }
0x7b: {  	_ =	shalt  }
0x7c: {  	_ =	shalt  }
0x7d: {  	_ =	shalt  }
0x7e: {  	_ =	shalt  }
0x7f: {  	_ =	shalt  }
0x80: {  	_ =	shalt  }
0x81: {  	_ =	shalt  }
0x82: {  	_ =	shalt  }
0x83: {  	_ =	shalt  }
0x84: {  	_ =	shalt  }
0x85: {  	_ =	shalt  }
0x86: {  	_ =	shalt  }
0x87: {  	_ =	shalt  }
.Lfunc_end0:
.L_simem_size_0:
called_computation.5_lowered:
.L_overlay_start_0:
0x88: {  	s2 =	sld [smem:$0x3FD9]  }
0x89: {  	s3 =	sld [smem:$0x3FFE];
	_ =	sdelay $0x1  }
0x8a: {  	s1 =	srdreg.scid  }
0x8b: {  	s0 =	sand.u32 $0x1, s1  }
0x8c: {  	s17 =	sshll.u32 s0, $0xA;
	s2 =	sadd.s32 s3, s2  }
0x8d: {  	s2 =	sadd.s32 s2, s17  }
0x8e: {  	[smem:$0x3FAD] =	sst s2  }
0x8f: {  	_ = 	snop  }
0x90: {  	(tm) =	ssettm $0x1  }
0x91: {  	s18 =	sld [smem:$0x3FFB];
	_ =	sdelay $0x3  }
0x92: {  	_ =	strace s18  }
0x93: {  	s2 =	sld [smem:$0x3FFC];
	_ =	sdelay $0x3  }
0x94: {  	_ =	strace s2  }
0x95: {  	s2 =	sld [smem:$0x3FFD];
	_ =	sdelay $0x3  }
0x96: {  	_ =	strace s2  }
0x97: {  	_ =	strace $0x8FFFFFFF  }
0x98: {  	s19 =	sld [smem:$0x3FDB];
	_ =	sdelay $0x1  }
0x99: {  	s20 =	simm.s32 $_scs_section_size  }
0x9a: {  	s4 =	simm.s32 $_size__tile_overlayer_lowered;
	s5 =	simm.s32 $_tile_overlayer_lowered  }
0x9b: {  	s6 =	simm.s32 $0x1BFF;
	s21 =	sshll.u32 s5, $0x1;
	s3 =	sadd.s32 s20, s19  }
0x9c: {  	s22 =	simm.s32 $0x0;
	s4 =	sshll.u32 s4, $0x1;
	s5 =	sadd.s32 s21, s3  }
0x9d: {  	[timem:s22], [sflag:s6] =	dma.local [hbm:s5], s4  }
0x9e: {  	_ =	swait.ge [sflag:s6], s4  }
0x9f: {  	s4 =	ssub.s32 $0x0, s4;
	[sflag:s6] =	ssyncset.done $0x0  }
0xa0: {  	[sflag:s6] =	ssyncadd.s32 s4;
	_ =	sdelay $0x1  }
0xa1: {  	s23 =	simm.s32 $0x1B8B  }
0xa2: {  	_ =	swait.ge [sflag:s23], $0x1  }
0xa3: {  	[sflag:s23] =	ssyncset.done $0x0  }
0xa4: {  	[sflag:s23] =	ssyncadd.s32 $0xFFFFFFFF  }
0xa5: {  	s4 =	sld [smem:$0x0]  }
0xa6: {  	s5 =	sand.u32 $0xFFFFFFFE, s1  }
0xa7: {  	p0 =	sne.s32 s1, s5  }
0xa8: {  	s5 =	sshll.u32 @p0 s5, $0xE  }
0xa9: {  	s5 =	sadd.s32 @p0 $0x11B8D, s5;
	s6 =	sshll.u32 @p0 s4, $0x11  }
0xaa: {  	s5 =	sor.u32 @p0 s6, s5  }
0xab: {  	[sflag:s5] =	ssyncadd.remote.s32 @p0 $0x1;
	_ =	sdelay $0x1  }
0xac: {  	s5 =	simm.s32 @p0 $0x1B8D  }
0xad: {  	_ =	swait.eq @p0 [sflag:s5], $0x1  }
0xae: {  	[sflag:s5] =	ssyncadd.s32 @p0 $0xFFFFFFFF  }
0xaf: {  	s6 =	sshll.u32 @!p0 s1, $0xE  }
0xb0: {  	s6 =	sor.u32 @!p0 $0x4000, s6;
	s5 =	simm.s32 @!p0 $0x1B8D  }
0xb1: {  	s4 =	sshll.u32 @!p0 s4, $0x11;
	s6 =	sadd.s32 @!p0 $0x11B8D, s6;
	_ =	swait.eq @!p0 [sflag:s5], $0x1  }
0xb2: {  	s4 =	sor.u32 @!p0 s4, s6;
	[sflag:s5] =	ssyncadd.s32 @!p0 $0xFFFFFFFF  }
0xb3: {  	s25 =	simm.s32 $0x1B8E;
	s24 =	sld [smem:$0x3FFE];
	[sflag:s4] =	ssyncadd.remote.s32 @!p0 $0x1  }
0xb4: {  	s26 =	simm.s32 $execute0_lowered;
	[smem:$0x3FD2] =	sst s25  }
0xb5: {  	s5 =	sshll.u32 s26, $0x1;
	_ =	strace $0x8000004F;
	[dreg:$0x1] =	wrdreg $0xFFFFFFFF  }
0xb6: {  	s28 =	simm.s32 $_size_execute0_lowered;
	s3 =	sadd.s32 s3, s5;
	[dreg:$0x0] =	wrdreg $0x0  }
0xb7: {  	s5 =	sshll.u32 s28, $0x1;
	[dreg:$0x2] =	wrdreg s3  }
0xb8: {  	[dreg:$0x3] =	wrdreg s5  }
0xb9: {  	[dreg:$0x4] =	wrdreg $0xC0  }
0xba: {  	_ =	task [dreg:s22], $0x5FFFF  }
0xbb: {  	[dreg:$0x1] =	wrdreg $0xFFFFFFFF  }
0xbc: {  	[dreg:$0x0] =	wrdreg $0x60  }
0xbd: {  	[dreg:$0x2] =	wrdreg s24  }
0xbe: {  	[dreg:$0x3] =	wrdreg $0xA  }
0xbf: {  	_ =	task.clear_ibuf [dreg:s22], $0x4FFFF;
	_ =	strace $0x9000004F  }
0xc0: {  	s29 =	simm.s32 $0xA;
	_ =	strace $0x80000051  }
0xc1: {  	_ =	swait.ge [sflag:s29], $0x1  }
0xc2: {  	[sflag:s29] =	ssyncadd.s32 $0xFFFFFFFF  }
0xc3: {  	_ =	strace $0x90000051  }
0xc4: {  	_ =	sfence  }
0xc5: {  	s30 =	sld [smem:$0x0];
	_ =	sdelay $0x2  }
0xc6: {  	s31 =	sshll.u32 s1, $0xD;
	s1 =	sshrl.u32 s1, $0x2  }
0xc7: {  	s4 =	sand.u32 $0x4000, s31;
	s1 =	sadd.s32 s1, s30  }
0xc8: {  	s0 =	sor.u32 s4, s0;
	s1 =	sshll.u32 s1, $0x11  }
0xc9: {  	s0 =	sor.u32 s1, s0  }
0xca: {  	s0 =	sadd.s32 $0x8F2B, s0  }
0xcb: {  	[sflag:s0] =	ssyncadd.remote.s32 $0x1  }
0xcc: {  	_ =	sfence.sel $0xFFFF  }
0xcd: {  	[dreg:$0x0] =	wrdreg $0xFFFFFFFF;
	(pc) =	sbr.abs _section_cstart, $3  }
0xce: {  	[dreg:$0x1] =	wrdreg $0xFFFFFFFF  }
0xcf: {  	_ =	task.clear_ibuf [dreg:s22], $0x2FFFF;
	_ =	strace $0x9FFFFFFF  }
0xd0: {  	(tm) =	ssettm $0x7FFFFFFF  }
0xd1: {  	_ =	shalt  }
tec
execute0_lowered:
.L_overlay_start_1:
0x0: {  	(tag) =	ssettag $0x1  }
0x1: {  	s0 =	srdreg.scid  }
0x2: {  	s4 =	stileid.u32;
	s5 =	rddreg [dreg:$0x0]  }
0x3: {  	s2 =	simm.s32 $0x0;
	s16 =	simm.s32 $0x1C00;
	s17 =	simm.s32 $0x2000  }
0x4: {  	s18 =	simm.s32 $0x2800;
	s19 =	simm.s32 $0x2C00;
	s20 =	simm.s32 $0x3400  }
0x5: {  	s21 =	simm.s32 $0x3800;
	s22 =	simm.s32 $0x4000;
	[smem:$0x7FF] =	sst s2  }
0x6: {  	s23 =	simm.s32 $0x4400;
	_ =	strace $0x80000050;
	[dreg:$0x3] =	wrdreg s16  }
0x7: {  	s24 =	simm.s32 $0x4C00;
	s25 =	simm.s32 $0x5000;
	[dreg:$0x4] =	wrdreg s17  }
0x8: {  	s7 =	simm.s32 $0x2;
	s26 =	simm.s32 $0x5800;
	[dreg:$0x5] =	wrdreg s18  }
0x9: {  	s8 =	simm.s32 $0x1400;
	s9 =	simm.s32 $0x5C00;
	[dreg:$0x6] =	wrdreg s19  }
0xa: {  	s10 =	simm.s32 $0x6400;
	s11 =	simm.s32 $0x6800;
	[dreg:$0x7] =	wrdreg s20  }
0xb: {  	s12 =	simm.s32 $0x7000;
	s13 =	simm.s32 $0x7400;
	[dreg:$0x8] =	wrdreg s21  }
0xc: {  	s14 =	simm.s32 $0x7C00;
	s28 =	simm.s32 $0xC800;
	[dreg:$0x9] =	wrdreg s22  }
0xd: {  	s29 =	simm.s32 $0xD000;
	s30 =	simm.s32 $0x1;
	[dreg:$0xa] =	wrdreg s23  }
0xe: {  	s0 =	sand.u32 $0x1, s0;
	s3 =	smul.u32 $0x3C000, s4;
	[dreg:$0xb] =	wrdreg s24  }
0xf: {  	s31 =	simm.s32 $0x0;
	s1 =	smul.u32 $0x3C0000, s0;
	[dreg:$0xc] =	wrdreg s25  }
0x10: {  	s15 =	sshll.u32 s0, $0x4;
	s0 =	ssub.s32 $0x2, s0;
	[dreg:$0xd] =	wrdreg s26  }
0x11: {  	s16 =	simm.s32 $0x8800;
	s17 =	simm.s32 $0x8C00;
	s18 =	simm.s32 $0x9400  }
0x12: {  	s19 =	simm.s32 $0x9800;
	s20 =	simm.s32 $0xA000;
	s21 =	simm.s32 $0xA400  }
0x13: {  	s22 =	simm.s32 $0xAC00;
	s23 =	simm.s32 $0xB000;
	s1 =	sadd.s32 s1, s5  }
0x14: {  	s6 =	sshrl.u32 s0, $0x1;
	s1 =	sadd.s32 s3, s1;
	s3 =	sor.u32 s4, s15  }
0x15: {  	s24 =	simm.s32 $0xB800;
	s0 =	ssub.s32 s0, s6;
	s4 =	smul.u32 $0x280, s3  }
0x16: {  	s25 =	simm.s32 $0xBC00;
	s26 =	simm.s32 $0xC400;
	s0 =	smax.u32 s0, $0x1  }
0x17: {  	v2 =	vlaneseq.u32;
	s1 =	sadd.s32 $0x1C46A00, s1;
	[dreg:$0xf] =	wrdreg s0;
	s4 =	sadd.s32 s4, s5  }
0x18: {  	vm0 =	vmmov $0xffff;
	vm1 =	vmmov $0xff;
	v1 =	vshrl.u32 v2, $0x3;
	s15 =	simm.s32 $0x8000;
	[dreg:$0x2] =	wrdreg s1;
	s4 =	sadd.s32 $0x21A00, s4  }
0x19: {  	v0 =	vand.u32 $0x7, v2;
	v2 =	vor.u32 $0x8, v2;
	v1 =	vmul.u32 $0x8, v1;
	s3 =	sadd.s32 $0xE86A00, s5;
	s5 =	sadd.s32 $0xE86B00, s5;
	[dreg:$0xe] =	wrdreg s4  }
.LBB2_1:
0x1a: {  	s0 =	rddreg [dreg:$0xe]  }
0x1b: {  	[tilespmem:s2], [sflag:$0x2] =	stream.linear.gather [hbm4b:s0+s2], $0x1400, $0x38;
	[tilespmem:$0xD400] =	vst v63  }
0x1c: {  	_ =	swait.ge [sflag:s7], $0x1400  }
0x1d: {  	[sflag:s7] =	ssyncset.done $0x0  }
0x1e: {  	s1 =	simm.s32 $0x40;
	s0 =	simm.s32 $0x0;
	[sflag:s7] =	ssyncadd.s32 $0xFFFFEC00  }
.LBB2_2:
0x1f: {  	v3 =	vld [tilespmem:s1+$0xFFFFFFC0];
	_ =	sdelay $0x4  }
0x20: {  	v4 =	vshrl.u32 v3, $0x3  }
0x21: {  	v4 =	vmul.u32 $0x18, v4  }
0x22: {  	v3 =	vand.u32 $0x7, v3  }
0x23: {  	v3 =	vor.u32 v3, v4  }
0x24: {  	v4 =	vperm.xlane v3, v0;
	_ =	sdelay $0x1  }
0x25: {  	v4 =	vadd.s32 v1, v4;
	_ =	sdelay $0x1  }
0x26: {  	v3 =	vperm.xlane v3, v2;
	_ =	sdelay $0x1  }
0x27: {  	v3 =	vadd.s32 v1, v3  }
0x28: {  	[tilespmem:s8], [sflag:$0x1] =	stream.indirect_vreg.gather [hbm4b:s3+s2], $0x80, v4, vm0, $0xb8;
	[tilespmem:$0xD400] =	vst v63  }
0x29: {  	s4 =	rddreg [dreg:$0x3]  }
0x2a: {  	[tilespmem:s4], [sflag:$0x1] =	stream.indirect_vreg.gather [hbm4b:s5+s2], $0x80, v4, vm1, $0xb8;
	[tilespmem:$0xD400] =	vst v63  }
0x2b: {  	s6 =	rddreg [dreg:$0x4]  }
0x2c: {  	[tilespmem:s6], [sflag:$0x1] =	stream.indirect_vreg.gather [hbm4b:s3+s2], $0x80, v3, vm0, $0xb8;
	[tilespmem:$0xD400] =	vst v63  }
0x2d: {  	s4 =	rddreg [dreg:$0x5]  }
0x2e: {  	[tilespmem:s4], [sflag:$0x1] =	stream.indirect_vreg.gather [hbm4b:s5+s2], $0x80, v3, vm1, $0xb8;
	[tilespmem:$0xD400] =	vst v63  }
0x2f: {  	v3 =	vld [tilespmem:s1+$0xFFFFFFD0];
	_ =	sdelay $0x4  }
0x30: {  	v57 =	vshrl.u32 v3, $0x3  }
0x31: {  	v4 =	vmul.u32 $0x18, v57  }
0x32: {  	v3 =	vand.u32 $0x7, v3  }
0x33: {  	v3 =	vor.u32 v3, v4  }
0x34: {  	v4 =	vperm.xlane v3, v0;
	_ =	sdelay $0x1  }
0x35: {  	v4 =	vadd.s32 v1, v4;
	_ =	sdelay $0x1  }
0x36: {  	v3 =	vperm.xlane v3, v2;
	_ =	sdelay $0x1  }
0x37: {  	s4 =	rddreg [dreg:$0x6];
	v3 =	vadd.s32 v1, v3  }
0x38: {  	[tilespmem:s4], [sflag:$0x1] =	stream.indirect_vreg.gather [hbm4b:s3+s2], $0x80, v4, vm0, $0xb8;
	[tilespmem:$0xD400] =	vst v63  }
0x39: {  	s6 =	rddreg [dreg:$0x7]  }
0x3a: {  	[tilespmem:s6], [sflag:$0x1] =	stream.indirect_vreg.gather [hbm4b:s5+s2], $0x80, v4, vm1, $0xb8;
	[tilespmem:$0xD400] =	vst v63  }
0x3b: {  	s4 =	rddreg [dreg:$0x8]  }
0x3c: {  	[tilespmem:s4], [sflag:$0x1] =	stream.indirect_vreg.gather [hbm4b:s3+s2], $0x80, v3, vm0, $0xb8;
	[tilespmem:$0xD400] =	vst v63  }
0x3d: {  	s6 =	rddreg [dreg:$0x9]  }
0x3e: {  	[tilespmem:s6], [sflag:$0x1] =	stream.indirect_vreg.gather [hbm4b:s5+s2], $0x80, v3, vm1, $0xb8;
	[tilespmem:$0xD400] =	vst v63  }
0x3f: {  	v3 =	vld [tilespmem:s1+$0xFFFFFFE0];
	_ =	sdelay $0x4  }
0x40: {  	v58 =	vshrl.u32 v3, $0x3  }
0x41: {  	v4 =	vmul.u32 $0x18, v58  }
0x42: {  	v3 =	vand.u32 $0x7, v3  }
0x43: {  	v3 =	vor.u32 v3, v4  }
0x44: {  	v4 =	vperm.xlane v3, v0;
	_ =	sdelay $0x1  }
0x45: {  	v4 =	vadd.s32 v1, v4;
	_ =	sdelay $0x1  }
0x46: {  	v3 =	vperm.xlane v3, v2;
	_ =	sdelay $0x1  }
0x47: {  	s4 =	rddreg [dreg:$0xa];
	v3 =	vadd.s32 v1, v3  }
0x48: {  	[tilespmem:s4], [sflag:$0x1] =	stream.indirect_vreg.gather [hbm4b:s3+s2], $0x80, v4, vm0, $0xb8;
	[tilespmem:$0xD400] =	vst v63  }
0x49: {  	s6 =	rddreg [dreg:$0xb]  }
0x4a: {  	[tilespmem:s6], [sflag:$0x1] =	stream.indirect_vreg.gather [hbm4b:s5+s2], $0x80, v4, vm1, $0xb8;
	[tilespmem:$0xD400] =	vst v63  }
0x4b: {  	s4 =	rddreg [dreg:$0xc]  }
0x4c: {  	[tilespmem:s4], [sflag:$0x1] =	stream.indirect_vreg.gather [hbm4b:s3+s2], $0x80, v3, vm0, $0xb8;
	[tilespmem:$0xD400] =	vst v63  }
0x4d: {  	s6 =	rddreg [dreg:$0xd]  }
0x4e: {  	[tilespmem:s6], [sflag:$0x1] =	stream.indirect_vreg.gather [hbm4b:s5+s2], $0x80, v3, vm1, $0xb8;
	[tilespmem:$0xD400] =	vst v63  }
0x4f: {  	v3 =	vld [tilespmem:s1+$0xFFFFFFF0];
	_ =	sdelay $0x4  }
0x50: {  	v59 =	vshrl.u32 v3, $0x3  }
0x51: {  	v4 =	vmul.u32 $0x18, v59  }
0x52: {  	v3 =	vand.u32 $0x7, v3  }
0x53: {  	v3 =	vor.u32 v3, v4  }
0x54: {  	v4 =	vperm.xlane v3, v0;
	_ =	sdelay $0x1  }
0x55: {  	v4 =	vadd.s32 v1, v4;
	_ =	sdelay $0x1  }
0x56: {  	v3 =	vperm.xlane v3, v2;
	_ =	sdelay $0x1  }
0x57: {  	v3 =	vadd.s32 v1, v3  }
0x58: {  	[tilespmem:s9], [sflag:$0x1] =	stream.indirect_vreg.gather [hbm4b:s3+s2], $0x80, v4, vm0, $0xb8;
	[tilespmem:$0xD400] =	vst v63  }
0x59: {  	_ = 	snop  }
0x5a: {  	[tilespmem:s10], [sflag:$0x1] =	stream.indirect_vreg.gather [hbm4b:s5+s2], $0x80, v4, vm1, $0xb8;
	[tilespmem:$0xD400] =	vst v63  }
0x5b: {  	_ = 	snop  }
0x5c: {  	[tilespmem:s11], [sflag:$0x1] =	stream.indirect_vreg.gather [hbm4b:s3+s2], $0x80, v3, vm0, $0xb8;
	[tilespmem:$0xD400] =	vst v63  }
0x5d: {  	_ = 	snop  }
0x5e: {  	[tilespmem:s12], [sflag:$0x1] =	stream.indirect_vreg.gather [hbm4b:s5+s2], $0x80, v3, vm1, $0xb8;
	[tilespmem:$0xD400] =	vst v63  }
0x5f: {  	v3 =	vld [tilespmem:s1+$0x0];
	_ =	sdelay $0x4  }
0x60: {  	v60 =	vshrl.u32 v3, $0x3  }
0x61: {  	v4 =	vmul.u32 $0x18, v60  }
0x62: {  	v3 =	vand.u32 $0x7, v3  }
0x63: {  	v3 =	vor.u32 v3, v4  }
0x64: {  	v4 =	vperm.xlane v3, v0;
	_ =	sdelay $0x1  }
0x65: {  	v4 =	vadd.s32 v1, v4;
	_ =	sdelay $0x1  }
0x66: {  	v3 =	vperm.xlane v3, v2;
	_ =	sdelay $0x1  }
0x67: {  	v3 =	vadd.s32 v1, v3  }
0x68: {  	[tilespmem:s13], [sflag:$0x1] =	stream.indirect_vreg.gather [hbm4b:s3+s2], $0x80, v4, vm0, $0xb8;
	[tilespmem:$0xD400] =	vst v63  }
0x69: {  	_ = 	snop  }
0x6a: {  	[tilespmem:s14], [sflag:$0x1] =	stream.indirect_vreg.gather [hbm4b:s5+s2], $0x80, v4, vm1, $0xb8;
	[tilespmem:$0xD400] =	vst v63  }
0x6b: {  	_ = 	snop  }
0x6c: {  	[tilespmem:s15], [sflag:$0x1] =	stream.indirect_vreg.gather [hbm4b:s3+s2], $0x80, v3, vm0, $0xb8;
	[tilespmem:$0xD400] =	vst v63  }
0x6d: {  	_ = 	snop  }
0x6e: {  	[tilespmem:s16], [sflag:$0x1] =	stream.indirect_vreg.gather [hbm4b:s5+s2], $0x80, v3, vm1, $0xb8;
	[tilespmem:$0xD400] =	vst v63  }
0x6f: {  	v3 =	vld [tilespmem:s1+$0x10];
	_ =	sdelay $0x4  }
0x70: {  	v61 =	vshrl.u32 v3, $0x3  }
0x71: {  	v4 =	vmul.u32 $0x18, v61  }
0x72: {  	v3 =	vand.u32 $0x7, v3  }
0x73: {  	v3 =	vor.u32 v3, v4  }
0x74: {  	v4 =	vperm.xlane v3, v0;
	_ =	sdelay $0x1  }
0x75: {  	v4 =	vadd.s32 v1, v4;
	_ =	sdelay $0x1  }
0x76: {  	v3 =	vperm.xlane v3, v2;
	_ =	sdelay $0x1  }
0x77: {  	v3 =	vadd.s32 v1, v3  }
0x78: {  	[tilespmem:s17], [sflag:$0x1] =	stream.indirect_vreg.gather [hbm4b:s3+s2], $0x80, v4, vm0, $0xb8;
	[tilespmem:$0xD400] =	vst v63  }
0x79: {  	_ = 	snop  }
0x7a: {  	[tilespmem:s18], [sflag:$0x1] =	stream.indirect_vreg.gather [hbm4b:s5+s2], $0x80, v4, vm1, $0xb8;
	[tilespmem:$0xD400] =	vst v63  }
0x7b: {  	_ = 	snop  }
0x7c: {  	[tilespmem:s19], [sflag:$0x1] =	stream.indirect_vreg.gather [hbm4b:s3+s2], $0x80, v3, vm0, $0xb8;
	[tilespmem:$0xD400] =	vst v63  }
0x7d: {  	_ = 	snop  }
0x7e: {  	[tilespmem:s20], [sflag:$0x1] =	stream.indirect_vreg.gather [hbm4b:s5+s2], $0x80, v3, vm1, $0xb8;
	[tilespmem:$0xD400] =	vst v63  }
0x7f: {  	v3 =	vld [tilespmem:s1+$0x20];
	_ =	sdelay $0x4  }
0x80: {  	v62 =	vshrl.u32 v3, $0x3  }
0x81: {  	v4 =	vmul.u32 $0x18, v62  }
0x82: {  	v3 =	vand.u32 $0x7, v3  }
0x83: {  	v3 =	vor.u32 v3, v4  }
0x84: {  	v4 =	vperm.xlane v3, v0;
	_ =	sdelay $0x1  }
0x85: {  	v4 =	vadd.s32 v1, v4;
	_ =	sdelay $0x1  }
0x86: {  	v3 =	vperm.xlane v3, v2;
	_ =	sdelay $0x1  }
0x87: {  	v3 =	vadd.s32 v1, v3  }
0x88: {  	[tilespmem:s21], [sflag:$0x1] =	stream.indirect_vreg.gather [hbm4b:s3+s2], $0x80, v4, vm0, $0xb8;
	[tilespmem:$0xD400] =	vst v63  }
0x89: {  	_ = 	snop  }
0x8a: {  	[tilespmem:s22], [sflag:$0x1] =	stream.indirect_vreg.gather [hbm4b:s5+s2], $0x80, v4, vm1, $0xb8;
	[tilespmem:$0xD400] =	vst v63  }
0x8b: {  	_ = 	snop  }
0x8c: {  	[tilespmem:s23], [sflag:$0x1] =	stream.indirect_vreg.gather [hbm4b:s3+s2], $0x80, v3, vm0, $0xb8;
	[tilespmem:$0xD400] =	vst v63  }
0x8d: {  	_ = 	snop  }
0x8e: {  	[tilespmem:s24], [sflag:$0x1] =	stream.indirect_vreg.gather [hbm4b:s5+s2], $0x80, v3, vm1, $0xb8;
	[tilespmem:$0xD400] =	vst v63  }
0x8f: {  	v3 =	vld [tilespmem:s1+$0x30];
	_ =	sdelay $0x4  }
0x90: {  	v63 =	vshrl.u32 v3, $0x3  }
0x91: {  	v4 =	vmul.u32 $0x18, v63  }
0x92: {  	v3 =	vand.u32 $0x7, v3  }
0x93: {  	v3 =	vor.u32 v3, v4  }
0x94: {  	v4 =	vperm.xlane v3, v0;
	_ =	sdelay $0x1  }
0x95: {  	v4 =	vadd.s32 v1, v4;
	_ =	sdelay $0x1  }
0x96: {  	v3 =	vperm.xlane v3, v2;
	_ =	sdelay $0x1  }
0x97: {  	v3 =	vadd.s32 v1, v3  }
0x98: {  	[tilespmem:s25], [sflag:$0x1] =	stream.indirect_vreg.gather [hbm4b:s3+s2], $0x80, v4, vm0, $0xb8;
	[tilespmem:$0xD400] =	vst v63  }
0x99: {  	_ = 	snop  }
0x9a: {  	[tilespmem:s26], [sflag:$0x1] =	stream.indirect_vreg.gather [hbm4b:s5+s2], $0x80, v4, vm1, $0xb8;
	[tilespmem:$0xD400] =	vst v63  }
0x9b: {  	_ = 	snop  }
0x9c: {  	[tilespmem:s28], [sflag:$0x1] =	stream.indirect_vreg.gather [hbm4b:s3+s2], $0x80, v3, vm0, $0xb8;
	[tilespmem:$0xD400] =	vst v63  }
0x9d: {  	_ = 	snop  }
0x9e: {  	[tilespmem:s29], [sflag:$0x1] =	stream.indirect_vreg.gather [hbm4b:s5+s2], $0x80, v3, vm1, $0xb8;
	[tilespmem:$0xD400] =	vst v63  }
0x9f: {  	_ =	swait.ge [sflag:s30], $0xC000  }
0xa0: {  	p0 =	sne.s32 s0, $0x3A800;
	s6 =	rddreg [dreg:$0x2];
	[sflag:s30] =	ssyncset.done $0x0  }
.Ltmp0:
0xa1: {  	[sflag:s30] =	ssyncadd.s32 $0xFFFF4000;
	s4 =	sadd.s32 s0, s6;
	(pc) =	sbr.rel @p0 .LBB2_2-.Ltmp0, $4  }
0xa2: {  	[hbm4b:s4+s2] =	stream.linear.scatter [tilespmem:s8], [sflag:$0x2], $0xC000, $0x38;
	[tilespmem:$0xD400] =	vst v63  }
0xa3: {  	_ =	swait.ge [sflag:s7], $0xC000  }
0xa4: {  	[sflag:s7] =	ssyncset.done $0x0  }
0xa5: {  	s1 =	sadd.s32 $0x80, s1;
	s0 =	sadd.s32 $0x1800, s0;
	[sflag:s7] =	ssyncadd.s32 $0xFFFF4000  }
0xa6: {  	s31 =	sadd.s32 $0x1, s31;
	s0 =	rddreg [dreg:$0xf]  }
0xa7: {  	p0 =	sne.s32 s31, s0  }
.Ltmp1:
0xa8: {  	_ = 	snop;
	(pc) =	sbr.rel @p0 .LBB2_1-.Ltmp1, $1  }
0xa9: {  	_ =	sdelay $0x3  }
0xaa: {  	_ =	sfence.sel $0x180000  }
0xab: {  	[bflag:$0x0] =	sbarrier.arrive $0xFFFF  }
0xac: {  	_ =	strace $0x90000050  }
0xad: {  	s0 =	stileid.u32;
	[bflag:$0x2] =	sbarrier.arrive $0xFFFF  }
0xae: {  	p0 =	sne.s32 s0, $0x0;
	s0 =	rddreg [dreg:$0x1]  }
0xaf: {  	s0 =	sadd.s32 @!p0 $0x100000, s0  }
0xb0: {  	[sflag:s0] =	ssyncadd.tile.s32 @!p0 $0x1;
	_ =	shalt  }
.Lfunc_end2:
_tile_overlayer_lowered:
.L_overlay_start_2:
0xb1: {  	(tag) =	ssettag $0x2  }
0xb2: {  	s0 =	rddreg [dreg:$0x0];
	s2 =	stileid.u32  }
0xb3: {  	s1 =	rddreg [dreg:$0x1];
	p0 =	sne.s32 s2, $0x0  }
0xb4: {  	s3 =	rddreg [dreg:$0x2];
	[bflag:$0x3] =	sbarrier.arrive $0xFFFF;
	s2 =	simm.s32 @!p0 $0x1C02  }
0xb5: {  	[timem:s3], [sflag:s2] =	dma.local @!p0 [hbm:s0], s1  }
0xb6: {  	s0 =	simm.s32 @!p0 $0x2  }
0xb7: {  	_ =	swait.ge @!p0 [sflag:s0], s1  }
0xb8: {  	s1 =	ssub.s32 @!p0 $0x0, s1;
	[sflag:s0] =	ssyncset.done @!p0 $0x0  }
0xb9: {  	[sflag:s0] =	ssyncadd.s32 @!p0 s1  }
0xba: {  	[bflag:$0x3] =	sbarrier.arrive $0xFFFF  }
0xbb: {  	_ =	shalt  }

// kernel: scatter_offload_async_start.1
scs
__scs_entry_jumppad:
0x0: {  	(pc) =	sbr.rel $0x88, $3  }
0x1: {  	(tag) =	ssettag $0x0;
	lr =	simm.s32 $0x1  }
0x2: {  	[smem:$0x3F86] =	sst lr;
	_ =	strace $0xD0000000  }
0x3: {  	_ = 	snop  }
0x4: {  	_ = 	snop  }
0x5: {  	_ = 	snop  }
0x6: {  	_ = 	snop  }
0x7: {  	_ = 	snop  }
__scs_overlays_trampoline_lowered:
0x8: {  	[smem:$0x3F95] =	sst s0  }
0x9: {  	[smem:$0x3F96] =	sst s1  }
0xa: {  	[smem:$0x3F97] =	sst s2  }
0xb: {  	[smem:$0x3F98] =	sst s3  }
0xc: {  	[smem:$0x3F99] =	sst s4  }
0xd: {  	[smem:$0x3F9A] =	sst s5  }
0xe: {  	[smem:$0x3F9B] =	sst s6  }
0xf: {  	[smem:$0x3F9C] =	sst s7  }
0x10: {  	[smem:$0x3F9D] =	sst s8  }
0x11: {  	[smem:$0x3F9E] =	sst s9;
	s0 =	simm.s32 @!p0 $0x0  }
0x12: {  	s1 =	sld [smem:$0x3F84];
	s0 =	simm.s32 @p0 $0x1  }
0x13: {  	[smem:$0x3F9F] =	sst s0;
	s0 =	simm.s32 @!p1 $0x0  }
0x14: {  	s2 =	sld [smem:$0x3F83];
	s0 =	simm.s32 @p1 $0x1  }
0x15: {  	[smem:$0x3FA0] =	sst s0;
	s0 =	simm.s32 @!p2 $0x0  }
0x16: {  	s3 =	sld [smem:$0x3FDB];
	s0 =	simm.s32 @p2 $0x1  }
0x17: {  	s4 =	simm.s32 $0x1BF5;
	[smem:$0x3FA2] =	sst s0  }
0x18: {  	s0 =	sld [smem:$0x3F85];
	_ =	swait.ge [sflag:s4], $0x0  }
0x19: {  	s7 =	sld [smem:$0x3F86]  }
0x1a: {  	s8 =	sadd.s32 $0xFFFFE003, lr  }
0x1b: {  	s9 =	sadd.s32 $0xFFFFFEF7, lr;
	s5 =	simm.s32 $0xFFFFFFFF;
	p2 =	slt.u32 s8, $0xFFFFF086  }
0x1c: {  	p1 =	slt.u32 s9, $0xF7A;
	s5 =	simm.s32 @!p2 $0x0  }
0x1d: {  	s5 =	simm.s32 @p1 $0x1;
	p0 =	seq.s32 s7, s2  }
0x1e: {  	s7 =	smul.u32 @!p0 $0xF7A, s2;
	p2 =	seq.s32 @!p0 s5, $0x0  }
0x1f: {  	s9 =	smul.u32 $0xF7A, s1;
	s8 =	simm.s32 @!p0 $0x1BF5;
	p2 =	por !p2, p0  }
0x20: {  	[sflag:s8] =	ssyncset.s32 @!p0 $0xFFFFF086;
	s6 =	sadd.s32 @!p0 s3, s7;
	s7 =	simm.s32 @!p0 $0x108  }
0x21: {  	s3 =	sadd.s32 s3, s9;
	s6 =	sadd.s32 @!p0 $0x88, s6;
	s7 =	simm.s32 @p2 $0x1082  }
0x22: {  	[simem:s7], [sflag:s8] =	dma.local @!p0 [hbm:s6], $0xF7A  }
0x23: {  	s9 =	sor.u32 $0xD0000000, s2;
	s6 =	simm.s32 $0x108;
	_ =	swait.ge @!p0 [sflag:s8], $0x0  }
0x24: {  	s3 =	sadd.s32 $0x88, s3;
	s6 =	simm.s32 @!p1 $0x1082;
	[sflag:s4] =	ssyncset.s32 $0xFFFFF086  }
0x25: {  	[simem:s6], [sflag:s4] =	dma.local [hbm:s3], $0xF7A  }
0x26: {  	[smem:$0x3F86] =	sst s1;
	(tag) =	ssettag s2;
	_ =	strace s9  }
0x27: {  	s1 =	sld [smem:$0x3F96]  }
0x28: {  	s2 =	sld [smem:$0x3F97]  }
0x29: {  	s4 =	sld [smem:$0x3F99]  }
0x2a: {  	p0 =	seq.s32 s5, $0x0;
	s5 =	sld [smem:$0x3F9A]  }
0x2b: {  	s6 =	sld [smem:$0x3F9B]  }
0x2c: {  	s7 =	sld [smem:$0x3F9C]  }
0x2d: {  	s3 =	simm.s32 $0x108;
	s8 =	sld [smem:$0x3F9D]  }
0x2e: {  	s3 =	simm.s32 @!p0 $0x1082;
	s9 =	sld [smem:$0x3F9E]  }
0x2f: {  	lr =	sadd.s32 s0, s3;
	s0 =	sld [smem:$0x3F95]  }
0x30: {  	s3 =	sld [smem:$0x3F98]  }
0x31: {  	[smem:$0x3FA1] =	sst s10  }
0x32: {  	s10 =	sld [smem:$0x3F9F];
	_ =	sdelay $0x3  }
0x33: {  	p0 =	seq.s32 s10, $0x1;
	s10 =	sld [smem:$0x3FA1];
	_ =	sdelay $0x3  }
0x34: {  	[smem:$0x3FA1] =	sst s10  }
0x35: {  	s10 =	sld [smem:$0x3FA0];
	_ =	sdelay $0x3  }
0x36: {  	p1 =	seq.s32 s10, $0x1;
	s10 =	sld [smem:$0x3FA1];
	_ =	sdelay $0x3  }
0x37: {  	[smem:$0x3FA1] =	sst s10  }
0x38: {  	s10 =	sld [smem:$0x3FA2]  }
0x39: {  	_ = 	snop;
	(pc) =	sbr.ind lr, $3  }
0x3a: {  	_ = 	snop  }
0x3b: {  	_ = 	snop  }
0x3c: {  	p2 =	seq.s32 s10, $0x1;
	s10 =	sld [smem:$0x3FA1]  }
0x3d: {  	_ =	shalt  }
0x3e: {  	_ =	shalt  }
0x3f: {  	_ =	shalt  }
0x40: {  	_ =	shalt  }
0x41: {  	_ =	shalt  }
0x42: {  	_ =	shalt  }
0x43: {  	_ =	shalt  }
0x44: {  	_ =	shalt  }
0x45: {  	_ =	shalt  }
0x46: {  	_ =	shalt  }
0x47: {  	_ =	shalt  }
0x48: {  	_ =	shalt  }
0x49: {  	_ =	shalt  }
0x4a: {  	_ =	shalt  }
0x4b: {  	_ =	shalt  }
0x4c: {  	_ =	shalt  }
0x4d: {  	_ =	shalt  }
0x4e: {  	_ =	shalt  }
0x4f: {  	_ =	shalt  }
0x50: {  	_ =	shalt  }
0x51: {  	_ =	shalt  }
0x52: {  	_ =	shalt  }
0x53: {  	_ =	shalt  }
0x54: {  	_ =	shalt  }
0x55: {  	_ =	shalt  }
0x56: {  	_ =	shalt  }
0x57: {  	_ =	shalt  }
0x58: {  	_ =	shalt  }
0x59: {  	_ =	shalt  }
0x5a: {  	_ =	shalt  }
0x5b: {  	_ =	shalt  }
0x5c: {  	_ =	shalt  }
0x5d: {  	_ =	shalt  }
0x5e: {  	_ =	shalt  }
0x5f: {  	_ =	shalt  }
0x60: {  	_ =	shalt  }
0x61: {  	_ =	shalt  }
0x62: {  	_ =	shalt  }
0x63: {  	_ =	shalt  }
0x64: {  	_ =	shalt  }
0x65: {  	_ =	shalt  }
0x66: {  	_ =	shalt  }
0x67: {  	_ =	shalt  }
0x68: {  	_ =	shalt  }
0x69: {  	_ =	shalt  }
0x6a: {  	_ =	shalt  }
0x6b: {  	_ =	shalt  }
0x6c: {  	_ =	shalt  }
0x6d: {  	_ =	shalt  }
0x6e: {  	_ =	shalt  }
0x6f: {  	_ =	shalt  }
0x70: {  	_ =	shalt  }
0x71: {  	_ =	shalt  }
0x72: {  	_ =	shalt  }
0x73: {  	_ =	shalt  }
0x74: {  	_ =	shalt  }
0x75: {  	_ =	shalt  }
0x76: {  	_ =	shalt  }
0x77: {  	_ =	shalt  }
0x78: {  	_ =	shalt  }
0x79: {  	_ =	shalt  }
0x7a: {  	_ =	shalt  }
0x7b: {  	_ =	shalt  }
0x7c: {  	_ =	shalt  }
0x7d: {  	_ =	shalt  }
0x7e: {  	_ =	shalt  }
0x7f: {  	_ =	shalt  }
0x80: {  	_ =	shalt  }
0x81: {  	_ =	shalt  }
0x82: {  	_ =	shalt  }
0x83: {  	_ =	shalt  }
0x84: {  	_ =	shalt  }
0x85: {  	_ =	shalt  }
0x86: {  	_ =	shalt  }
0x87: {  	_ =	shalt  }
.Lfunc_end0:
.L_simem_size_0:
called_computation.1_lowered:
.L_overlay_start_0:
0x88: {  	s2 =	sld [smem:$0x3FD9]  }
0x89: {  	s3 =	sld [smem:$0x3FFE];
	_ =	sdelay $0x1  }
0x8a: {  	s1 =	srdreg.scid  }
0x8b: {  	s0 =	sand.u32 $0x1, s1  }
0x8c: {  	s12 =	sshll.u32 s0, $0xA;
	s2 =	sadd.s32 s3, s2  }
0x8d: {  	s2 =	sadd.s32 s2, s12  }
0x8e: {  	[smem:$0x3FAD] =	sst s2  }
0x8f: {  	_ = 	snop  }
0x90: {  	(tm) =	ssettm $0x1  }
0x91: {  	s13 =	sld [smem:$0x3FFB];
	_ =	sdelay $0x3  }
0x92: {  	_ =	strace s13  }
0x93: {  	s2 =	sld [smem:$0x3FFC];
	_ =	sdelay $0x3  }
0x94: {  	_ =	strace s2  }
0x95: {  	s2 =	sld [smem:$0x3FFD];
	_ =	sdelay $0x3  }
0x96: {  	_ =	strace s2  }
0x97: {  	_ =	strace $0x8FFFFFFF  }
0x98: {  	s14 =	sld [smem:$0x3FDB];
	_ =	sdelay $0x1  }
0x99: {  	s15 =	simm.s32 $_scs_section_size  }
0x9a: {  	s4 =	simm.s32 $_size__tile_overlayer_lowered;
	s5 =	simm.s32 $_tile_overlayer_lowered  }
0x9b: {  	s19 =	simm.s32 $0x1BFF;
	s17 =	sshll.u32 s5, $0x1;
	s6 =	sadd.s32 s15, s14  }
0x9c: {  	s20 =	simm.s32 $0x0;
	s16 =	sshll.u32 s4, $0x1;
	s18 =	sadd.s32 s17, s6  }
0x9d: {  	[timem:s20], [sflag:s19] =	dma.local [hbm:s18], s16  }
0x9e: {  	_ =	swait.ge [sflag:s19], s16  }
0x9f: {  	s3 =	ssub.s32 $0x0, s16;
	[sflag:s19] =	ssyncset.done $0x0  }
0xa0: {  	[sflag:s19] =	ssyncadd.s32 s3;
	_ =	sdelay $0x1  }
0xa1: {  	s21 =	simm.s32 $0x1B8B  }
0xa2: {  	_ =	swait.ge [sflag:s21], $0x1  }
0xa3: {  	[sflag:s21] =	ssyncset.done $0x0  }
0xa4: {  	[sflag:s21] =	ssyncadd.s32 $0xFFFFFFFF  }
0xa5: {  	s3 =	sld [smem:$0x0]  }
0xa6: {  	s4 =	sand.u32 $0xFFFFFFFE, s1  }
0xa7: {  	p0 =	sne.s32 s1, s4  }
0xa8: {  	s4 =	sshll.u32 @p0 s4, $0xE  }
0xa9: {  	s5 =	sadd.s32 @p0 $0x11B8D, s4;
	s7 =	sshll.u32 @p0 s3, $0x11  }
0xaa: {  	s5 =	sor.u32 @p0 s7, s5  }
0xab: {  	[sflag:s5] =	ssyncadd.remote.s32 @p0 $0x1;
	_ =	sdelay $0x1  }
0xac: {  	s5 =	simm.s32 @p0 $0x1B8D  }
0xad: {  	_ =	swait.eq @p0 [sflag:s5], $0x1  }
0xae: {  	[sflag:s5] =	ssyncadd.s32 @p0 $0xFFFFFFFF  }
0xaf: {  	s7 =	sshll.u32 @!p0 s1, $0xE  }
0xb0: {  	s7 =	sor.u32 @!p0 $0x4000, s7;
	s5 =	simm.s32 @!p0 $0x1B8D  }
0xb1: {  	s9 =	sshll.u32 @!p0 s3, $0x11;
	s8 =	sadd.s32 @!p0 $0x11B8D, s7;
	_ =	swait.eq @!p0 [sflag:s5], $0x1  }
0xb2: {  	[sflag:s5] =	ssyncadd.s32 @!p0 $0xFFFFFFFF;
	s5 =	sor.u32 @!p0 s9, s8  }
0xb3: {  	s23 =	simm.s32 $0x1B8E;
	s22 =	sld [smem:$0x3FFE];
	[sflag:s5] =	ssyncadd.remote.s32 @!p0 $0x1  }
0xb4: {  	s24 =	simm.s32 $execute0_lowered;
	[smem:$0x3FD2] =	sst s23  }
0xb5: {  	s8 =	sshll.u32 s24, $0x1;
	_ =	strace $0x80000058;
	[dreg:$0x1] =	wrdreg $0xFFFFFFFF  }
0xb6: {  	s25 =	simm.s32 $_size_execute0_lowered;
	s8 =	sadd.s32 s6, s8;
	[dreg:$0x0] =	wrdreg $0x0  }
0xb7: {  	s9 =	sshll.u32 s25, $0x1;
	[dreg:$0x2] =	wrdreg s8  }
0xb8: {  	[dreg:$0x3] =	wrdreg s9  }
0xb9: {  	[dreg:$0x4] =	wrdreg $0xC0  }
0xba: {  	s26 =	simm.s32 $execute1_lowered;
	_ =	task [dreg:s20], $0x5FFFF  }
0xbb: {  	s8 =	sshll.u32 s26, $0x1;
	[dreg:$0x1] =	wrdreg $0xFFFFFFFF  }
0xbc: {  	s6 =	sadd.s32 s6, s8;
	[dreg:$0x0] =	wrdreg $0x60  }
0xbd: {  	[dreg:$0x2] =	wrdreg s6  }
0xbe: {  	[dreg:$0x3] =	wrdreg s22  }
0xbf: {  	[dreg:$0x4] =	wrdreg $0xB  }
0xc0: {  	_ =	task.clear_ibuf [dreg:s20], $0x5FFFF;
	_ =	strace $0x90000058  }
0xc1: {  	s28 =	simm.s32 $0xB;
	_ =	strace $0x8000005A  }
0xc2: {  	_ =	swait.ge [sflag:s28], $0x1  }
0xc3: {  	[sflag:s28] =	ssyncadd.s32 $0xFFFFFFFF  }
0xc4: {  	_ =	strace $0x9000005A  }
0xc5: {  	s6 =	sld [smem:$0x0];
	_ =	sdelay $0x3  }
0xc6: {  	s4 =	sadd.s32 @p0 $0x11BF3, s4;
	s8 =	sshll.u32 @p0 s6, $0x11  }
0xc7: {  	s4 =	sor.u32 @p0 s8, s4  }
0xc8: {  	[sflag:s4] =	ssyncadd.remote.s32 @p0 $0x1;
	_ =	sdelay $0x1  }
0xc9: {  	s4 =	simm.s32 @p0 $0x1BF3  }
0xca: {  	_ =	swait.eq @p0 [sflag:s4], $0x1  }
0xcb: {  	[sflag:s4] =	ssyncadd.s32 @p0 $0xFFFFFFFF;
	_ =	sdelay $0x1  }
0xcc: {  	s4 =	simm.s32 @!p0 $0x1BF3  }
0xcd: {  	s7 =	sadd.s32 @!p0 $0x11BF3, s7;
	s6 =	sshll.u32 @!p0 s6, $0x11;
	_ =	swait.eq @!p0 [sflag:s4], $0x1  }
0xce: {  	[sflag:s4] =	ssyncadd.s32 @!p0 $0xFFFFFFFF;
	s4 =	sor.u32 @!p0 s6, s7  }
0xcf: {  	[sflag:s4] =	ssyncadd.remote.s32 @!p0 $0x1  }
0xd0: {  	_ =	strace $0x8000005B;
	[dreg:$0x1] =	wrdreg $0xFFFFFFFF  }
0xd1: {  	[dreg:$0x0] =	wrdreg $0x2030  }
0xd2: {  	[dreg:$0x2] =	wrdreg s22  }
0xd3: {  	[dreg:$0x3] =	wrdreg s1  }
0xd4: {  	[dreg:$0x4] =	wrdreg s3  }
0xd5: {  	[dreg:$0x5] =	wrdreg $0xC  }
0xd6: {  	_ =	task.clear_ibuf [dreg:s20], $0x6FFFF;
	_ =	strace $0x9000005B  }
0xd7: {  	s29 =	simm.s32 $0xC;
	_ =	strace $0x8000005D  }
0xd8: {  	_ =	swait.ge [sflag:s29], $0x1  }
0xd9: {  	[sflag:s29] =	ssyncadd.s32 $0xFFFFFFFF  }
0xda: {  	_ =	strace $0x9000005D  }
0xdb: {  	_ =	sfence  }
0xdc: {  	s30 =	sld [smem:$0x0];
	_ =	sdelay $0x2  }
0xdd: {  	s31 =	sshll.u32 s1, $0xD;
	s1 =	sshrl.u32 s1, $0x2  }
0xde: {  	s4 =	sand.u32 $0x4000, s31;
	s1 =	sadd.s32 s1, s30  }
0xdf: {  	s0 =	sor.u32 s4, s0;
	s1 =	sshll.u32 s1, $0x11  }
0xe0: {  	s0 =	sor.u32 s1, s0  }
0xe1: {  	s0 =	sadd.s32 $0x8F2B, s0  }
0xe2: {  	[sflag:s0] =	ssyncadd.remote.s32 $0x1  }
0xe3: {  	_ =	sfence.sel $0xFFFF  }
0xe4: {  	[dreg:$0x0] =	wrdreg $0xFFFFFFFF;
	(pc) =	sbr.abs _section_cstart, $3  }
0xe5: {  	[dreg:$0x1] =	wrdreg $0xFFFFFFFF  }
0xe6: {  	_ =	task.clear_ibuf [dreg:s20], $0x2FFFF;
	_ =	strace $0x9FFFFFFF  }
0xe7: {  	(tm) =	ssettm $0x7FFFFFFF  }
tec
execute0_lowered:
.L_overlay_start_1:
0x0: {  	(tag) =	ssettag $0x1  }
0x1: {  	s2 =	rddreg [dreg:$0x0]  }
0x2: {  	s3 =	rddreg [dreg:$0x1]  }
0x3: {  	s0 =	rddreg [dreg:$0x2];
	s4 =	stileid.u32;
	[bflag:$0x3] =	sbarrier.arrive $0xFFFF  }
0x4: {  	s1 =	simm.s32 $_size_execute1_lowered;
	s31 =	srdreg.scid;
	p0 =	sne.s32 s4, $0x0  }
0x5: {  	s1 =	sshll.u32 s1, $0x1;
	s5 =	simm.s32 @!p0 $0x1C3F;
	s6 =	simm.s32 @!p0 $0x4060  }
0x6: {  	[timem:s6], [sflag:s5] =	dma.local @!p0 [hbm:s2], s1  }
0x7: {  	s2 =	sshll.u32 s31, $0x9  }
0x8: {  	s4 =	sshll.u32 s4, $0xA;
	s2 =	sand.u32 $0x200, s2  }
0x9: {  	s2 =	sor.u32 s4, s2  }
0xa: {  	s8 =	simm.s32 $0x2;
	s11 =	simm.s32 $0x0;
	s5 =	sshll.u32 s2, $0x4  }
0xb: {  	s9 =	simm.s32 $0x80;
	p1 =	slt.u32 s4, $0x2800;
	s4 =	sadd.s32 $0xFFFD8000, s5  }
0xc: {  	s10 =	simm.s32 $0x0;
	s6 =	simm.s32 $0x3;
	s4 =	smov.u32 @p1 s5  }
0xd: {  	_ =	strace $0x80000059;
	s5 =	ssub.s32 $0x2800, s2;
	s7 =	sadd.s32 s4, s3  }
.Ltmp0:
0xe: {  	p1 =	sgt.s32 s5, $0x0;
	s4 =	simm.s32 $0x1;
	(pc) =	sbr.rel .LBB2_1-.Ltmp0, $4  }
0xf: {  	s3 =	sadd.s32 $0x2E0E00, s3;
	s5 =	simm.s32 @!p1 $0x0;
	[sflag:s4] =	ssyncpa.u1 $0x0  }
0x10: {  	s7 =	sadd.s32 $0x290E00, s7;
	s5 =	sand.u32 $0x3E00, s5;
	[sflag:s8] =	ssyncpa.u1 $0x0  }
0x11: {  	s8 =	simm.s32 $0x20;
	p1 =	sne.s32 s5, $0x0;
	s5 =	simm.s32 $0x1  }
0x12: {  	s5 =	simm.s32 @!p1 $0x0;
	s6 =	simm.s32 @!p1 $0x2;
	p1 =	por $0x0, $0x0  }
.LBB2_4:
0x13: {  	s14 =	smulhi.u32 $0xCCCCCCCD, s11;
	_ =	sdelay $0x1  }
0x14: {  	s14 =	sshrl.u32 s14, $0xD  }
0x15: {  	s14 =	smul.u32 $0x2800, s14;
	_ =	sdelay $0x1  }
0x16: {  	s31 =	ssub.s32 s11, s14  }
0x17: {  	[tilespmem:v1+s12+$0x0 ss:$0x1] =	vst.idx.msk $0xffff, v2;
	s11 =	sshll.u32 s31, $0x4  }
0x18: {  	[tilespmem:v1+s12+$0xFFFFFFF0 ss:$0x1] =	vst.idx.msk $0xffff, v3;
	s11 =	sadd.s32 s3, s11  }
0x19: {  	[hbm4b:s11+s8] =	stream.strided.scatter [tilespmem:s13], [sflag:$0x2], $0x4000, s9, s8, $0x38;
	[tilespmem:$0x10000] =	vst v63  }
.LBB2_5:
0x1a: {  	p2 =	slt.u32 s10, $0x2;
	s10 =	sadd.s32 $0x1, s10  }
0x1b: {  	p3 =	sne.s32 s10, s6  }
.Ltmp1:
0x1c: {  	_ = 	snop;
	(pc) =	sbr.rel @!p3 .LBB2_6-.Ltmp1, $4  }
0x1d: {  	s11 =	simm.s32 @!p2 $0x2  }
0x1e: {  	_ =	swait.ge @!p2 [sflag:s11], $0x4000  }
0x1f: {  	[sflag:s11] =	ssyncset.done @!p2 $0x0  }
0x20: {  	p1 =	por !p1, !p1;
	[sflag:s11] =	ssyncadd.s32 @!p2 $0xFFFFC000;
	s11 =	smov.u32 s2  }
.LBB2_1:
0x21: {  	p2 =	sge.u32 s10, s5;
	s31 =	sadd.s32 $0xFFFFFFFF, s10  }
0x22: {  	s12 =	simm.s32 @!p2 $0x20;
	s13 =	simm.s32 @!p2 $0x80;
	s14 =	simm.s32 @!p2 $0x4000  }
0x23: {  	[tilespmem:s14], [sflag:$0x1] =	stream.strided.gather @!p2 [hbm4b:s7+s12], $0x4000, s13, s12, $0x38;
	[tilespmem:$0x10000] =	vst v63  }
0x24: {  	p2 =	sge.u32 s31, s5  }
.Ltmp2:
0x25: {  	_ = 	snop;
	(pc) =	sbr.rel @p2 .LBB2_5-.Ltmp2, $1  }
0x26: {  	_ =	sdelay $0x3  }
0x27: {  	s12 =	simm.s32 $0x1  }
0x28: {  	s12 =	simm.s32 @!p1 $0x0  }
0x29: {  	s13 =	sshll.u32 s12, $0xE  }
0x2a: {  	s12 =	sor.u32 $0x10, s13  }
0x2b: {  	v0 =	vmov s12;
	_ =	sdelay $0x1  }
0x2c: {  	_ =	swait.ge [sflag:s4], $0x4000  }
0x2d: {  	[sflag:s4] =	ssyncset.done $0x0  }
0x2e: {  	s14 =	sshll.u32 s10, $0xE;
	[sflag:s4] =	ssyncadd.s32 $0xFFFFC000;
	s12 =	simm.s32 $0x0  }
0x2f: {  	s31 =	sand.u32 $0x4000, s14;
	s15 =	sor.u32 $0x8010, s13;
	v2 =	vld.idx.msk [tilespmem:v0+s12+$0x0 ss:$0x1], $0xffff  }
0x30: {  	s14 =	simm.s32 $0x80;
	s13 =	sor.u32 $0x8000, s31;
	v1 =	vmov s15;
	v3 =	vld.idx.msk [tilespmem:v0+s12+$0xFFFFFFF0 ss:$0x1], $0xffff  }
.LBB2_3:
0x31: {  	p2 =	sne.s32 s14, $0xFF80  }
.Ltmp3:
0x32: {  	_ = 	snop;
	(pc) =	sbr.rel @p2 .LBB2_3-.Ltmp3, $4  }
0x33: {  	_ = 	snop  }
0x34: {  	s15 =	sshra.s32 s14, $0x2;
	s14 =	sadd.s32 $0x80, s14  }
0x35: {  	[tilespmem:v1+s12+$0x0 ss:$0x1] =	vst.idx.msk $0xffff, v2;
	v2 =	vld.idx.msk [tilespmem:v0+s15+$0x0 ss:$0x1], $0xffff  }
0x36: {  	[tilespmem:v1+s12+$0xFFFFFFF0 ss:$0x1] =	vst.idx.msk $0xffff, v3;
	v3 =	vld.idx.msk [tilespmem:v0+s15+$0xFFFFFFF0 ss:$0x1], $0xffff;
	s12 =	smov.u32 s15  }
.Ltmp4:
0x37: {  	_ = 	snop;
	(pc) =	sbr.rel .LBB2_4-.Ltmp4, $1  }
0x38: {  	_ =	sdelay $0x3  }
.LBB2_6:
0x39: {  	_ =	sfence.sel $0x180000  }
0x3a: {  	s2 =	simm.s32 $0x1;
	[bflag:$0x0] =	sbarrier.arrive $0xFFFF  }
0x3b: {  	s31 =	simm.s32 $0x2;
	[sflag:s2] =	ssyncpa.u1 $0x1  }
0x3c: {  	[sflag:s31] =	ssyncpa.u1 $0x1  }
0x3d: {  	_ =	strace $0x90000059  }
0x3e: {  	s0 =	sadd.s32 @!p0 $0x100000, s0;
	[bflag:$0x2] =	sbarrier.arrive $0xFFFF  }
0x3f: {  	[sflag:s0] =	ssyncadd.tile.s32 @!p0 $0x1;
	s0 =	simm.s32 @!p0 $0x3F  }
0x40: {  	_ =	swait.ge @!p0 [sflag:s0], s1  }
0x41: {  	s1 =	ssub.s32 @!p0 $0x0, s1;
	[sflag:s0] =	ssyncset.done @!p0 $0x0  }
0x42: {  	[sflag:s0] =	ssyncadd.s32 @!p0 s1  }
0x43: {  	[bflag:$0x3] =	sbarrier.arrive $0xFFFF  }
0x44: {  	_ =	shalt  }
.Lfunc_end2:
execute1_lowered:
.L_overlay_start_2:
0x45: {  	(tag) =	ssettag $0x2  }
0x46: {  	s11 =	rddreg [dreg:$0x0]  }
0x47: {  	s2 =	rddreg [dreg:$0x1];
	_ =	strace $0x8000005C;
	s12 =	simm.s32 $0x1  }
0x48: {  	v0 =	vimm.s32 $0x0;
	[sflag:s12] =	ssyncpa.u1 $0x0  }
0x49: {  	[tilespmem:$0x28] =	vst v0  }
0x4a: {  	[tilespmem:$0x38] =	vst v0  }
0x4b: {  	[tilespmem:$0x48] =	vst v0  }
0x4c: {  	[tilespmem:$0x58] =	vst v0  }
0x4d: {  	[tilespmem:$0x68] =	vst v0  }
0x4e: {  	[tilespmem:$0x78] =	vst v0  }
0x4f: {  	[tilespmem:$0x88] =	vst v0  }
0x50: {  	[tilespmem:$0x98] =	vst v0  }
0x51: {  	[tilespmem:$0xA8] =	vst v0  }
0x52: {  	[tilespmem:$0xB8] =	vst v0  }
0x53: {  	[tilespmem:$0xC8] =	vst v0  }
0x54: {  	[tilespmem:$0xD8] =	vst v0  }
0x55: {  	[tilespmem:$0xE8] =	vst v0  }
0x56: {  	[tilespmem:$0xF8] =	vst v0  }
0x57: {  	[tilespmem:$0x108] =	vst v0  }
0x58: {  	[tilespmem:$0x118] =	vst v0  }
0x59: {  	[tilespmem:$0x128] =	vst v0  }
0x5a: {  	[tilespmem:$0x138] =	vst v0  }
0x5b: {  	[tilespmem:$0x148] =	vst v0  }
0x5c: {  	[tilespmem:$0x158] =	vst v0  }
0x5d: {  	[tilespmem:$0x168] =	vst v0  }
0x5e: {  	[tilespmem:$0x178] =	vst v0  }
0x5f: {  	[tilespmem:$0x188] =	vst v0  }
0x60: {  	[tilespmem:$0x198] =	vst v0  }
0x61: {  	[tilespmem:$0x1A8] =	vst v0  }
0x62: {  	[tilespmem:$0x1B8] =	vst v0  }
0x63: {  	[tilespmem:$0x1C8] =	vst v0  }
0x64: {  	[tilespmem:$0x1D8] =	vst v0  }
0x65: {  	[tilespmem:$0x1E8] =	vst v0  }
0x66: {  	[tilespmem:$0x1F8] =	vst v0  }
0x67: {  	[tilespmem:$0x208] =	vst v0  }
0x68: {  	[tilespmem:$0x218] =	vst v0  }
0x69: {  	[tilespmem:$0x228] =	vst v0  }
0x6a: {  	[tilespmem:$0x238] =	vst v0  }
0x6b: {  	[tilespmem:$0x248] =	vst v0  }
0x6c: {  	[tilespmem:$0x258] =	vst v0  }
0x6d: {  	[tilespmem:$0x268] =	vst v0  }
0x6e: {  	[tilespmem:$0x278] =	vst v0  }
0x6f: {  	[tilespmem:$0x288] =	vst v0  }
0x70: {  	[tilespmem:$0x298] =	vst v0  }
0x71: {  	[tilespmem:$0x2A8] =	vst v0  }
0x72: {  	[tilespmem:$0x2B8] =	vst v0  }
0x73: {  	[tilespmem:$0x2C8] =	vst v0  }
0x74: {  	[tilespmem:$0x2D8] =	vst v0  }
0x75: {  	[tilespmem:$0x2E8] =	vst v0  }
0x76: {  	[tilespmem:$0x2F8] =	vst v0  }
0x77: {  	[tilespmem:$0x308] =	vst v0  }
0x78: {  	[tilespmem:$0x318] =	vst v0  }
0x79: {  	[tilespmem:$0x328] =	vst v0  }
0x7a: {  	[tilespmem:$0x338] =	vst v0  }
0x7b: {  	[tilespmem:$0x348] =	vst v0  }
0x7c: {  	[tilespmem:$0x358] =	vst v0  }
0x7d: {  	[tilespmem:$0x368] =	vst v0  }
0x7e: {  	[tilespmem:$0x378] =	vst v0  }
0x7f: {  	[tilespmem:$0x388] =	vst v0  }
0x80: {  	[tilespmem:$0x398] =	vst v0  }
0x81: {  	[tilespmem:$0x3A8] =	vst v0  }
0x82: {  	[tilespmem:$0x3B8] =	vst v0  }
0x83: {  	[tilespmem:$0x3C8] =	vst v0  }
0x84: {  	[tilespmem:$0x3D8] =	vst v0  }
0x85: {  	[tilespmem:$0x3E8] =	vst v0  }
0x86: {  	[tilespmem:$0x3F8] =	vst v0  }
0x87: {  	[tilespmem:$0x408] =	vst v0  }
0x88: {  	[tilespmem:$0x418] =	vst v0  }
0x89: {  	[tilespmem:$0x428] =	vst v0  }
0x8a: {  	[tilespmem:$0x438] =	vst v0  }
0x8b: {  	[tilespmem:$0x448] =	vst v0  }
0x8c: {  	[tilespmem:$0x458] =	vst v0  }
0x8d: {  	[tilespmem:$0x468] =	vst v0  }
0x8e: {  	[tilespmem:$0x478] =	vst v0  }
0x8f: {  	[tilespmem:$0x488] =	vst v0  }
0x90: {  	[tilespmem:$0x498] =	vst v0  }
0x91: {  	[tilespmem:$0x4A8] =	vst v0  }
0x92: {  	[tilespmem:$0x4B8] =	vst v0  }
0x93: {  	[tilespmem:$0x4C8] =	vst v0  }
0x94: {  	[tilespmem:$0x4D8] =	vst v0  }
0x95: {  	[tilespmem:$0x4E8] =	vst v0  }
0x96: {  	[tilespmem:$0x4F8] =	vst v0  }
0x97: {  	[tilespmem:$0x508] =	vst v0  }
0x98: {  	[tilespmem:$0x518] =	vst v0  }
0x99: {  	[tilespmem:$0x528] =	vst v0  }
0x9a: {  	[tilespmem:$0x538] =	vst v0  }
0x9b: {  	[tilespmem:$0x548] =	vst v0  }
0x9c: {  	[tilespmem:$0x558] =	vst v0  }
0x9d: {  	[tilespmem:$0x568] =	vst v0  }
0x9e: {  	[tilespmem:$0x578] =	vst v0  }
0x9f: {  	[tilespmem:$0x588] =	vst v0  }
0xa0: {  	[tilespmem:$0x598] =	vst v0  }
0xa1: {  	[tilespmem:$0x5A8] =	vst v0  }
0xa2: {  	[tilespmem:$0x5B8] =	vst v0  }
0xa3: {  	[tilespmem:$0x5C8] =	vst v0  }
0xa4: {  	[tilespmem:$0x5D8] =	vst v0  }
0xa5: {  	[tilespmem:$0x5E8] =	vst v0  }
0xa6: {  	[tilespmem:$0x5F8] =	vst v0  }
0xa7: {  	[tilespmem:$0x608] =	vst v0  }
0xa8: {  	[tilespmem:$0x618] =	vst v0  }
0xa9: {  	[tilespmem:$0x628] =	vst v0  }
0xaa: {  	[tilespmem:$0x638] =	vst v0  }
0xab: {  	[tilespmem:$0x648] =	vst v0  }
0xac: {  	[tilespmem:$0x658] =	vst v0  }
0xad: {  	[tilespmem:$0x668] =	vst v0  }
0xae: {  	[tilespmem:$0x678] =	vst v0  }
0xaf: {  	[tilespmem:$0x688] =	vst v0  }
0xb0: {  	[tilespmem:$0x698] =	vst v0  }
0xb1: {  	[tilespmem:$0x6A8] =	vst v0  }
0xb2: {  	[tilespmem:$0x6B8] =	vst v0  }
0xb3: {  	[tilespmem:$0x6C8] =	vst v0  }
0xb4: {  	[tilespmem:$0x6D8] =	vst v0  }
0xb5: {  	[tilespmem:$0x6E8] =	vst v0  }
0xb6: {  	[tilespmem:$0x6F8] =	vst v0  }
0xb7: {  	[tilespmem:$0x708] =	vst v0  }
0xb8: {  	[tilespmem:$0x718] =	vst v0  }
0xb9: {  	[tilespmem:$0x728] =	vst v0  }
0xba: {  	[tilespmem:$0x738] =	vst v0  }
0xbb: {  	[tilespmem:$0x748] =	vst v0  }
0xbc: {  	[tilespmem:$0x758] =	vst v0  }
0xbd: {  	[tilespmem:$0x768] =	vst v0  }
0xbe: {  	[tilespmem:$0x778] =	vst v0  }
0xbf: {  	[tilespmem:$0x788] =	vst v0  }
0xc0: {  	[tilespmem:$0x798] =	vst v0  }
0xc1: {  	[tilespmem:$0x7A8] =	vst v0  }
0xc2: {  	[tilespmem:$0x7B8] =	vst v0  }
0xc3: {  	[tilespmem:$0x7C8] =	vst v0  }
0xc4: {  	[tilespmem:$0x7D8] =	vst v0  }
0xc5: {  	[tilespmem:$0x7E8] =	vst v0  }
0xc6: {  	[tilespmem:$0x7F8] =	vst v0  }
0xc7: {  	[tilespmem:$0x808] =	vst v0  }
0xc8: {  	[tilespmem:$0x818] =	vst v0  }
0xc9: {  	[tilespmem:$0x828] =	vst v0  }
0xca: {  	[tilespmem:$0x838] =	vst v0  }
0xcb: {  	[tilespmem:$0x848] =	vst v0  }
0xcc: {  	[tilespmem:$0x858] =	vst v0  }
0xcd: {  	[tilespmem:$0x868] =	vst v0  }
0xce: {  	[tilespmem:$0x878] =	vst v0  }
0xcf: {  	[tilespmem:$0x888] =	vst v0  }
0xd0: {  	[tilespmem:$0x898] =	vst v0  }
0xd1: {  	[tilespmem:$0x8A8] =	vst v0  }
0xd2: {  	[tilespmem:$0x8B8] =	vst v0  }
0xd3: {  	[tilespmem:$0x8C8] =	vst v0  }
0xd4: {  	[tilespmem:$0x8D8] =	vst v0  }
0xd5: {  	[tilespmem:$0x8E8] =	vst v0  }
0xd6: {  	[tilespmem:$0x8F8] =	vst v0  }
0xd7: {  	[tilespmem:$0x908] =	vst v0  }
0xd8: {  	[tilespmem:$0x918] =	vst v0  }
0xd9: {  	[tilespmem:$0x928] =	vst v0  }
0xda: {  	[tilespmem:$0x938] =	vst v0  }
0xdb: {  	[tilespmem:$0x948] =	vst v0  }
0xdc: {  	[tilespmem:$0x958] =	vst v0  }
0xdd: {  	[tilespmem:$0x968] =	vst v0  }
0xde: {  	[tilespmem:$0x978] =	vst v0  }
0xdf: {  	[tilespmem:$0x988] =	vst v0  }
0xe0: {  	[tilespmem:$0x998] =	vst v0  }
0xe1: {  	[tilespmem:$0x9A8] =	vst v0  }
0xe2: {  	[tilespmem:$0x9B8] =	vst v0  }
0xe3: {  	[tilespmem:$0x9C8] =	vst v0  }
0xe4: {  	[tilespmem:$0x9D8] =	vst v0  }
0xe5: {  	[tilespmem:$0x9E8] =	vst v0  }
0xe6: {  	[tilespmem:$0x9F8] =	vst v0  }
0xe7: {  	[tilespmem:$0xA08] =	vst v0  }
0xe8: {  	[tilespmem:$0xA18] =	vst v0  }
0xe9: {  	[tilespmem:$0xA28] =	vst v0  }
0xea: {  	[tilespmem:$0xA38] =	vst v0  }
0xeb: {  	[tilespmem:$0xA48] =	vst v0  }
0xec: {  	[tilespmem:$0xA58] =	vst v0  }
0xed: {  	[tilespmem:$0xA68] =	vst v0  }
0xee: {  	[tilespmem:$0xA78] =	vst v0  }
0xef: {  	[tilespmem:$0xA88] =	vst v0  }
0xf0: {  	[tilespmem:$0xA98] =	vst v0  }
0xf1: {  	[tilespmem:$0xAA8] =	vst v0  }
0xf2: {  	[tilespmem:$0xAB8] =	vst v0  }
0xf3: {  	[tilespmem:$0xAC8] =	vst v0  }
0xf4: {  	[tilespmem:$0xAD8] =	vst v0  }
0xf5: {  	[tilespmem:$0xAE8] =	vst v0  }
0xf6: {  	[tilespmem:$0xAF8] =	vst v0  }
0xf7: {  	[tilespmem:$0xB08] =	vst v0  }
0xf8: {  	[tilespmem:$0xB18] =	vst v0  }
0xf9: {  	[tilespmem:$0xB28] =	vst v0  }
0xfa: {  	[tilespmem:$0xB38] =	vst v0  }
0xfb: {  	[tilespmem:$0xB48] =	vst v0  }
0xfc: {  	[tilespmem:$0xB58] =	vst v0  }
0xfd: {  	[tilespmem:$0xB68] =	vst v0  }
0xfe: {  	[tilespmem:$0xB78] =	vst v0  }
0xff: {  	[tilespmem:$0xB88] =	vst v0  }
0x100: {  	[tilespmem:$0xB98] =	vst v0  }
0x101: {  	[tilespmem:$0xBA8] =	vst v0  }
0x102: {  	[tilespmem:$0xBB8] =	vst v0  }
0x103: {  	[tilespmem:$0xBC8] =	vst v0  }
0x104: {  	[tilespmem:$0xBD8] =	vst v0  }
0x105: {  	[tilespmem:$0xBE8] =	vst v0  }
0x106: {  	[tilespmem:$0xBF8] =	vst v0  }
0x107: {  	[tilespmem:$0xC08] =	vst v0  }
0x108: {  	[tilespmem:$0xC18] =	vst v0  }
0x109: {  	[tilespmem:$0xC28] =	vst v0  }
0x10a: {  	[tilespmem:$0xC38] =	vst v0  }
0x10b: {  	[tilespmem:$0xC48] =	vst v0  }
0x10c: {  	[tilespmem:$0xC58] =	vst v0  }
0x10d: {  	[tilespmem:$0xC68] =	vst v0  }
0x10e: {  	[tilespmem:$0xC78] =	vst v0  }
0x10f: {  	[tilespmem:$0xC88] =	vst v0  }
0x110: {  	[tilespmem:$0xC98] =	vst v0  }
0x111: {  	[tilespmem:$0xCA8] =	vst v0  }
0x112: {  	[tilespmem:$0xCB8] =	vst v0  }
0x113: {  	[tilespmem:$0xCC8] =	vst v0  }
0x114: {  	[tilespmem:$0xCD8] =	vst v0  }
0x115: {  	[tilespmem:$0xCE8] =	vst v0  }
0x116: {  	[tilespmem:$0xCF8] =	vst v0  }
0x117: {  	[tilespmem:$0xD08] =	vst v0  }
0x118: {  	[tilespmem:$0xD18] =	vst v0  }
0x119: {  	[tilespmem:$0xD28] =	vst v0  }
0x11a: {  	[tilespmem:$0xD38] =	vst v0  }
0x11b: {  	[tilespmem:$0xD48] =	vst v0  }
0x11c: {  	[tilespmem:$0xD58] =	vst v0  }
0x11d: {  	[tilespmem:$0xD68] =	vst v0  }
0x11e: {  	[tilespmem:$0xD78] =	vst v0  }
0x11f: {  	[tilespmem:$0xD88] =	vst v0  }
0x120: {  	[tilespmem:$0xD98] =	vst v0  }
0x121: {  	[tilespmem:$0xDA8] =	vst v0  }
0x122: {  	[tilespmem:$0xDB8] =	vst v0  }
0x123: {  	[tilespmem:$0xDC8] =	vst v0  }
0x124: {  	[tilespmem:$0xDD8] =	vst v0  }
0x125: {  	[tilespmem:$0xDE8] =	vst v0  }
0x126: {  	[tilespmem:$0xDF8] =	vst v0  }
0x127: {  	[tilespmem:$0xE08] =	vst v0  }
0x128: {  	[tilespmem:$0xE18] =	vst v0  }
0x129: {  	[tilespmem:$0xE28] =	vst v0  }
0x12a: {  	[tilespmem:$0xE38] =	vst v0  }
0x12b: {  	[tilespmem:$0xE48] =	vst v0  }
0x12c: {  	[tilespmem:$0xE58] =	vst v0  }
0x12d: {  	[tilespmem:$0xE68] =	vst v0  }
0x12e: {  	[tilespmem:$0xE78] =	vst v0  }
0x12f: {  	[tilespmem:$0xE88] =	vst v0  }
0x130: {  	[tilespmem:$0xE98] =	vst v0  }
0x131: {  	[tilespmem:$0xEA8] =	vst v0  }
0x132: {  	[tilespmem:$0xEB8] =	vst v0  }
0x133: {  	[tilespmem:$0xEC8] =	vst v0  }
0x134: {  	[tilespmem:$0xED8] =	vst v0  }
0x135: {  	[tilespmem:$0xEE8] =	vst v0  }
0x136: {  	[tilespmem:$0xEF8] =	vst v0  }
0x137: {  	[tilespmem:$0xF08] =	vst v0  }
0x138: {  	[tilespmem:$0xF18] =	vst v0  }
0x139: {  	[tilespmem:$0xF28] =	vst v0  }
0x13a: {  	[tilespmem:$0xF38] =	vst v0  }
0x13b: {  	[tilespmem:$0xF48] =	vst v0  }
0x13c: {  	[tilespmem:$0xF58] =	vst v0  }
0x13d: {  	[tilespmem:$0xF68] =	vst v0  }
0x13e: {  	[tilespmem:$0xF78] =	vst v0  }
0x13f: {  	[tilespmem:$0xF88] =	vst v0  }
0x140: {  	[tilespmem:$0xF98] =	vst v0  }
0x141: {  	[tilespmem:$0xFA8] =	vst v0  }
0x142: {  	[tilespmem:$0xFB8] =	vst v0  }
0x143: {  	[tilespmem:$0xFC8] =	vst v0  }
0x144: {  	[tilespmem:$0xFD8] =	vst v0  }
0x145: {  	[tilespmem:$0xFE8] =	vst v0  }
0x146: {  	[tilespmem:$0xFF8] =	vst v0  }
0x147: {  	[tilespmem:$0x1028] =	vst v0  }
0x148: {  	[tilespmem:$0x10D8] =	vst v0  }
0x149: {  	[tilespmem:$0x1068] =	vst v0  }
0x14a: {  	[tilespmem:$0x1B28] =	vst v0  }
0x14b: {  	[tilespmem:$0x1B18] =	vst v0  }
0x14c: {  	[tilespmem:$0x1B08] =	vst v0  }
0x14d: {  	[tilespmem:$0x1AF8] =	vst v0  }
0x14e: {  	[tilespmem:$0x1AE8] =	vst v0  }
0x14f: {  	[tilespmem:$0x1AD8] =	vst v0  }
0x150: {  	[tilespmem:$0x1AC8] =	vst v0  }
0x151: {  	[tilespmem:$0x1AB8] =	vst v0  }
0x152: {  	[tilespmem:$0x1AA8] =	vst v0  }
0x153: {  	[tilespmem:$0x1A98] =	vst v0  }
0x154: {  	[tilespmem:$0x1A88] =	vst v0  }
0x155: {  	[tilespmem:$0x1A78] =	vst v0  }
0x156: {  	[tilespmem:$0x1A68] =	vst v0  }
0x157: {  	[tilespmem:$0x1A58] =	vst v0  }
0x158: {  	[tilespmem:$0x1A48] =	vst v0  }
0x159: {  	[tilespmem:$0x1A38] =	vst v0  }
0x15a: {  	[tilespmem:$0x1A28] =	vst v0  }
0x15b: {  	[tilespmem:$0x1A18] =	vst v0  }
0x15c: {  	[tilespmem:$0x1A08] =	vst v0  }
0x15d: {  	[tilespmem:$0x19F8] =	vst v0  }
0x15e: {  	[tilespmem:$0x19E8] =	vst v0  }
0x15f: {  	[tilespmem:$0x19D8] =	vst v0  }
0x160: {  	[tilespmem:$0x19C8] =	vst v0  }
0x161: {  	[tilespmem:$0x19B8] =	vst v0  }
0x162: {  	[tilespmem:$0x19A8] =	vst v0  }
0x163: {  	[tilespmem:$0x1998] =	vst v0  }
0x164: {  	[tilespmem:$0x1988] =	vst v0  }
0x165: {  	[tilespmem:$0x1978] =	vst v0  }
0x166: {  	[tilespmem:$0x1968] =	vst v0  }
0x167: {  	[tilespmem:$0x1958] =	vst v0  }
0x168: {  	[tilespmem:$0x1948] =	vst v0  }
0x169: {  	[tilespmem:$0x1938] =	vst v0  }
0x16a: {  	[tilespmem:$0x1928] =	vst v0  }
0x16b: {  	[tilespmem:$0x1918] =	vst v0  }
0x16c: {  	[tilespmem:$0x1908] =	vst v0  }
0x16d: {  	[tilespmem:$0x18F8] =	vst v0  }
0x16e: {  	[tilespmem:$0x18E8] =	vst v0  }
0x16f: {  	[tilespmem:$0x18D8] =	vst v0  }
0x170: {  	[tilespmem:$0x18C8] =	vst v0  }
0x171: {  	[tilespmem:$0x18B8] =	vst v0  }
0x172: {  	[tilespmem:$0x18A8] =	vst v0  }
0x173: {  	[tilespmem:$0x1898] =	vst v0  }
0x174: {  	[tilespmem:$0x1888] =	vst v0  }
0x175: {  	[tilespmem:$0x1878] =	vst v0  }
0x176: {  	[tilespmem:$0x1868] =	vst v0  }
0x177: {  	[tilespmem:$0x1858] =	vst v0  }
0x178: {  	[tilespmem:$0x1848] =	vst v0  }
0x179: {  	[tilespmem:$0x1838] =	vst v0  }
0x17a: {  	[tilespmem:$0x1828] =	vst v0  }
0x17b: {  	[tilespmem:$0x1818] =	vst v0  }
0x17c: {  	[tilespmem:$0x1808] =	vst v0  }
0x17d: {  	[tilespmem:$0x17F8] =	vst v0  }
0x17e: {  	[tilespmem:$0x17E8] =	vst v0  }
0x17f: {  	[tilespmem:$0x17D8] =	vst v0  }
0x180: {  	[tilespmem:$0x17C8] =	vst v0  }
0x181: {  	[tilespmem:$0x17B8] =	vst v0  }
0x182: {  	[tilespmem:$0x17A8] =	vst v0  }
0x183: {  	[tilespmem:$0x1798] =	vst v0  }
0x184: {  	[tilespmem:$0x1788] =	vst v0  }
0x185: {  	[tilespmem:$0x1778] =	vst v0  }
0x186: {  	[tilespmem:$0x1768] =	vst v0  }
0x187: {  	[tilespmem:$0x1758] =	vst v0  }
0x188: {  	[tilespmem:$0x1748] =	vst v0  }
0x189: {  	[tilespmem:$0x1738] =	vst v0  }
0x18a: {  	[tilespmem:$0x1728] =	vst v0  }
0x18b: {  	[tilespmem:$0x1718] =	vst v0  }
0x18c: {  	[tilespmem:$0x1708] =	vst v0  }
0x18d: {  	[tilespmem:$0x16F8] =	vst v0  }
0x18e: {  	[tilespmem:$0x16E8] =	vst v0  }
0x18f: {  	[tilespmem:$0x16D8] =	vst v0  }
0x190: {  	[tilespmem:$0x16C8] =	vst v0  }
0x191: {  	[tilespmem:$0x16B8] =	vst v0  }
0x192: {  	[tilespmem:$0x16A8] =	vst v0  }
0x193: {  	[tilespmem:$0x1698] =	vst v0  }
0x194: {  	[tilespmem:$0x1688] =	vst v0  }
0x195: {  	[tilespmem:$0x1678] =	vst v0  }
0x196: {  	[tilespmem:$0x1668] =	vst v0  }
0x197: {  	[tilespmem:$0x1658] =	vst v0  }
0x198: {  	[tilespmem:$0x1648] =	vst v0  }
0x199: {  	[tilespmem:$0x1638] =	vst v0  }
0x19a: {  	[tilespmem:$0x1628] =	vst v0  }
0x19b: {  	[tilespmem:$0x1618] =	vst v0  }
0x19c: {  	[tilespmem:$0x1608] =	vst v0  }
0x19d: {  	[tilespmem:$0x15F8] =	vst v0  }
0x19e: {  	[tilespmem:$0x15E8] =	vst v0  }
0x19f: {  	[tilespmem:$0x15D8] =	vst v0  }
0x1a0: {  	[tilespmem:$0x15C8] =	vst v0  }
0x1a1: {  	[tilespmem:$0x15B8] =	vst v0  }
0x1a2: {  	[tilespmem:$0x15A8] =	vst v0  }
0x1a3: {  	[tilespmem:$0x1598] =	vst v0  }
0x1a4: {  	[tilespmem:$0x1588] =	vst v0  }
0x1a5: {  	[tilespmem:$0x1578] =	vst v0  }
0x1a6: {  	[tilespmem:$0x1568] =	vst v0  }
0x1a7: {  	[tilespmem:$0x1558] =	vst v0  }
0x1a8: {  	[tilespmem:$0x1548] =	vst v0  }
0x1a9: {  	[tilespmem:$0x1538] =	vst v0  }
0x1aa: {  	[tilespmem:$0x1528] =	vst v0  }
0x1ab: {  	[tilespmem:$0x1518] =	vst v0  }
0x1ac: {  	[tilespmem:$0x1508] =	vst v0  }
0x1ad: {  	[tilespmem:$0x14F8] =	vst v0  }
0x1ae: {  	[tilespmem:$0x14E8] =	vst v0  }
0x1af: {  	[tilespmem:$0x14D8] =	vst v0  }
0x1b0: {  	[tilespmem:$0x14C8] =	vst v0  }
0x1b1: {  	[tilespmem:$0x14B8] =	vst v0  }
0x1b2: {  	[tilespmem:$0x14A8] =	vst v0  }
0x1b3: {  	[tilespmem:$0x1498] =	vst v0  }
0x1b4: {  	[tilespmem:$0x1488] =	vst v0  }
0x1b5: {  	[tilespmem:$0x1478] =	vst v0  }
0x1b6: {  	[tilespmem:$0x1468] =	vst v0  }
0x1b7: {  	[tilespmem:$0x1458] =	vst v0  }
0x1b8: {  	[tilespmem:$0x1448] =	vst v0  }
0x1b9: {  	[tilespmem:$0x1438] =	vst v0  }
0x1ba: {  	[tilespmem:$0x1428] =	vst v0  }
0x1bb: {  	[tilespmem:$0x1418] =	vst v0  }
0x1bc: {  	[tilespmem:$0x1408] =	vst v0  }
0x1bd: {  	[tilespmem:$0x13F8] =	vst v0  }
0x1be: {  	[tilespmem:$0x13E8] =	vst v0  }
0x1bf: {  	[tilespmem:$0x13D8] =	vst v0  }
0x1c0: {  	[tilespmem:$0x13C8] =	vst v0  }
0x1c1: {  	[tilespmem:$0x13B8] =	vst v0  }
0x1c2: {  	[tilespmem:$0x13A8] =	vst v0  }
0x1c3: {  	[tilespmem:$0x1398] =	vst v0  }
0x1c4: {  	[tilespmem:$0x1388] =	vst v0  }
0x1c5: {  	[tilespmem:$0x1378] =	vst v0  }
0x1c6: {  	[tilespmem:$0x1368] =	vst v0  }
0x1c7: {  	[tilespmem:$0x1358] =	vst v0  }
0x1c8: {  	[tilespmem:$0x1348] =	vst v0  }
0x1c9: {  	[tilespmem:$0x1338] =	vst v0  }
0x1ca: {  	[tilespmem:$0x1328] =	vst v0  }
0x1cb: {  	[tilespmem:$0x1318] =	vst v0  }
0x1cc: {  	[tilespmem:$0x1308] =	vst v0  }
0x1cd: {  	[tilespmem:$0x12F8] =	vst v0  }
0x1ce: {  	[tilespmem:$0x12E8] =	vst v0  }
0x1cf: {  	[tilespmem:$0x12D8] =	vst v0  }
0x1d0: {  	[tilespmem:$0x12C8] =	vst v0  }
0x1d1: {  	[tilespmem:$0x12B8] =	vst v0  }
0x1d2: {  	[tilespmem:$0x12A8] =	vst v0  }
0x1d3: {  	[tilespmem:$0x1298] =	vst v0  }
0x1d4: {  	[tilespmem:$0x1288] =	vst v0  }
0x1d5: {  	[tilespmem:$0x1278] =	vst v0  }
0x1d6: {  	[tilespmem:$0x1268] =	vst v0  }
0x1d7: {  	[tilespmem:$0x1258] =	vst v0  }
0x1d8: {  	[tilespmem:$0x1248] =	vst v0  }
0x1d9: {  	[tilespmem:$0x1238] =	vst v0  }
0x1da: {  	[tilespmem:$0x1228] =	vst v0  }
0x1db: {  	[tilespmem:$0x1218] =	vst v0  }
0x1dc: {  	[tilespmem:$0x1208] =	vst v0  }
0x1dd: {  	[tilespmem:$0x11F8] =	vst v0  }
0x1de: {  	[tilespmem:$0x11E8] =	vst v0  }
0x1df: {  	[tilespmem:$0x11D8] =	vst v0  }
0x1e0: {  	[tilespmem:$0x11C8] =	vst v0  }
0x1e1: {  	[tilespmem:$0x11B8] =	vst v0  }
0x1e2: {  	[tilespmem:$0x11A8] =	vst v0  }
0x1e3: {  	[tilespmem:$0x1198] =	vst v0  }
0x1e4: {  	[tilespmem:$0x1188] =	vst v0  }
0x1e5: {  	[tilespmem:$0x1178] =	vst v0  }
0x1e6: {  	[tilespmem:$0x1168] =	vst v0  }
0x1e7: {  	[tilespmem:$0x1158] =	vst v0  }
0x1e8: {  	[tilespmem:$0x1148] =	vst v0  }
0x1e9: {  	[tilespmem:$0x1138] =	vst v0  }
0x1ea: {  	[tilespmem:$0x1128] =	vst v0  }
0x1eb: {  	[tilespmem:$0x1118] =	vst v0  }
0x1ec: {  	[tilespmem:$0x1108] =	vst v0  }
0x1ed: {  	s4 =	stileid.u32;
	[tilespmem:$0x10F8] =	vst v0  }
0x1ee: {  	s0 =	simm.s32 $0x870;
	s6 =	smul.u32 $0xA20, s4;
	p0 =	seq.s32 s4, $0xF;
	[tilespmem:$0x10E8] =	vst v0  }
0x1ef: {  	s0 =	simm.s32 @!p0 $0xA20;
	[tilespmem:$0x1038] =	vst v0  }
0x1f0: {  	[tilespmem:$0x10C8] =	vst v0;
	s0 =	sadd.s32 s6, s0  }
0x1f1: {  	[tilespmem:$0x10B8] =	vst v0;
	s7 =	smin.u32 s0, $0xA000  }
0x1f2: {  	[tilespmem:$0x10A8] =	vst v0;
	s0 =	ssub.s32 s7, s6  }
0x1f3: {  	s3 =	simm.s32 $0x2;
	s8 =	simm.s32 $0x9;
	[tilespmem:$0x1098] =	vst v0;
	p0 =	sgt.s32 s0, $0x0  }
0x1f4: {  	s10 =	simm.s32 $0xA;
	s30 =	simm.s32 $0xB;
	[tilespmem:$0x1088] =	vst v0;
	s0 =	simm.s32 @!p0 $0x0  }
0x1f5: {  	s16 =	simm.s32 $0x0;
	p4 =	por $0x0, $0x0;
	[tilespmem:$0x1078] =	vst v0;
	s1 =	sand.u32 $0xFFF0, s0  }
0x1f6: {  	s17 =	simm.s32 $0xC;
	s21 =	simm.s32 $0x0;
	[tilespmem:$0x1058] =	vst v0;
	s1 =	sshrl.u32 s1, $0x4  }
0x1f7: {  	s18 =	simm.s32 $0x0;
	s2 =	sand.u32 $0x1, s2;
	[tilespmem:$0x1048] =	vst v0;
	s1 =	smul.u32 $0x12F7, s1  }
0x1f8: {  	s20 =	simm.s32 $0x0;
	s31 =	sshll.u32 s4, $0x5;
	[tilespmem:$0x1018] =	vst v0;
	[dreg:$0x5] =	wrdreg s2  }
0x1f9: {  	s2 =	smul.u32 $0x1400, s2;
	[tilespmem:$0x1008] =	vst v0;
	[sflag:s3] =	ssyncpa.u1 $0x0;
	s1 =	sshrl.u32 s1, $0x11  }
0x1fa: {  	v0 =	vimm.s32 $0xFFFFFFFF;
	s3 =	sadd.s32 $0x2E0E00, s11;
	[dreg:$0x4] =	wrdreg s31;
	s5 =	smul.u32 $0x1B0, s1  }
.Ltmp5:
0x1fb: {  	[tilespmem:$0x3648] =	vst v0;
	[sflag:s8] =	ssyncpa.u1 $0x0;
	s19 =	smov.u32 s6;
	(pc) =	sbr.rel .LBB3_1-.Ltmp5, $4  }
0x1fc: {  	[dreg:$0x6] =	wrdreg s6;
	s2 =	sadd.s32 s2, s11;
	p0 =	sne.s32 s0, s5  }
0x1fd: {  	[sflag:s10] =	ssyncpa.u1 $0x0;
	s11 =	sadd.s32 $0x150E00, s11;
	s12 =	simm.s32 @!p0 $0x0  }
0x1fe: {  	[sflag:s30] =	ssyncpa.u1 $0x0;
	s14 =	sadd.s32 $0x8E00, s2;
	s12 =	sadd.s32 s1, s12  }
0x1ff: {  	v0 =	vlaneseq.u32;
	s15 =	sadd.s32 $0x6600, s2;
	p0 =	por $0x1, $0x1;
	s4 =	sadd.s32 $0x1, s12  }
.LBB3_18:
0x200: {  	s0 =	simm.s32 $0x2  }
0x201: {  	_ =	swait.ge [sflag:s0], $0x0  }
0x202: {  	[sflag:s0] =	ssyncset.done $0x0;
	s0 =	simm.s32 $0x0  }
.LBB3_19:
0x203: {  	_ =	swait.ge [sflag:s17], s0  }
0x204: {  	s31 =	ssub.s32 $0x0, s0;
	v1 =	vmov s23;
	vm0 =	veq.s32 v0, $0x0;
	[sflag:s17] =	ssyncset.done $0x0  }
0x205: {  	vm15 =	veq.s32 v0, $0x2;
	v1 =	vsel vm0, s28, v1;
	[sflag:s17] =	ssyncadd.s32 s31  }
0x206: {  	v1 =	vsel vm15, s21, v1;
	[sflag:s17] =	ssyncpa.u1 $0x1  }
0x207: {  	[tilespmem:$0x3648] =	vst v1  }
.LBB3_20:
0x208: {  	s0 =	sadd.s32 $0x1B0, s19  }
0x209: {  	s1 =	smov.u32 s6;
	p1 =	slt.s32 s0, s7  }
0x20a: {  	s1 =	smov.u32 @p1 s0;
	p1 =	sne.s32 s20, s4  }
.Ltmp6:
0x20b: {  	_ = 	snop;
	(pc) =	sbr.rel @!p1 .LBB3_21-.Ltmp6, $4  }
0x20c: {  	_ = 	snop  }
0x20d: {  	s21 =	smov.u32 s18  }
0x20e: {  	s31 =	sadd.s32 $0x1, s20;
	s18 =	smov.u32 s19;
	p0 =	por !p0, !p0  }
0x20f: {  	p4 =	por !p4, !p4;
	s20 =	smov.u32 s31;
	s19 =	smov.u32 s1  }
.LBB3_1:
0x210: {  	p2 =	sge.u32 s20, s12  }
0x211: {  	s0 =	smulhi.u32 @!p2 $0xAAAAAAAB, s20  }
0x212: {  	s1 =	smov.u32 s19;
	p3 =	sgt.s32 @!p2 s19, $0x9E50  }
0x213: {  	s2 =	sshra.s32 @!p2 s19, $0x1F;
	p3 =	por !p3, p2;
	s0 =	sshrl.u32 @!p2 s0, $0x1  }
0x214: {  	s2 =	sand.u32 @!p2 s2, s19;
	s1 =	simm.s32 @p3 $0x9E50;
	s0 =	smul.u32 @!p2 $0x3, s0  }
0x215: {  	s1 =	ssub.s32 @!p2 s1, s2  }
0x216: {  	s23 =	sadd.s32 $0xFFFFFFFF, s20;
	s1 =	sadd.s32 @!p2 $0xFFFF61B0, s1;
	s0 =	ssub.s32 @!p2 s20, s0  }
0x217: {  	s2 =	sshll.u32 @!p2 s1, $0x2;
	p3 =	sgt.s32 @!p2 s1, $0x1AF;
	s0 =	smul.u32 @!p2 $0x6C0, s0  }
0x218: {  	s5 =	sand.u32 @!p2 $0x7, s19;
	s1 =	ssub.s32 @!p2 $0x6C0, s2;
	p3 =	por !p3, p2  }
0x219: {  	s2 =	sshrl.u32 @!p2 s19, $0x3;
	s1 =	sshrl.u32 @!p2 s1, $0x2;
	s0 =	sshrl.u32 @!p2 s0, $0x2  }
0x21a: {  	s2 =	sadd.s32 @!p2 s2, s14;
	s1 =	simm.s32 @!p3 $0x0;
	s0 =	sadd.s32 @!p2 $0x3888, s0  }
0x21b: {  	[tilespmem:s0], [sflag:$0xA] =	stream.linear.gather @!p2 [hbm4b:s2+s5], s1, $0x38;
	[tilespmem:$0x1F0F8] =	vst v63  }
0x21c: {  	p2 =	sge.u32 s23, s12  }
0x21d: {  	p3 =	sgt.s32 @!p2 s18, $0x9E50  }
0x21e: {  	s0 =	smov.u32 s18;
	s1 =	sshra.s32 @!p2 s18, $0x1F;
	p3 =	por !p3, p2  }
0x21f: {  	s1 =	sand.u32 @!p2 s1, s18;
	s0 =	simm.s32 @p3 $0x9E50  }
0x220: {  	s0 =	ssub.s32 @!p2 s0, s1  }
0x221: {  	s0 =	sadd.s32 @!p2 $0xFFFF61B0, s0  }
0x222: {  	s1 =	sshll.u32 @!p2 s0, $0x2  }
0x223: {  	p3 =	sgt.s32 @!p2 s0, $0x1AF;
	s0 =	ssub.s32 @!p2 $0x6C0, s1  }
0x224: {  	s22 =	ssub.s32 @!p2 $0xA000, s18;
	p3 =	por !p3, p2;
	s0 =	sshrl.u32 @!p2 s0, $0x2  }
0x225: {  	s1 =	sand.u32 @!p2 $0x1, s23;
	s0 =	simm.s32 @!p3 $0x0;
	p3 =	slt.s32 @!p2 s22, $0x1  }
0x226: {  	s2 =	simm.s32 @!p2 $0xA;
	s1 =	smul.u32 @!p2 $0x6C0, s1;
	p3 =	por p2, p3  }
.Ltmp7:
0x227: {  	_ =	swait.ge @!p2 [sflag:s2], s0;
	(pc) =	sbr.rel @p3 .LBB3_7-.Ltmp7, $4  }
0x228: {  	s5 =	ssub.s32 @!p2 $0x0, s0;
	[sflag:s2] =	ssyncset.done @!p2 $0x0  }
0x229: {  	s1 =	sshrl.u32 @!p2 s1, $0x2;
	[sflag:s2] =	ssyncadd.s32 @!p2 s5;
	s2 =	sshrl.u32 @!p2 s18, $0x3  }
0x22a: {  	s1 =	sadd.s32 @!p2 $0x3D98, s1;
	s5 =	sand.u32 @!p2 $0x7, s18;
	s2 =	sadd.s32 @!p2 s2, s15  }
0x22b: {  	[tilespmem:s1], [sflag:$0xB] =	stream.linear.gather @!p2 [hbm4b:s2+s5], s0, $0x38;
	[tilespmem:$0x1F0F8] =	vst v63  }
0x22c: {  	s0 =	smulhi.u32 $0xAAAAAAAB, s23;
	_ =	sdelay $0x1  }
0x22d: {  	s0 =	sshrl.u32 s0, $0x1  }
0x22e: {  	s0 =	smul.u32 $0x3, s0;
	_ =	sdelay $0x1  }
0x22f: {  	s0 =	ssub.s32 s23, s0  }
0x230: {  	s1 =	simm.s32 $0x1;
	s0 =	smul.u32 $0x6C0, s0  }
.Ltmp8:
0x231: {  	s1 =	simm.s32 @!p0 $0x0;
	(pc) =	sbr.rel .LBB3_4-.Ltmp8, $4  }
0x232: {  	s1 =	smul.u32 $0x36000, s1  }
0x233: {  	p3 =	slt.s32 @!p2 s22, $0x1B0;
	s0 =	sshrl.u32 s0, $0x2  }
0x234: {  	p2 =	por !p3, p2;
	s1 =	sshrl.u32 s1, $0x2;
	s0 =	sadd.s32 $0x3888, s0  }
0x235: {  	s24 =	simm.s32 $0x0;
	s22 =	simm.s32 @p2 $0x1B0;
	s23 =	sadd.s32 $0x40F8, s1;
	v1 =	vmov s0  }
.LBB3_3:
0x236: {  	p2 =	sge.s32 s24, s22  }
.Ltmp9:
0x237: {  	_ = 	snop;
	(pc) =	sbr.rel @p2 .LBB3_7-.Ltmp9, $2  }
0x238: {  	_ =	sdelay $0x2  }
0x239: {  	s23 =	sadd.s32 $0x800, s23  }
.LBB3_4:
0x23a: {  	p2 =	sle.s32 s22, s24  }
.Ltmp10:
0x23b: {  	_ = 	snop;
	(pc) =	sbr.rel @p2 .LBB3_3-.Ltmp10, $2  }
0x23c: {  	_ =	sdelay $0x2  }
0x23d: {  	s0 =	smov.u32 s24;
	s24 =	sadd.s32 $0x10, s24  }
0x23e: {  	s1 =	ssub.s32 s22, s0  }
0x23f: {  	p2 =	slt.s32 s1, $0x10  }
0x240: {  	s1 =	simm.s32 @!p2 $0x10  }
0x241: {  	v2 =	vmov s1  }
0x242: {  	vm0 =	vgt.s32 v2, v0;
	_ =	sdelay $0x5  }
0x243: {  	v2 =	vld.idx.msk [tilespmem:v1+s0+$0x0 ss:$0x1], vm0;
	_ =	sdelay $0x2  }
0x244: {  	p2 =	slt.s32 s24, s22;
	s1 =	smov.u32 s22  }
0x245: {  	s2 =	smov.u32 s23;
	s25 =	simm.s32 $0x0;
	s1 =	smov.u32 @p2 s24  }
.LBB3_6:
0x246: {  	(v2sf) =	vpush v2, s25;
	_ =	sdelay $0xc  }
0x247: {  	s25 =	sadd.s32 $0x1, s25  }
0x248: {  	s31 =	sadd.s32 s25, s0  }
0x249: {  	p2 =	slt.s32 s31, s1;
	s5 =	spop (v2sf)  }
.Ltmp11:
0x24a: {  	s5 =	sshll.u32 s5, $0x4;
	(pc) =	sbr.rel @p2 .LBB3_6-.Ltmp11, $4  }
0x24b: {  	s5 =	sand.u32 $0x1FFFFFF0, s5  }
0x24c: {  	s5 =	sadd.s32 s11, s5  }
0x24d: {  	[tilespmem:s2], [sflag:$0x9] =	stream.linear.gather [hbm4b:s5+s16], $0x10, $0x38;
	[tilespmem:$0x1F0F8] =	vst v63  }
0x24e: {  	s2 =	sadd.s32 $0x80, s2  }
.Ltmp12:
0x24f: {  	_ = 	snop;
	(pc) =	sbr.rel .LBB3_3-.Ltmp12, $1  }
0x250: {  	_ =	sdelay $0x3  }
.LBB3_7:
0x251: {  	p2 =	slt.u32 s20, $0x2  }
.Ltmp13:
0x252: {  	_ = 	snop;
	(pc) =	sbr.rel @p2 .LBB3_20-.Ltmp13, $1  }
0x253: {  	_ =	sdelay $0x3  }
0x254: {  	p2 =	sgt.s32 s21, $0x9E50  }
0x255: {  	s0 =	smov.u32 s21;
	s1 =	sshra.s32 s21, $0x1F;
	s2 =	ssub.s32 $0xA000, s21  }
0x256: {  	s0 =	simm.s32 @!p2 $0x9E50;
	s1 =	sand.u32 s1, s21;
	p2 =	slt.s32 s2, $0x1B0  }
0x257: {  	s0 =	ssub.s32 s0, s1;
	s2 =	simm.s32 @!p2 $0x1B0  }
0x258: {  	s0 =	sadd.s32 $0xFFFF61B0, s0;
	s24 =	sshll.u32 s2, $0x4  }
0x259: {  	s28 =	simm.s32 $0x9;
	s25 =	sshll.u32 s0, $0x2;
	s1 =	sand.u32 $0x3FFFFFF0, s24  }
0x25a: {  	p2 =	sgt.s32 s0, $0x1AF;
	s26 =	ssub.s32 $0x6C0, s25;
	_ =	swait.ge [sflag:s28], s1  }
0x25b: {  	s1 =	ssub.s32 $0x0, s1;
	[sflag:s28] =	ssyncset.done $0x0;
	s0 =	sshrl.u32 s26, $0x2  }
0x25c: {  	s30 =	simm.s32 $0xB;
	[sflag:s28] =	ssyncadd.s32 s1;
	s0 =	simm.s32 @p2 $0x0  }
0x25d: {  	_ =	swait.ge [sflag:s30], s0  }
0x25e: {  	s0 =	ssub.s32 $0x0, s0;
	[sflag:s30] =	ssyncset.done $0x0  }
0x25f: {  	[sflag:s30] =	ssyncadd.s32 s0  }
0x260: {  	v1 =	vld [tilespmem:$0x3648];
	_ =	sdelay $0x4  }
0x261: {  	(v2sf) =	vpush v1, $0x0  }
0x262: {  	(v2sf) =	vpush v1, $0x1  }
0x263: {  	(v2sf) =	vpush v1, $0x2;
	_ =	sdelay $0x3  }
0x264: {  	s0 =	sadd.s32 $0x1B0, s21  }
0x265: {  	s1 =	ssub.s32 $0x14000, s21;
	p2 =	slt.s32 s7, s0  }
0x266: {  	s0 =	smov.u32 @p2 s7;
	p2 =	sgt.s32 s1, $0x0  }
0x267: {  	s25 =	ssub.s32 s0, s21;
	s1 =	simm.s32 @!p2 $0x0  }
0x268: {  	p2 =	slt.s32 s1, s25  }
0x269: {  	s25 =	smov.u32 @p2 s1  }
0x26a: {  	s24 =	simm.s32 $0x1;
	p2 =	slt.s32 s25, $0x1  }
.Ltmp14:
0x26b: {  	s24 =	simm.s32 @!p4 $0x0;
	(pc) =	sbr.rel @p2 .LBB3_12-.Ltmp14, $4  }
0x26c: {  	s31 =	smul.u32 $0x6C0, s24  }
0x26d: {  	s26 =	spop (v2sf)  }
0x26e: {  	s0 =	sshrl.u32 s31, $0x2;
	s29 =	spop (v2sf)  }
0x26f: {  	s22 =	sadd.s32 $0x3D98, s0;
	s21 =	spop (v2sf)  }
0x270: {  	s0 =	smin.u32 s25, $0x10  }
0x271: {  	v1 =	vmov s0  }
0x272: {  	p3 =	sgt.s32 s25, $0x10;
	vm1 =	vgt.u32 v1, v0  }
.Ltmp15:
0x273: {  	_ = 	snop;
	(pc) =	sbr.rel @!p3 .LBB3_11-.Ltmp15, $2  }
0x274: {  	_ =	sdelay $0x2  }
0x275: {  	s23 =	simm.s32 $0x10;
	s28 =	sadd.s32 $0xFFFFFFF0, s25;
	s0 =	smov.u32 s22;
	vm0 =	vmmov vm1  }
.LBB3_10:
0x276: {  	s1 =	smin.u32 s28, $0x10;
	s23 =	sadd.s32 $0x10, s23;
	v1 =	vld.msk [tilespmem:s0+$0x0 ss:$0x1], vm1  }
0x277: {  	v2 =	vmov s1;
	p3 =	slt.s32 s23, s25  }
0x278: {  	vm1 =	vgt.u32 v2, v0  }
.Ltmp16:
0x279: {  	(pc) =	sbr.rel @p3 .LBB3_10-.Ltmp16, $3  }
0x27a: {  	_ =	sdelay $0x1  }
0x27b: {  	v1 =	vshll.u32 v1, $0x4  }
0x27c: {  	s28 =	sadd.s32 $0xFFFFFFF0, s28;
	[tilespmem:s0+$0x0] =	vst.msk vm0, v1;
	s0 =	sadd.s32 $0x10, s0;
	vm0 =	vmmov vm1  }
.LBB3_11:
0x27d: {  	_ =	sdelay $0x4  }
0x27e: {  	v1 =	vld.msk [tilespmem:s0+$0x0 ss:$0x1], vm1;
	_ =	sdelay $0x4  }
0x27f: {  	v1 =	vshll.u32 v1, $0x4  }
0x280: {  	[tilespmem:s0+$0x0] =	vst.msk vm0, v1  }
.LBB3_12:
0x281: {  	s0 =	sand.u32 $0x1, s20  }
0x282: {  	s0 =	smul.u32 $0x1B0, s0  }
0x283: {  	p3 =	sne.s32 s29, $0xFFFFFFFF  }
0x284: {  	v1 =	vld.msk @!p3 [tilespmem:s0+$0x3D98], $0x1;
	_ =	sdelay $0x4  }
0x285: {  	(v2sf) =	vpush @!p3 v1, $0x0;
	_ =	sdelay $0xc  }
.Ltmp17:
0x286: {  	_ = 	snop;
	(pc) =	sbr.rel @p2 .LBB3_18-.Ltmp17, $4  }
0x287: {  	_ = 	snop  }
0x288: {  	s28 =	spop @!p3 (v2sf)  }
0x289: {  	s21 =	simm.s32 @!p3 $0x0;
	s23 =	smov.u32 s28  }
0x28a: {  	[sflag:s17] =	ssyncpa.u1 $0x0;
	s28 =	smov.u32 @p3 s26;
	s23 =	smov.u32 @p3 s29  }
0x28b: {  	v1 =	vld.msk [tilespmem:s22+$0x0], $0x1;
	_ =	sdelay $0x4  }
0x28c: {  	(v2sf) =	vpush v1, $0x0;
	_ =	sdelay $0xe  }
0x28d: {  	s0 =	simm.s32 @!p4 $0x0;
	s26 =	smul.u32 $0x36000, s24;
	s31 =	spop (v2sf)  }
0x28e: {  	s29 =	ssub.s32 $0x0, s25;
	s0 =	simm.s32 @p4 $0x1;
	p2 =	seq.s32 s28, s31  }
0x28f: {  	s1 =	smov.u32 s28;
	[smem:$0x7FD] =	sst s0;
	p3 =	sgt.s32 @!p2 s28, $0x0  }
0x290: {  	s0 =	sshrl.u32 s26, $0x2;
	s26 =	sadd.s32 $0x1, s29;
	p3 =	por !p3, p2  }
0x291: {  	s1 =	simm.s32 @p3 $0x0;
	p3 =	seq.s32 s26, $0x0  }
.Ltmp18:
0x292: {  	_ = 	snop;
	(pc) =	sbr.rel @p3 .LBB3_15-.Ltmp18, $4  }
0x293: {  	s6 =	smov.u32 s4;
	s25 =	simm.s32 $0x0  }
0x294: {  	s24 =	sadd.s32 $0x40F8, s0;
	s0 =	simm.s32 @!p2 $0x1;
	s2 =	smin.u32 @!p2 s1, $0x27FFE  }
0x295: {  	s30 =	sadd.s32 $0x1, s22;
	s0 =	smov.u32 @p2 s25;
	s5 =	sand.u32 @!p2 $0x3FFF8, s2  }
0x296: {  	s1 =	simm.s32 @!p2 $0x1B38;
	s2 =	sand.u32 @!p2 $0x7, s2;
	s5 =	sadd.s32 @!p2 s3, s5  }
.LBB3_14:
0x297: {  	s4 =	smov.u32 s0  }
0x298: {  	[tilespmem:s1], [sflag:$0x2] =	stream.linear.gather @!p2 [hbm4b:s5+s2], $0x10, $0x38;
	[tilespmem:$0x1F0F8] =	vst v63  }
0x299: {  	s26 =	sadd.s32 $0x1, s26;
	s2 =	smov.u32 s31;
	v1 =	vld.msk [tilespmem:s30+$0x0], $0x1  }
0x29a: {  	p3 =	seq.s32 s26, $0x0;
	_ =	sdelay $0x3  }
0x29b: {  	(v2sf) =	vpush v1, $0x0;
	_ =	sdelay $0xe  }
0x29c: {  	s31 =	spop (v2sf)  }
0x29d: {  	p2 =	seq.s32 s2, s31  }
0x29e: {  	p4 =	sgt.s32 @!p2 s2, $0x0;
	s1 =	sshll.u32 @!p2 s0, $0x6;
	s0 =	sadd.s32 @!p2 $0x1, s0  }
.Ltmp19:
0x29f: {  	p4 =	por !p4, p2;
	s1 =	sshra.s32 @!p2 s1, $0x2;
	(pc) =	sbr.rel @!p3 .LBB3_14-.Ltmp19, $4  }
0x2a0: {  	s0 =	smov.u32 @p2 s4;
	s2 =	simm.s32 @p4 $0x0;
	s1 =	sadd.s32 @!p2 $0x1B38, s1  }
0x2a1: {  	s2 =	smin.u32 @!p2 s2, $0x27FFE  }
0x2a2: {  	s4 =	sand.u32 @!p2 $0x3FFF8, s2;
	s2 =	sand.u32 @!p2 $0x7, s2  }
0x2a3: {  	s30 =	sadd.s32 $0x1, s30;
	s5 =	sadd.s32 @!p2 s3, s4  }
.LBB3_15:
0x2a4: {  	[tilespmem:s1], [sflag:$0x2] =	stream.linear.gather @!p2 [hbm4b:s5+s2], $0x10, $0x38;
	[tilespmem:$0x1F0F8] =	vst v63  }
0x2a5: {  	s0 =	sshll.u32 s0, $0x4  }
0x2a6: {  	s31 =	simm.s32 $0x2;
	s0 =	sand.u32 $0x3FFFFFF0, s0  }
0x2a7: {  	_ =	swait.ge [sflag:s31], s0  }
0x2a8: {  	s0 =	ssub.s32 $0x0, s0;
	[sflag:s31] =	ssyncset.done $0x0  }
0x2a9: {  	[sflag:s31] =	ssyncadd.s32 s0  }
0x2aa: {  	v1 =	vld.msk [tilespmem:s22+$0x0], $0x1;
	_ =	sdelay $0x4  }
0x2ab: {  	(v2sf) =	vpush v1, $0x0;
	_ =	sdelay $0xe  }
0x2ac: {  	s26 =	spop (v2sf)  }
0x2ad: {  	p2 =	sne.s32 s28, s26  }
0x2ae: {  	p4 =	sne.s32 @p2 s28, s23  }
0x2af: {  	p3 =	por !p4, !p2  }
0x2b0: {  	s0 =	simm.s32 @!p3 $0x0  }
0x2b1: {  	v1 =	vld @!p3 [tilespmem:s0+$0x1B38]  }
0x2b2: {  	p5 =	sgt.u32 @!p3 s28, $0x27FFE  }
0x2b3: {  	s1 =	sshll.u32 @!p3 s21, $0x6;
	p6 =	por @p2 p5, !p4  }
0x2b4: {  	s1 =	sshra.s32 @!p3 s1, $0x2;
	p1 =	por p6, !p2;
	p6 =	por p4, !p2  }
0x2b5: {  	s2 =	sadd.s32 @!p3 $0x28, s1;
	s4 =	sand.u32 @!p1 $0x3FFF8, s28;
	s5 =	sshll.u32 @!p6 s21, $0x6  }
0x2b6: {  	s28 =	sand.u32 @!p1 $0x7, s28;
	[tilespmem:s1+$0x28] =	vst.add.f32.msk @!p3 $0xffff, v1;
	s1 =	sadd.s32 @!p1 s3, s4;
	s4 =	sshra.s32 @!p6 s5, $0x2  }
0x2b7: {  	[hbm4b:s1+s28] =	stream.linear.scatter @!p1 [tilespmem:s2], [sflag:$0xC], $0x10, $0x38;
	[tilespmem:$0x1F0F8] =	vst v63  }
0x2b8: {  	s0 =	rddreg [dreg:$0x4];
	s1 =	sadd.s32 @!p6 $0x28, s4;
	s2 =	simm.s32 @!p6 $0x1  }
0x2b9: {  	[spmem:s0] =	stream.linear.scatter @!p6 [tilespmem:s1], [sflag:$0x1], $0x10, $0x38;
	[tilespmem:$0x1F0F8] =	vst v63  }
0x2ba: {  	s0 =	sadd.s32 @p2 $0x1, s21;
	_ =	swait.ge @!p6 [sflag:s2], $0x10  }
0x2bb: {  	s1 =	sshrl.u32 @p2 s0, $0x4;
	[sflag:s2] =	ssyncset.done @!p6 $0x0  }
0x2bc: {  	s1 =	smulhi.u32 @p2 $0x97B425F, s1;
	[sflag:s2] =	ssyncadd.s32 @!p6 $0xFFFFFFF0  }
0x2bd: {  	s28 =	sadd.s32 $0x1, s29;
	v1 =	vld @p2 [tilespmem:s24+$0x0]  }
0x2be: {  	p1 =	por @p2 !p5, !p4;
	p4 =	seq.s32 s28, $0x0;
	s1 =	smul.u32 @p2 $0x1B0, s1  }
.Ltmp20:
0x2bf: {  	p1 =	por !p1, !p2;
	s2 =	simm.s32 @!p3 $0x0;
	(pc) =	sbr.rel @p4 .LBB3_17-.Ltmp20, $4  }
0x2c0: {  	s4 =	sshll.u32 @!p2 s21, $0x6;
	s2 =	simm.s32 @!p1 $0x40;
	s0 =	ssub.s32 @p2 s0, s1  }
0x2c1: {  	s29 =	simm.s32 $0x0;
	s2 =	sadd.s32 @!p3 $0x0, s2;
	s5 =	sshll.u32 @p2 s0, $0x4  }
0x2c2: {  	s30 =	sshra.s32 @!p2 s4, $0x2;
	s1 =	simm.s32 @p2 $0x1;
	s2 =	smov.u32 @p3 s25;
	[tilespmem:s5+$0x28] =	vst @p2 v1  }
0x2c3: {  	s21 =	smov.u32 @p2 s0;
	s29 =	smov.u32 @p2 s2;
	s25 =	smov.u32 @p2 s1;
	v1 =	vld @!p2 [tilespmem:s24+$0x0]  }
.LBB3_16:
0x2c4: {  	_ =	sdelay $0x3  }
0x2c5: {  	s22 =	sadd.s32 $0x1, s22;
	[tilespmem:s30+$0x28] =	vst.add.f32.msk @!p2 $0xffff, v1  }
0x2c6: {  	v1 =	vld.msk [tilespmem:s22+$0x0], $0x1;
	_ =	sdelay $0x4  }
0x2c7: {  	(v2sf) =	vpush v1, $0x0;
	_ =	sdelay $0xe  }
0x2c8: {  	s0 =	smov.u32 s26;
	s26 =	spop (v2sf)  }
0x2c9: {  	p2 =	sne.s32 s0, s26  }
0x2ca: {  	p5 =	sne.s32 @p2 s0, s23  }
0x2cb: {  	s4 =	sshll.u32 @!p2 s21, $0x6;
	p4 =	por !p5, !p2  }
0x2cc: {  	s30 =	sshra.s32 @!p2 s4, $0x2;
	s4 =	sshll.u32 @!p4 s25, $0x6  }
0x2cd: {  	s4 =	sshra.s32 @!p4 s4, $0x2  }
0x2ce: {  	p1 =	sgt.u32 @!p4 s0, $0x27FFE;
	v1 =	vld @!p4 [tilespmem:s4+$0x1B38]  }
0x2cf: {  	s31 =	sshll.u32 @!p4 s21, $0x6;
	p6 =	por @p2 p1, !p5;
	p1 =	por @p2 !p1, !p5  }
0x2d0: {  	s8 =	simm.s32 @!p4 $0x0;
	s31 =	sshra.s32 @!p4 s31, $0x2;
	p1 =	por !p1, !p2  }
0x2d1: {  	p5 =	por p5, !p2;
	s8 =	simm.s32 @!p1 $0x40;
	p1 =	por p6, !p2  }
0x2d2: {  	s4 =	sadd.s32 @!p4 $0x28, s31;
	s13 =	sshll.u32 @!p5 s21, $0x6;
	s10 =	sand.u32 @!p1 $0x3FFF8, s0  }
0x2d3: {  	s13 =	sshra.s32 @!p5 s13, $0x2;
	s0 =	sand.u32 @!p1 $0x7, s0;
	s10 =	sadd.s32 @!p1 s3, s10;
	[tilespmem:s31+$0x28] =	vst.add.f32.msk @!p4 $0xffff, v1  }
0x2d4: {  	[hbm4b:s10+s0] =	stream.linear.scatter @!p1 [tilespmem:s4], [sflag:$0xC], $0x10, $0x38;
	[tilespmem:$0x1F0F8] =	vst v63  }
0x2d5: {  	s1 =	rddreg [dreg:$0x4];
	s0 =	sadd.s32 @!p5 $0x28, s13;
	s4 =	simm.s32 @!p5 $0x1  }
0x2d6: {  	[spmem:s1] =	stream.linear.scatter @!p5 [tilespmem:s0], [sflag:$0x1], $0x10, $0x38;
	[tilespmem:$0x1F0F8] =	vst v63  }
0x2d7: {  	s2 =	sadd.s32 @p2 $0x1, s21;
	_ =	swait.ge @!p5 [sflag:s4], $0x10  }
0x2d8: {  	s5 =	sshrl.u32 @p2 s2, $0x4;
	[sflag:s4] =	ssyncset.done @!p5 $0x0  }
0x2d9: {  	s24 =	sadd.s32 $0x80, s24;
	s5 =	smulhi.u32 @p2 $0x97B425F, s5;
	[sflag:s4] =	ssyncadd.s32 @!p5 $0xFFFFFFF0  }
0x2da: {  	s28 =	sadd.s32 $0x1, s28;
	v1 =	vld @p2 [tilespmem:s24+$0x0]  }
0x2db: {  	p3 =	seq.s32 s28, $0x0;
	s5 =	smul.u32 @p2 $0x1B0, s5  }
.Ltmp21:
0x2dc: {  	_ = 	snop;
	(pc) =	sbr.rel @!p3 .LBB3_16-.Ltmp21, $4  }
0x2dd: {  	s2 =	ssub.s32 @p2 s2, s5  }
0x2de: {  	s8 =	sadd.s32 @!p4 s8, s29;
	s5 =	sshll.u32 @p2 s2, $0x4  }
0x2df: {  	s9 =	sadd.s32 @p2 $0x1, s25;
	s8 =	smov.u32 @p4 s29;
	[tilespmem:s5+$0x28] =	vst @p2 v1  }
0x2e0: {  	s25 =	smov.u32 @p2 s9;
	s21 =	smov.u32 @p2 s2;
	s29 =	smov.u32 @p2 s8;
	v1 =	vld @!p2 [tilespmem:s24+$0x0]  }
.LBB3_17:
.Ltmp22:
0x2e1: {  	_ = 	snop;
	(pc) =	sbr.rel .LBB3_19-.Ltmp22, $3  }
0x2e2: {  	s1 =	sld [smem:$0x7FD];
	_ =	sdelay $0x1  }
0x2e3: {  	s0 =	sshrl.u32 s29, $0x2;
	s28 =	smov.u32 s26  }
0x2e4: {  	s4 =	smov.u32 s6;
	s6 =	rddreg [dreg:$0x6];
	p4 =	seq.s32 s1, $0x1;
	[tilespmem:s30+$0x28] =	vst.add.f32.msk @!p2 $0xffff, v1  }
.LBB3_21:
0x2e5: {  	_ =	sfence.sel $0x180000  }
0x2e6: {  	s0 =	simm.s32 $0x9;
	[bflag:$0x0] =	sbarrier.arrive $0xFFFF  }
0x2e7: {  	s24 =	simm.s32 $0xA;
	[sflag:s0] =	ssyncpa.u1 $0x1  }
0x2e8: {  	s25 =	simm.s32 $0xB;
	[sflag:s24] =	ssyncpa.u1 $0x1  }
0x2e9: {  	s26 =	simm.s32 $0x2;
	[sflag:s25] =	ssyncpa.u1 $0x1  }
0x2ea: {  	[sflag:s26] =	ssyncpa.u1 $0x1  }
0x2eb: {  	v0 =	vld [tilespmem:$0x3648];
	_ =	sdelay $0x4  }
0x2ec: {  	(v2sf) =	vpush v0, $0x0  }
0x2ed: {  	(v2sf) =	vpush v0, $0x1;
	_ =	sdelay $0x1  }
0x2ee: {  	(v2sf) =	vpush v0, $0x2;
	_ =	sdelay $0xb  }
0x2ef: {  	s0 =	spop (v2sf)  }
0x2f0: {  	s1 =	spop (v2sf)  }
0x2f1: {  	s2 =	smov.u32 s0;
	p0 =	sne.s32 s0, s1  }
0x2f2: {  	s4 =	spop (v2sf);
	s2 =	simm.s32 @!p0 $0xFFFFFFFF  }
0x2f3: {  	v2 =	vimm.s32 $0x1;
	v3 =	vlaneseq.u32;
	p0 =	seq.s32 s4, $0xFFFFFFFF;
	v1 =	vmov s2  }
0x2f4: {  	s16 =	stileid.u32;
	v0 =	vperm.xlane v0, v2;
	p1 =	sne.s32 @!p0 s0, s1;
	v1 =	vperm.xlane v1, v3  }
0x2f5: {  	vm0 =	vcmask $0x3F04;
	s6 =	simm.s32 $0x3648;
	s0 =	simm.s32 @!p0 $0x1;
	p1 =	por !p1, p0  }
0x2f6: {  	s2 =	sshll.u32 s16, $0x1;
	s1 =	sshll.u32 @!p0 s4, $0x6;
	s0 =	simm.s32 @p1 $0x0;
	v0 =	vsel vm0, v1, v0  }
0x2f7: {  	s5 =	sor.u32 $0x200, s2;
	s1 =	sshra.s32 @!p0 s1, $0x2;
	s0 =	sor.u32 @!p0 s0, s2;
	[tilespmem:$0x3648] =	vst v0  }
0x2f8: {  	[spmem:s5] =	stream.linear.scatter [tilespmem:s6], [sflag:$0x1], $0x2, $0x38;
	[tilespmem:$0x1F0F8] =	vst v63  }
0x2f9: {  	s1 =	sadd.s32 @!p0 $0x28, s1;
	s0 =	sshll.u32 @!p0 s0, $0x4  }
0x2fa: {  	[spmem:s0] =	stream.linear.scatter @!p0 [tilespmem:s1], [sflag:$0x1], $0x10, $0x38;
	[tilespmem:$0x1F0F8] =	vst v63  }
0x2fb: {  	s0 =	simm.s32 @!p0 $0x12  }
0x2fc: {  	s28 =	simm.s32 $0x1;
	s0 =	simm.s32 @p0 $0x2  }
0x2fd: {  	_ =	swait.ge [sflag:s28], s0  }
0x2fe: {  	s0 =	ssub.s32 $0x0, s0;
	[sflag:s28] =	ssyncset.done $0x0  }
0x2ff: {  	p0 =	sne.s32 s16, $0x0;
	[sflag:s28] =	ssyncadd.s32 s0  }
.Ltmp23:
0x300: {  	_ =	sfence.stream.spmem;
	(pc) =	sbr.rel @p0 .LBB3_38-.Ltmp23, $4  }
0x301: {  	s29 =	simm.s32 $0x3;
	[bflag:$0x0] =	sbarrier.arrive $0xFFFF  }
0x302: {  	s30 =	simm.s32 $0x4;
	[sflag:s29] =	ssyncpa.u1 $0x1  }
0x303: {  	s31 =	simm.s32 $0x3C;
	[sflag:s30] =	ssyncpa.u1 $0x1  }
0x304: {  	s17 =	rddreg [dreg:$0x5];
	[sflag:s31] =	ssyncpa.u1 $0x1  }
0x305: {  	_ =	sfence.stream.spmem;
	s0 =	simm.s32 $0x5  }
0x306: {  	s1 =	simm.s32 $0x200;
	s2 =	simm.s32 $0x3658;
	[sflag:s0] =	ssyncpa.u1 $0x0  }
0x307: {  	[tilespmem:s2], [sflag:$0x5] =	stream.linear.gather [spmem:s1], $0x20, $0x38;
	[tilespmem:$0x1F0F8] =	vst v63  }
0x308: {  	s26 =	simm.s32 $0x0;
	s28 =	simm.s32 $0x3678  }
0x309: {  	[tilespmem:s28], [sflag:$0x5] =	stream.linear.gather [spmem:s26], $0x200, $0x38;
	[tilespmem:$0x1F0F8] =	vst v63  }
0x30a: {  	_ =	swait.ge [sflag:s0], $0x220  }
0x30b: {  	[sflag:s0] =	ssyncset.done $0x0  }
0x30c: {  	s29 =	simm.s32 $0x0;
	[sflag:s0] =	ssyncadd.s32 $0xFFFFFDE0  }
0x30d: {  	v0 =	vld.msk [tilespmem:s29+$0x3658], $0x1;
	_ =	sdelay $0x1  }
0x30e: {  	s30 =	simm.s32 $0x1  }
0x30f: {  	v1 =	vld.msk [tilespmem:s30+$0x3658], $0x1;
	_ =	sdelay $0x1  }
0x310: {  	(v2sf) =	vpush v0, $0x0;
	_ =	sdelay $0x2  }
0x311: {  	(v2sf) =	vpush v1, $0x0;
	_ =	sdelay $0x2  }
0x312: {  	s31 =	simm.s32 $0x2  }
0x313: {  	v0 =	vld.msk [tilespmem:s31+$0x3658], $0x1;
	_ =	sdelay $0x2  }
0x314: {  	s6 =	simm.s32 $0xFFFFFFFF;
	s1 =	simm.s32 $0xFFFFFFFF;
	s0 =	simm.s32 $0xC  }
.LBB3_23:
0x315: {  	s2 =	smov.u32 s6;
	s4 =	smov.u32 s1  }
0x316: {  	s1 =	sshra.s32 s0, $0x2;
	p1 =	sne.s32 s0, $0x7C;
	s0 =	sadd.s32 $0x4, s0;
	(v2sf) =	vpush v0, $0x0  }
0x317: {  	v0 =	vld.msk [tilespmem:s1+$0x3658], $0x1  }
.Ltmp24:
0x318: {  	(pc) =	sbr.rel @p1 .LBB3_23-.Ltmp24, $4  }
0x319: {  	s6 =	spop (v2sf)  }
0x31a: {  	p2 =	sne.s32 s4, $0xFFFFFFFF;
	s1 =	smov.u32 s6  }
0x31b: {  	p3 =	seq.s32 s6, $0xFFFFFFFF;
	s1 =	smov.u32 @p2 s4  }
0x31c: {  	s6 =	smov.u32 @p3 s2;
	s1 =	smov.u32 @p3 s4  }
0x31d: {  	(v2sf) =	vpush v0, $0x0;
	_ =	sdelay $0x8  }
0x31e: {  	s0 =	spop (v2sf)  }
0x31f: {  	p1 =	sne.s32 s1, $0xFFFFFFFF;
	s2 =	smov.u32 s0  }
0x320: {  	s9 =	simm.s32 $0x6;
	p2 =	seq.s32 s0, $0xFFFFFFFF;
	s2 =	smov.u32 @p1 s1  }
0x321: {  	s10 =	simm.s32 $0x3638;
	s2 =	smov.u32 @p2 s1;
	s1 =	spop (v2sf)  }
0x322: {  	s0 =	smov.u32 @p2 s6;
	p1 =	sne.s32 s2, $0xFFFFFFFF;
	s4 =	smov.u32 s1  }
.Ltmp25:
0x323: {  	p2 =	seq.s32 s1, $0xFFFFFFFF;
	s4 =	smov.u32 @p1 s2;
	(pc) =	sbr.rel .LBB3_25-.Ltmp25, $4  }
0x324: {  	s11 =	simm.s32 $0x0;
	s4 =	smov.u32 @p2 s2;
	s7 =	spop (v2sf)  }
0x325: {  	[sflag:s9] =	ssyncpa.u1 $0x0;
	p1 =	sne.s32 s4, $0xFFFFFFFF;
	s8 =	smov.u32 s7  }
0x326: {  	s1 =	smov.u32 @p2 s0;
	p2 =	seq.s32 s7, $0xFFFFFFFF;
	s8 =	smov.u32 @p1 s4  }
0x327: {  	s6 =	simm.s32 $0x0;
	s7 =	smov.u32 @p2 s1;
	s8 =	smov.u32 @p2 s4  }
.LBB3_30:
0x328: {  	p1 =	sgt.u32 s12, $0x27FFE  }
0x329: {  	p2 =	seq.s32 @!p1 s12, s8  }
0x32a: {  	p1 =	por p1, p2  }
0x32b: {  	p2 =	sne.s32 @!p1 s12, s7  }
0x32c: {  	p1 =	por p1, !p2  }
0x32d: {  	s0 =	sshll.u32 @p1 s11, $0x6  }
0x32e: {  	s0 =	sand.u32 @!p1 $0x3FFF8, s12  }
0x32f: {  	s1 =	sand.u32 @!p1 $0x7, s12;
	s0 =	sadd.s32 @!p1 s3, s0  }
0x330: {  	[tilespmem:s10], [sflag:$0x6] =	stream.linear.gather @!p1 [hbm4b:s0+s1], $0x10, $0x38;
	[tilespmem:$0x1F0F8] =	vst v63  }
0x331: {  	_ =	swait.ge @!p1 [sflag:s9], $0x10  }
0x332: {  	[sflag:s9] =	ssyncset.done @!p1 $0x0  }
0x333: {  	[sflag:s9] =	ssyncadd.s32 @!p1 $0xFFFFFFF0  }
0x334: {  	v1 =	vld @!p1 [tilespmem:$0x3638];
	_ =	sdelay $0x2  }
0x335: {  	s0 =	sshll.u32 @!p1 s11, $0x6  }
0x336: {  	s1 =	sshrl.u32 @!p1 s0, $0x2  }
0x337: {  	[tilespmem:s1+$0x3678] =	vst.add.f32.msk @!p1 $0xffff, v1  }
0x338: {  	s0 =	sshrl.u32 s0, $0x2;
	[tilespmem:s6+$0x3658] =	vst.msk $0x1, v0  }
0x339: {  	v0 =	vld [tilespmem:s0+$0x3678];
	_ =	sdelay $0x2  }
0x33a: {  	s31 =	sshll.u32 s6, $0x6  }
0x33b: {  	s0 =	sshra.s32 s31, $0x2  }
0x33c: {  	s6 =	sadd.s32 $0x1, s6;
	[tilespmem:s0+$0x3678] =	vst v0  }
.LBB3_32:
0x33d: {  	s11 =	sadd.s32 $0x1, s11  }
0x33e: {  	p1 =	sne.s32 s11, $0x20  }
.Ltmp26:
0x33f: {  	_ = 	snop;
	(pc) =	sbr.rel @!p1 .LBB3_33-.Ltmp26, $1  }
0x340: {  	_ =	sdelay $0x3  }
.LBB3_25:
0x341: {  	v0 =	vld.msk [tilespmem:s11+$0x3658], $0x1;
	_ =	sdelay $0x4  }
0x342: {  	(v2sf) =	vpush v0, $0x0;
	_ =	sdelay $0xe  }
0x343: {  	s12 =	spop (v2sf)  }
0x344: {  	p1 =	seq.s32 s12, $0xFFFFFFFF  }
.Ltmp27:
0x345: {  	_ = 	snop;
	(pc) =	sbr.rel @p1 .LBB3_32-.Ltmp27, $1  }
0x346: {  	_ =	sdelay $0x3  }
0x347: {  	p1 =	slt.s32 s6, $0x1  }
.Ltmp28:
0x348: {  	_ = 	snop;
	(pc) =	sbr.rel @p1 .LBB3_30-.Ltmp28, $1  }
0x349: {  	_ =	sdelay $0x3  }
0x34a: {  	s13 =	simm.s32 $0x3658;
	p1 =	por $0x0, $0x0  }
0x34b: {  	v1 =	vld.msk @!p1 [tilespmem:s13+$0x0], $0x1;
	_ =	sdelay $0x4  }
0x34c: {  	(v2sf) =	vpush @!p1 v1, $0x0;
	_ =	sdelay $0xd  }
0x34d: {  	p3 =	sne.s32 s6, $0x1  }
.Ltmp29:
0x34e: {  	s0 =	spop @!p1 (v2sf);
	(pc) =	sbr.rel @!p3 .LBB3_29-.Ltmp29, $4  }
0x34f: {  	p2 =	seq.s32 @!p1 s12, s0  }
0x350: {  	s14 =	simm.s32 $0x0;
	p2 =	por !p2, p1  }
0x351: {  	s0 =	simm.s32 $0xFFFFFFFF;
	s14 =	simm.s32 @p2 $0xFFFFFFFF  }
0x352: {  	s15 =	simm.s32 $0x1;
	s14 =	smov.u32 @p1 s0  }
.LBB3_28:
0x353: {  	s0 =	smov.u32 s14;
	p1 =	sne.s32 s14, $0xFFFFFFFF  }
0x354: {  	s13 =	sadd.s32 $0x1, s13;
	s14 =	smov.u32 s15;
	s15 =	sadd.s32 $0x1, s15  }
0x355: {  	p2 =	sne.s32 s6, s15;
	v1 =	vld.msk @!p1 [tilespmem:s13+$0x0], $0x1;
	_ =	sdelay $0x4  }
0x356: {  	(v2sf) =	vpush @!p1 v1, $0x0;
	_ =	sdelay $0xe  }
.Ltmp30:
0x357: {  	s1 =	spop @!p1 (v2sf);
	(pc) =	sbr.rel @p2 .LBB3_28-.Ltmp30, $4  }
0x358: {  	p3 =	seq.s32 @!p1 s12, s1  }
0x359: {  	p3 =	por !p3, p1  }
0x35a: {  	s14 =	simm.s32 @p3 $0xFFFFFFFF  }
0x35b: {  	s14 =	smov.u32 @p1 s0  }
.LBB3_29:
0x35c: {  	p1 =	sne.s32 s14, $0xFFFFFFFF  }
.Ltmp31:
0x35d: {  	_ = 	snop;
	(pc) =	sbr.rel @!p1 .LBB3_30-.Ltmp31, $1  }
0x35e: {  	_ =	sdelay $0x3  }
0x35f: {  	s0 =	sshll.u32 s11, $0x4  }
0x360: {  	s0 =	sand.u32 $0x3FFFFFF0, s0  }
0x361: {  	v0 =	vld [tilespmem:s0+$0x3678]  }
.Ltmp32:
0x362: {  	_ = 	snop;
	(pc) =	sbr.rel .LBB3_32-.Ltmp32, $4  }
0x363: {  	_ = 	snop  }
0x364: {  	s31 =	sshll.u32 s14, $0x6  }
0x365: {  	s0 =	sshra.s32 s31, $0x2  }
0x366: {  	[tilespmem:s0+$0x3678] =	vst.add.f32.msk $0xffff, v0  }
.LBB3_33:
0x367: {  	s0 =	simm.s32 $0x6;
	p1 =	seq.s32 s6, $0x0  }
0x368: {  	[sflag:s0] =	ssyncpa.u1 $0x1;
	v0 =	vimm.s32 @p1 $0xFFFFFFFF  }
0x369: {  	s9 =	sadd.s32 $0xFFFFFFFF, s6;
	[tilespmem:$0x3878] =	vst @p1 v0  }
0x36a: {  	v0 =	vld.msk @!p1 [tilespmem:s9+$0x3658], $0x1;
	_ =	sdelay $0x1  }
0x36b: {  	v1 =	vld.msk @!p1 [tilespmem:$0x3658], $0x1;
	_ =	sdelay $0x2  }
0x36c: {  	p2 =	seq.s32 @!p1 s9, $0x0;
	v0 =	vbroadcast @!p1 v0, $0x0  }
0x36d: {  	vm0 =	vmmov @!p1 $0x1;
	p2 =	por !p2, p1  }
0x36e: {  	v1 =	vnsel @!p1 vm0, $0xFFFFFFFF, v1;
	vm0 =	vcmask @!p1 $0x308;
	v0 =	vpsel !p2, $0xFFFFFFFF, v0  }
0x36f: {  	p2 =	sne.s32 @!p1 s8, s7;
	v0 =	vsel @!p1 vm0, v1, v0  }
0x370: {  	s0 =	simm.s32 @!p1 $0x3678;
	s1 =	simm.s32 @!p1 $0x0;
	p3 =	por !p2, p1;
	[tilespmem:$0x3878] =	vst @!p1 v0  }
0x371: {  	[spmem:s1] =	stream.linear.scatter @!p1 [tilespmem:s0], [sflag:$0x1], $0x10, $0x38;
	[tilespmem:$0x1F0F8] =	vst v63  }
0x372: {  	s0 =	sshll.u32 @!p3 s9, $0x6  }
0x373: {  	s0 =	sshra.s32 @!p3 s0, $0x2  }
0x374: {  	s1 =	simm.s32 @!p3 $0x10;
	s0 =	sadd.s32 @!p3 $0x3678, s0  }
0x375: {  	[spmem:s1] =	stream.linear.scatter @!p3 [tilespmem:s0], [sflag:$0x1], $0x10, $0x38;
	[tilespmem:$0x1F0F8] =	vst v63  }
0x376: {  	s0 =	simm.s32 @!p3 $0x1  }
0x377: {  	_ =	swait.ge @!p3 [sflag:s0], $0x20  }
0x378: {  	p1 =	por p2, p1;
	[sflag:s0] =	ssyncset.done @!p3 $0x0  }
0x379: {  	[sflag:s0] =	ssyncadd.s32 @!p3 $0xFFFFFFE0;
	s0 =	simm.s32 @!p1 $0x1  }
0x37a: {  	_ =	swait.ge @!p1 [sflag:s0], $0x10  }
0x37b: {  	s29 =	simm.s32 $0x3878;
	[sflag:s0] =	ssyncset.done @!p1 $0x0  }
0x37c: {  	s30 =	simm.s32 $0x200;
	s31 =	simm.s32 $0x1;
	[sflag:s0] =	ssyncadd.s32 @!p1 $0xFFFFFFF0  }
0x37d: {  	[spmem:s30] =	stream.linear.scatter [tilespmem:s29], [sflag:$0x1], $0x10, $0x38;
	[tilespmem:$0x1F0F8] =	vst v63  }
0x37e: {  	_ =	swait.ge [sflag:s31], $0x10  }
0x37f: {  	[sflag:s31] =	ssyncset.done $0x0  }
0x380: {  	p1 =	seq.s32 s17, $0x0;
	s8 =	rddreg [dreg:$0x1];
	[sflag:s31] =	ssyncadd.s32 $0xFFFFFFF0  }
0x381: {  	s1 =	sshll.u32 @p1 s8, $0xE;
	s7 =	rddreg [dreg:$0x2]  }
0x382: {  	s0 =	sadd.s32 @p1 $0x15C3C, s1;
	s1 =	sshll.u32 @p1 s7, $0x11  }
0x383: {  	_ =	sfence.stream.spmem;
	s0 =	sor.u32 @p1 s1, s0  }
0x384: {  	[sflag:s0] =	ssyncadd.remote.s32 @p1 $0x1;
	s0 =	simm.s32 @p1 $0x4  }
0x385: {  	s2 =	simm.s32 @!p1 $0x3C;
	s1 =	sand.u32 $0xFFFFFFFE, s8;
	_ =	swait.ge @p1 [sflag:s0], $0x6  }
0x386: {  	s4 =	simm.s32 @!p1 $0x0;
	s1 =	sadd.s32 @!p1 $0x4, s1;
	[sflag:s0] =	ssyncset.done @p1 $0x0  }
0x387: {  	s5 =	simm.s32 @!p1 $0x20;
	[sflag:s0] =	ssyncadd.s32 @p1 $0xFFFFFFFA;
	s0 =	sshll.u32 @!p1 s1, $0x1A  }
0x388: {  	s1 =	sshll.u32 @!p1 s1, $0xD;
	s0 =	sor.u32 @!p1 s0, s7;
	_ =	swait.eq @!p1 [sflag:s2], $0x1  }
0x389: {  	s1 =	sor.u32 @!p1 $0x1C04, s1;
	s2 =	simm.s32 @!p1 $0x1C03;
	s0 =	sor.u32 @!p1 $0x80004000, s0  }
0x38a: {  	[spmem:s5], [sflag:s1] =	dma.general @!p1 [spmem:s4], [sflag:s2], length:$0x4, [dreg:$0x0], stride_count:$0x0, ici_dest:s0, dma_misc:DstOpCode:WRITE  }
0x38b: {  	p2 =	slt.s32 s9, $0x2;
	s4 =	simm.s32 @!p1 $0x40;
	s5 =	simm.s32 @!p1 $0x42  }
0x38c: {  	[spmem:s5], [sflag:s1] =	dma.general @!p1 [spmem:s4], [sflag:s2], length:$0x2, [dreg:$0x0], stride_count:$0x0, ici_dest:s0, dma_misc:DstOpCode:WRITE  }
.Ltmp33:
0x38d: {  	s0 =	simm.s32 @!p1 $0x3;
	(pc) =	sbr.rel @p2 .LBB3_37-.Ltmp33, $4  }
0x38e: {  	s1 =	sshll.u32 @!p1 s8, $0xE;
	_ =	swait.ge @!p1 [sflag:s0], $0x6  }
0x38f: {  	s2 =	sshll.u32 @!p1 s7, $0x11;
	s1 =	sadd.s32 @!p1 $0x11C3C, s1;
	[sflag:s0] =	ssyncset.done @!p1 $0x0  }
0x390: {  	[sflag:s0] =	ssyncadd.s32 @!p1 $0xFFFFFFFA;
	s0 =	sor.u32 @!p1 s2, s1  }
0x391: {  	[sflag:s0] =	ssyncadd.remote.s32 @!p1 $0xFFFFFFFF;
	s0 =	simm.s32 $0x0  }
0x392: {  	s0 =	simm.s32 $0x3659  }
0x393: {  	v0 =	vld.msk [tilespmem:s0+$0x0], $0x1;
	_ =	sdelay $0x4  }
0x394: {  	(v2sf) =	vpush v0, $0x0;
	_ =	sdelay $0xd  }
0x395: {  	s2 =	sadd.s32 $0xFFFFFFFE, s6  }
0x396: {  	s2 =	sadd.s32 $0xFFFFFFFF, s2;
	s0 =	spop (v2sf)  }
0x397: {  	p2 =	sne.s32 s2, $0x0;
	p1 =	sgt.u32 s0, $0x27FFE  }
.Ltmp34:
0x398: {  	s4 =	sand.u32 @!p1 $0x3FFF8, s0;
	(pc) =	sbr.rel @!p2 .LBB3_36-.Ltmp34, $4  }
0x399: {  	s1 =	simm.s32 $0x3688;
	s0 =	sand.u32 @!p1 $0x7, s0;
	s4 =	sadd.s32 @!p1 s3, s4  }
0x39a: {  	[hbm4b:s4+s0] =	stream.linear.scatter @!p1 [tilespmem:s1], [sflag:$0x5], $0x10, $0x38;
	[tilespmem:$0x1F0F8] =	vst v63  }
0x39b: {  	s0 =	simm.s32 $0x0  }
0x39c: {  	s6 =	simm.s32 $0x0;
	s7 =	simm.s32 $0x365A;
	s0 =	simm.s32 @!p1 $0x40  }
.LBB3_35:
0x39d: {  	v0 =	vld.msk [tilespmem:s7+$0x0], $0x1;
	s2 =	sadd.s32 $0xFFFFFFFF, s2;
	s6 =	sadd.s32 s6, s0  }
0x39e: {  	p1 =	sne.s32 s2, $0x0;
	_ =	sdelay $0x3  }
0x39f: {  	(v2sf) =	vpush v0, $0x0;
	_ =	sdelay $0xe  }
.Ltmp35:
0x3a0: {  	s4 =	spop (v2sf);
	(pc) =	sbr.rel @p1 .LBB3_35-.Ltmp35, $4  }
0x3a1: {  	s0 =	simm.s32 $0x0;
	p2 =	sgt.u32 s4, $0x27FFE  }
0x3a2: {  	s1 =	sadd.s32 $0x10, s1;
	s0 =	simm.s32 @!p2 $0x40;
	s5 =	sand.u32 @!p2 $0x3FFF8, s4  }
0x3a3: {  	s7 =	sadd.s32 $0x1, s7;
	s4 =	sand.u32 @!p2 $0x7, s4;
	s5 =	sadd.s32 @!p2 s3, s5  }
0x3a4: {  	[hbm4b:s5+s4] =	stream.linear.scatter @!p2 [tilespmem:s1], [sflag:$0x5], $0x10, $0x38;
	[tilespmem:$0x1F0F8] =	vst v63  }
.LBB3_36:
0x3a5: {  	s0 =	sadd.s32 s6, s0  }
0x3a6: {  	s0 =	sshrl.u32 s0, $0x2  }
.LBB3_37:
0x3a7: {  	s1 =	simm.s32 $0x5  }
0x3a8: {  	_ =	swait.ge [sflag:s1], s0  }
0x3a9: {  	s31 =	ssub.s32 $0x0, s0;
	[sflag:s1] =	ssyncset.done $0x0  }
0x3aa: {  	[sflag:s1] =	ssyncadd.s32 s31  }
0x3ab: {  	[sflag:s1] =	ssyncpa.u1 $0x1  }
.LBB3_38:
0x3ac: {  	s0 =	sor.u32 s17, s16  }
0x3ad: {  	p1 =	sne.s32 s0, $0x0  }
.Ltmp36:
0x3ae: {  	_ = 	snop;
	(pc) =	sbr.rel @p1 .LBB3_53-.Ltmp36, $3  }
0x3af: {  	_ =	sdelay $0x1  }
0x3b0: {  	[bflag:$0x0] =	sbarrier.arrive $0xFFFF  }
0x3b1: {  	_ =	sfence  }
0x3b2: {  	s0 =	simm.s32 $0x7  }
0x3b3: {  	s1 =	simm.s32 $0x200;
	s2 =	simm.s32 $0x3658;
	[sflag:s0] =	ssyncpa.u1 $0x0  }
0x3b4: {  	[tilespmem:s2], [sflag:$0x7] =	stream.linear.gather [spmem:s1], $0x20, $0x38;
	[tilespmem:$0x1F0F8] =	vst v63  }
0x3b5: {  	s30 =	simm.s32 $0x3678;
	s1 =	simm.s32 $0x0  }
0x3b6: {  	[tilespmem:s30], [sflag:$0x7] =	stream.linear.gather [spmem:s1], $0x200, $0x38;
	[tilespmem:$0x1F0F8] =	vst v63  }
.Ltmp37:
0x3b7: {  	_ = 	snop;
	(pc) =	sbr.rel .LBB3_40-.Ltmp37, $4  }
0x3b8: {  	_ =	swait.ge [sflag:s0], $0x220  }
0x3b9: {  	[sflag:s0] =	ssyncset.done $0x0  }
0x3ba: {  	s31 =	simm.s32 $0x8;
	[sflag:s0] =	ssyncadd.s32 $0xFFFFFDE0  }
0x3bb: {  	s2 =	simm.s32 $0x0;
	[sflag:s31] =	ssyncpa.u1 $0x0  }
.LBB3_45:
0x3bc: {  	p1 =	slt.u32 s4, $0x27FFF  }
0x3bd: {  	s0 =	sand.u32 @p1 $0x3FFF8, s4  }
0x3be: {  	s4 =	sand.u32 @p1 $0x7, s4;
	s5 =	simm.s32 @p1 $0x3638;
	s0 =	sadd.s32 @p1 s3, s0  }
0x3bf: {  	[tilespmem:s5], [sflag:$0x8] =	stream.linear.gather @p1 [hbm4b:s0+s4], $0x10, $0x38;
	[tilespmem:$0x1F0F8] =	vst v63  }
0x3c0: {  	s0 =	simm.s32 @p1 $0x8  }
0x3c1: {  	_ =	swait.ge @p1 [sflag:s0], $0x10  }
0x3c2: {  	[sflag:s0] =	ssyncset.done @p1 $0x0  }
0x3c3: {  	[sflag:s0] =	ssyncadd.s32 @p1 $0xFFFFFFF0  }
0x3c4: {  	v1 =	vld @p1 [tilespmem:$0x3638];
	_ =	sdelay $0x2  }
0x3c5: {  	s0 =	sshll.u32 @p1 s2, $0x6  }
0x3c6: {  	s5 =	sshll.u32 @!p1 s2, $0x6;
	s4 =	sshrl.u32 @p1 s0, $0x2  }
0x3c7: {  	s5 =	smov.u32 @p1 s0;
	[tilespmem:s4+$0x3678] =	vst.add.f32.msk @p1 $0xffff, v1  }
0x3c8: {  	s0 =	sshrl.u32 s5, $0x2;
	[tilespmem:s1+$0x3658] =	vst.msk $0x1, v0  }
0x3c9: {  	v0 =	vld [tilespmem:s0+$0x3678];
	_ =	sdelay $0x2  }
0x3ca: {  	s31 =	sshll.u32 s1, $0x6  }
0x3cb: {  	s0 =	sshra.s32 s31, $0x2  }
0x3cc: {  	s1 =	sadd.s32 $0x1, s1;
	[tilespmem:s0+$0x3678] =	vst v0  }
.LBB3_47:
0x3cd: {  	s2 =	sadd.s32 $0x1, s2  }
0x3ce: {  	p1 =	sne.s32 s2, $0x20  }
.Ltmp38:
0x3cf: {  	_ = 	snop;
	(pc) =	sbr.rel @!p1 .LBB3_48-.Ltmp38, $1  }
0x3d0: {  	_ =	sdelay $0x3  }
.LBB3_40:
0x3d1: {  	v0 =	vld.msk [tilespmem:s2+$0x3658], $0x1;
	_ =	sdelay $0x4  }
0x3d2: {  	(v2sf) =	vpush v0, $0x0;
	_ =	sdelay $0xe  }
0x3d3: {  	s4 =	spop (v2sf)  }
0x3d4: {  	p1 =	seq.s32 s4, $0xFFFFFFFF  }
.Ltmp39:
0x3d5: {  	_ = 	snop;
	(pc) =	sbr.rel @p1 .LBB3_47-.Ltmp39, $1  }
0x3d6: {  	_ =	sdelay $0x3  }
0x3d7: {  	p1 =	slt.s32 s1, $0x1  }
.Ltmp40:
0x3d8: {  	_ = 	snop;
	(pc) =	sbr.rel @p1 .LBB3_45-.Ltmp40, $1  }
0x3d9: {  	_ =	sdelay $0x3  }
0x3da: {  	s5 =	simm.s32 $0x3658;
	p1 =	por $0x0, $0x0  }
0x3db: {  	v1 =	vld.msk @!p1 [tilespmem:s5+$0x0], $0x1;
	_ =	sdelay $0x4  }
0x3dc: {  	(v2sf) =	vpush @!p1 v1, $0x0;
	_ =	sdelay $0xd  }
0x3dd: {  	p3 =	sne.s32 s1, $0x1  }
.Ltmp41:
0x3de: {  	s0 =	spop @!p1 (v2sf);
	(pc) =	sbr.rel @!p3 .LBB3_44-.Ltmp41, $4  }
0x3df: {  	p2 =	seq.s32 @!p1 s4, s0  }
0x3e0: {  	s6 =	simm.s32 $0x0;
	p2 =	por !p2, p1  }
0x3e1: {  	s0 =	simm.s32 $0xFFFFFFFF;
	s6 =	simm.s32 @p2 $0xFFFFFFFF  }
0x3e2: {  	s7 =	simm.s32 $0x1;
	s6 =	smov.u32 @p1 s0  }
.LBB3_43:
0x3e3: {  	s0 =	smov.u32 s6;
	p1 =	sne.s32 s6, $0xFFFFFFFF  }
0x3e4: {  	s5 =	sadd.s32 $0x1, s5;
	s6 =	smov.u32 s7;
	s7 =	sadd.s32 $0x1, s7  }
0x3e5: {  	p2 =	sne.s32 s1, s7;
	v1 =	vld.msk @!p1 [tilespmem:s5+$0x0], $0x1;
	_ =	sdelay $0x4  }
0x3e6: {  	(v2sf) =	vpush @!p1 v1, $0x0;
	_ =	sdelay $0xe  }
.Ltmp42:
0x3e7: {  	s8 =	spop @!p1 (v2sf);
	(pc) =	sbr.rel @p2 .LBB3_43-.Ltmp42, $4  }
0x3e8: {  	p3 =	seq.s32 @!p1 s4, s8  }
0x3e9: {  	p3 =	por !p3, p1  }
0x3ea: {  	s6 =	simm.s32 @p3 $0xFFFFFFFF  }
0x3eb: {  	s6 =	smov.u32 @p1 s0  }
.LBB3_44:
0x3ec: {  	p1 =	sne.s32 s6, $0xFFFFFFFF  }
.Ltmp43:
0x3ed: {  	_ = 	snop;
	(pc) =	sbr.rel @!p1 .LBB3_45-.Ltmp43, $1  }
0x3ee: {  	_ =	sdelay $0x3  }
0x3ef: {  	s0 =	sshll.u32 s2, $0x4  }
0x3f0: {  	s0 =	sand.u32 $0x3FFFFFF0, s0  }
0x3f1: {  	v0 =	vld [tilespmem:s0+$0x3678]  }
.Ltmp44:
0x3f2: {  	_ = 	snop;
	(pc) =	sbr.rel .LBB3_47-.Ltmp44, $4  }
0x3f3: {  	_ = 	snop  }
0x3f4: {  	s31 =	sshll.u32 s6, $0x6  }
0x3f5: {  	s0 =	sshra.s32 s31, $0x2  }
0x3f6: {  	[tilespmem:s0+$0x3678] =	vst.add.f32.msk $0xffff, v0  }
.LBB3_48:
0x3f7: {  	p1 =	slt.s32 s1, $0x1  }
.Ltmp45:
0x3f8: {  	_ = 	snop;
	(pc) =	sbr.rel @p1 .LBB3_52-.Ltmp45, $3  }
0x3f9: {  	_ =	sdelay $0x1  }
0x3fa: {  	s0 =	simm.s32 $0x8  }
0x3fb: {  	s2 =	simm.s32 $0x0;
	[sflag:s0] =	ssyncpa.u1 $0x1  }
0x3fc: {  	s0 =	simm.s32 $0x3658  }
0x3fd: {  	v0 =	vld.msk [tilespmem:s0+$0x0], $0x1;
	_ =	sdelay $0x4  }
0x3fe: {  	(v2sf) =	vpush v0, $0x0;
	_ =	sdelay $0xe  }
0x3ff: {  	s1 =	sadd.s32 $0xFFFFFFFF, s1;
	s0 =	spop (v2sf)  }
0x400: {  	p2 =	sne.s32 s1, $0x0;
	p1 =	sgt.u32 s0, $0x27FFE  }
.Ltmp46:
0x401: {  	s5 =	sand.u32 @!p1 $0x3FFF8, s0;
	(pc) =	sbr.rel @!p2 .LBB3_51-.Ltmp46, $4  }
0x402: {  	s4 =	simm.s32 $0x3678;
	s0 =	sand.u32 @!p1 $0x7, s0;
	s5 =	sadd.s32 @!p1 s3, s5  }
0x403: {  	[hbm4b:s5+s0] =	stream.linear.scatter @!p1 [tilespmem:s4], [sflag:$0x7], $0x10, $0x38;
	[tilespmem:$0x1F0F8] =	vst v63  }
0x404: {  	s0 =	simm.s32 $0x0  }
0x405: {  	s5 =	simm.s32 $0x3659;
	s0 =	simm.s32 @!p1 $0x40  }
.LBB3_50:
0x406: {  	v0 =	vld.msk [tilespmem:s5+$0x0], $0x1;
	s1 =	sadd.s32 $0xFFFFFFFF, s1;
	s2 =	sadd.s32 s2, s0  }
0x407: {  	p1 =	sne.s32 s1, $0x0;
	_ =	sdelay $0x3  }
0x408: {  	(v2sf) =	vpush v0, $0x0;
	_ =	sdelay $0xe  }
.Ltmp47:
0x409: {  	s6 =	spop (v2sf);
	(pc) =	sbr.rel @p1 .LBB3_50-.Ltmp47, $4  }
0x40a: {  	s0 =	simm.s32 $0x0;
	p2 =	sgt.u32 s6, $0x27FFE  }
0x40b: {  	s4 =	sadd.s32 $0x10, s4;
	s0 =	simm.s32 @!p2 $0x40;
	s7 =	sand.u32 @!p2 $0x3FFF8, s6  }
0x40c: {  	s5 =	sadd.s32 $0x1, s5;
	s6 =	sand.u32 @!p2 $0x7, s6;
	s7 =	sadd.s32 @!p2 s3, s7  }
0x40d: {  	[hbm4b:s7+s6] =	stream.linear.scatter @!p2 [tilespmem:s4], [sflag:$0x7], $0x10, $0x38;
	[tilespmem:$0x1F0F8] =	vst v63  }
.LBB3_51:
0x40e: {  	s0 =	sadd.s32 s2, s0  }
0x40f: {  	s2 =	sshrl.u32 s0, $0x2  }
.LBB3_52:
0x410: {  	s0 =	simm.s32 $0x7  }
0x411: {  	_ =	swait.ge [sflag:s0], s2  }
0x412: {  	s1 =	ssub.s32 $0x0, s2;
	[sflag:s0] =	ssyncset.done $0x0  }
0x413: {  	[sflag:s0] =	ssyncadd.s32 s1  }
0x414: {  	[sflag:s0] =	ssyncpa.u1 $0x1  }
.LBB3_53:
0x415: {  	_ =	sfence;
	s0 =	simm.s32 $0x1  }
0x416: {  	[sflag:s0] =	ssyncpa.u1 $0x1  }
0x417: {  	_ =	strace $0x9000005C  }
0x418: {  	[bflag:$0x2] =	sbarrier.arrive $0xFFFF  }
0x419: {  	s0 =	rddreg [dreg:$0x3]  }
0x41a: {  	s0 =	sadd.s32 @!p0 $0x100000, s0  }
0x41b: {  	[sflag:s0] =	ssyncadd.tile.s32 @!p0 $0x1;
	_ =	shalt  }
.Lfunc_end3:
_tile_overlayer_lowered:
.L_overlay_start_3:
0x41c: {  	(tag) =	ssettag $0x3  }
0x41d: {  	s0 =	rddreg [dreg:$0x0];
	s2 =	stileid.u32  }
0x41e: {  	s1 =	rddreg [dreg:$0x1];
	p0 =	sne.s32 s2, $0x0  }
0x41f: {  	s3 =	rddreg [dreg:$0x2];
	[bflag:$0x3] =	sbarrier.arrive $0xFFFF;
	s2 =	simm.s32 @!p0 $0x1C01  }
0x420: {  	[timem:s3], [sflag:s2] =	dma.local @!p0 [hbm:s0], s1  }
0x421: {  	s0 =	simm.s32 @!p0 $0x1  }
0x422: {  	_ =	swait.ge @!p0 [sflag:s0], s1  }
0x423: {  	s1 =	ssub.s32 @!p0 $0x0, s1;
	[sflag:s0] =	ssyncset.done @!p0 $0x0  }
0x424: {  	[sflag:s0] =	ssyncadd.s32 @!p0 s1  }
0x425: {  	[bflag:$0x3] =	sbarrier.arrive $0xFFFF  }
0x426: {  	_ =	shalt  }

// kernel: scatter_offload_async_start
scs
__scs_entry_jumppad:
0x0: {  	(pc) =	sbr.rel $0x88, $3  }
0x1: {  	(tag) =	ssettag $0x0;
	lr =	simm.s32 $0x1  }
0x2: {  	[smem:$0x3F86] =	sst lr;
	_ =	strace $0xD0000000  }
0x3: {  	_ = 	snop  }
0x4: {  	_ = 	snop  }
0x5: {  	_ = 	snop  }
0x6: {  	_ = 	snop  }
0x7: {  	_ = 	snop  }
__scs_overlays_trampoline_lowered:
0x8: {  	[smem:$0x3F95] =	sst s0  }
0x9: {  	[smem:$0x3F96] =	sst s1  }
0xa: {  	[smem:$0x3F97] =	sst s2  }
0xb: {  	[smem:$0x3F98] =	sst s3  }
0xc: {  	[smem:$0x3F99] =	sst s4  }
0xd: {  	[smem:$0x3F9A] =	sst s5  }
0xe: {  	[smem:$0x3F9B] =	sst s6  }
0xf: {  	[smem:$0x3F9C] =	sst s7  }
0x10: {  	[smem:$0x3F9D] =	sst s8  }
0x11: {  	[smem:$0x3F9E] =	sst s9;
	s0 =	simm.s32 @!p0 $0x0  }
0x12: {  	s1 =	sld [smem:$0x3F84];
	s0 =	simm.s32 @p0 $0x1  }
0x13: {  	[smem:$0x3F9F] =	sst s0;
	s0 =	simm.s32 @!p1 $0x0  }
0x14: {  	s2 =	sld [smem:$0x3F83];
	s0 =	simm.s32 @p1 $0x1  }
0x15: {  	[smem:$0x3FA0] =	sst s0;
	s0 =	simm.s32 @!p2 $0x0  }
0x16: {  	s3 =	sld [smem:$0x3FDB];
	s0 =	simm.s32 @p2 $0x1  }
0x17: {  	s4 =	simm.s32 $0x1BF5;
	[smem:$0x3FA2] =	sst s0  }
0x18: {  	s0 =	sld [smem:$0x3F85];
	_ =	swait.ge [sflag:s4], $0x0  }
0x19: {  	s7 =	sld [smem:$0x3F86]  }
0x1a: {  	s8 =	sadd.s32 $0xFFFFE003, lr  }
0x1b: {  	s9 =	sadd.s32 $0xFFFFFEF7, lr;
	s5 =	simm.s32 $0xFFFFFFFF;
	p2 =	slt.u32 s8, $0xFFFFF086  }
0x1c: {  	p1 =	slt.u32 s9, $0xF7A;
	s5 =	simm.s32 @!p2 $0x0  }
0x1d: {  	s5 =	simm.s32 @p1 $0x1;
	p0 =	seq.s32 s7, s2  }
0x1e: {  	s7 =	smul.u32 @!p0 $0xF7A, s2;
	p2 =	seq.s32 @!p0 s5, $0x0  }
0x1f: {  	s9 =	smul.u32 $0xF7A, s1;
	s8 =	simm.s32 @!p0 $0x1BF5;
	p2 =	por !p2, p0  }
0x20: {  	[sflag:s8] =	ssyncset.s32 @!p0 $0xFFFFF086;
	s6 =	sadd.s32 @!p0 s3, s7;
	s7 =	simm.s32 @!p0 $0x108  }
0x21: {  	s3 =	sadd.s32 s3, s9;
	s6 =	sadd.s32 @!p0 $0x88, s6;
	s7 =	simm.s32 @p2 $0x1082  }
0x22: {  	[simem:s7], [sflag:s8] =	dma.local @!p0 [hbm:s6], $0xF7A  }
0x23: {  	s9 =	sor.u32 $0xD0000000, s2;
	s6 =	simm.s32 $0x108;
	_ =	swait.ge @!p0 [sflag:s8], $0x0  }
0x24: {  	s3 =	sadd.s32 $0x88, s3;
	s6 =	simm.s32 @!p1 $0x1082;
	[sflag:s4] =	ssyncset.s32 $0xFFFFF086  }
0x25: {  	[simem:s6], [sflag:s4] =	dma.local [hbm:s3], $0xF7A  }
0x26: {  	[smem:$0x3F86] =	sst s1;
	(tag) =	ssettag s2;
	_ =	strace s9  }
0x27: {  	s1 =	sld [smem:$0x3F96]  }
0x28: {  	s2 =	sld [smem:$0x3F97]  }
0x29: {  	s4 =	sld [smem:$0x3F99]  }
0x2a: {  	p0 =	seq.s32 s5, $0x0;
	s5 =	sld [smem:$0x3F9A]  }
0x2b: {  	s6 =	sld [smem:$0x3F9B]  }
0x2c: {  	s7 =	sld [smem:$0x3F9C]  }
0x2d: {  	s3 =	simm.s32 $0x108;
	s8 =	sld [smem:$0x3F9D]  }
0x2e: {  	s3 =	simm.s32 @!p0 $0x1082;
	s9 =	sld [smem:$0x3F9E]  }
0x2f: {  	lr =	sadd.s32 s0, s3;
	s0 =	sld [smem:$0x3F95]  }
0x30: {  	s3 =	sld [smem:$0x3F98]  }
0x31: {  	[smem:$0x3FA1] =	sst s10  }
0x32: {  	s10 =	sld [smem:$0x3F9F];
	_ =	sdelay $0x3  }
0x33: {  	p0 =	seq.s32 s10, $0x1;
	s10 =	sld [smem:$0x3FA1];
	_ =	sdelay $0x3  }
0x34: {  	[smem:$0x3FA1] =	sst s10  }
0x35: {  	s10 =	sld [smem:$0x3FA0];
	_ =	sdelay $0x3  }
0x36: {  	p1 =	seq.s32 s10, $0x1;
	s10 =	sld [smem:$0x3FA1];
	_ =	sdelay $0x3  }
0x37: {  	[smem:$0x3FA1] =	sst s10  }
0x38: {  	s10 =	sld [smem:$0x3FA2]  }
0x39: {  	_ = 	snop;
	(pc) =	sbr.ind lr, $3  }
0x3a: {  	_ = 	snop  }
0x3b: {  	_ = 	snop  }
0x3c: {  	p2 =	seq.s32 s10, $0x1;
	s10 =	sld [smem:$0x3FA1]  }
0x3d: {  	_ =	shalt  }
0x3e: {  	_ =	shalt  }
0x3f: {  	_ =	shalt  }
0x40: {  	_ =	shalt  }
0x41: {  	_ =	shalt  }
0x42: {  	_ =	shalt  }
0x43: {  	_ =	shalt  }
0x44: {  	_ =	shalt  }
0x45: {  	_ =	shalt  }
0x46: {  	_ =	shalt  }
0x47: {  	_ =	shalt  }
0x48: {  	_ =	shalt  }
0x49: {  	_ =	shalt  }
0x4a: {  	_ =	shalt  }
0x4b: {  	_ =	shalt  }
0x4c: {  	_ =	shalt  }
0x4d: {  	_ =	shalt  }
0x4e: {  	_ =	shalt  }
0x4f: {  	_ =	shalt  }
0x50: {  	_ =	shalt  }
0x51: {  	_ =	shalt  }
0x52: {  	_ =	shalt  }
0x53: {  	_ =	shalt  }
0x54: {  	_ =	shalt  }
0x55: {  	_ =	shalt  }
0x56: {  	_ =	shalt  }
0x57: {  	_ =	shalt  }
0x58: {  	_ =	shalt  }
0x59: {  	_ =	shalt  }
0x5a: {  	_ =	shalt  }
0x5b: {  	_ =	shalt  }
0x5c: {  	_ =	shalt  }
0x5d: {  	_ =	shalt  }
0x5e: {  	_ =	shalt  }
0x5f: {  	_ =	shalt  }
0x60: {  	_ =	shalt  }
0x61: {  	_ =	shalt  }
0x62: {  	_ =	shalt  }
0x63: {  	_ =	shalt  }
0x64: {  	_ =	shalt  }
0x65: {  	_ =	shalt  }
0x66: {  	_ =	shalt  }
0x67: {  	_ =	shalt  }
0x68: {  	_ =	shalt  }
0x69: {  	_ =	shalt  }
0x6a: {  	_ =	shalt  }
0x6b: {  	_ =	shalt  }
0x6c: {  	_ =	shalt  }
0x6d: {  	_ =	shalt  }
0x6e: {  	_ =	shalt  }
0x6f: {  	_ =	shalt  }
0x70: {  	_ =	shalt  }
0x71: {  	_ =	shalt  }
0x72: {  	_ =	shalt  }
0x73: {  	_ =	shalt  }
0x74: {  	_ =	shalt  }
0x75: {  	_ =	shalt  }
0x76: {  	_ =	shalt  }
0x77: {  	_ =	shalt  }
0x78: {  	_ =	shalt  }
0x79: {  	_ =	shalt  }
0x7a: {  	_ =	shalt  }
0x7b: {  	_ =	shalt  }
0x7c: {  	_ =	shalt  }
0x7d: {  	_ =	shalt  }
0x7e: {  	_ =	shalt  }
0x7f: {  	_ =	shalt  }
0x80: {  	_ =	shalt  }
0x81: {  	_ =	shalt  }
0x82: {  	_ =	shalt  }
0x83: {  	_ =	shalt  }
0x84: {  	_ =	shalt  }
0x85: {  	_ =	shalt  }
0x86: {  	_ =	shalt  }
0x87: {  	_ =	shalt  }
.Lfunc_end0:
.L_simem_size_0:
called_computation_lowered:
.L_overlay_start_0:
0x88: {  	s2 =	sld [smem:$0x3FD9]  }
0x89: {  	s3 =	sld [smem:$0x3FFE];
	_ =	sdelay $0x1  }
0x8a: {  	s1 =	srdreg.scid  }
0x8b: {  	s0 =	sand.u32 $0x1, s1  }
0x8c: {  	s15 =	sshll.u32 s0, $0xA;
	s2 =	sadd.s32 s3, s2  }
0x8d: {  	s2 =	sadd.s32 s2, s15  }
0x8e: {  	[smem:$0x3FAD] =	sst s2  }
0x8f: {  	_ = 	snop  }
0x90: {  	(tm) =	ssettm $0x1  }
0x91: {  	s16 =	sld [smem:$0x3FFB];
	_ =	sdelay $0x3  }
0x92: {  	_ =	strace s16  }
0x93: {  	s2 =	sld [smem:$0x3FFC];
	_ =	sdelay $0x3  }
0x94: {  	_ =	strace s2  }
0x95: {  	s2 =	sld [smem:$0x3FFD];
	_ =	sdelay $0x3  }
0x96: {  	_ =	strace s2  }
0x97: {  	_ =	strace $0x8FFFFFFF  }
0x98: {  	s17 =	sld [smem:$0x3FDB];
	_ =	sdelay $0x1  }
0x99: {  	s18 =	simm.s32 $_scs_section_size  }
0x9a: {  	s4 =	simm.s32 $_size__tile_overlayer_lowered;
	s5 =	simm.s32 $_tile_overlayer_lowered  }
0x9b: {  	s6 =	simm.s32 $0x1BFF;
	s19 =	sshll.u32 s5, $0x1;
	s3 =	sadd.s32 s18, s17  }
0x9c: {  	s20 =	simm.s32 $0x0;
	s4 =	sshll.u32 s4, $0x1;
	s5 =	sadd.s32 s19, s3  }
0x9d: {  	[timem:s20], [sflag:s6] =	dma.local [hbm:s5], s4  }
0x9e: {  	_ =	swait.ge [sflag:s6], s4  }
0x9f: {  	s4 =	ssub.s32 $0x0, s4;
	[sflag:s6] =	ssyncset.done $0x0  }
0xa0: {  	[sflag:s6] =	ssyncadd.s32 s4;
	_ =	sdelay $0x1  }
0xa1: {  	s21 =	simm.s32 $0x1B8B  }
0xa2: {  	_ =	swait.ge [sflag:s21], $0x1  }
0xa3: {  	[sflag:s21] =	ssyncset.done $0x0  }
0xa4: {  	s22 =	sld [smem:$0x3FFE];
	[sflag:s21] =	ssyncadd.s32 $0xFFFFFFFF  }
0xa5: {  	s24 =	simm.s32 $0x1B8E;
	s23 =	sld [smem:$0x0]  }
0xa6: {  	s25 =	simm.s32 $execute0_lowered;
	[smem:$0x3FD2] =	sst s24  }
0xa7: {  	s6 =	sshll.u32 s25, $0x1;
	_ =	strace $0x80000052;
	[dreg:$0x1] =	wrdreg $0xFFFFFFFF  }
0xa8: {  	s7 =	simm.s32 $_size_execute0_lowered;
	s6 =	sadd.s32 s3, s6;
	[dreg:$0x0] =	wrdreg $0x0  }
0xa9: {  	s7 =	sshll.u32 s7, $0x1;
	[dreg:$0x2] =	wrdreg s6  }
0xaa: {  	[dreg:$0x3] =	wrdreg s7  }
0xab: {  	[dreg:$0x4] =	wrdreg $0xC0  }
0xac: {  	s26 =	simm.s32 $execute1_lowered;
	_ =	task [dreg:s20], $0x5FFFF  }
0xad: {  	s6 =	sshll.u32 s26, $0x1;
	[dreg:$0x1] =	wrdreg $0xFFFFFFFF  }
0xae: {  	s3 =	sadd.s32 s3, s6;
	[dreg:$0x0] =	wrdreg $0x60  }
0xaf: {  	[dreg:$0x2] =	wrdreg s3  }
0xb0: {  	[dreg:$0x3] =	wrdreg s22  }
0xb1: {  	[dreg:$0x4] =	wrdreg $0x9  }
0xb2: {  	_ =	task.clear_ibuf [dreg:s20], $0x5FFFF;
	_ =	strace $0x90000052  }
0xb3: {  	s28 =	simm.s32 $0x9;
	_ =	strace $0x80000054  }
0xb4: {  	_ =	swait.ge [sflag:s28], $0x1  }
0xb5: {  	[sflag:s28] =	ssyncadd.s32 $0xFFFFFFFF  }
0xb6: {  	_ =	strace $0x90000054  }
0xb7: {  	s3 =	sld [smem:$0x0]  }
0xb8: {  	s6 =	sand.u32 $0xFFFFFFFE, s1  }
0xb9: {  	p0 =	sne.s32 s1, s6  }
0xba: {  	s6 =	sshll.u32 @p0 s6, $0xE  }
0xbb: {  	s6 =	sadd.s32 @p0 $0x11BF3, s6;
	s7 =	sshll.u32 @p0 s3, $0x11  }
0xbc: {  	s6 =	sor.u32 @p0 s7, s6  }
0xbd: {  	[sflag:s6] =	ssyncadd.remote.s32 @p0 $0x1;
	_ =	sdelay $0x1  }
0xbe: {  	s6 =	simm.s32 @p0 $0x1BF3  }
0xbf: {  	_ =	swait.eq @p0 [sflag:s6], $0x1  }
0xc0: {  	[sflag:s6] =	ssyncadd.s32 @p0 $0xFFFFFFFF  }
0xc1: {  	s7 =	sshll.u32 @!p0 s1, $0xE  }
0xc2: {  	s7 =	sor.u32 @!p0 $0x4000, s7;
	s6 =	simm.s32 @!p0 $0x1BF3  }
0xc3: {  	s3 =	sshll.u32 @!p0 s3, $0x11;
	s7 =	sadd.s32 @!p0 $0x11BF3, s7;
	_ =	swait.eq @!p0 [sflag:s6], $0x1  }
0xc4: {  	s3 =	sor.u32 @!p0 s3, s7;
	[sflag:s6] =	ssyncadd.s32 @!p0 $0xFFFFFFFF  }
0xc5: {  	[sflag:s3] =	ssyncadd.remote.s32 @!p0 $0x1  }
0xc6: {  	_ =	strace $0x80000055;
	[dreg:$0x1] =	wrdreg $0xFFFFFFFF  }
0xc7: {  	[dreg:$0x0] =	wrdreg $0x2030  }
0xc8: {  	[dreg:$0x2] =	wrdreg s22  }
0xc9: {  	[dreg:$0x3] =	wrdreg s1  }
0xca: {  	[dreg:$0x4] =	wrdreg s23  }
0xcb: {  	[dreg:$0x5] =	wrdreg $0xA  }
0xcc: {  	_ =	task.clear_ibuf [dreg:s20], $0x6FFFF;
	_ =	strace $0x90000055  }
0xcd: {  	s29 =	simm.s32 $0xA;
	_ =	strace $0x80000057  }
0xce: {  	_ =	swait.ge [sflag:s29], $0x1  }
0xcf: {  	[sflag:s29] =	ssyncadd.s32 $0xFFFFFFFF  }
0xd0: {  	_ =	strace $0x90000057  }
0xd1: {  	_ =	sfence  }
0xd2: {  	s30 =	sld [smem:$0x0];
	_ =	sdelay $0x2  }
0xd3: {  	s31 =	sshll.u32 s1, $0xD;
	s1 =	sshrl.u32 s1, $0x2  }
0xd4: {  	s4 =	sand.u32 $0x4000, s31;
	s1 =	sadd.s32 s1, s30  }
0xd5: {  	s0 =	sor.u32 s4, s0;
	s1 =	sshll.u32 s1, $0x11  }
0xd6: {  	s0 =	sor.u32 s1, s0  }
0xd7: {  	s0 =	sadd.s32 $0x8F2B, s0  }
0xd8: {  	[sflag:s0] =	ssyncadd.remote.s32 $0x1  }
0xd9: {  	_ =	sfence.sel $0xFFFF  }
0xda: {  	[dreg:$0x0] =	wrdreg $0xFFFFFFFF;
	(pc) =	sbr.abs _section_cstart, $3  }
0xdb: {  	[dreg:$0x1] =	wrdreg $0xFFFFFFFF  }
0xdc: {  	_ =	task.clear_ibuf [dreg:s20], $0x2FFFF;
	_ =	strace $0x9FFFFFFF  }
0xdd: {  	(tm) =	ssettm $0x7FFFFFFF  }
tec
execute0_lowered:
.L_overlay_start_1:
0x0: {  	(tag) =	ssettag $0x1  }
0x1: {  	s2 =	rddreg [dreg:$0x0]  }
0x2: {  	s3 =	rddreg [dreg:$0x1]  }
0x3: {  	s0 =	rddreg [dreg:$0x2];
	s4 =	stileid.u32;
	[bflag:$0x3] =	sbarrier.arrive $0xFFFF  }
0x4: {  	s1 =	simm.s32 $_size_execute1_lowered;
	s31 =	srdreg.scid;
	p0 =	sne.s32 s4, $0x0  }
0x5: {  	s1 =	sshll.u32 s1, $0x1;
	s5 =	simm.s32 @!p0 $0x1C3F;
	s6 =	simm.s32 @!p0 $0x4060  }
0x6: {  	[timem:s6], [sflag:s5] =	dma.local @!p0 [hbm:s2], s1  }
0x7: {  	s2 =	sshll.u32 s31, $0x9  }
0x8: {  	s4 =	sshll.u32 s4, $0xA;
	s2 =	sand.u32 $0x200, s2  }
0x9: {  	s2 =	sor.u32 s4, s2  }
0xa: {  	s8 =	simm.s32 $0x2;
	s11 =	simm.s32 $0x0;
	s5 =	sshll.u32 s2, $0x4  }
0xb: {  	s9 =	simm.s32 $0x80;
	p1 =	slt.u32 s4, $0x2800;
	s4 =	sadd.s32 $0xFFFD8000, s5  }
0xc: {  	s10 =	simm.s32 $0x0;
	s6 =	simm.s32 $0x3;
	s4 =	smov.u32 @p1 s5  }
0xd: {  	_ =	strace $0x80000053;
	s5 =	ssub.s32 $0x2800, s2;
	s7 =	sadd.s32 s4, s3  }
.Ltmp0:
0xe: {  	p1 =	sgt.s32 s5, $0x0;
	s4 =	simm.s32 $0x1;
	(pc) =	sbr.rel .LBB2_1-.Ltmp0, $4  }
0xf: {  	s3 =	sadd.s32 $0x2B8E00, s3;
	s5 =	simm.s32 @!p1 $0x0;
	[sflag:s4] =	ssyncpa.u1 $0x0  }
0x10: {  	s7 =	sadd.s32 $0x290E00, s7;
	s5 =	sand.u32 $0x3E00, s5;
	[sflag:s8] =	ssyncpa.u1 $0x0  }
0x11: {  	s8 =	simm.s32 $0x20;
	p1 =	sne.s32 s5, $0x0;
	s5 =	simm.s32 $0x1  }
0x12: {  	s5 =	simm.s32 @!p1 $0x0;
	s6 =	simm.s32 @!p1 $0x2;
	p1 =	por $0x0, $0x0  }
.LBB2_4:
0x13: {  	s14 =	smulhi.u32 $0xCCCCCCCD, s11;
	_ =	sdelay $0x1  }
0x14: {  	s14 =	sshrl.u32 s14, $0xD  }
0x15: {  	s14 =	smul.u32 $0x2800, s14;
	_ =	sdelay $0x1  }
0x16: {  	s31 =	ssub.s32 s11, s14  }
0x17: {  	[tilespmem:v1+s12+$0x0 ss:$0x1] =	vst.idx.msk $0xffff, v2;
	s11 =	sshll.u32 s31, $0x4  }
0x18: {  	[tilespmem:v1+s12+$0xFFFFFFF0 ss:$0x1] =	vst.idx.msk $0xffff, v3;
	s11 =	sadd.s32 s3, s11  }
0x19: {  	[hbm4b:s11+s8] =	stream.strided.scatter [tilespmem:s13], [sflag:$0x2], $0x4000, s9, s8, $0x38;
	[tilespmem:$0x10000] =	vst v63  }
.LBB2_5:
0x1a: {  	p2 =	slt.u32 s10, $0x2;
	s10 =	sadd.s32 $0x1, s10  }
0x1b: {  	p3 =	sne.s32 s10, s6  }
.Ltmp1:
0x1c: {  	_ = 	snop;
	(pc) =	sbr.rel @!p3 .LBB2_6-.Ltmp1, $4  }
0x1d: {  	s11 =	simm.s32 @!p2 $0x2  }
0x1e: {  	_ =	swait.ge @!p2 [sflag:s11], $0x4000  }
0x1f: {  	[sflag:s11] =	ssyncset.done @!p2 $0x0  }
0x20: {  	p1 =	por !p1, !p1;
	[sflag:s11] =	ssyncadd.s32 @!p2 $0xFFFFC000;
	s11 =	smov.u32 s2  }
.LBB2_1:
0x21: {  	p2 =	sge.u32 s10, s5;
	s31 =	sadd.s32 $0xFFFFFFFF, s10  }
0x22: {  	s12 =	simm.s32 @!p2 $0x20;
	s13 =	simm.s32 @!p2 $0x80;
	s14 =	simm.s32 @!p2 $0x4000  }
0x23: {  	[tilespmem:s14], [sflag:$0x1] =	stream.strided.gather @!p2 [hbm4b:s7+s12], $0x4000, s13, s12, $0x38;
	[tilespmem:$0x10000] =	vst v63  }
0x24: {  	p2 =	sge.u32 s31, s5  }
.Ltmp2:
0x25: {  	_ = 	snop;
	(pc) =	sbr.rel @p2 .LBB2_5-.Ltmp2, $1  }
0x26: {  	_ =	sdelay $0x3  }
0x27: {  	s12 =	simm.s32 $0x1  }
0x28: {  	s12 =	simm.s32 @!p1 $0x0  }
0x29: {  	s13 =	sshll.u32 s12, $0xE  }
0x2a: {  	s12 =	sor.u32 $0x10, s13  }
0x2b: {  	v0 =	vmov s12;
	_ =	sdelay $0x1  }
0x2c: {  	_ =	swait.ge [sflag:s4], $0x4000  }
0x2d: {  	[sflag:s4] =	ssyncset.done $0x0  }
0x2e: {  	s14 =	sshll.u32 s10, $0xE;
	[sflag:s4] =	ssyncadd.s32 $0xFFFFC000;
	s12 =	simm.s32 $0x0  }
0x2f: {  	s31 =	sand.u32 $0x4000, s14;
	s15 =	sor.u32 $0x8010, s13;
	v2 =	vld.idx.msk [tilespmem:v0+s12+$0x0 ss:$0x1], $0xffff  }
0x30: {  	s14 =	simm.s32 $0x80;
	s13 =	sor.u32 $0x8000, s31;
	v1 =	vmov s15;
	v3 =	vld.idx.msk [tilespmem:v0+s12+$0xFFFFFFF0 ss:$0x1], $0xffff  }
.LBB2_3:
0x31: {  	p2 =	sne.s32 s14, $0xFF80  }
.Ltmp3:
0x32: {  	_ = 	snop;
	(pc) =	sbr.rel @p2 .LBB2_3-.Ltmp3, $4  }
0x33: {  	_ = 	snop  }
0x34: {  	s15 =	sshra.s32 s14, $0x2;
	s14 =	sadd.s32 $0x80, s14  }
0x35: {  	[tilespmem:v1+s12+$0x0 ss:$0x1] =	vst.idx.msk $0xffff, v2;
	v2 =	vld.idx.msk [tilespmem:v0+s15+$0x0 ss:$0x1], $0xffff  }
0x36: {  	[tilespmem:v1+s12+$0xFFFFFFF0 ss:$0x1] =	vst.idx.msk $0xffff, v3;
	v3 =	vld.idx.msk [tilespmem:v0+s15+$0xFFFFFFF0 ss:$0x1], $0xffff;
	s12 =	smov.u32 s15  }
.Ltmp4:
0x37: {  	_ = 	snop;
	(pc) =	sbr.rel .LBB2_4-.Ltmp4, $1  }
0x38: {  	_ =	sdelay $0x3  }
.LBB2_6:
0x39: {  	_ =	sfence.sel $0x180000  }
0x3a: {  	s2 =	simm.s32 $0x1;
	[bflag:$0x0] =	sbarrier.arrive $0xFFFF  }
0x3b: {  	s31 =	simm.s32 $0x2;
	[sflag:s2] =	ssyncpa.u1 $0x1  }
0x3c: {  	[sflag:s31] =	ssyncpa.u1 $0x1  }
0x3d: {  	_ =	strace $0x90000053  }
0x3e: {  	s0 =	sadd.s32 @!p0 $0x100000, s0;
	[bflag:$0x2] =	sbarrier.arrive $0xFFFF  }
0x3f: {  	[sflag:s0] =	ssyncadd.tile.s32 @!p0 $0x1;
	s0 =	simm.s32 @!p0 $0x3F  }
0x40: {  	_ =	swait.ge @!p0 [sflag:s0], s1  }
0x41: {  	s1 =	ssub.s32 @!p0 $0x0, s1;
	[sflag:s0] =	ssyncset.done @!p0 $0x0  }
0x42: {  	[sflag:s0] =	ssyncadd.s32 @!p0 s1  }
0x43: {  	[bflag:$0x3] =	sbarrier.arrive $0xFFFF  }
0x44: {  	_ =	shalt  }
.Lfunc_end2:
execute1_lowered:
.L_overlay_start_2:
0x45: {  	(tag) =	ssettag $0x2  }
0x46: {  	s11 =	rddreg [dreg:$0x0]  }
0x47: {  	s2 =	rddreg [dreg:$0x1];
	_ =	strace $0x80000056;
	s12 =	simm.s32 $0x1  }
0x48: {  	v0 =	vimm.s32 $0x0;
	[sflag:s12] =	ssyncpa.u1 $0x0  }
0x49: {  	[tilespmem:$0x28] =	vst v0  }
0x4a: {  	[tilespmem:$0x38] =	vst v0  }
0x4b: {  	[tilespmem:$0x48] =	vst v0  }
0x4c: {  	[tilespmem:$0x58] =	vst v0  }
0x4d: {  	[tilespmem:$0x68] =	vst v0  }
0x4e: {  	[tilespmem:$0x78] =	vst v0  }
0x4f: {  	[tilespmem:$0x88] =	vst v0  }
0x50: {  	[tilespmem:$0x98] =	vst v0  }
0x51: {  	[tilespmem:$0xA8] =	vst v0  }
0x52: {  	[tilespmem:$0xB8] =	vst v0  }
0x53: {  	[tilespmem:$0xC8] =	vst v0  }
0x54: {  	[tilespmem:$0xD8] =	vst v0  }
0x55: {  	[tilespmem:$0xE8] =	vst v0  }
0x56: {  	[tilespmem:$0xF8] =	vst v0  }
0x57: {  	[tilespmem:$0x108] =	vst v0  }
0x58: {  	[tilespmem:$0x118] =	vst v0  }
0x59: {  	[tilespmem:$0x128] =	vst v0  }
0x5a: {  	[tilespmem:$0x138] =	vst v0  }
0x5b: {  	[tilespmem:$0x148] =	vst v0  }
0x5c: {  	[tilespmem:$0x158] =	vst v0  }
0x5d: {  	[tilespmem:$0x168] =	vst v0  }
0x5e: {  	[tilespmem:$0x178] =	vst v0  }
0x5f: {  	[tilespmem:$0x188] =	vst v0  }
0x60: {  	[tilespmem:$0x198] =	vst v0  }
0x61: {  	[tilespmem:$0x1A8] =	vst v0  }
0x62: {  	[tilespmem:$0x1B8] =	vst v0  }
0x63: {  	[tilespmem:$0x1C8] =	vst v0  }
0x64: {  	[tilespmem:$0x1D8] =	vst v0  }
0x65: {  	[tilespmem:$0x1E8] =	vst v0  }
0x66: {  	[tilespmem:$0x1F8] =	vst v0  }
0x67: {  	[tilespmem:$0x208] =	vst v0  }
0x68: {  	[tilespmem:$0x218] =	vst v0  }
0x69: {  	[tilespmem:$0x228] =	vst v0  }
0x6a: {  	[tilespmem:$0x238] =	vst v0  }
0x6b: {  	[tilespmem:$0x248] =	vst v0  }
0x6c: {  	[tilespmem:$0x258] =	vst v0  }
0x6d: {  	[tilespmem:$0x268] =	vst v0  }
0x6e: {  	[tilespmem:$0x278] =	vst v0  }
0x6f: {  	[tilespmem:$0x288] =	vst v0  }
0x70: {  	[tilespmem:$0x298] =	vst v0  }
0x71: {  	[tilespmem:$0x2A8] =	vst v0  }
0x72: {  	[tilespmem:$0x2B8] =	vst v0  }
0x73: {  	[tilespmem:$0x2C8] =	vst v0  }
0x74: {  	[tilespmem:$0x2D8] =	vst v0  }
0x75: {  	[tilespmem:$0x2E8] =	vst v0  }
0x76: {  	[tilespmem:$0x2F8] =	vst v0  }
0x77: {  	[tilespmem:$0x308] =	vst v0  }
0x78: {  	[tilespmem:$0x318] =	vst v0  }
0x79: {  	[tilespmem:$0x328] =	vst v0  }
0x7a: {  	[tilespmem:$0x338] =	vst v0  }
0x7b: {  	[tilespmem:$0x348] =	vst v0  }
0x7c: {  	[tilespmem:$0x358] =	vst v0  }
0x7d: {  	[tilespmem:$0x368] =	vst v0  }
0x7e: {  	[tilespmem:$0x378] =	vst v0  }
0x7f: {  	[tilespmem:$0x388] =	vst v0  }
0x80: {  	[tilespmem:$0x398] =	vst v0  }
0x81: {  	[tilespmem:$0x3A8] =	vst v0  }
0x82: {  	[tilespmem:$0x3B8] =	vst v0  }
0x83: {  	[tilespmem:$0x3C8] =	vst v0  }
0x84: {  	[tilespmem:$0x3D8] =	vst v0  }
0x85: {  	[tilespmem:$0x3E8] =	vst v0  }
0x86: {  	[tilespmem:$0x3F8] =	vst v0  }
0x87: {  	[tilespmem:$0x408] =	vst v0  }
0x88: {  	[tilespmem:$0x418] =	vst v0  }
0x89: {  	[tilespmem:$0x428] =	vst v0  }
0x8a: {  	[tilespmem:$0x438] =	vst v0  }
0x8b: {  	[tilespmem:$0x448] =	vst v0  }
0x8c: {  	[tilespmem:$0x458] =	vst v0  }
0x8d: {  	[tilespmem:$0x468] =	vst v0  }
0x8e: {  	[tilespmem:$0x478] =	vst v0  }
0x8f: {  	[tilespmem:$0x488] =	vst v0  }
0x90: {  	[tilespmem:$0x498] =	vst v0  }
0x91: {  	[tilespmem:$0x4A8] =	vst v0  }
0x92: {  	[tilespmem:$0x4B8] =	vst v0  }
0x93: {  	[tilespmem:$0x4C8] =	vst v0  }
0x94: {  	[tilespmem:$0x4D8] =	vst v0  }
0x95: {  	[tilespmem:$0x4E8] =	vst v0  }
0x96: {  	[tilespmem:$0x4F8] =	vst v0  }
0x97: {  	[tilespmem:$0x508] =	vst v0  }
0x98: {  	[tilespmem:$0x518] =	vst v0  }
0x99: {  	[tilespmem:$0x528] =	vst v0  }
0x9a: {  	[tilespmem:$0x538] =	vst v0  }
0x9b: {  	[tilespmem:$0x548] =	vst v0  }
0x9c: {  	[tilespmem:$0x558] =	vst v0  }
0x9d: {  	[tilespmem:$0x568] =	vst v0  }
0x9e: {  	[tilespmem:$0x578] =	vst v0  }
0x9f: {  	[tilespmem:$0x588] =	vst v0  }
0xa0: {  	[tilespmem:$0x598] =	vst v0  }
0xa1: {  	[tilespmem:$0x5A8] =	vst v0  }
0xa2: {  	[tilespmem:$0x5B8] =	vst v0  }
0xa3: {  	[tilespmem:$0x5C8] =	vst v0  }
0xa4: {  	[tilespmem:$0x5D8] =	vst v0  }
0xa5: {  	[tilespmem:$0x5E8] =	vst v0  }
0xa6: {  	[tilespmem:$0x5F8] =	vst v0  }
0xa7: {  	[tilespmem:$0x608] =	vst v0  }
0xa8: {  	[tilespmem:$0x618] =	vst v0  }
0xa9: {  	[tilespmem:$0x628] =	vst v0  }
0xaa: {  	[tilespmem:$0x638] =	vst v0  }
0xab: {  	[tilespmem:$0x648] =	vst v0  }
0xac: {  	[tilespmem:$0x658] =	vst v0  }
0xad: {  	[tilespmem:$0x668] =	vst v0  }
0xae: {  	[tilespmem:$0x678] =	vst v0  }
0xaf: {  	[tilespmem:$0x688] =	vst v0  }
0xb0: {  	[tilespmem:$0x698] =	vst v0  }
0xb1: {  	[tilespmem:$0x6A8] =	vst v0  }
0xb2: {  	[tilespmem:$0x6B8] =	vst v0  }
0xb3: {  	[tilespmem:$0x6C8] =	vst v0  }
0xb4: {  	[tilespmem:$0x6D8] =	vst v0  }
0xb5: {  	[tilespmem:$0x6E8] =	vst v0  }
0xb6: {  	[tilespmem:$0x6F8] =	vst v0  }
0xb7: {  	[tilespmem:$0x708] =	vst v0  }
0xb8: {  	[tilespmem:$0x718] =	vst v0  }
0xb9: {  	[tilespmem:$0x728] =	vst v0  }
0xba: {  	[tilespmem:$0x738] =	vst v0  }
0xbb: {  	[tilespmem:$0x748] =	vst v0  }
0xbc: {  	[tilespmem:$0x758] =	vst v0  }
0xbd: {  	[tilespmem:$0x768] =	vst v0  }
0xbe: {  	[tilespmem:$0x778] =	vst v0  }
0xbf: {  	[tilespmem:$0x788] =	vst v0  }
0xc0: {  	[tilespmem:$0x798] =	vst v0  }
0xc1: {  	[tilespmem:$0x7A8] =	vst v0  }
0xc2: {  	[tilespmem:$0x7B8] =	vst v0  }
0xc3: {  	[tilespmem:$0x7C8] =	vst v0  }
0xc4: {  	[tilespmem:$0x7D8] =	vst v0  }
0xc5: {  	[tilespmem:$0x7E8] =	vst v0  }
0xc6: {  	[tilespmem:$0x7F8] =	vst v0  }
0xc7: {  	[tilespmem:$0x808] =	vst v0  }
0xc8: {  	[tilespmem:$0x818] =	vst v0  }
0xc9: {  	[tilespmem:$0x828] =	vst v0  }
0xca: {  	[tilespmem:$0x838] =	vst v0  }
0xcb: {  	[tilespmem:$0x848] =	vst v0  }
0xcc: {  	[tilespmem:$0x858] =	vst v0  }
0xcd: {  	[tilespmem:$0x868] =	vst v0  }
0xce: {  	[tilespmem:$0x878] =	vst v0  }
0xcf: {  	[tilespmem:$0x888] =	vst v0  }
0xd0: {  	[tilespmem:$0x898] =	vst v0  }
0xd1: {  	[tilespmem:$0x8A8] =	vst v0  }
0xd2: {  	[tilespmem:$0x8B8] =	vst v0  }
0xd3: {  	[tilespmem:$0x8C8] =	vst v0  }
0xd4: {  	[tilespmem:$0x8D8] =	vst v0  }
0xd5: {  	[tilespmem:$0x8E8] =	vst v0  }
0xd6: {  	[tilespmem:$0x8F8] =	vst v0  }
0xd7: {  	[tilespmem:$0x908] =	vst v0  }
0xd8: {  	[tilespmem:$0x918] =	vst v0  }
0xd9: {  	[tilespmem:$0x928] =	vst v0  }
0xda: {  	[tilespmem:$0x938] =	vst v0  }
0xdb: {  	[tilespmem:$0x948] =	vst v0  }
0xdc: {  	[tilespmem:$0x958] =	vst v0  }
0xdd: {  	[tilespmem:$0x968] =	vst v0  }
0xde: {  	[tilespmem:$0x978] =	vst v0  }
0xdf: {  	[tilespmem:$0x988] =	vst v0  }
0xe0: {  	[tilespmem:$0x998] =	vst v0  }
0xe1: {  	[tilespmem:$0x9A8] =	vst v0  }
0xe2: {  	[tilespmem:$0x9B8] =	vst v0  }
0xe3: {  	[tilespmem:$0x9C8] =	vst v0  }
0xe4: {  	[tilespmem:$0x9D8] =	vst v0  }
0xe5: {  	[tilespmem:$0x9E8] =	vst v0  }
0xe6: {  	[tilespmem:$0x9F8] =	vst v0  }
0xe7: {  	[tilespmem:$0xA08] =	vst v0  }
0xe8: {  	[tilespmem:$0xA18] =	vst v0  }
0xe9: {  	[tilespmem:$0xA28] =	vst v0  }
0xea: {  	[tilespmem:$0xA38] =	vst v0  }
0xeb: {  	[tilespmem:$0xA48] =	vst v0  }
0xec: {  	[tilespmem:$0xA58] =	vst v0  }
0xed: {  	[tilespmem:$0xA68] =	vst v0  }
0xee: {  	[tilespmem:$0xA78] =	vst v0  }
0xef: {  	[tilespmem:$0xA88] =	vst v0  }
0xf0: {  	[tilespmem:$0xA98] =	vst v0  }
0xf1: {  	[tilespmem:$0xAA8] =	vst v0  }
0xf2: {  	[tilespmem:$0xAB8] =	vst v0  }
0xf3: {  	[tilespmem:$0xAC8] =	vst v0  }
0xf4: {  	[tilespmem:$0xAD8] =	vst v0  }
0xf5: {  	[tilespmem:$0xAE8] =	vst v0  }
0xf6: {  	[tilespmem:$0xAF8] =	vst v0  }
0xf7: {  	[tilespmem:$0xB08] =	vst v0  }
0xf8: {  	[tilespmem:$0xB18] =	vst v0  }
0xf9: {  	[tilespmem:$0xB28] =	vst v0  }
0xfa: {  	[tilespmem:$0xB38] =	vst v0  }
0xfb: {  	[tilespmem:$0xB48] =	vst v0  }
0xfc: {  	[tilespmem:$0xB58] =	vst v0  }
0xfd: {  	[tilespmem:$0xB68] =	vst v0  }
0xfe: {  	[tilespmem:$0xB78] =	vst v0  }
0xff: {  	[tilespmem:$0xB88] =	vst v0  }
0x100: {  	[tilespmem:$0xB98] =	vst v0  }
0x101: {  	[tilespmem:$0xBA8] =	vst v0  }
0x102: {  	[tilespmem:$0xBB8] =	vst v0  }
0x103: {  	[tilespmem:$0xBC8] =	vst v0  }
0x104: {  	[tilespmem:$0xBD8] =	vst v0  }
0x105: {  	[tilespmem:$0xBE8] =	vst v0  }
0x106: {  	[tilespmem:$0xBF8] =	vst v0  }
0x107: {  	[tilespmem:$0xC08] =	vst v0  }
0x108: {  	[tilespmem:$0xC18] =	vst v0  }
0x109: {  	[tilespmem:$0xC28] =	vst v0  }
0x10a: {  	[tilespmem:$0xC38] =	vst v0  }
0x10b: {  	[tilespmem:$0xC48] =	vst v0  }
0x10c: {  	[tilespmem:$0xC58] =	vst v0  }
0x10d: {  	[tilespmem:$0xC68] =	vst v0  }
0x10e: {  	[tilespmem:$0xC78] =	vst v0  }
0x10f: {  	[tilespmem:$0xC88] =	vst v0  }
0x110: {  	[tilespmem:$0xC98] =	vst v0  }
0x111: {  	[tilespmem:$0xCA8] =	vst v0  }
0x112: {  	[tilespmem:$0xCB8] =	vst v0  }
0x113: {  	[tilespmem:$0xCC8] =	vst v0  }
0x114: {  	[tilespmem:$0xCD8] =	vst v0  }
0x115: {  	[tilespmem:$0xCE8] =	vst v0  }
0x116: {  	[tilespmem:$0xCF8] =	vst v0  }
0x117: {  	[tilespmem:$0xD08] =	vst v0  }
0x118: {  	[tilespmem:$0xD18] =	vst v0  }
0x119: {  	[tilespmem:$0xD28] =	vst v0  }
0x11a: {  	[tilespmem:$0xD38] =	vst v0  }
0x11b: {  	[tilespmem:$0xD48] =	vst v0  }
0x11c: {  	[tilespmem:$0xD58] =	vst v0  }
0x11d: {  	[tilespmem:$0xD68] =	vst v0  }
0x11e: {  	[tilespmem:$0xD78] =	vst v0  }
0x11f: {  	[tilespmem:$0xD88] =	vst v0  }
0x120: {  	[tilespmem:$0xD98] =	vst v0  }
0x121: {  	[tilespmem:$0xDA8] =	vst v0  }
0x122: {  	[tilespmem:$0xDB8] =	vst v0  }
0x123: {  	[tilespmem:$0xDC8] =	vst v0  }
0x124: {  	[tilespmem:$0xDD8] =	vst v0  }
0x125: {  	[tilespmem:$0xDE8] =	vst v0  }
0x126: {  	[tilespmem:$0xDF8] =	vst v0  }
0x127: {  	[tilespmem:$0xE08] =	vst v0  }
0x128: {  	[tilespmem:$0xE18] =	vst v0  }
0x129: {  	[tilespmem:$0xE28] =	vst v0  }
0x12a: {  	[tilespmem:$0xE38] =	vst v0  }
0x12b: {  	[tilespmem:$0xE48] =	vst v0  }
0x12c: {  	[tilespmem:$0xE58] =	vst v0  }
0x12d: {  	[tilespmem:$0xE68] =	vst v0  }
0x12e: {  	[tilespmem:$0xE78] =	vst v0  }
0x12f: {  	[tilespmem:$0xE88] =	vst v0  }
0x130: {  	[tilespmem:$0xE98] =	vst v0  }
0x131: {  	[tilespmem:$0xEA8] =	vst v0  }
0x132: {  	[tilespmem:$0xEB8] =	vst v0  }
0x133: {  	[tilespmem:$0xEC8] =	vst v0  }
0x134: {  	[tilespmem:$0xED8] =	vst v0  }
0x135: {  	[tilespmem:$0xEE8] =	vst v0  }
0x136: {  	[tilespmem:$0xEF8] =	vst v0  }
0x137: {  	[tilespmem:$0xF08] =	vst v0  }
0x138: {  	[tilespmem:$0xF18] =	vst v0  }
0x139: {  	[tilespmem:$0xF28] =	vst v0  }
0x13a: {  	[tilespmem:$0xF38] =	vst v0  }
0x13b: {  	[tilespmem:$0xF48] =	vst v0  }
0x13c: {  	[tilespmem:$0xF58] =	vst v0  }
0x13d: {  	[tilespmem:$0xF68] =	vst v0  }
0x13e: {  	[tilespmem:$0xF78] =	vst v0  }
0x13f: {  	[tilespmem:$0xF88] =	vst v0  }
0x140: {  	[tilespmem:$0xF98] =	vst v0  }
0x141: {  	[tilespmem:$0xFA8] =	vst v0  }
0x142: {  	[tilespmem:$0xFB8] =	vst v0  }
0x143: {  	[tilespmem:$0xFC8] =	vst v0  }
0x144: {  	[tilespmem:$0xFD8] =	vst v0  }
0x145: {  	[tilespmem:$0xFE8] =	vst v0  }
0x146: {  	[tilespmem:$0xFF8] =	vst v0  }
0x147: {  	[tilespmem:$0x1028] =	vst v0  }
0x148: {  	[tilespmem:$0x10D8] =	vst v0  }
0x149: {  	[tilespmem:$0x1068] =	vst v0  }
0x14a: {  	[tilespmem:$0x1B28] =	vst v0  }
0x14b: {  	[tilespmem:$0x1B18] =	vst v0  }
0x14c: {  	[tilespmem:$0x1B08] =	vst v0  }
0x14d: {  	[tilespmem:$0x1AF8] =	vst v0  }
0x14e: {  	[tilespmem:$0x1AE8] =	vst v0  }
0x14f: {  	[tilespmem:$0x1AD8] =	vst v0  }
0x150: {  	[tilespmem:$0x1AC8] =	vst v0  }
0x151: {  	[tilespmem:$0x1AB8] =	vst v0  }
0x152: {  	[tilespmem:$0x1AA8] =	vst v0  }
0x153: {  	[tilespmem:$0x1A98] =	vst v0  }
0x154: {  	[tilespmem:$0x1A88] =	vst v0  }
0x155: {  	[tilespmem:$0x1A78] =	vst v0  }
0x156: {  	[tilespmem:$0x1A68] =	vst v0  }
0x157: {  	[tilespmem:$0x1A58] =	vst v0  }
0x158: {  	[tilespmem:$0x1A48] =	vst v0  }
0x159: {  	[tilespmem:$0x1A38] =	vst v0  }
0x15a: {  	[tilespmem:$0x1A28] =	vst v0  }
0x15b: {  	[tilespmem:$0x1A18] =	vst v0  }
0x15c: {  	[tilespmem:$0x1A08] =	vst v0  }
0x15d: {  	[tilespmem:$0x19F8] =	vst v0  }
0x15e: {  	[tilespmem:$0x19E8] =	vst v0  }
0x15f: {  	[tilespmem:$0x19D8] =	vst v0  }
0x160: {  	[tilespmem:$0x19C8] =	vst v0  }
0x161: {  	[tilespmem:$0x19B8] =	vst v0  }
0x162: {  	[tilespmem:$0x19A8] =	vst v0  }
0x163: {  	[tilespmem:$0x1998] =	vst v0  }
0x164: {  	[tilespmem:$0x1988] =	vst v0  }
0x165: {  	[tilespmem:$0x1978] =	vst v0  }
0x166: {  	[tilespmem:$0x1968] =	vst v0  }
0x167: {  	[tilespmem:$0x1958] =	vst v0  }
0x168: {  	[tilespmem:$0x1948] =	vst v0  }
0x169: {  	[tilespmem:$0x1938] =	vst v0  }
0x16a: {  	[tilespmem:$0x1928] =	vst v0  }
0x16b: {  	[tilespmem:$0x1918] =	vst v0  }
0x16c: {  	[tilespmem:$0x1908] =	vst v0  }
0x16d: {  	[tilespmem:$0x18F8] =	vst v0  }
0x16e: {  	[tilespmem:$0x18E8] =	vst v0  }
0x16f: {  	[tilespmem:$0x18D8] =	vst v0  }
0x170: {  	[tilespmem:$0x18C8] =	vst v0  }
0x171: {  	[tilespmem:$0x18B8] =	vst v0  }
0x172: {  	[tilespmem:$0x18A8] =	vst v0  }
0x173: {  	[tilespmem:$0x1898] =	vst v0  }
0x174: {  	[tilespmem:$0x1888] =	vst v0  }
0x175: {  	[tilespmem:$0x1878] =	vst v0  }
0x176: {  	[tilespmem:$0x1868] =	vst v0  }
0x177: {  	[tilespmem:$0x1858] =	vst v0  }
0x178: {  	[tilespmem:$0x1848] =	vst v0  }
0x179: {  	[tilespmem:$0x1838] =	vst v0  }
0x17a: {  	[tilespmem:$0x1828] =	vst v0  }
0x17b: {  	[tilespmem:$0x1818] =	vst v0  }
0x17c: {  	[tilespmem:$0x1808] =	vst v0  }
0x17d: {  	[tilespmem:$0x17F8] =	vst v0  }
0x17e: {  	[tilespmem:$0x17E8] =	vst v0  }
0x17f: {  	[tilespmem:$0x17D8] =	vst v0  }
0x180: {  	[tilespmem:$0x17C8] =	vst v0  }
0x181: {  	[tilespmem:$0x17B8] =	vst v0  }
0x182: {  	[tilespmem:$0x17A8] =	vst v0  }
0x183: {  	[tilespmem:$0x1798] =	vst v0  }
0x184: {  	[tilespmem:$0x1788] =	vst v0  }
0x185: {  	[tilespmem:$0x1778] =	vst v0  }
0x186: {  	[tilespmem:$0x1768] =	vst v0  }
0x187: {  	[tilespmem:$0x1758] =	vst v0  }
0x188: {  	[tilespmem:$0x1748] =	vst v0  }
0x189: {  	[tilespmem:$0x1738] =	vst v0  }
0x18a: {  	[tilespmem:$0x1728] =	vst v0  }
0x18b: {  	[tilespmem:$0x1718] =	vst v0  }
0x18c: {  	[tilespmem:$0x1708] =	vst v0  }
0x18d: {  	[tilespmem:$0x16F8] =	vst v0  }
0x18e: {  	[tilespmem:$0x16E8] =	vst v0  }
0x18f: {  	[tilespmem:$0x16D8] =	vst v0  }
0x190: {  	[tilespmem:$0x16C8] =	vst v0  }
0x191: {  	[tilespmem:$0x16B8] =	vst v0  }
0x192: {  	[tilespmem:$0x16A8] =	vst v0  }
0x193: {  	[tilespmem:$0x1698] =	vst v0  }
0x194: {  	[tilespmem:$0x1688] =	vst v0  }
0x195: {  	[tilespmem:$0x1678] =	vst v0  }
0x196: {  	[tilespmem:$0x1668] =	vst v0  }
0x197: {  	[tilespmem:$0x1658] =	vst v0  }
0x198: {  	[tilespmem:$0x1648] =	vst v0  }
0x199: {  	[tilespmem:$0x1638] =	vst v0  }
0x19a: {  	[tilespmem:$0x1628] =	vst v0  }
0x19b: {  	[tilespmem:$0x1618] =	vst v0  }
0x19c: {  	[tilespmem:$0x1608] =	vst v0  }
0x19d: {  	[tilespmem:$0x15F8] =	vst v0  }
0x19e: {  	[tilespmem:$0x15E8] =	vst v0  }
0x19f: {  	[tilespmem:$0x15D8] =	vst v0  }
0x1a0: {  	[tilespmem:$0x15C8] =	vst v0  }
0x1a1: {  	[tilespmem:$0x15B8] =	vst v0  }
0x1a2: {  	[tilespmem:$0x15A8] =	vst v0  }
0x1a3: {  	[tilespmem:$0x1598] =	vst v0  }
0x1a4: {  	[tilespmem:$0x1588] =	vst v0  }
0x1a5: {  	[tilespmem:$0x1578] =	vst v0  }
0x1a6: {  	[tilespmem:$0x1568] =	vst v0  }
0x1a7: {  	[tilespmem:$0x1558] =	vst v0  }
0x1a8: {  	[tilespmem:$0x1548] =	vst v0  }
0x1a9: {  	[tilespmem:$0x1538] =	vst v0  }
0x1aa: {  	[tilespmem:$0x1528] =	vst v0  }
0x1ab: {  	[tilespmem:$0x1518] =	vst v0  }
0x1ac: {  	[tilespmem:$0x1508] =	vst v0  }
0x1ad: {  	[tilespmem:$0x14F8] =	vst v0  }
0x1ae: {  	[tilespmem:$0x14E8] =	vst v0  }
0x1af: {  	[tilespmem:$0x14D8] =	vst v0  }
0x1b0: {  	[tilespmem:$0x14C8] =	vst v0  }
0x1b1: {  	[tilespmem:$0x14B8] =	vst v0  }
0x1b2: {  	[tilespmem:$0x14A8] =	vst v0  }
0x1b3: {  	[tilespmem:$0x1498] =	vst v0  }
0x1b4: {  	[tilespmem:$0x1488] =	vst v0  }
0x1b5: {  	[tilespmem:$0x1478] =	vst v0  }
0x1b6: {  	[tilespmem:$0x1468] =	vst v0  }
0x1b7: {  	[tilespmem:$0x1458] =	vst v0  }
0x1b8: {  	[tilespmem:$0x1448] =	vst v0  }
0x1b9: {  	[tilespmem:$0x1438] =	vst v0  }
0x1ba: {  	[tilespmem:$0x1428] =	vst v0  }
0x1bb: {  	[tilespmem:$0x1418] =	vst v0  }
0x1bc: {  	[tilespmem:$0x1408] =	vst v0  }
0x1bd: {  	[tilespmem:$0x13F8] =	vst v0  }
0x1be: {  	[tilespmem:$0x13E8] =	vst v0  }
0x1bf: {  	[tilespmem:$0x13D8] =	vst v0  }
0x1c0: {  	[tilespmem:$0x13C8] =	vst v0  }
0x1c1: {  	[tilespmem:$0x13B8] =	vst v0  }
0x1c2: {  	[tilespmem:$0x13A8] =	vst v0  }
0x1c3: {  	[tilespmem:$0x1398] =	vst v0  }
0x1c4: {  	[tilespmem:$0x1388] =	vst v0  }
0x1c5: {  	[tilespmem:$0x1378] =	vst v0  }
0x1c6: {  	[tilespmem:$0x1368] =	vst v0  }
0x1c7: {  	[tilespmem:$0x1358] =	vst v0  }
0x1c8: {  	[tilespmem:$0x1348] =	vst v0  }
0x1c9: {  	[tilespmem:$0x1338] =	vst v0  }
0x1ca: {  	[tilespmem:$0x1328] =	vst v0  }
0x1cb: {  	[tilespmem:$0x1318] =	vst v0  }
0x1cc: {  	[tilespmem:$0x1308] =	vst v0  }
0x1cd: {  	[tilespmem:$0x12F8] =	vst v0  }
0x1ce: {  	[tilespmem:$0x12E8] =	vst v0  }
0x1cf: {  	[tilespmem:$0x12D8] =	vst v0  }
0x1d0: {  	[tilespmem:$0x12C8] =	vst v0  }
0x1d1: {  	[tilespmem:$0x12B8] =	vst v0  }
0x1d2: {  	[tilespmem:$0x12A8] =	vst v0  }
0x1d3: {  	[tilespmem:$0x1298] =	vst v0  }
0x1d4: {  	[tilespmem:$0x1288] =	vst v0  }
0x1d5: {  	[tilespmem:$0x1278] =	vst v0  }
0x1d6: {  	[tilespmem:$0x1268] =	vst v0  }
0x1d7: {  	[tilespmem:$0x1258] =	vst v0  }
0x1d8: {  	[tilespmem:$0x1248] =	vst v0  }
0x1d9: {  	[tilespmem:$0x1238] =	vst v0  }
0x1da: {  	[tilespmem:$0x1228] =	vst v0  }
0x1db: {  	[tilespmem:$0x1218] =	vst v0  }
0x1dc: {  	[tilespmem:$0x1208] =	vst v0  }
0x1dd: {  	[tilespmem:$0x11F8] =	vst v0  }
0x1de: {  	[tilespmem:$0x11E8] =	vst v0  }
0x1df: {  	[tilespmem:$0x11D8] =	vst v0  }
0x1e0: {  	[tilespmem:$0x11C8] =	vst v0  }
0x1e1: {  	[tilespmem:$0x11B8] =	vst v0  }
0x1e2: {  	[tilespmem:$0x11A8] =	vst v0  }
0x1e3: {  	[tilespmem:$0x1198] =	vst v0  }
0x1e4: {  	[tilespmem:$0x1188] =	vst v0  }
0x1e5: {  	[tilespmem:$0x1178] =	vst v0  }
0x1e6: {  	[tilespmem:$0x1168] =	vst v0  }
0x1e7: {  	[tilespmem:$0x1158] =	vst v0  }
0x1e8: {  	[tilespmem:$0x1148] =	vst v0  }
0x1e9: {  	[tilespmem:$0x1138] =	vst v0  }
0x1ea: {  	[tilespmem:$0x1128] =	vst v0  }
0x1eb: {  	[tilespmem:$0x1118] =	vst v0  }
0x1ec: {  	[tilespmem:$0x1108] =	vst v0  }
0x1ed: {  	s4 =	stileid.u32;
	[tilespmem:$0x10F8] =	vst v0  }
0x1ee: {  	s0 =	simm.s32 $0x870;
	s6 =	smul.u32 $0xA20, s4;
	p0 =	seq.s32 s4, $0xF;
	[tilespmem:$0x10E8] =	vst v0  }
0x1ef: {  	s0 =	simm.s32 @!p0 $0xA20;
	[tilespmem:$0x1038] =	vst v0  }
0x1f0: {  	[tilespmem:$0x10C8] =	vst v0;
	s0 =	sadd.s32 s6, s0  }
0x1f1: {  	[tilespmem:$0x10B8] =	vst v0;
	s7 =	smin.u32 s0, $0xA000  }
0x1f2: {  	[tilespmem:$0x10A8] =	vst v0;
	s0 =	ssub.s32 s7, s6  }
0x1f3: {  	s3 =	simm.s32 $0x2;
	s8 =	simm.s32 $0x9;
	[tilespmem:$0x1098] =	vst v0;
	p0 =	sgt.s32 s0, $0x0  }
0x1f4: {  	s10 =	simm.s32 $0xA;
	s30 =	simm.s32 $0xB;
	[tilespmem:$0x1088] =	vst v0;
	s0 =	simm.s32 @!p0 $0x0  }
0x1f5: {  	s16 =	simm.s32 $0x0;
	p4 =	por $0x0, $0x0;
	[tilespmem:$0x1078] =	vst v0;
	s1 =	sand.u32 $0xFFF0, s0  }
0x1f6: {  	s17 =	simm.s32 $0xC;
	s21 =	simm.s32 $0x0;
	[tilespmem:$0x1058] =	vst v0;
	s1 =	sshrl.u32 s1, $0x4  }
0x1f7: {  	s18 =	simm.s32 $0x0;
	s2 =	sand.u32 $0x1, s2;
	[tilespmem:$0x1048] =	vst v0;
	s1 =	smul.u32 $0x12F7, s1  }
0x1f8: {  	s20 =	simm.s32 $0x0;
	s31 =	sshll.u32 s4, $0x5;
	[tilespmem:$0x1018] =	vst v0;
	[dreg:$0x5] =	wrdreg s2  }
0x1f9: {  	s2 =	smul.u32 $0x1400, s2;
	[tilespmem:$0x1008] =	vst v0;
	[sflag:s3] =	ssyncpa.u1 $0x0;
	s1 =	sshrl.u32 s1, $0x11  }
0x1fa: {  	v0 =	vimm.s32 $0xFFFFFFFF;
	s3 =	sadd.s32 $0x2B8E00, s11;
	[dreg:$0x4] =	wrdreg s31;
	s5 =	smul.u32 $0x1B0, s1  }
.Ltmp5:
0x1fb: {  	[tilespmem:$0x3648] =	vst v0;
	[sflag:s8] =	ssyncpa.u1 $0x0;
	s19 =	smov.u32 s6;
	(pc) =	sbr.rel .LBB3_1-.Ltmp5, $4  }
0x1fc: {  	[dreg:$0x6] =	wrdreg s6;
	s2 =	sadd.s32 s2, s11;
	p0 =	sne.s32 s0, s5  }
0x1fd: {  	[sflag:s10] =	ssyncpa.u1 $0x0;
	s11 =	sadd.s32 $0x10E00, s11;
	s12 =	simm.s32 @!p0 $0x0  }
0x1fe: {  	[sflag:s30] =	ssyncpa.u1 $0x0;
	s14 =	sadd.s32 $0xE600, s2;
	s12 =	sadd.s32 s1, s12  }
0x1ff: {  	v0 =	vlaneseq.u32;
	s15 =	sadd.s32 $0xBE00, s2;
	p0 =	por $0x1, $0x1;
	s4 =	sadd.s32 $0x1, s12  }
.LBB3_18:
0x200: {  	s0 =	simm.s32 $0x2  }
0x201: {  	_ =	swait.ge [sflag:s0], $0x0  }
0x202: {  	[sflag:s0] =	ssyncset.done $0x0;
	s0 =	simm.s32 $0x0  }
.LBB3_19:
0x203: {  	_ =	swait.ge [sflag:s17], s0  }
0x204: {  	s31 =	ssub.s32 $0x0, s0;
	v1 =	vmov s23;
	vm0 =	veq.s32 v0, $0x0;
	[sflag:s17] =	ssyncset.done $0x0  }
0x205: {  	vm15 =	veq.s32 v0, $0x2;
	v1 =	vsel vm0, s28, v1;
	[sflag:s17] =	ssyncadd.s32 s31  }
0x206: {  	v1 =	vsel vm15, s21, v1;
	[sflag:s17] =	ssyncpa.u1 $0x1  }
0x207: {  	[tilespmem:$0x3648] =	vst v1  }
.LBB3_20:
0x208: {  	s0 =	sadd.s32 $0x1B0, s19  }
0x209: {  	s1 =	smov.u32 s6;
	p1 =	slt.s32 s0, s7  }
0x20a: {  	s1 =	smov.u32 @p1 s0;
	p1 =	sne.s32 s20, s4  }
.Ltmp6:
0x20b: {  	_ = 	snop;
	(pc) =	sbr.rel @!p1 .LBB3_21-.Ltmp6, $4  }
0x20c: {  	_ = 	snop  }
0x20d: {  	s21 =	smov.u32 s18  }
0x20e: {  	s31 =	sadd.s32 $0x1, s20;
	s18 =	smov.u32 s19;
	p0 =	por !p0, !p0  }
0x20f: {  	p4 =	por !p4, !p4;
	s20 =	smov.u32 s31;
	s19 =	smov.u32 s1  }
.LBB3_1:
0x210: {  	p2 =	sge.u32 s20, s12  }
0x211: {  	s0 =	smulhi.u32 @!p2 $0xAAAAAAAB, s20  }
0x212: {  	s1 =	smov.u32 s19;
	p3 =	sgt.s32 @!p2 s19, $0x9E50  }
0x213: {  	s2 =	sshra.s32 @!p2 s19, $0x1F;
	p3 =	por !p3, p2;
	s0 =	sshrl.u32 @!p2 s0, $0x1  }
0x214: {  	s2 =	sand.u32 @!p2 s2, s19;
	s1 =	simm.s32 @p3 $0x9E50;
	s0 =	smul.u32 @!p2 $0x3, s0  }
0x215: {  	s1 =	ssub.s32 @!p2 s1, s2  }
0x216: {  	s23 =	sadd.s32 $0xFFFFFFFF, s20;
	s1 =	sadd.s32 @!p2 $0xFFFF61B0, s1;
	s0 =	ssub.s32 @!p2 s20, s0  }
0x217: {  	s2 =	sshll.u32 @!p2 s1, $0x2;
	p3 =	sgt.s32 @!p2 s1, $0x1AF;
	s0 =	smul.u32 @!p2 $0x6C0, s0  }
0x218: {  	s5 =	sand.u32 @!p2 $0x7, s19;
	s1 =	ssub.s32 @!p2 $0x6C0, s2;
	p3 =	por !p3, p2  }
0x219: {  	s2 =	sshrl.u32 @!p2 s19, $0x3;
	s1 =	sshrl.u32 @!p2 s1, $0x2;
	s0 =	sshrl.u32 @!p2 s0, $0x2  }
0x21a: {  	s2 =	sadd.s32 @!p2 s2, s14;
	s1 =	simm.s32 @!p3 $0x0;
	s0 =	sadd.s32 @!p2 $0x3888, s0  }
0x21b: {  	[tilespmem:s0], [sflag:$0xA] =	stream.linear.gather @!p2 [hbm4b:s2+s5], s1, $0x38;
	[tilespmem:$0x1F0F8] =	vst v63  }
0x21c: {  	p2 =	sge.u32 s23, s12  }
0x21d: {  	p3 =	sgt.s32 @!p2 s18, $0x9E50  }
0x21e: {  	s0 =	smov.u32 s18;
	s1 =	sshra.s32 @!p2 s18, $0x1F;
	p3 =	por !p3, p2  }
0x21f: {  	s1 =	sand.u32 @!p2 s1, s18;
	s0 =	simm.s32 @p3 $0x9E50  }
0x220: {  	s0 =	ssub.s32 @!p2 s0, s1  }
0x221: {  	s0 =	sadd.s32 @!p2 $0xFFFF61B0, s0  }
0x222: {  	s1 =	sshll.u32 @!p2 s0, $0x2  }
0x223: {  	p3 =	sgt.s32 @!p2 s0, $0x1AF;
	s0 =	ssub.s32 @!p2 $0x6C0, s1  }
0x224: {  	s22 =	ssub.s32 @!p2 $0xA000, s18;
	p3 =	por !p3, p2;
	s0 =	sshrl.u32 @!p2 s0, $0x2  }
0x225: {  	s1 =	sand.u32 @!p2 $0x1, s23;
	s0 =	simm.s32 @!p3 $0x0;
	p3 =	slt.s32 @!p2 s22, $0x1  }
0x226: {  	s2 =	simm.s32 @!p2 $0xA;
	s1 =	smul.u32 @!p2 $0x6C0, s1;
	p3 =	por p2, p3  }
.Ltmp7:
0x227: {  	_ =	swait.ge @!p2 [sflag:s2], s0;
	(pc) =	sbr.rel @p3 .LBB3_7-.Ltmp7, $4  }
0x228: {  	s5 =	ssub.s32 @!p2 $0x0, s0;
	[sflag:s2] =	ssyncset.done @!p2 $0x0  }
0x229: {  	s1 =	sshrl.u32 @!p2 s1, $0x2;
	[sflag:s2] =	ssyncadd.s32 @!p2 s5;
	s2 =	sshrl.u32 @!p2 s18, $0x3  }
0x22a: {  	s1 =	sadd.s32 @!p2 $0x3D98, s1;
	s5 =	sand.u32 @!p2 $0x7, s18;
	s2 =	sadd.s32 @!p2 s2, s15  }
0x22b: {  	[tilespmem:s1], [sflag:$0xB] =	stream.linear.gather @!p2 [hbm4b:s2+s5], s0, $0x38;
	[tilespmem:$0x1F0F8] =	vst v63  }
0x22c: {  	s0 =	smulhi.u32 $0xAAAAAAAB, s23;
	_ =	sdelay $0x1  }
0x22d: {  	s0 =	sshrl.u32 s0, $0x1  }
0x22e: {  	s0 =	smul.u32 $0x3, s0;
	_ =	sdelay $0x1  }
0x22f: {  	s0 =	ssub.s32 s23, s0  }
0x230: {  	s1 =	simm.s32 $0x1;
	s0 =	smul.u32 $0x6C0, s0  }
.Ltmp8:
0x231: {  	s1 =	simm.s32 @!p0 $0x0;
	(pc) =	sbr.rel .LBB3_4-.Ltmp8, $4  }
0x232: {  	s1 =	smul.u32 $0x36000, s1  }
0x233: {  	p3 =	slt.s32 @!p2 s22, $0x1B0;
	s0 =	sshrl.u32 s0, $0x2  }
0x234: {  	p2 =	por !p3, p2;
	s1 =	sshrl.u32 s1, $0x2;
	s0 =	sadd.s32 $0x3888, s0  }
0x235: {  	s24 =	simm.s32 $0x0;
	s22 =	simm.s32 @p2 $0x1B0;
	s23 =	sadd.s32 $0x40F8, s1;
	v1 =	vmov s0  }
.LBB3_3:
0x236: {  	p2 =	sge.s32 s24, s22  }
.Ltmp9:
0x237: {  	_ = 	snop;
	(pc) =	sbr.rel @p2 .LBB3_7-.Ltmp9, $2  }
0x238: {  	_ =	sdelay $0x2  }
0x239: {  	s23 =	sadd.s32 $0x800, s23  }
.LBB3_4:
0x23a: {  	p2 =	sle.s32 s22, s24  }
.Ltmp10:
0x23b: {  	_ = 	snop;
	(pc) =	sbr.rel @p2 .LBB3_3-.Ltmp10, $2  }
0x23c: {  	_ =	sdelay $0x2  }
0x23d: {  	s0 =	smov.u32 s24;
	s24 =	sadd.s32 $0x10, s24  }
0x23e: {  	s1 =	ssub.s32 s22, s0  }
0x23f: {  	p2 =	slt.s32 s1, $0x10  }
0x240: {  	s1 =	simm.s32 @!p2 $0x10  }
0x241: {  	v2 =	vmov s1  }
0x242: {  	vm0 =	vgt.s32 v2, v0;
	_ =	sdelay $0x5  }
0x243: {  	v2 =	vld.idx.msk [tilespmem:v1+s0+$0x0 ss:$0x1], vm0;
	_ =	sdelay $0x2  }
0x244: {  	p2 =	slt.s32 s24, s22;
	s1 =	smov.u32 s22  }
0x245: {  	s2 =	smov.u32 s23;
	s25 =	simm.s32 $0x0;
	s1 =	smov.u32 @p2 s24  }
.LBB3_6:
0x246: {  	(v2sf) =	vpush v2, s25;
	_ =	sdelay $0xc  }
0x247: {  	s25 =	sadd.s32 $0x1, s25  }
0x248: {  	s31 =	sadd.s32 s25, s0  }
0x249: {  	p2 =	slt.s32 s31, s1;
	s5 =	spop (v2sf)  }
.Ltmp11:
0x24a: {  	s5 =	sshll.u32 s5, $0x4;
	(pc) =	sbr.rel @p2 .LBB3_6-.Ltmp11, $4  }
0x24b: {  	s5 =	sand.u32 $0x1FFFFFF0, s5  }
0x24c: {  	s5 =	sadd.s32 s11, s5  }
0x24d: {  	[tilespmem:s2], [sflag:$0x9] =	stream.linear.gather [hbm4b:s5+s16], $0x10, $0x38;
	[tilespmem:$0x1F0F8] =	vst v63  }
0x24e: {  	s2 =	sadd.s32 $0x80, s2  }
.Ltmp12:
0x24f: {  	_ = 	snop;
	(pc) =	sbr.rel .LBB3_3-.Ltmp12, $1  }
0x250: {  	_ =	sdelay $0x3  }
.LBB3_7:
0x251: {  	p2 =	slt.u32 s20, $0x2  }
.Ltmp13:
0x252: {  	_ = 	snop;
	(pc) =	sbr.rel @p2 .LBB3_20-.Ltmp13, $1  }
0x253: {  	_ =	sdelay $0x3  }
0x254: {  	p2 =	sgt.s32 s21, $0x9E50  }
0x255: {  	s0 =	smov.u32 s21;
	s1 =	sshra.s32 s21, $0x1F;
	s2 =	ssub.s32 $0xA000, s21  }
0x256: {  	s0 =	simm.s32 @!p2 $0x9E50;
	s1 =	sand.u32 s1, s21;
	p2 =	slt.s32 s2, $0x1B0  }
0x257: {  	s0 =	ssub.s32 s0, s1;
	s2 =	simm.s32 @!p2 $0x1B0  }
0x258: {  	s0 =	sadd.s32 $0xFFFF61B0, s0;
	s24 =	sshll.u32 s2, $0x4  }
0x259: {  	s28 =	simm.s32 $0x9;
	s25 =	sshll.u32 s0, $0x2;
	s1 =	sand.u32 $0x3FFFFFF0, s24  }
0x25a: {  	p2 =	sgt.s32 s0, $0x1AF;
	s26 =	ssub.s32 $0x6C0, s25;
	_ =	swait.ge [sflag:s28], s1  }
0x25b: {  	s1 =	ssub.s32 $0x0, s1;
	[sflag:s28] =	ssyncset.done $0x0;
	s0 =	sshrl.u32 s26, $0x2  }
0x25c: {  	s30 =	simm.s32 $0xB;
	[sflag:s28] =	ssyncadd.s32 s1;
	s0 =	simm.s32 @p2 $0x0  }
0x25d: {  	_ =	swait.ge [sflag:s30], s0  }
0x25e: {  	s0 =	ssub.s32 $0x0, s0;
	[sflag:s30] =	ssyncset.done $0x0  }
0x25f: {  	[sflag:s30] =	ssyncadd.s32 s0  }
0x260: {  	v1 =	vld [tilespmem:$0x3648];
	_ =	sdelay $0x4  }
0x261: {  	(v2sf) =	vpush v1, $0x0  }
0x262: {  	(v2sf) =	vpush v1, $0x1  }
0x263: {  	(v2sf) =	vpush v1, $0x2;
	_ =	sdelay $0x3  }
0x264: {  	s0 =	sadd.s32 $0x1B0, s21  }
0x265: {  	s1 =	ssub.s32 $0x14000, s21;
	p2 =	slt.s32 s7, s0  }
0x266: {  	s0 =	smov.u32 @p2 s7;
	p2 =	sgt.s32 s1, $0x0  }
0x267: {  	s25 =	ssub.s32 s0, s21;
	s1 =	simm.s32 @!p2 $0x0  }
0x268: {  	p2 =	slt.s32 s1, s25  }
0x269: {  	s25 =	smov.u32 @p2 s1  }
0x26a: {  	s24 =	simm.s32 $0x1;
	p2 =	slt.s32 s25, $0x1  }
.Ltmp14:
0x26b: {  	s24 =	simm.s32 @!p4 $0x0;
	(pc) =	sbr.rel @p2 .LBB3_12-.Ltmp14, $4  }
0x26c: {  	s31 =	smul.u32 $0x6C0, s24  }
0x26d: {  	s26 =	spop (v2sf)  }
0x26e: {  	s0 =	sshrl.u32 s31, $0x2;
	s29 =	spop (v2sf)  }
0x26f: {  	s22 =	sadd.s32 $0x3D98, s0;
	s21 =	spop (v2sf)  }
0x270: {  	s0 =	smin.u32 s25, $0x10  }
0x271: {  	v1 =	vmov s0  }
0x272: {  	p3 =	sgt.s32 s25, $0x10;
	vm1 =	vgt.u32 v1, v0  }
.Ltmp15:
0x273: {  	_ = 	snop;
	(pc) =	sbr.rel @!p3 .LBB3_11-.Ltmp15, $2  }
0x274: {  	_ =	sdelay $0x2  }
0x275: {  	s23 =	simm.s32 $0x10;
	s28 =	sadd.s32 $0xFFFFFFF0, s25;
	s0 =	smov.u32 s22;
	vm0 =	vmmov vm1  }
.LBB3_10:
0x276: {  	s1 =	smin.u32 s28, $0x10;
	s23 =	sadd.s32 $0x10, s23;
	v1 =	vld.msk [tilespmem:s0+$0x0 ss:$0x1], vm1  }
0x277: {  	v2 =	vmov s1;
	p3 =	slt.s32 s23, s25  }
0x278: {  	vm1 =	vgt.u32 v2, v0  }
.Ltmp16:
0x279: {  	(pc) =	sbr.rel @p3 .LBB3_10-.Ltmp16, $3  }
0x27a: {  	_ =	sdelay $0x1  }
0x27b: {  	v1 =	vshll.u32 v1, $0x4  }
0x27c: {  	s28 =	sadd.s32 $0xFFFFFFF0, s28;
	[tilespmem:s0+$0x0] =	vst.msk vm0, v1;
	s0 =	sadd.s32 $0x10, s0;
	vm0 =	vmmov vm1  }
.LBB3_11:
0x27d: {  	_ =	sdelay $0x4  }
0x27e: {  	v1 =	vld.msk [tilespmem:s0+$0x0 ss:$0x1], vm1;
	_ =	sdelay $0x4  }
0x27f: {  	v1 =	vshll.u32 v1, $0x4  }
0x280: {  	[tilespmem:s0+$0x0] =	vst.msk vm0, v1  }
.LBB3_12:
0x281: {  	s0 =	sand.u32 $0x1, s20  }
0x282: {  	s0 =	smul.u32 $0x1B0, s0  }
0x283: {  	p3 =	sne.s32 s29, $0xFFFFFFFF  }
0x284: {  	v1 =	vld.msk @!p3 [tilespmem:s0+$0x3D98], $0x1;
	_ =	sdelay $0x4  }
0x285: {  	(v2sf) =	vpush @!p3 v1, $0x0;
	_ =	sdelay $0xc  }
.Ltmp17:
0x286: {  	_ = 	snop;
	(pc) =	sbr.rel @p2 .LBB3_18-.Ltmp17, $4  }
0x287: {  	_ = 	snop  }
0x288: {  	s28 =	spop @!p3 (v2sf)  }
0x289: {  	s21 =	simm.s32 @!p3 $0x0;
	s23 =	smov.u32 s28  }
0x28a: {  	[sflag:s17] =	ssyncpa.u1 $0x0;
	s28 =	smov.u32 @p3 s26;
	s23 =	smov.u32 @p3 s29  }
0x28b: {  	v1 =	vld.msk [tilespmem:s22+$0x0], $0x1;
	_ =	sdelay $0x4  }
0x28c: {  	(v2sf) =	vpush v1, $0x0;
	_ =	sdelay $0xe  }
0x28d: {  	s0 =	simm.s32 @!p4 $0x0;
	s26 =	smul.u32 $0x36000, s24;
	s31 =	spop (v2sf)  }
0x28e: {  	s29 =	ssub.s32 $0x0, s25;
	s0 =	simm.s32 @p4 $0x1;
	p2 =	seq.s32 s28, s31  }
0x28f: {  	s1 =	smov.u32 s28;
	[smem:$0x7FD] =	sst s0;
	p3 =	sgt.s32 @!p2 s28, $0x0  }
0x290: {  	s0 =	sshrl.u32 s26, $0x2;
	s26 =	sadd.s32 $0x1, s29;
	p3 =	por !p3, p2  }
0x291: {  	s1 =	simm.s32 @p3 $0x0;
	p3 =	seq.s32 s26, $0x0  }
.Ltmp18:
0x292: {  	_ = 	snop;
	(pc) =	sbr.rel @p3 .LBB3_15-.Ltmp18, $4  }
0x293: {  	s6 =	smov.u32 s4;
	s25 =	simm.s32 $0x0  }
0x294: {  	s24 =	sadd.s32 $0x40F8, s0;
	s0 =	simm.s32 @!p2 $0x1;
	s2 =	smin.u32 @!p2 s1, $0x27FFE  }
0x295: {  	s30 =	sadd.s32 $0x1, s22;
	s0 =	smov.u32 @p2 s25;
	s5 =	sand.u32 @!p2 $0x3FFF8, s2  }
0x296: {  	s1 =	simm.s32 @!p2 $0x1B38;
	s2 =	sand.u32 @!p2 $0x7, s2;
	s5 =	sadd.s32 @!p2 s3, s5  }
.LBB3_14:
0x297: {  	s4 =	smov.u32 s0  }
0x298: {  	[tilespmem:s1], [sflag:$0x2] =	stream.linear.gather @!p2 [hbm4b:s5+s2], $0x10, $0x38;
	[tilespmem:$0x1F0F8] =	vst v63  }
0x299: {  	s26 =	sadd.s32 $0x1, s26;
	s2 =	smov.u32 s31;
	v1 =	vld.msk [tilespmem:s30+$0x0], $0x1  }
0x29a: {  	p3 =	seq.s32 s26, $0x0;
	_ =	sdelay $0x3  }
0x29b: {  	(v2sf) =	vpush v1, $0x0;
	_ =	sdelay $0xe  }
0x29c: {  	s31 =	spop (v2sf)  }
0x29d: {  	p2 =	seq.s32 s2, s31  }
0x29e: {  	p4 =	sgt.s32 @!p2 s2, $0x0;
	s1 =	sshll.u32 @!p2 s0, $0x6;
	s0 =	sadd.s32 @!p2 $0x1, s0  }
.Ltmp19:
0x29f: {  	p4 =	por !p4, p2;
	s1 =	sshra.s32 @!p2 s1, $0x2;
	(pc) =	sbr.rel @!p3 .LBB3_14-.Ltmp19, $4  }
0x2a0: {  	s0 =	smov.u32 @p2 s4;
	s2 =	simm.s32 @p4 $0x0;
	s1 =	sadd.s32 @!p2 $0x1B38, s1  }
0x2a1: {  	s2 =	smin.u32 @!p2 s2, $0x27FFE  }
0x2a2: {  	s4 =	sand.u32 @!p2 $0x3FFF8, s2;
	s2 =	sand.u32 @!p2 $0x7, s2  }
0x2a3: {  	s30 =	sadd.s32 $0x1, s30;
	s5 =	sadd.s32 @!p2 s3, s4  }
.LBB3_15:
0x2a4: {  	[tilespmem:s1], [sflag:$0x2] =	stream.linear.gather @!p2 [hbm4b:s5+s2], $0x10, $0x38;
	[tilespmem:$0x1F0F8] =	vst v63  }
0x2a5: {  	s0 =	sshll.u32 s0, $0x4  }
0x2a6: {  	s31 =	simm.s32 $0x2;
	s0 =	sand.u32 $0x3FFFFFF0, s0  }
0x2a7: {  	_ =	swait.ge [sflag:s31], s0  }
0x2a8: {  	s0 =	ssub.s32 $0x0, s0;
	[sflag:s31] =	ssyncset.done $0x0  }
0x2a9: {  	[sflag:s31] =	ssyncadd.s32 s0  }
0x2aa: {  	v1 =	vld.msk [tilespmem:s22+$0x0], $0x1;
	_ =	sdelay $0x4  }
0x2ab: {  	(v2sf) =	vpush v1, $0x0;
	_ =	sdelay $0xe  }
0x2ac: {  	s26 =	spop (v2sf)  }
0x2ad: {  	p2 =	sne.s32 s28, s26  }
0x2ae: {  	p4 =	sne.s32 @p2 s28, s23  }
0x2af: {  	p3 =	por !p4, !p2  }
0x2b0: {  	s0 =	simm.s32 @!p3 $0x0  }
0x2b1: {  	v1 =	vld @!p3 [tilespmem:s0+$0x1B38]  }
0x2b2: {  	p5 =	sgt.u32 @!p3 s28, $0x27FFE  }
0x2b3: {  	s1 =	sshll.u32 @!p3 s21, $0x6;
	p6 =	por @p2 p5, !p4  }
0x2b4: {  	s1 =	sshra.s32 @!p3 s1, $0x2;
	p1 =	por p6, !p2;
	p6 =	por p4, !p2  }
0x2b5: {  	s2 =	sadd.s32 @!p3 $0x28, s1;
	s4 =	sand.u32 @!p1 $0x3FFF8, s28;
	s5 =	sshll.u32 @!p6 s21, $0x6  }
0x2b6: {  	s28 =	sand.u32 @!p1 $0x7, s28;
	[tilespmem:s1+$0x28] =	vst.add.f32.msk @!p3 $0xffff, v1;
	s1 =	sadd.s32 @!p1 s3, s4;
	s4 =	sshra.s32 @!p6 s5, $0x2  }
0x2b7: {  	[hbm4b:s1+s28] =	stream.linear.scatter @!p1 [tilespmem:s2], [sflag:$0xC], $0x10, $0x38;
	[tilespmem:$0x1F0F8] =	vst v63  }
0x2b8: {  	s0 =	rddreg [dreg:$0x4];
	s1 =	sadd.s32 @!p6 $0x28, s4;
	s2 =	simm.s32 @!p6 $0x1  }
0x2b9: {  	[spmem:s0] =	stream.linear.scatter @!p6 [tilespmem:s1], [sflag:$0x1], $0x10, $0x38;
	[tilespmem:$0x1F0F8] =	vst v63  }
0x2ba: {  	s0 =	sadd.s32 @p2 $0x1, s21;
	_ =	swait.ge @!p6 [sflag:s2], $0x10  }
0x2bb: {  	s1 =	sshrl.u32 @p2 s0, $0x4;
	[sflag:s2] =	ssyncset.done @!p6 $0x0  }
0x2bc: {  	s1 =	smulhi.u32 @p2 $0x97B425F, s1;
	[sflag:s2] =	ssyncadd.s32 @!p6 $0xFFFFFFF0  }
0x2bd: {  	s28 =	sadd.s32 $0x1, s29;
	v1 =	vld @p2 [tilespmem:s24+$0x0]  }
0x2be: {  	p1 =	por @p2 !p5, !p4;
	p4 =	seq.s32 s28, $0x0;
	s1 =	smul.u32 @p2 $0x1B0, s1  }
.Ltmp20:
0x2bf: {  	p1 =	por !p1, !p2;
	s2 =	simm.s32 @!p3 $0x0;
	(pc) =	sbr.rel @p4 .LBB3_17-.Ltmp20, $4  }
0x2c0: {  	s4 =	sshll.u32 @!p2 s21, $0x6;
	s2 =	simm.s32 @!p1 $0x40;
	s0 =	ssub.s32 @p2 s0, s1  }
0x2c1: {  	s29 =	simm.s32 $0x0;
	s2 =	sadd.s32 @!p3 $0x0, s2;
	s5 =	sshll.u32 @p2 s0, $0x4  }
0x2c2: {  	s30 =	sshra.s32 @!p2 s4, $0x2;
	s1 =	simm.s32 @p2 $0x1;
	s2 =	smov.u32 @p3 s25;
	[tilespmem:s5+$0x28] =	vst @p2 v1  }
0x2c3: {  	s21 =	smov.u32 @p2 s0;
	s29 =	smov.u32 @p2 s2;
	s25 =	smov.u32 @p2 s1;
	v1 =	vld @!p2 [tilespmem:s24+$0x0]  }
.LBB3_16:
0x2c4: {  	_ =	sdelay $0x3  }
0x2c5: {  	s22 =	sadd.s32 $0x1, s22;
	[tilespmem:s30+$0x28] =	vst.add.f32.msk @!p2 $0xffff, v1  }
0x2c6: {  	v1 =	vld.msk [tilespmem:s22+$0x0], $0x1;
	_ =	sdelay $0x4  }
0x2c7: {  	(v2sf) =	vpush v1, $0x0;
	_ =	sdelay $0xe  }
0x2c8: {  	s0 =	smov.u32 s26;
	s26 =	spop (v2sf)  }
0x2c9: {  	p2 =	sne.s32 s0, s26  }
0x2ca: {  	p5 =	sne.s32 @p2 s0, s23  }
0x2cb: {  	s4 =	sshll.u32 @!p2 s21, $0x6;
	p4 =	por !p5, !p2  }
0x2cc: {  	s30 =	sshra.s32 @!p2 s4, $0x2;
	s4 =	sshll.u32 @!p4 s25, $0x6  }
0x2cd: {  	s4 =	sshra.s32 @!p4 s4, $0x2  }
0x2ce: {  	p1 =	sgt.u32 @!p4 s0, $0x27FFE;
	v1 =	vld @!p4 [tilespmem:s4+$0x1B38]  }
0x2cf: {  	s31 =	sshll.u32 @!p4 s21, $0x6;
	p6 =	por @p2 p1, !p5;
	p1 =	por @p2 !p1, !p5  }
0x2d0: {  	s8 =	simm.s32 @!p4 $0x0;
	s31 =	sshra.s32 @!p4 s31, $0x2;
	p1 =	por !p1, !p2  }
0x2d1: {  	p5 =	por p5, !p2;
	s8 =	simm.s32 @!p1 $0x40;
	p1 =	por p6, !p2  }
0x2d2: {  	s4 =	sadd.s32 @!p4 $0x28, s31;
	s13 =	sshll.u32 @!p5 s21, $0x6;
	s10 =	sand.u32 @!p1 $0x3FFF8, s0  }
0x2d3: {  	s13 =	sshra.s32 @!p5 s13, $0x2;
	s0 =	sand.u32 @!p1 $0x7, s0;
	s10 =	sadd.s32 @!p1 s3, s10;
	[tilespmem:s31+$0x28] =	vst.add.f32.msk @!p4 $0xffff, v1  }
0x2d4: {  	[hbm4b:s10+s0] =	stream.linear.scatter @!p1 [tilespmem:s4], [sflag:$0xC], $0x10, $0x38;
	[tilespmem:$0x1F0F8] =	vst v63  }
0x2d5: {  	s1 =	rddreg [dreg:$0x4];
	s0 =	sadd.s32 @!p5 $0x28, s13;
	s4 =	simm.s32 @!p5 $0x1  }
0x2d6: {  	[spmem:s1] =	stream.linear.scatter @!p5 [tilespmem:s0], [sflag:$0x1], $0x10, $0x38;
	[tilespmem:$0x1F0F8] =	vst v63  }
0x2d7: {  	s2 =	sadd.s32 @p2 $0x1, s21;
	_ =	swait.ge @!p5 [sflag:s4], $0x10  }
0x2d8: {  	s5 =	sshrl.u32 @p2 s2, $0x4;
	[sflag:s4] =	ssyncset.done @!p5 $0x0  }
0x2d9: {  	s24 =	sadd.s32 $0x80, s24;
	s5 =	smulhi.u32 @p2 $0x97B425F, s5;
	[sflag:s4] =	ssyncadd.s32 @!p5 $0xFFFFFFF0  }
0x2da: {  	s28 =	sadd.s32 $0x1, s28;
	v1 =	vld @p2 [tilespmem:s24+$0x0]  }
0x2db: {  	p3 =	seq.s32 s28, $0x0;
	s5 =	smul.u32 @p2 $0x1B0, s5  }
.Ltmp21:
0x2dc: {  	_ = 	snop;
	(pc) =	sbr.rel @!p3 .LBB3_16-.Ltmp21, $4  }
0x2dd: {  	s2 =	ssub.s32 @p2 s2, s5  }
0x2de: {  	s8 =	sadd.s32 @!p4 s8, s29;
	s5 =	sshll.u32 @p2 s2, $0x4  }
0x2df: {  	s9 =	sadd.s32 @p2 $0x1, s25;
	s8 =	smov.u32 @p4 s29;
	[tilespmem:s5+$0x28] =	vst @p2 v1  }
0x2e0: {  	s25 =	smov.u32 @p2 s9;
	s21 =	smov.u32 @p2 s2;
	s29 =	smov.u32 @p2 s8;
	v1 =	vld @!p2 [tilespmem:s24+$0x0]  }
.LBB3_17:
.Ltmp22:
0x2e1: {  	_ = 	snop;
	(pc) =	sbr.rel .LBB3_19-.Ltmp22, $3  }
0x2e2: {  	s1 =	sld [smem:$0x7FD];
	_ =	sdelay $0x1  }
0x2e3: {  	s0 =	sshrl.u32 s29, $0x2;
	s28 =	smov.u32 s26  }
0x2e4: {  	s4 =	smov.u32 s6;
	s6 =	rddreg [dreg:$0x6];
	p4 =	seq.s32 s1, $0x1;
	[tilespmem:s30+$0x28] =	vst.add.f32.msk @!p2 $0xffff, v1  }
.LBB3_21:
0x2e5: {  	_ =	sfence.sel $0x180000  }
0x2e6: {  	s0 =	simm.s32 $0x9;
	[bflag:$0x0] =	sbarrier.arrive $0xFFFF  }
0x2e7: {  	s24 =	simm.s32 $0xA;
	[sflag:s0] =	ssyncpa.u1 $0x1  }
0x2e8: {  	s25 =	simm.s32 $0xB;
	[sflag:s24] =	ssyncpa.u1 $0x1  }
0x2e9: {  	s26 =	simm.s32 $0x2;
	[sflag:s25] =	ssyncpa.u1 $0x1  }
0x2ea: {  	[sflag:s26] =	ssyncpa.u1 $0x1  }
0x2eb: {  	v0 =	vld [tilespmem:$0x3648];
	_ =	sdelay $0x4  }
0x2ec: {  	(v2sf) =	vpush v0, $0x0  }
0x2ed: {  	(v2sf) =	vpush v0, $0x1;
	_ =	sdelay $0x1  }
0x2ee: {  	(v2sf) =	vpush v0, $0x2;
	_ =	sdelay $0xb  }
0x2ef: {  	s0 =	spop (v2sf)  }
0x2f0: {  	s1 =	spop (v2sf)  }
0x2f1: {  	s2 =	smov.u32 s0;
	p0 =	sne.s32 s0, s1  }
0x2f2: {  	s4 =	spop (v2sf);
	s2 =	simm.s32 @!p0 $0xFFFFFFFF  }
0x2f3: {  	v2 =	vimm.s32 $0x1;
	v3 =	vlaneseq.u32;
	p0 =	seq.s32 s4, $0xFFFFFFFF;
	v1 =	vmov s2  }
0x2f4: {  	s16 =	stileid.u32;
	v0 =	vperm.xlane v0, v2;
	p1 =	sne.s32 @!p0 s0, s1;
	v1 =	vperm.xlane v1, v3  }
0x2f5: {  	vm0 =	vcmask $0x3F04;
	s6 =	simm.s32 $0x3648;
	s0 =	simm.s32 @!p0 $0x1;
	p1 =	por !p1, p0  }
0x2f6: {  	s2 =	sshll.u32 s16, $0x1;
	s1 =	sshll.u32 @!p0 s4, $0x6;
	s0 =	simm.s32 @p1 $0x0;
	v0 =	vsel vm0, v1, v0  }
0x2f7: {  	s5 =	sor.u32 $0x200, s2;
	s1 =	sshra.s32 @!p0 s1, $0x2;
	s0 =	sor.u32 @!p0 s0, s2;
	[tilespmem:$0x3648] =	vst v0  }
0x2f8: {  	[spmem:s5] =	stream.linear.scatter [tilespmem:s6], [sflag:$0x1], $0x2, $0x38;
	[tilespmem:$0x1F0F8] =	vst v63  }
0x2f9: {  	s1 =	sadd.s32 @!p0 $0x28, s1;
	s0 =	sshll.u32 @!p0 s0, $0x4  }
0x2fa: {  	[spmem:s0] =	stream.linear.scatter @!p0 [tilespmem:s1], [sflag:$0x1], $0x10, $0x38;
	[tilespmem:$0x1F0F8] =	vst v63  }
0x2fb: {  	s0 =	simm.s32 @!p0 $0x12  }
0x2fc: {  	s28 =	simm.s32 $0x1;
	s0 =	simm.s32 @p0 $0x2  }
0x2fd: {  	_ =	swait.ge [sflag:s28], s0  }
0x2fe: {  	s0 =	ssub.s32 $0x0, s0;
	[sflag:s28] =	ssyncset.done $0x0  }
0x2ff: {  	p0 =	sne.s32 s16, $0x0;
	[sflag:s28] =	ssyncadd.s32 s0  }
.Ltmp23:
0x300: {  	_ =	sfence.stream.spmem;
	(pc) =	sbr.rel @p0 .LBB3_38-.Ltmp23, $4  }
0x301: {  	s29 =	simm.s32 $0x3;
	[bflag:$0x0] =	sbarrier.arrive $0xFFFF  }
0x302: {  	s30 =	simm.s32 $0x4;
	[sflag:s29] =	ssyncpa.u1 $0x1  }
0x303: {  	s31 =	simm.s32 $0x3C;
	[sflag:s30] =	ssyncpa.u1 $0x1  }
0x304: {  	s17 =	rddreg [dreg:$0x5];
	[sflag:s31] =	ssyncpa.u1 $0x1  }
0x305: {  	_ =	sfence.stream.spmem;
	s0 =	simm.s32 $0x5  }
0x306: {  	s1 =	simm.s32 $0x200;
	s2 =	simm.s32 $0x3658;
	[sflag:s0] =	ssyncpa.u1 $0x0  }
0x307: {  	[tilespmem:s2], [sflag:$0x5] =	stream.linear.gather [spmem:s1], $0x20, $0x38;
	[tilespmem:$0x1F0F8] =	vst v63  }
0x308: {  	s26 =	simm.s32 $0x0;
	s28 =	simm.s32 $0x3678  }
0x309: {  	[tilespmem:s28], [sflag:$0x5] =	stream.linear.gather [spmem:s26], $0x200, $0x38;
	[tilespmem:$0x1F0F8] =	vst v63  }
0x30a: {  	_ =	swait.ge [sflag:s0], $0x220  }
0x30b: {  	[sflag:s0] =	ssyncset.done $0x0  }
0x30c: {  	s29 =	simm.s32 $0x0;
	[sflag:s0] =	ssyncadd.s32 $0xFFFFFDE0  }
0x30d: {  	v0 =	vld.msk [tilespmem:s29+$0x3658], $0x1;
	_ =	sdelay $0x1  }
0x30e: {  	s30 =	simm.s32 $0x1  }
0x30f: {  	v1 =	vld.msk [tilespmem:s30+$0x3658], $0x1;
	_ =	sdelay $0x1  }
0x310: {  	(v2sf) =	vpush v0, $0x0;
	_ =	sdelay $0x2  }
0x311: {  	(v2sf) =	vpush v1, $0x0;
	_ =	sdelay $0x2  }
0x312: {  	s31 =	simm.s32 $0x2  }
0x313: {  	v0 =	vld.msk [tilespmem:s31+$0x3658], $0x1;
	_ =	sdelay $0x2  }
0x314: {  	s6 =	simm.s32 $0xFFFFFFFF;
	s1 =	simm.s32 $0xFFFFFFFF;
	s0 =	simm.s32 $0xC  }
.LBB3_23:
0x315: {  	s2 =	smov.u32 s6;
	s4 =	smov.u32 s1  }
0x316: {  	s1 =	sshra.s32 s0, $0x2;
	p1 =	sne.s32 s0, $0x7C;
	s0 =	sadd.s32 $0x4, s0;
	(v2sf) =	vpush v0, $0x0  }
0x317: {  	v0 =	vld.msk [tilespmem:s1+$0x3658], $0x1  }
.Ltmp24:
0x318: {  	(pc) =	sbr.rel @p1 .LBB3_23-.Ltmp24, $4  }
0x319: {  	s6 =	spop (v2sf)  }
0x31a: {  	p2 =	sne.s32 s4, $0xFFFFFFFF;
	s1 =	smov.u32 s6  }
0x31b: {  	p3 =	seq.s32 s6, $0xFFFFFFFF;
	s1 =	smov.u32 @p2 s4  }
0x31c: {  	s6 =	smov.u32 @p3 s2;
	s1 =	smov.u32 @p3 s4  }
0x31d: {  	(v2sf) =	vpush v0, $0x0;
	_ =	sdelay $0x8  }
0x31e: {  	s0 =	spop (v2sf)  }
0x31f: {  	p1 =	sne.s32 s1, $0xFFFFFFFF;
	s2 =	smov.u32 s0  }
0x320: {  	s9 =	simm.s32 $0x6;
	p2 =	seq.s32 s0, $0xFFFFFFFF;
	s2 =	smov.u32 @p1 s1  }
0x321: {  	s10 =	simm.s32 $0x3638;
	s2 =	smov.u32 @p2 s1;
	s1 =	spop (v2sf)  }
0x322: {  	s0 =	smov.u32 @p2 s6;
	p1 =	sne.s32 s2, $0xFFFFFFFF;
	s4 =	smov.u32 s1  }
.Ltmp25:
0x323: {  	p2 =	seq.s32 s1, $0xFFFFFFFF;
	s4 =	smov.u32 @p1 s2;
	(pc) =	sbr.rel .LBB3_25-.Ltmp25, $4  }
0x324: {  	s11 =	simm.s32 $0x0;
	s4 =	smov.u32 @p2 s2;
	s7 =	spop (v2sf)  }
0x325: {  	[sflag:s9] =	ssyncpa.u1 $0x0;
	p1 =	sne.s32 s4, $0xFFFFFFFF;
	s8 =	smov.u32 s7  }
0x326: {  	s1 =	smov.u32 @p2 s0;
	p2 =	seq.s32 s7, $0xFFFFFFFF;
	s8 =	smov.u32 @p1 s4  }
0x327: {  	s6 =	simm.s32 $0x0;
	s7 =	smov.u32 @p2 s1;
	s8 =	smov.u32 @p2 s4  }
.LBB3_30:
0x328: {  	p1 =	sgt.u32 s12, $0x27FFE  }
0x329: {  	p2 =	seq.s32 @!p1 s12, s8  }
0x32a: {  	p1 =	por p1, p2  }
0x32b: {  	p2 =	sne.s32 @!p1 s12, s7  }
0x32c: {  	p1 =	por p1, !p2  }
0x32d: {  	s0 =	sshll.u32 @p1 s11, $0x6  }
0x32e: {  	s0 =	sand.u32 @!p1 $0x3FFF8, s12  }
0x32f: {  	s1 =	sand.u32 @!p1 $0x7, s12;
	s0 =	sadd.s32 @!p1 s3, s0  }
0x330: {  	[tilespmem:s10], [sflag:$0x6] =	stream.linear.gather @!p1 [hbm4b:s0+s1], $0x10, $0x38;
	[tilespmem:$0x1F0F8] =	vst v63  }
0x331: {  	_ =	swait.ge @!p1 [sflag:s9], $0x10  }
0x332: {  	[sflag:s9] =	ssyncset.done @!p1 $0x0  }
0x333: {  	[sflag:s9] =	ssyncadd.s32 @!p1 $0xFFFFFFF0  }
0x334: {  	v1 =	vld @!p1 [tilespmem:$0x3638];
	_ =	sdelay $0x2  }
0x335: {  	s0 =	sshll.u32 @!p1 s11, $0x6  }
0x336: {  	s1 =	sshrl.u32 @!p1 s0, $0x2  }
0x337: {  	[tilespmem:s1+$0x3678] =	vst.add.f32.msk @!p1 $0xffff, v1  }
0x338: {  	s0 =	sshrl.u32 s0, $0x2;
	[tilespmem:s6+$0x3658] =	vst.msk $0x1, v0  }
0x339: {  	v0 =	vld [tilespmem:s0+$0x3678];
	_ =	sdelay $0x2  }
0x33a: {  	s31 =	sshll.u32 s6, $0x6  }
0x33b: {  	s0 =	sshra.s32 s31, $0x2  }
0x33c: {  	s6 =	sadd.s32 $0x1, s6;
	[tilespmem:s0+$0x3678] =	vst v0  }
.LBB3_32:
0x33d: {  	s11 =	sadd.s32 $0x1, s11  }
0x33e: {  	p1 =	sne.s32 s11, $0x20  }
.Ltmp26:
0x33f: {  	_ = 	snop;
	(pc) =	sbr.rel @!p1 .LBB3_33-.Ltmp26, $1  }
0x340: {  	_ =	sdelay $0x3  }
.LBB3_25:
0x341: {  	v0 =	vld.msk [tilespmem:s11+$0x3658], $0x1;
	_ =	sdelay $0x4  }
0x342: {  	(v2sf) =	vpush v0, $0x0;
	_ =	sdelay $0xe  }
0x343: {  	s12 =	spop (v2sf)  }
0x344: {  	p1 =	seq.s32 s12, $0xFFFFFFFF  }
.Ltmp27:
0x345: {  	_ = 	snop;
	(pc) =	sbr.rel @p1 .LBB3_32-.Ltmp27, $1  }
0x346: {  	_ =	sdelay $0x3  }
0x347: {  	p1 =	slt.s32 s6, $0x1  }
.Ltmp28:
0x348: {  	_ = 	snop;
	(pc) =	sbr.rel @p1 .LBB3_30-.Ltmp28, $1  }
0x349: {  	_ =	sdelay $0x3  }
0x34a: {  	s13 =	simm.s32 $0x3658;
	p1 =	por $0x0, $0x0  }
0x34b: {  	v1 =	vld.msk @!p1 [tilespmem:s13+$0x0], $0x1;
	_ =	sdelay $0x4  }
0x34c: {  	(v2sf) =	vpush @!p1 v1, $0x0;
	_ =	sdelay $0xd  }
0x34d: {  	p3 =	sne.s32 s6, $0x1  }
.Ltmp29:
0x34e: {  	s0 =	spop @!p1 (v2sf);
	(pc) =	sbr.rel @!p3 .LBB3_29-.Ltmp29, $4  }
0x34f: {  	p2 =	seq.s32 @!p1 s12, s0  }
0x350: {  	s14 =	simm.s32 $0x0;
	p2 =	por !p2, p1  }
0x351: {  	s0 =	simm.s32 $0xFFFFFFFF;
	s14 =	simm.s32 @p2 $0xFFFFFFFF  }
0x352: {  	s15 =	simm.s32 $0x1;
	s14 =	smov.u32 @p1 s0  }
.LBB3_28:
0x353: {  	s0 =	smov.u32 s14;
	p1 =	sne.s32 s14, $0xFFFFFFFF  }
0x354: {  	s13 =	sadd.s32 $0x1, s13;
	s14 =	smov.u32 s15;
	s15 =	sadd.s32 $0x1, s15  }
0x355: {  	p2 =	sne.s32 s6, s15;
	v1 =	vld.msk @!p1 [tilespmem:s13+$0x0], $0x1;
	_ =	sdelay $0x4  }
0x356: {  	(v2sf) =	vpush @!p1 v1, $0x0;
	_ =	sdelay $0xe  }
.Ltmp30:
0x357: {  	s1 =	spop @!p1 (v2sf);
	(pc) =	sbr.rel @p2 .LBB3_28-.Ltmp30, $4  }
0x358: {  	p3 =	seq.s32 @!p1 s12, s1  }
0x359: {  	p3 =	por !p3, p1  }
0x35a: {  	s14 =	simm.s32 @p3 $0xFFFFFFFF  }
0x35b: {  	s14 =	smov.u32 @p1 s0  }
.LBB3_29:
0x35c: {  	p1 =	sne.s32 s14, $0xFFFFFFFF  }
.Ltmp31:
0x35d: {  	_ = 	snop;
	(pc) =	sbr.rel @!p1 .LBB3_30-.Ltmp31, $1  }
0x35e: {  	_ =	sdelay $0x3  }
0x35f: {  	s0 =	sshll.u32 s11, $0x4  }
0x360: {  	s0 =	sand.u32 $0x3FFFFFF0, s0  }
0x361: {  	v0 =	vld [tilespmem:s0+$0x3678]  }
.Ltmp32:
0x362: {  	_ = 	snop;
	(pc) =	sbr.rel .LBB3_32-.Ltmp32, $4  }
0x363: {  	_ = 	snop  }
0x364: {  	s31 =	sshll.u32 s14, $0x6  }
0x365: {  	s0 =	sshra.s32 s31, $0x2  }
0x366: {  	[tilespmem:s0+$0x3678] =	vst.add.f32.msk $0xffff, v0  }
.LBB3_33:
0x367: {  	s0 =	simm.s32 $0x6;
	p1 =	seq.s32 s6, $0x0  }
0x368: {  	[sflag:s0] =	ssyncpa.u1 $0x1;
	v0 =	vimm.s32 @p1 $0xFFFFFFFF  }
0x369: {  	s9 =	sadd.s32 $0xFFFFFFFF, s6;
	[tilespmem:$0x3878] =	vst @p1 v0  }
0x36a: {  	v0 =	vld.msk @!p1 [tilespmem:s9+$0x3658], $0x1;
	_ =	sdelay $0x1  }
0x36b: {  	v1 =	vld.msk @!p1 [tilespmem:$0x3658], $0x1;
	_ =	sdelay $0x2  }
0x36c: {  	p2 =	seq.s32 @!p1 s9, $0x0;
	v0 =	vbroadcast @!p1 v0, $0x0  }
0x36d: {  	vm0 =	vmmov @!p1 $0x1;
	p2 =	por !p2, p1  }
0x36e: {  	v1 =	vnsel @!p1 vm0, $0xFFFFFFFF, v1;
	vm0 =	vcmask @!p1 $0x308;
	v0 =	vpsel !p2, $0xFFFFFFFF, v0  }
0x36f: {  	p2 =	sne.s32 @!p1 s8, s7;
	v0 =	vsel @!p1 vm0, v1, v0  }
0x370: {  	s0 =	simm.s32 @!p1 $0x3678;
	s1 =	simm.s32 @!p1 $0x0;
	p3 =	por !p2, p1;
	[tilespmem:$0x3878] =	vst @!p1 v0  }
0x371: {  	[spmem:s1] =	stream.linear.scatter @!p1 [tilespmem:s0], [sflag:$0x1], $0x10, $0x38;
	[tilespmem:$0x1F0F8] =	vst v63  }
0x372: {  	s0 =	sshll.u32 @!p3 s9, $0x6  }
0x373: {  	s0 =	sshra.s32 @!p3 s0, $0x2  }
0x374: {  	s1 =	simm.s32 @!p3 $0x10;
	s0 =	sadd.s32 @!p3 $0x3678, s0  }
0x375: {  	[spmem:s1] =	stream.linear.scatter @!p3 [tilespmem:s0], [sflag:$0x1], $0x10, $0x38;
	[tilespmem:$0x1F0F8] =	vst v63  }
0x376: {  	s0 =	simm.s32 @!p3 $0x1  }
0x377: {  	_ =	swait.ge @!p3 [sflag:s0], $0x20  }
0x378: {  	p1 =	por p2, p1;
	[sflag:s0] =	ssyncset.done @!p3 $0x0  }
0x379: {  	[sflag:s0] =	ssyncadd.s32 @!p3 $0xFFFFFFE0;
	s0 =	simm.s32 @!p1 $0x1  }
0x37a: {  	_ =	swait.ge @!p1 [sflag:s0], $0x10  }
0x37b: {  	s29 =	simm.s32 $0x3878;
	[sflag:s0] =	ssyncset.done @!p1 $0x0  }
0x37c: {  	s30 =	simm.s32 $0x200;
	s31 =	simm.s32 $0x1;
	[sflag:s0] =	ssyncadd.s32 @!p1 $0xFFFFFFF0  }
0x37d: {  	[spmem:s30] =	stream.linear.scatter [tilespmem:s29], [sflag:$0x1], $0x10, $0x38;
	[tilespmem:$0x1F0F8] =	vst v63  }
0x37e: {  	_ =	swait.ge [sflag:s31], $0x10  }
0x37f: {  	[sflag:s31] =	ssyncset.done $0x0  }
0x380: {  	p1 =	seq.s32 s17, $0x0;
	s8 =	rddreg [dreg:$0x1];
	[sflag:s31] =	ssyncadd.s32 $0xFFFFFFF0  }
0x381: {  	s1 =	sshll.u32 @p1 s8, $0xE;
	s7 =	rddreg [dreg:$0x2]  }
0x382: {  	s0 =	sadd.s32 @p1 $0x15C3C, s1;
	s1 =	sshll.u32 @p1 s7, $0x11  }
0x383: {  	_ =	sfence.stream.spmem;
	s0 =	sor.u32 @p1 s1, s0  }
0x384: {  	[sflag:s0] =	ssyncadd.remote.s32 @p1 $0x1;
	s0 =	simm.s32 @p1 $0x4  }
0x385: {  	s2 =	simm.s32 @!p1 $0x3C;
	s1 =	sand.u32 $0xFFFFFFFE, s8;
	_ =	swait.ge @p1 [sflag:s0], $0x6  }
0x386: {  	s4 =	simm.s32 @!p1 $0x0;
	s1 =	sadd.s32 @!p1 $0x4, s1;
	[sflag:s0] =	ssyncset.done @p1 $0x0  }
0x387: {  	s5 =	simm.s32 @!p1 $0x20;
	[sflag:s0] =	ssyncadd.s32 @p1 $0xFFFFFFFA;
	s0 =	sshll.u32 @!p1 s1, $0x1A  }
0x388: {  	s1 =	sshll.u32 @!p1 s1, $0xD;
	s0 =	sor.u32 @!p1 s0, s7;
	_ =	swait.eq @!p1 [sflag:s2], $0x1  }
0x389: {  	s1 =	sor.u32 @!p1 $0x1C04, s1;
	s2 =	simm.s32 @!p1 $0x1C03;
	s0 =	sor.u32 @!p1 $0x80004000, s0  }
0x38a: {  	[spmem:s5], [sflag:s1] =	dma.general @!p1 [spmem:s4], [sflag:s2], length:$0x4, [dreg:$0x0], stride_count:$0x0, ici_dest:s0, dma_misc:DstOpCode:WRITE  }
0x38b: {  	p2 =	slt.s32 s9, $0x2;
	s4 =	simm.s32 @!p1 $0x40;
	s5 =	simm.s32 @!p1 $0x42  }
0x38c: {  	[spmem:s5], [sflag:s1] =	dma.general @!p1 [spmem:s4], [sflag:s2], length:$0x2, [dreg:$0x0], stride_count:$0x0, ici_dest:s0, dma_misc:DstOpCode:WRITE  }
.Ltmp33:
0x38d: {  	s0 =	simm.s32 @!p1 $0x3;
	(pc) =	sbr.rel @p2 .LBB3_37-.Ltmp33, $4  }
0x38e: {  	s1 =	sshll.u32 @!p1 s8, $0xE;
	_ =	swait.ge @!p1 [sflag:s0], $0x6  }
0x38f: {  	s2 =	sshll.u32 @!p1 s7, $0x11;
	s1 =	sadd.s32 @!p1 $0x11C3C, s1;
	[sflag:s0] =	ssyncset.done @!p1 $0x0  }
0x390: {  	[sflag:s0] =	ssyncadd.s32 @!p1 $0xFFFFFFFA;
	s0 =	sor.u32 @!p1 s2, s1  }
0x391: {  	[sflag:s0] =	ssyncadd.remote.s32 @!p1 $0xFFFFFFFF;
	s0 =	simm.s32 $0x0  }
0x392: {  	s0 =	simm.s32 $0x3659  }
0x393: {  	v0 =	vld.msk [tilespmem:s0+$0x0], $0x1;
	_ =	sdelay $0x4  }
0x394: {  	(v2sf) =	vpush v0, $0x0;
	_ =	sdelay $0xd  }
0x395: {  	s2 =	sadd.s32 $0xFFFFFFFE, s6  }
0x396: {  	s2 =	sadd.s32 $0xFFFFFFFF, s2;
	s0 =	spop (v2sf)  }
0x397: {  	p2 =	sne.s32 s2, $0x0;
	p1 =	sgt.u32 s0, $0x27FFE  }
.Ltmp34:
0x398: {  	s4 =	sand.u32 @!p1 $0x3FFF8, s0;
	(pc) =	sbr.rel @!p2 .LBB3_36-.Ltmp34, $4  }
0x399: {  	s1 =	simm.s32 $0x3688;
	s0 =	sand.u32 @!p1 $0x7, s0;
	s4 =	sadd.s32 @!p1 s3, s4  }
0x39a: {  	[hbm4b:s4+s0] =	stream.linear.scatter @!p1 [tilespmem:s1], [sflag:$0x5], $0x10, $0x38;
	[tilespmem:$0x1F0F8] =	vst v63  }
0x39b: {  	s0 =	simm.s32 $0x0  }
0x39c: {  	s6 =	simm.s32 $0x0;
	s7 =	simm.s32 $0x365A;
	s0 =	simm.s32 @!p1 $0x40  }
.LBB3_35:
0x39d: {  	v0 =	vld.msk [tilespmem:s7+$0x0], $0x1;
	s2 =	sadd.s32 $0xFFFFFFFF, s2;
	s6 =	sadd.s32 s6, s0  }
0x39e: {  	p1 =	sne.s32 s2, $0x0;
	_ =	sdelay $0x3  }
0x39f: {  	(v2sf) =	vpush v0, $0x0;
	_ =	sdelay $0xe  }
.Ltmp35:
0x3a0: {  	s4 =	spop (v2sf);
	(pc) =	sbr.rel @p1 .LBB3_35-.Ltmp35, $4  }
0x3a1: {  	s0 =	simm.s32 $0x0;
	p2 =	sgt.u32 s4, $0x27FFE  }
0x3a2: {  	s1 =	sadd.s32 $0x10, s1;
	s0 =	simm.s32 @!p2 $0x40;
	s5 =	sand.u32 @!p2 $0x3FFF8, s4  }
0x3a3: {  	s7 =	sadd.s32 $0x1, s7;
	s4 =	sand.u32 @!p2 $0x7, s4;
	s5 =	sadd.s32 @!p2 s3, s5  }
0x3a4: {  	[hbm4b:s5+s4] =	stream.linear.scatter @!p2 [tilespmem:s1], [sflag:$0x5], $0x10, $0x38;
	[tilespmem:$0x1F0F8] =	vst v63  }
.LBB3_36:
0x3a5: {  	s0 =	sadd.s32 s6, s0  }
0x3a6: {  	s0 =	sshrl.u32 s0, $0x2  }
.LBB3_37:
0x3a7: {  	s1 =	simm.s32 $0x5  }
0x3a8: {  	_ =	swait.ge [sflag:s1], s0  }
0x3a9: {  	s31 =	ssub.s32 $0x0, s0;
	[sflag:s1] =	ssyncset.done $0x0  }
0x3aa: {  	[sflag:s1] =	ssyncadd.s32 s31  }
0x3ab: {  	[sflag:s1] =	ssyncpa.u1 $0x1  }
.LBB3_38:
0x3ac: {  	s0 =	sor.u32 s17, s16  }
0x3ad: {  	p1 =	sne.s32 s0, $0x0  }
.Ltmp36:
0x3ae: {  	_ = 	snop;
	(pc) =	sbr.rel @p1 .LBB3_53-.Ltmp36, $3  }
0x3af: {  	_ =	sdelay $0x1  }
0x3b0: {  	[bflag:$0x0] =	sbarrier.arrive $0xFFFF  }
0x3b1: {  	_ =	sfence  }
0x3b2: {  	s0 =	simm.s32 $0x7  }
0x3b3: {  	s1 =	simm.s32 $0x200;
	s2 =	simm.s32 $0x3658;
	[sflag:s0] =	ssyncpa.u1 $0x0  }
0x3b4: {  	[tilespmem:s2], [sflag:$0x7] =	stream.linear.gather [spmem:s1], $0x20, $0x38;
	[tilespmem:$0x1F0F8] =	vst v63  }
0x3b5: {  	s30 =	simm.s32 $0x3678;
	s1 =	simm.s32 $0x0  }
0x3b6: {  	[tilespmem:s30], [sflag:$0x7] =	stream.linear.gather [spmem:s1], $0x200, $0x38;
	[tilespmem:$0x1F0F8] =	vst v63  }
.Ltmp37:
0x3b7: {  	_ = 	snop;
	(pc) =	sbr.rel .LBB3_40-.Ltmp37, $4  }
0x3b8: {  	_ =	swait.ge [sflag:s0], $0x220  }
0x3b9: {  	[sflag:s0] =	ssyncset.done $0x0  }
0x3ba: {  	s31 =	simm.s32 $0x8;
	[sflag:s0] =	ssyncadd.s32 $0xFFFFFDE0  }
0x3bb: {  	s2 =	simm.s32 $0x0;
	[sflag:s31] =	ssyncpa.u1 $0x0  }
.LBB3_45:
0x3bc: {  	p1 =	slt.u32 s4, $0x27FFF  }
0x3bd: {  	s0 =	sand.u32 @p1 $0x3FFF8, s4  }
0x3be: {  	s4 =	sand.u32 @p1 $0x7, s4;
	s5 =	simm.s32 @p1 $0x3638;
	s0 =	sadd.s32 @p1 s3, s0  }
0x3bf: {  	[tilespmem:s5], [sflag:$0x8] =	stream.linear.gather @p1 [hbm4b:s0+s4], $0x10, $0x38;
	[tilespmem:$0x1F0F8] =	vst v63  }
0x3c0: {  	s0 =	simm.s32 @p1 $0x8  }
0x3c1: {  	_ =	swait.ge @p1 [sflag:s0], $0x10  }
0x3c2: {  	[sflag:s0] =	ssyncset.done @p1 $0x0  }
0x3c3: {  	[sflag:s0] =	ssyncadd.s32 @p1 $0xFFFFFFF0  }
0x3c4: {  	v1 =	vld @p1 [tilespmem:$0x3638];
	_ =	sdelay $0x2  }
0x3c5: {  	s0 =	sshll.u32 @p1 s2, $0x6  }
0x3c6: {  	s5 =	sshll.u32 @!p1 s2, $0x6;
	s4 =	sshrl.u32 @p1 s0, $0x2  }
0x3c7: {  	s5 =	smov.u32 @p1 s0;
	[tilespmem:s4+$0x3678] =	vst.add.f32.msk @p1 $0xffff, v1  }
0x3c8: {  	s0 =	sshrl.u32 s5, $0x2;
	[tilespmem:s1+$0x3658] =	vst.msk $0x1, v0  }
0x3c9: {  	v0 =	vld [tilespmem:s0+$0x3678];
	_ =	sdelay $0x2  }
0x3ca: {  	s31 =	sshll.u32 s1, $0x6  }
0x3cb: {  	s0 =	sshra.s32 s31, $0x2  }
0x3cc: {  	s1 =	sadd.s32 $0x1, s1;
	[tilespmem:s0+$0x3678] =	vst v0  }
.LBB3_47:
0x3cd: {  	s2 =	sadd.s32 $0x1, s2  }
0x3ce: {  	p1 =	sne.s32 s2, $0x20  }
.Ltmp38:
0x3cf: {  	_ = 	snop;
	(pc) =	sbr.rel @!p1 .LBB3_48-.Ltmp38, $1  }
0x3d0: {  	_ =	sdelay $0x3  }
.LBB3_40:
0x3d1: {  	v0 =	vld.msk [tilespmem:s2+$0x3658], $0x1;
	_ =	sdelay $0x4  }
0x3d2: {  	(v2sf) =	vpush v0, $0x0;
	_ =	sdelay $0xe  }
0x3d3: {  	s4 =	spop (v2sf)  }
0x3d4: {  	p1 =	seq.s32 s4, $0xFFFFFFFF  }
.Ltmp39:
0x3d5: {  	_ = 	snop;
	(pc) =	sbr.rel @p1 .LBB3_47-.Ltmp39, $1  }
0x3d6: {  	_ =	sdelay $0x3  }
0x3d7: {  	p1 =	slt.s32 s1, $0x1  }
.Ltmp40:
0x3d8: {  	_ = 	snop;
	(pc) =	sbr.rel @p1 .LBB3_45-.Ltmp40, $1  }
0x3d9: {  	_ =	sdelay $0x3  }
0x3da: {  	s5 =	simm.s32 $0x3658;
	p1 =	por $0x0, $0x0  }
0x3db: {  	v1 =	vld.msk @!p1 [tilespmem:s5+$0x0], $0x1;
	_ =	sdelay $0x4  }
0x3dc: {  	(v2sf) =	vpush @!p1 v1, $0x0;
	_ =	sdelay $0xd  }
0x3dd: {  	p3 =	sne.s32 s1, $0x1  }
.Ltmp41:
0x3de: {  	s0 =	spop @!p1 (v2sf);
	(pc) =	sbr.rel @!p3 .LBB3_44-.Ltmp41, $4  }
0x3df: {  	p2 =	seq.s32 @!p1 s4, s0  }
0x3e0: {  	s6 =	simm.s32 $0x0;
	p2 =	por !p2, p1  }
0x3e1: {  	s0 =	simm.s32 $0xFFFFFFFF;
	s6 =	simm.s32 @p2 $0xFFFFFFFF  }
0x3e2: {  	s7 =	simm.s32 $0x1;
	s6 =	smov.u32 @p1 s0  }
.LBB3_43:
0x3e3: {  	s0 =	smov.u32 s6;
	p1 =	sne.s32 s6, $0xFFFFFFFF  }
0x3e4: {  	s5 =	sadd.s32 $0x1, s5;
	s6 =	smov.u32 s7;
	s7 =	sadd.s32 $0x1, s7  }
0x3e5: {  	p2 =	sne.s32 s1, s7;
	v1 =	vld.msk @!p1 [tilespmem:s5+$0x0], $0x1;
	_ =	sdelay $0x4  }
0x3e6: {  	(v2sf) =	vpush @!p1 v1, $0x0;
	_ =	sdelay $0xe  }
.Ltmp42:
0x3e7: {  	s8 =	spop @!p1 (v2sf);
	(pc) =	sbr.rel @p2 .LBB3_43-.Ltmp42, $4  }
0x3e8: {  	p3 =	seq.s32 @!p1 s4, s8  }
0x3e9: {  	p3 =	por !p3, p1  }
0x3ea: {  	s6 =	simm.s32 @p3 $0xFFFFFFFF  }
0x3eb: {  	s6 =	smov.u32 @p1 s0  }
.LBB3_44:
0x3ec: {  	p1 =	sne.s32 s6, $0xFFFFFFFF  }
.Ltmp43:
0x3ed: {  	_ = 	snop;
	(pc) =	sbr.rel @!p1 .LBB3_45-.Ltmp43, $1  }
0x3ee: {  	_ =	sdelay $0x3  }
0x3ef: {  	s0 =	sshll.u32 s2, $0x4  }
0x3f0: {  	s0 =	sand.u32 $0x3FFFFFF0, s0  }
0x3f1: {  	v0 =	vld [tilespmem:s0+$0x3678]  }
.Ltmp44:
0x3f2: {  	_ = 	snop;
	(pc) =	sbr.rel .LBB3_47-.Ltmp44, $4  }
0x3f3: {  	_ = 	snop  }
0x3f4: {  	s31 =	sshll.u32 s6, $0x6  }
0x3f5: {  	s0 =	sshra.s32 s31, $0x2  }
0x3f6: {  	[tilespmem:s0+$0x3678] =	vst.add.f32.msk $0xffff, v0  }
.LBB3_48:
0x3f7: {  	p1 =	slt.s32 s1, $0x1  }
.Ltmp45:
0x3f8: {  	_ = 	snop;
	(pc) =	sbr.rel @p1 .LBB3_52-.Ltmp45, $3  }
0x3f9: {  	_ =	sdelay $0x1  }
0x3fa: {  	s0 =	simm.s32 $0x8  }
0x3fb: {  	s2 =	simm.s32 $0x0;
	[sflag:s0] =	ssyncpa.u1 $0x1  }
0x3fc: {  	s0 =	simm.s32 $0x3658  }
0x3fd: {  	v0 =	vld.msk [tilespmem:s0+$0x0], $0x1;
	_ =	sdelay $0x4  }
0x3fe: {  	(v2sf) =	vpush v0, $0x0;
	_ =	sdelay $0xe  }
0x3ff: {  	s1 =	sadd.s32 $0xFFFFFFFF, s1;
	s0 =	spop (v2sf)  }
0x400: {  	p2 =	sne.s32 s1, $0x0;
	p1 =	sgt.u32 s0, $0x27FFE  }
.Ltmp46:
0x401: {  	s5 =	sand.u32 @!p1 $0x3FFF8, s0;
	(pc) =	sbr.rel @!p2 .LBB3_51-.Ltmp46, $4  }
0x402: {  	s4 =	simm.s32 $0x3678;
	s0 =	sand.u32 @!p1 $0x7, s0;
	s5 =	sadd.s32 @!p1 s3, s5  }
0x403: {  	[hbm4b:s5+s0] =	stream.linear.scatter @!p1 [tilespmem:s4], [sflag:$0x7], $0x10, $0x38;
	[tilespmem:$0x1F0F8] =	vst v63  }
0x404: {  	s0 =	simm.s32 $0x0  }
0x405: {  	s5 =	simm.s32 $0x3659;
	s0 =	simm.s32 @!p1 $0x40  }
.LBB3_50:
0x406: {  	v0 =	vld.msk [tilespmem:s5+$0x0], $0x1;
	s1 =	sadd.s32 $0xFFFFFFFF, s1;
	s2 =	sadd.s32 s2, s0  }
0x407: {  	p1 =	sne.s32 s1, $0x0;
	_ =	sdelay $0x3  }
0x408: {  	(v2sf) =	vpush v0, $0x0;
	_ =	sdelay $0xe  }
.Ltmp47:
0x409: {  	s6 =	spop (v2sf);
	(pc) =	sbr.rel @p1 .LBB3_50-.Ltmp47, $4  }
0x40a: {  	s0 =	simm.s32 $0x0;
	p2 =	sgt.u32 s6, $0x27FFE  }
0x40b: {  	s4 =	sadd.s32 $0x10, s4;
	s0 =	simm.s32 @!p2 $0x40;
	s7 =	sand.u32 @!p2 $0x3FFF8, s6  }
0x40c: {  	s5 =	sadd.s32 $0x1, s5;
	s6 =	sand.u32 @!p2 $0x7, s6;
	s7 =	sadd.s32 @!p2 s3, s7  }
0x40d: {  	[hbm4b:s7+s6] =	stream.linear.scatter @!p2 [tilespmem:s4], [sflag:$0x7], $0x10, $0x38;
	[tilespmem:$0x1F0F8] =	vst v63  }
.LBB3_51:
0x40e: {  	s0 =	sadd.s32 s2, s0  }
0x40f: {  	s2 =	sshrl.u32 s0, $0x2  }
.LBB3_52:
0x410: {  	s0 =	simm.s32 $0x7  }
0x411: {  	_ =	swait.ge [sflag:s0], s2  }
0x412: {  	s1 =	ssub.s32 $0x0, s2;
	[sflag:s0] =	ssyncset.done $0x0  }
0x413: {  	[sflag:s0] =	ssyncadd.s32 s1  }
0x414: {  	[sflag:s0] =	ssyncpa.u1 $0x1  }
.LBB3_53:
0x415: {  	_ =	sfence;
	s0 =	simm.s32 $0x1  }
0x416: {  	[sflag:s0] =	ssyncpa.u1 $0x1  }
0x417: {  	_ =	strace $0x90000056  }
0x418: {  	[bflag:$0x2] =	sbarrier.arrive $0xFFFF  }
0x419: {  	s0 =	rddreg [dreg:$0x3]  }
0x41a: {  	s0 =	sadd.s32 @!p0 $0x100000, s0  }
0x41b: {  	[sflag:s0] =	ssyncadd.tile.s32 @!p0 $0x1;
	_ =	shalt  }
.Lfunc_end3:
_tile_overlayer_lowered:
.L_overlay_start_3:
0x41c: {  	(tag) =	ssettag $0x3  }
0x41d: {  	s0 =	rddreg [dreg:$0x0];
	s2 =	stileid.u32  }
0x41e: {  	s1 =	rddreg [dreg:$0x1];
	p0 =	sne.s32 s2, $0x0  }
0x41f: {  	s3 =	rddreg [dreg:$0x2];
	[bflag:$0x3] =	sbarrier.arrive $0xFFFF;
	s2 =	simm.s32 @!p0 $0x1C01  }
0x420: {  	[timem:s3], [sflag:s2] =	dma.local @!p0 [hbm:s0], s1  }
0x421: {  	s0 =	simm.s32 @!p0 $0x1  }
0x422: {  	_ =	swait.ge @!p0 [sflag:s0], s1  }
0x423: {  	s1 =	ssub.s32 @!p0 $0x0, s1;
	[sflag:s0] =	ssyncset.done @!p0 $0x0  }
0x424: {  	[sflag:s0] =	ssyncadd.s32 @!p0 s1  }
0x425: {  	[bflag:$0x3] =	sbarrier.arrive $0xFFFF  }
0x426: {  	_ =	shalt  }

</sc_bundles>
